<compile_context>
chip_gen: v7x
topology: tpu7x:2x2x1
jax: 0.10.2.dev20260603
libtpu: 0.0.44.dev20260713+nightly
codegen_flags: <defaults>
</compile_context>

<pallas_src>
import functools

import jax
import jax.numpy as jnp
from jax import lax
from jax.experimental import pallas as pl
from jax.experimental.pallas import tpu as pltpu
from jax.experimental.pallas import tpu_sc as plsc

N = 10000
E = 320000
D = 128
L = 5
A_TABLES = 9
A_ROWS = 124
B_ROWS = 32

NC = 2
NS = 16
NW = NC * NS

EC = E // 128
ATOM_CHUNKS = 79
NP = ATOM_CHUNKS * 128
ROWS_PER_TILE = N // NS

_mesh = plsc.VectorSubcoreMesh(core_axis_name="c", subcore_axis_name="s")



@functools.partial(
    pl.kernel,
    mesh=_mesh,
    out_type=jax.ShapeDtypeStruct((NP, D), jnp.float32),
    scratch_types=[
        pltpu.VMEM((128,), jnp.int32),
        pltpu.VMEM((128, D), jnp.float32),
        pltpu.VMEM((128, D), jnp.float32),
    ],
)
def _atom_encode_sc(xoff_hbm, atab_hbm, h_hbm, idx_v, tbuf, hacc):
    wid = lax.axis_index("s") * NC + lax.axis_index("c")

    def chunk_body(j, carry):
        cid = wid + NW * j

        @pl.when(cid < ATOM_CHUNKS)
        def _():
            base = cid * 128
            pltpu.sync_copy(xoff_hbm.at[pl.ds(base, 128)], idx_v)
            pltpu.sync_copy(atab_hbm.at[idx_v], hacc)
            for i in range(1, A_TABLES):
                pltpu.sync_copy(xoff_hbm.at[pl.ds(i * NP + base, 128)], idx_v)
                pltpu.sync_copy(atab_hbm.at[idx_v], tbuf)

                def row_body(r, c2):
                    for cc in range(D // 16):
                        sl = pl.ds(cc * 16, 16)
                        hacc[r, sl] = hacc[r, sl] + tbuf[r, sl]
                    return c2

                lax.fori_loop(0, 128, row_body, 0)
            pltpu.sync_copy(hacc, h_hbm.at[pl.ds(base, 128)])

        return carry

    lax.fori_loop(0, (ATOM_CHUNKS + NW - 1) // NW, chunk_body, 0)


@functools.partial(
    pl.kernel,
    mesh=_mesh,
    out_type=jax.ShapeDtypeStruct((NC, N, D), jnp.float32),
    scratch_types=[
        pltpu.VMEM((128,), jnp.int32),
        pltpu.VMEM((128,), jnp.int32),
        pltpu.VMEM((128,), jnp.int32),
        pltpu.VMEM((128, D), jnp.float32),
        pltpu.VMEM((128, D), jnp.float32),
        pltpu.VMEM((128, D), jnp.float32),
        pltpu.VMEM_SHARED((N, D), jnp.float32),
    ],
)
def _edge_aggregate_sc(h_hbm, ctab_hbm, src_hbm, dst_hbm, cidx_hbm, out_hbm,
                       src_v, dst_v, cidx_v, hbuf, ebuf, zbuf, aggr_sh):
    c_i = lax.axis_index("c")
    s_i = lax.axis_index("s")
    wid = s_i * NC + c_i

    def zrow(r, carry):
        for cc in range(D // 16):
            zbuf[r, pl.ds(cc * 16, 16)] = jnp.zeros((16,), jnp.float32)
        return carry

    lax.fori_loop(0, 128, zrow, 0)

    def zchunk(j, carry):
        zid = s_i + NS * j

        @pl.when(zid < N // 128)
        def _():
            pltpu.sync_copy(zbuf, aggr_sh.at[pl.ds(zid * 128, 128)])

        return carry

    lax.fori_loop(0, (N // 128 + NS - 1) // NS, zchunk, 0)

    @pl.when(s_i == 0)
    def _():
        pltpu.sync_copy(zbuf.at[pl.ds(0, N % 128)],
                        aggr_sh.at[pl.ds((N // 128) * 128, N % 128)])

    plsc.subcore_barrier()

    def chunk_body(j, carry):
        cid = wid + NW * j

        @pl.when(cid < EC)
        def _():
            base = cid * 128
            pltpu.sync_copy(src_hbm.at[pl.ds(base, 128)], src_v)
            pltpu.sync_copy(dst_hbm.at[pl.ds(base, 128)], dst_v)
            pltpu.sync_copy(cidx_hbm.at[pl.ds(base, 128)], cidx_v)
            pltpu.sync_copy(h_hbm.at[src_v], hbuf)
            pltpu.sync_copy(ctab_hbm.at[cidx_v], ebuf)

            def row_body(r, c2):
                for cc in range(D // 16):
                    sl = pl.ds(cc * 16, 16)
                    ebuf[r, sl] = jnp.maximum(hbuf[r, sl] + ebuf[r, sl], 0.0)
                return c2

            lax.fori_loop(0, 128, row_body, 0)
            pltpu.sync_copy(ebuf, aggr_sh.at[dst_v], add=True)

        return carry

    lax.fori_loop(0, (EC + NW - 1) // NW, chunk_body, 0)
    plsc.subcore_barrier()

    def wchunk(j, carry):
        zid = s_i + NS * j

        @pl.when(zid < N // 128)
        def _():
            pltpu.sync_copy(aggr_sh.at[pl.ds(zid * 128, 128)],
                            out_hbm.at[c_i, pl.ds(zid * 128, 128)])

        return carry

    lax.fori_loop(0, (N // 128 + NS - 1) // NS, wchunk, 0)

    @pl.when(s_i == 0)
    def _():
        pltpu.sync_copy(aggr_sh.at[pl.ds((N // 128) * 128, N % 128)],
                        out_hbm.at[c_i, pl.ds((N // 128) * 128, N % 128)])



def _ctab_body(bt_ref, out_ref):
    b1 = bt_ref[0, 1]
    b2 = bt_ref[0, 2]
    i = pl.program_id(1)
    b0row = bt_ref[0, 0, pl.ds(i, 1)]
    m = b1[:, None, :] + b2[None, :, :]
    out_ref[0] = m.reshape(B_ROWS * B_ROWS, D) + b0row


def _build_ctab(bond_tables):
    return pl.pallas_call(
        _ctab_body,
        grid=(L, B_ROWS),
        in_specs=[
            pl.BlockSpec((1, 3, B_ROWS, D), lambda l, i: (l, 0, 0, 0)),
        ],
        out_specs=pl.BlockSpec((1, B_ROWS * B_ROWS, D), lambda l, i: (l, i, 0)),
        out_shape=jax.ShapeDtypeStruct((L, B_ROWS * B_ROWS * B_ROWS, D),
                                       jnp.float32),
    )(bond_tables)


_NB = 10
_BN = N // _NB


def _mlp1_body(coef_ref, h_ref, p_ref, w_ref, b_ref, y_ref, st_ref):
    z = coef_ref[0, 0] * h_ref[...] + p_ref[0] + p_ref[1]
    y = jnp.dot(z, w_ref[...], preferred_element_type=jnp.float32) + b_ref[...]
    y_ref[...] = y

    @pl.when(pl.program_id(0) == 0)
    def _():
        st_ref[...] = jnp.zeros((1, D), jnp.float32)

    st_ref[...] = st_ref[...] + jnp.sum(y, axis=0)[None]


def _mlp_pass1(h, parts, w1, b1v, coef):
    return pl.pallas_call(
        _mlp1_body,
        grid=(_NB,),
        in_specs=[
            pl.BlockSpec(memory_space=pltpu.SMEM),
            pl.BlockSpec((_BN, D), lambda i: (i, 0)),
            pl.BlockSpec((NC, _BN, D), lambda i: (0, i, 0)),
            pl.BlockSpec((D, D), lambda i: (0, 0)),
            pl.BlockSpec((1, D), lambda i: (0, 0)),
        ],
        out_specs=[
            pl.BlockSpec((_BN, D), lambda i: (i, 0)),
            pl.BlockSpec((1, D), lambda i: (0, 0)),
        ],
        out_shape=[
            jax.ShapeDtypeStruct((N, D), jnp.float32),
            jax.ShapeDtypeStruct((1, D), jnp.float32),
        ],
    )(coef, h, parts, w1, b1v)


def _var_body(y_ref, s_ref, v_ref):
    d = y_ref[...] - s_ref[...] * (1.0 / N)

    @pl.when(pl.program_id(0) == 0)
    def _():
        v_ref[...] = jnp.zeros((1, D), jnp.float32)

    v_ref[...] = v_ref[...] + jnp.sum(d * d, axis=0)[None]


def _var_pass(y, sums):
    return pl.pallas_call(
        _var_body,
        grid=(_NB,),
        in_specs=[
            pl.BlockSpec((_BN, D), lambda i: (i, 0)),
            pl.BlockSpec((1, D), lambda i: (0, 0)),
        ],
        out_specs=pl.BlockSpec((1, D), lambda i: (0, 0)),
        out_shape=jax.ShapeDtypeStruct((1, D), jnp.float32),
    )(y, sums)


def _mlp2_body(y_ref, s_ref, v_ref, g_ref, bt_ref, w_ref, b_ref, o_ref, *, last):
    mu = s_ref[...] * (1.0 / N)
    var = v_ref[...] * (1.0 / N)
    inv = lax.rsqrt(var + 1e-5) * g_ref[...]
    z = (y_ref[...] - mu) * inv + bt_ref[...]
    z = jnp.maximum(z, 0.0)
    o = jnp.dot(z, w_ref[...], preferred_element_type=jnp.float32) + b_ref[...]
    if not last:
        o = jnp.maximum(o, 0.0)
    o_ref[...] = o


def _mlp_pass2(y, sums, ssq, gv, btv, w2, b2v, last):
    return pl.pallas_call(
        functools.partial(_mlp2_body, last=last),
        grid=(_NB,),
        in_specs=[
            pl.BlockSpec((_BN, D), lambda i: (i, 0)),
            pl.BlockSpec((1, D), lambda i: (0, 0)),
            pl.BlockSpec((1, D), lambda i: (0, 0)),
            pl.BlockSpec((1, D), lambda i: (0, 0)),
            pl.BlockSpec((1, D), lambda i: (0, 0)),
            pl.BlockSpec((D, D), lambda i: (0, 0)),
            pl.BlockSpec((1, D), lambda i: (0, 0)),
        ],
        out_specs=pl.BlockSpec((_BN, D), lambda i: (i, 0)),
        out_shape=jax.ShapeDtypeStruct((N, D), jnp.float32),
    )(y, sums, ssq, gv, btv, w2, b2v)



def kernel(x, edge_index, edge_attr, atom_tables, bond_tables,
           W1, b1, gamma, beta, W2, b2, eps):
    xoff = x.astype(jnp.int32) + jnp.arange(A_TABLES, dtype=jnp.int32)[None, :] * A_ROWS
    xoff_t = jnp.zeros((A_TABLES, NP), jnp.int32).at[:, :N].set(xoff.T).reshape(-1)
    atab = atom_tables.reshape(A_TABLES * A_ROWS, D)

    src_c = edge_index[0].astype(jnp.int32)
    dst_c = edge_index[1].astype(jnp.int32)
    ea = edge_attr.astype(jnp.int32)
    cidx_c = ea[:, 0] * (B_ROWS * B_ROWS) + ea[:, 1] * B_ROWS + ea[:, 2]

    ctab = _build_ctab(bond_tables)

    h = _atom_encode_sc(xoff_t, atab)[:N]

    for l in range(L):
        parts = _edge_aggregate_sc(h, ctab[l], src_c, dst_c, cidx_c)
        coef = (1.0 + eps[l]).reshape(1, 1)
        y, sums = _mlp_pass1(h, parts, W1[l], b1[l].reshape(1, D), coef)
        ssq = _var_pass(y, sums)
        h = _mlp_pass2(y, sums, ssq, gamma[l].reshape(1, D),
                       beta[l].reshape(1, D), W2[l], b2[l].reshape(1, D),
                       last=(l == L - 1))
    return h

# --- scband reference (transcript-rebuilt; emitter-appended) ---
"""Pipeline reference for scband-ginnode-embedding-49675591745679 (READ-ONLY COPY).

The authoritative reference and input builder live on the scoring server;
editing this copy changes nothing except your own understanding.
"""

import jax, jax.numpy as jnp
import numpy as np

N = 10000
E = 320000
D = 128
L = 5
A_TABLES = 9
A_ROWS = 124  # max atom feature dim 119 + 5
B_TABLES = 3
B_ROWS = 32   # max bond feature dim 27 + 5


def setup_inputs(seed: int = 0) -> dict:
    key = jax.random.key(seed)
    ks = jax.random.split(key, 10)
    x = jax.random.randint(ks[0], (N, A_TABLES), 0, 119)
    edge_index = jax.random.randint(ks[1], (2, E), 0, N)
    edge_attr = jax.random.randint(ks[2], (E, B_TABLES), 0, 27)
    atom_tables = jax.random.normal(ks[3], (A_TABLES, A_ROWS, D), dtype=jnp.float32) * 0.1
    bond_tables = jax.random.normal(ks[4], (L, B_TABLES, B_ROWS, D), dtype=jnp.float32) * 0.1
    W1 = jax.random.normal(ks[5], (L, D, D), dtype=jnp.float32) * 0.05
    b1 = jnp.zeros((L, D), dtype=jnp.float32)
    gamma = jnp.ones((L, D), dtype=jnp.float32)
    beta = jnp.zeros((L, D), dtype=jnp.float32)
    W2 = jax.random.normal(ks[6], (L, D, D), dtype=jnp.float32) * 0.05
    b2 = jnp.zeros((L, D), dtype=jnp.float32)
    eps = jnp.zeros((L,), dtype=jnp.float32)
    return {"x": x, "edge_index": edge_index, "edge_attr": edge_attr,
            "atom_tables": atom_tables, "bond_tables": bond_tables,
            "W1": W1, "b1": b1, "gamma": gamma, "beta": beta,
            "W2": W2, "b2": b2, "eps": eps}


def reference(x, edge_index, edge_attr, atom_tables, bond_tables, W1, b1, gamma, beta, W2, b2, eps):
    n = x.shape[0]
    d = atom_tables.shape[-1]
    # AtomEncoder: sum of per-column embedding lookups
    h = jnp.zeros((n, d), dtype=jnp.float32)
    for i in range(atom_tables.shape[0]):
        h = h + jnp.take(atom_tables[i], x[:, i], axis=0)
    src = edge_index[0]
    dst = edge_index[1]
    n_layers = W1.shape[0]
    for l in range(n_layers):
        # BondEncoder: sum of per-column embedding lookups over edges
        e = jnp.zeros((edge_attr.shape[0], d), dtype=jnp.float32)
        for i in range(bond_tables.shape[1]):
            e = e + jnp.take(bond_tables[l, i], edge_attr[:, i], axis=0)
        # GINConv: message = relu(x_j + edge_emb), aggr='add'
        msg = jax.nn.relu(jnp.take(h, src, axis=0) + e)
        aggr = jax.ops.segment_sum(msg, dst, num_segments=n)
        z = (1.0 + eps[l]) * h + aggr
        # mlp: Linear -> BatchNorm1d (training-mode stats) -> ReLU -> Linear
        z = z @ W1[l] + b1[l]
        mu = jnp.mean(z, axis=0)
        var = jnp.var(z, axis=0)
        z = (z - mu) / jnp.sqrt(var + 1e-5) * gamma[l] + beta[l]
        z = jax.nn.relu(z)
        z = z @ W2[l] + b2[l]
        # relu between layers, no relu on last layer (JK='last', drop_ratio=0)
        if l < n_layers - 1:
            h = jax.nn.relu(z)
        else:
            h = z
    return h

if __name__ == "__main__":
    import jax
    _d = setup_inputs()
    print(jax.jit(kernel)(*tuple(_d.values())))

</pallas_src>

<mosaic_0001>
#map = affine_map<(d0, d1) -> (0, 0)>
#map1 = affine_map<(d0, d1) -> (0)>
#map2 = affine_map<(d0, d1) -> (0, 0, 0)>
module attributes {stable_mosaic.version = 14 : i64} {
  func.func @_edge_aggregate_sc(%arg0: i32, %arg1: i32, %arg2: memref<10000x128xf32, #tpu.memory_space<hbm>>, %arg3: memref<32768x128xf32, #tpu.memory_space<hbm>>, %arg4: memref<320000xi32, #tpu.memory_space<hbm>>, %arg5: memref<320000xi32, #tpu.memory_space<hbm>>, %arg6: memref<320000xi32, #tpu.memory_space<hbm>>, %arg7: memref<2x10000x128xf32, #tpu.memory_space<hbm>>, %arg8: memref<128xi32, #tpu.memory_space<vmem>>, %arg9: memref<128xi32, #tpu.memory_space<vmem>>, %arg10: memref<128xi32, #tpu.memory_space<vmem>>, %arg11: memref<128x128xf32, #tpu.memory_space<vmem>>, %arg12: memref<128x128xf32, #tpu.memory_space<vmem>>, %arg13: memref<128x128xf32, #tpu.memory_space<vmem>>, %arg14: memref<10000x128xf32, #tpu.memory_space<vmem_shared>>) attributes {dimension_semantics = [#tpu.dimension_semantics<core_parallel>, #tpu.dimension_semantics<subcore_parallel>], iteration_bounds = array<i64: 2, 16>, scalar_prefetch = 0 : i64, scratch_operands = 7 : i64, tpu.core_type = #tpu.core_type<sc_vector_subcore>, window_params = [{transform_indices = #map}, {transform_indices = #map}, {transform_indices = #map1}, {transform_indices = #map1}, {transform_indices = #map1}, {transform_indices = #map2}]} {
    %mul3A = arith.constant 2 : i32
    %mul3A_0 = arith.muli %arg1, %mul3A : i32
    %add3A = arith.addi %mul3A_0, %arg0 : i32
    %scan3A = arith.constant 0 : i32
    %scan3A_1 = arith.constant 0 : i32
    %scan3A_2 = arith.constant 128 : i32
    %scan3A_3 = arith.addi %scan3A_1, %scan3A_2 : i32
    %scan3A_4 = arith.constant 1 : i32
    scf.for %scan3A_32 = %scan3A_1 to %scan3A_3 step %scan3A_4  : i32 {
      %broadcast_in_dim3A = arith.constant 0.000000e+00 : f32
      %broadcast_in_dim3A_33 = vector.broadcast %broadcast_in_dim3A : f32 to vector<16xf32>
      %swap3A = arith.index_cast %scan3A_32 : i32 to index
      %swap3A_34 = arith.constant 0 : index
      %swap3A_35 = tpu.vector_load %arg13[%swap3A, %swap3A_34] {strides = array<i32>} : memref<128x128xf32, #tpu.memory_space<vmem>>, vector<1x16xf32>,
      %swap3A_36 = vector.shape_cast %swap3A_35 : vector<1x16xf32> to vector<16xf32>
      %swap3A_37 = vector.shape_cast %broadcast_in_dim3A_33 : vector<16xf32> to vector<1x16xf32>
      tpu.vector_store %arg13[%swap3A, %swap3A_34], %swap3A_37 {strides = array<i32>} : memref<128x128xf32, #tpu.memory_space<vmem>>, vector<1x16xf32>,
      %broadcast_in_dim3A_38 = arith.constant 0.000000e+00 : f32
      %broadcast_in_dim3A_39 = vector.broadcast %broadcast_in_dim3A_38 : f32 to vector<16xf32>
      %swap3A_40 = arith.index_cast %scan3A_32 : i32 to index
      %swap3A_41 = arith.constant 16 : index
      %swap3A_42 = tpu.vector_load %arg13[%swap3A_40, %swap3A_41] {strides = array<i32>} : memref<128x128xf32, #tpu.memory_space<vmem>>, vector<1x16xf32>,
      %swap3A_43 = vector.shape_cast %swap3A_42 : vector<1x16xf32> to vector<16xf32>
      %swap3A_44 = vector.shape_cast %broadcast_in_dim3A_39 : vector<16xf32> to vector<1x16xf32>
      tpu.vector_store %arg13[%swap3A_40, %swap3A_41], %swap3A_44 {strides = array<i32>} : memref<128x128xf32, #tpu.memory_space<vmem>>, vector<1x16xf32>,
      %broadcast_in_dim3A_45 = arith.constant 0.000000e+00 : f32
      %broadcast_in_dim3A_46 = vector.broadcast %broadcast_in_dim3A_45 : f32 to vector<16xf32>
      %swap3A_47 = arith.index_cast %scan3A_32 : i32 to index
      %swap3A_48 = arith.constant 32 : index
      %swap3A_49 = tpu.vector_load %arg13[%swap3A_47, %swap3A_48] {strides = array<i32>} : memref<128x128xf32, #tpu.memory_space<vmem>>, vector<1x16xf32>,
      %swap3A_50 = vector.shape_cast %swap3A_49 : vector<1x16xf32> to vector<16xf32>
      %swap3A_51 = vector.shape_cast %broadcast_in_dim3A_46 : vector<16xf32> to vector<1x16xf32>
      tpu.vector_store %arg13[%swap3A_47, %swap3A_48], %swap3A_51 {strides = array<i32>} : memref<128x128xf32, #tpu.memory_space<vmem>>, vector<1x16xf32>,
      %broadcast_in_dim3A_52 = arith.constant 0.000000e+00 : f32
      %broadcast_in_dim3A_53 = vector.broadcast %broadcast_in_dim3A_52 : f32 to vector<16xf32>
      %swap3A_54 = arith.index_cast %scan3A_32 : i32 to index
      %swap3A_55 = arith.constant 48 : index
      %swap3A_56 = tpu.vector_load %arg13[%swap3A_54, %swap3A_55] {strides = array<i32>} : memref<128x128xf32, #tpu.memory_space<vmem>>, vector<1x16xf32>,
      %swap3A_57 = vector.shape_cast %swap3A_56 : vector<1x16xf32> to vector<16xf32>
      %swap3A_58 = vector.shape_cast %broadcast_in_dim3A_53 : vector<16xf32> to vector<1x16xf32>
      tpu.vector_store %arg13[%swap3A_54, %swap3A_55], %swap3A_58 {strides = array<i32>} : memref<128x128xf32, #tpu.memory_space<vmem>>, vector<1x16xf32>,
      %broadcast_in_dim3A_59 = arith.constant 0.000000e+00 : f32
      %broadcast_in_dim3A_60 = vector.broadcast %broadcast_in_dim3A_59 : f32 to vector<16xf32>
      %swap3A_61 = arith.index_cast %scan3A_32 : i32 to index
      %swap3A_62 = arith.constant 64 : index
      %swap3A_63 = tpu.vector_load %arg13[%swap3A_61, %swap3A_62] {strides = array<i32>} : memref<128x128xf32, #tpu.memory_space<vmem>>, vector<1x16xf32>,
      %swap3A_64 = vector.shape_cast %swap3A_63 : vector<1x16xf32> to vector<16xf32>
      %swap3A_65 = vector.shape_cast %broadcast_in_dim3A_60 : vector<16xf32> to vector<1x16xf32>
      tpu.vector_store %arg13[%swap3A_61, %swap3A_62], %swap3A_65 {strides = array<i32>} : memref<128x128xf32, #tpu.memory_space<vmem>>, vector<1x16xf32>,
      %broadcast_in_dim3A_66 = arith.constant 0.000000e+00 : f32
      %broadcast_in_dim3A_67 = vector.broadcast %broadcast_in_dim3A_66 : f32 to vector<16xf32>
      %swap3A_68 = arith.index_cast %scan3A_32 : i32 to index
      %swap3A_69 = arith.constant 80 : index
      %swap3A_70 = tpu.vector_load %arg13[%swap3A_68, %swap3A_69] {strides = array<i32>} : memref<128x128xf32, #tpu.memory_space<vmem>>, vector<1x16xf32>,
      %swap3A_71 = vector.shape_cast %swap3A_70 : vector<1x16xf32> to vector<16xf32>
      %swap3A_72 = vector.shape_cast %broadcast_in_dim3A_67 : vector<16xf32> to vector<1x16xf32>
      tpu.vector_store %arg13[%swap3A_68, %swap3A_69], %swap3A_72 {strides = array<i32>} : memref<128x128xf32, #tpu.memory_space<vmem>>, vector<1x16xf32>,
      %broadcast_in_dim3A_73 = arith.constant 0.000000e+00 : f32
      %broadcast_in_dim3A_74 = vector.broadcast %broadcast_in_dim3A_73 : f32 to vector<16xf32>
      %swap3A_75 = arith.index_cast %scan3A_32 : i32 to index
      %swap3A_76 = arith.constant 96 : index
      %swap3A_77 = tpu.vector_load %arg13[%swap3A_75, %swap3A_76] {strides = array<i32>} : memref<128x128xf32, #tpu.memory_space<vmem>>, vector<1x16xf32>,
      %swap3A_78 = vector.shape_cast %swap3A_77 : vector<1x16xf32> to vector<16xf32>
      %swap3A_79 = vector.shape_cast %broadcast_in_dim3A_74 : vector<16xf32> to vector<1x16xf32>
      tpu.vector_store %arg13[%swap3A_75, %swap3A_76], %swap3A_79 {strides = array<i32>} : memref<128x128xf32, #tpu.memory_space<vmem>>, vector<1x16xf32>,
      %broadcast_in_dim3A_80 = arith.constant 0.000000e+00 : f32
      %broadcast_in_dim3A_81 = vector.broadcast %broadcast_in_dim3A_80 : f32 to vector<16xf32>
      %swap3A_82 = arith.index_cast %scan3A_32 : i32 to index
      %swap3A_83 = arith.constant 112 : index
      %swap3A_84 = tpu.vector_load %arg13[%swap3A_82, %swap3A_83] {strides = array<i32>} : memref<128x128xf32, #tpu.memory_space<vmem>>, vector<1x16xf32>,
      %swap3A_85 = vector.shape_cast %swap3A_84 : vector<1x16xf32> to vector<16xf32>
      %swap3A_86 = vector.shape_cast %broadcast_in_dim3A_81 : vector<16xf32> to vector<1x16xf32>
      tpu.vector_store %arg13[%swap3A_82, %swap3A_83], %swap3A_86 {strides = array<i32>} : memref<128x128xf32, #tpu.memory_space<vmem>>, vector<1x16xf32>,
    }
    %scan3A_5 = arith.constant 128 : i32
    %scan3A_6 = arith.constant 0 : i32
    %scan3A_7 = arith.constant 0 : i32
    %scan3A_8 = arith.constant 5 : i32
    %scan3A_9 = arith.addi %scan3A_7, %scan3A_8 : i32
    %scan3A_10 = arith.constant 1 : i32
    scf.for %scan3A_32 = %scan3A_7 to %scan3A_9 step %scan3A_10  : i32 {
      %mul3A_33 = arith.constant 16 : i32
      %mul3A_34 = arith.muli %mul3A_33, %scan3A_32 : i32
      %add3A_35 = arith.addi %arg1, %mul3A_34 : i32
      %lt3A = arith.constant 78 : i32
      %lt3A_36 = arith.cmpi slt, %add3A_35, %lt3A : i32
      %convert_element_type3A_37 = arith.extui %lt3A_36 : i1 to i32
      %cond3A_38 = arith.constant 0 : i32
      %cond3A_39 = arith.cmpi ne, %convert_element_type3A_37, %cond3A_38 : i32
      scf.if %cond3A_39 {
        %mul3A_40 = arith.constant 128 : i32
        %mul3A_41 = arith.muli %add3A_35, %mul3A_40 : i32
        "tpu.region"() ({
          %run_scoped3A = tpu.sem_alloc : memref<!tpu.dma_semaphore, #tpu.memory_space<semaphore_mem>>
          %dma_start3A = arith.constant 0 : i32
          %dma_start3A_42 = tpu.memref_slice %arg14[%mul3A_41, %dma_start3A] : memref<10000x128xf32, #tpu.memory_space<vmem_shared>> -> memref<128x128xf32, #tpu.memory_space<vmem_shared>>
          %dma_start3A_43 = arith.constant 0 : i32
          %dma_start3A_44 = tpu.memref_slice %arg14[%mul3A_41, %dma_start3A_43] : memref<10000x128xf32, #tpu.memory_space<vmem_shared>> -> memref<128x128xf32, #tpu.memory_space<vmem_shared>>
          tpu.enqueue_dma source(%arg13 : memref<128x128xf32, #tpu.memory_space<vmem>>) target(%dma_start3A_44 : memref<128x128xf32, #tpu.memory_space<vmem_shared>>) target_semaphore(%run_scoped3A : memref<!tpu.dma_semaphore, #tpu.memory_space<semaphore_mem>>)
          %dma_wait3A = arith.constant 0 : i32
          %dma_wait3A_45 = tpu.memref_slice %arg14[%mul3A_41, %dma_wait3A] : memref<10000x128xf32, #tpu.memory_space<vmem_shared>> -> memref<128x128xf32, #tpu.memory_space<vmem_shared>>
          %dma_wait3A_46 = arith.constant 0 : i32
          %dma_wait3A_47 = tpu.memref_slice %arg14[%mul3A_41, %dma_wait3A_46] : memref<10000x128xf32, #tpu.memory_space<vmem_shared>> -> memref<128x128xf32, #tpu.memory_space<vmem_shared>>
          tpu.wait_dma2 semaphore(%run_scoped3A : memref<!tpu.dma_semaphore, #tpu.memory_space<semaphore_mem>>) src(%arg13 : memref<128x128xf32, #tpu.memory_space<vmem>>) dst(%dma_wait3A_47 : memref<128x128xf32, #tpu.memory_space<vmem_shared>>)
          tpu.yield
        }) : () -> ()
      } else {
      }
    }
    %scan3A_11 = arith.constant 5 : i32
    %eq3A = arith.constant 0 : i32
    %eq3A_12 = arith.cmpi eq, %arg1, %eq3A : i32
    %convert_element_type3A = arith.extui %eq3A_12 : i1 to i32
    %cond3A = arith.constant 0 : i32
    %cond3A_13 = arith.cmpi ne, %convert_element_type3A, %cond3A : i32
    scf.if %cond3A_13 {
      "tpu.region"() ({
        %run_scoped3A = tpu.sem_alloc : memref<!tpu.dma_semaphore, #tpu.memory_space<semaphore_mem>>
        %dma_start3A = arith.constant 0 : i32
        %dma_start3A_32 = arith.constant 0 : i32
        %dma_start3A_33 = tpu.memref_slice %arg13[%dma_start3A, %dma_start3A_32] : memref<128x128xf32, #tpu.memory_space<vmem>> -> memref<16x128xf32, #tpu.memory_space<vmem>>
        %dma_start3A_34 = arith.constant 9984 : i32
        %dma_start3A_35 = arith.constant 0 : i32
        %dma_start3A_36 = tpu.memref_slice %arg14[%dma_start3A_34, %dma_start3A_35] : memref<10000x128xf32, #tpu.memory_space<vmem_shared>> -> memref<16x128xf32, #tpu.memory_space<vmem_shared>>
        %dma_start3A_37 = arith.constant 9984 : i32
        %dma_start3A_38 = arith.constant 0 : i32
        %dma_start3A_39 = tpu.memref_slice %arg14[%dma_start3A_37, %dma_start3A_38] : memref<10000x128xf32, #tpu.memory_space<vmem_shared>> -> memref<16x128xf32, #tpu.memory_space<vmem_shared>>
        %dma_start3A_40 = arith.constant 0 : i32
        %dma_start3A_41 = arith.constant 0 : i32
        %dma_start3A_42 = tpu.memref_slice %arg13[%dma_start3A_40, %dma_start3A_41] : memref<128x128xf32, #tpu.memory_space<vmem>> -> memref<16x128xf32, #tpu.memory_space<vmem>>
        tpu.enqueue_dma source(%dma_start3A_42 : memref<16x128xf32, #tpu.memory_space<vmem>>) target(%dma_start3A_39 : memref<16x128xf32, #tpu.memory_space<vmem_shared>>) target_semaphore(%run_scoped3A : memref<!tpu.dma_semaphore, #tpu.memory_space<semaphore_mem>>)
        %dma_wait3A = arith.constant 0 : i32
        %dma_wait3A_43 = arith.constant 0 : i32
        %dma_wait3A_44 = tpu.memref_slice %arg13[%dma_wait3A, %dma_wait3A_43] : memref<128x128xf32, #tpu.memory_space<vmem>> -> memref<16x128xf32, #tpu.memory_space<vmem>>
        %dma_wait3A_45 = arith.constant 9984 : i32
        %dma_wait3A_46 = arith.constant 0 : i32
        %dma_wait3A_47 = tpu.memref_slice %arg14[%dma_wait3A_45, %dma_wait3A_46] : memref<10000x128xf32, #tpu.memory_space<vmem_shared>> -> memref<16x128xf32, #tpu.memory_space<vmem_shared>>
        %dma_wait3A_48 = arith.constant 9984 : i32
        %dma_wait3A_49 = arith.constant 0 : i32
        %dma_wait3A_50 = tpu.memref_slice %arg14[%dma_wait3A_48, %dma_wait3A_49] : memref<10000x128xf32, #tpu.memory_space<vmem_shared>> -> memref<16x128xf32, #tpu.memory_space<vmem_shared>>
        %dma_wait3A_51 = arith.constant 0 : i32
        %dma_wait3A_52 = arith.constant 0 : i32
        %dma_wait3A_53 = tpu.memref_slice %arg13[%dma_wait3A_51, %dma_wait3A_52] : memref<128x128xf32, #tpu.memory_space<vmem>> -> memref<16x128xf32, #tpu.memory_space<vmem>>
        tpu.wait_dma2 semaphore(%run_scoped3A : memref<!tpu.dma_semaphore, #tpu.memory_space<semaphore_mem>>) src(%dma_wait3A_53 : memref<16x128xf32, #tpu.memory_space<vmem>>) dst(%dma_wait3A_50 : memref<16x128xf32, #tpu.memory_space<vmem_shared>>)
        tpu.yield
      }) : () -> ()
    } else {
    }
    %barrier3A = arith.constant 0 : index
    tpu.barrier barrier_id(%barrier3A)
    %scan3A_14 = arith.constant 0 : i32
    %scan3A_15 = arith.constant 0 : i32
    %scan3A_16 = arith.constant 79 : i32
    %scan3A_17 = arith.addi %scan3A_15, %scan3A_16 : i32
    %scan3A_18 = arith.constant 1 : i32
    scf.for %scan3A_32 = %scan3A_15 to %scan3A_17 step %scan3A_18  : i32 {
      %mul3A_33 = arith.constant 32 : i32
      %mul3A_34 = arith.muli %mul3A_33, %scan3A_32 : i32
      %add3A_35 = arith.addi %add3A, %mul3A_34 : i32
      %lt3A = arith.constant 2500 : i32
      %lt3A_36 = arith.cmpi slt, %add3A_35, %lt3A : i32
      %convert_element_type3A_37 = arith.extui %lt3A_36 : i1 to i32
      %cond3A_38 = arith.constant 0 : i32
      %cond3A_39 = arith.cmpi ne, %convert_element_type3A_37, %cond3A_38 : i32
      scf.if %cond3A_39 {
        %mul3A_40 = arith.constant 128 : i32
        %mul3A_41 = arith.muli %add3A_35, %mul3A_40 : i32
        "tpu.region"() ({
          %run_scoped3A = tpu.sem_alloc : memref<!tpu.dma_semaphore, #tpu.memory_space<semaphore_mem>>
          %dma_start3A = tpu.memref_slice %arg4[%mul3A_41] : memref<320000xi32, #tpu.memory_space<hbm>> -> memref<128xi32, #tpu.memory_space<hbm>>
          %dma_start3A_48 = tpu.memref_slice %arg4[%mul3A_41] : memref<320000xi32, #tpu.memory_space<hbm>> -> memref<128xi32, #tpu.memory_space<hbm>>
          tpu.enqueue_dma source(%dma_start3A_48 : memref<128xi32, #tpu.memory_space<hbm>>) target(%arg8 : memref<128xi32, #tpu.memory_space<vmem>>) target_semaphore(%run_scoped3A : memref<!tpu.dma_semaphore, #tpu.memory_space<semaphore_mem>>)
          %dma_wait3A = tpu.memref_slice %arg4[%mul3A_41] : memref<320000xi32, #tpu.memory_space<hbm>> -> memref<128xi32, #tpu.memory_space<hbm>>
          %dma_wait3A_49 = tpu.memref_slice %arg4[%mul3A_41] : memref<320000xi32, #tpu.memory_space<hbm>> -> memref<128xi32, #tpu.memory_space<hbm>>
          tpu.wait_dma2 semaphore(%run_scoped3A : memref<!tpu.dma_semaphore, #tpu.memory_space<semaphore_mem>>) src(%dma_wait3A_49 : memref<128xi32, #tpu.memory_space<hbm>>) dst(%arg8 : memref<128xi32, #tpu.memory_space<vmem>>)
          tpu.yield
        }) : () -> ()
        "tpu.region"() ({
          %run_scoped3A = tpu.sem_alloc : memref<!tpu.dma_semaphore, #tpu.memory_space<semaphore_mem>>
          %dma_start3A = tpu.memref_slice %arg5[%mul3A_41] : memref<320000xi32, #tpu.memory_space<hbm>> -> memref<128xi32, #tpu.memory_space<hbm>>
          %dma_start3A_48 = tpu.memref_slice %arg5[%mul3A_41] : memref<320000xi32, #tpu.memory_space<hbm>> -> memref<128xi32, #tpu.memory_space<hbm>>
          tpu.enqueue_dma source(%dma_start3A_48 : memref<128xi32, #tpu.memory_space<hbm>>) target(%arg9 : memref<128xi32, #tpu.memory_space<vmem>>) target_semaphore(%run_scoped3A : memref<!tpu.dma_semaphore, #tpu.memory_space<semaphore_mem>>)
          %dma_wait3A = tpu.memref_slice %arg5[%mul3A_41] : memref<320000xi32, #tpu.memory_space<hbm>> -> memref<128xi32, #tpu.memory_space<hbm>>
          %dma_wait3A_49 = tpu.memref_slice %arg5[%mul3A_41] : memref<320000xi32, #tpu.memory_space<hbm>> -> memref<128xi32, #tpu.memory_space<hbm>>
          tpu.wait_dma2 semaphore(%run_scoped3A : memref<!tpu.dma_semaphore, #tpu.memory_space<semaphore_mem>>) src(%dma_wait3A_49 : memref<128xi32, #tpu.memory_space<hbm>>) dst(%arg9 : memref<128xi32, #tpu.memory_space<vmem>>)
          tpu.yield
        }) : () -> ()
        "tpu.region"() ({
          %run_scoped3A = tpu.sem_alloc : memref<!tpu.dma_semaphore, #tpu.memory_space<semaphore_mem>>
          %dma_start3A = tpu.memref_slice %arg6[%mul3A_41] : memref<320000xi32, #tpu.memory_space<hbm>> -> memref<128xi32, #tpu.memory_space<hbm>>
          %dma_start3A_48 = tpu.memref_slice %arg6[%mul3A_41] : memref<320000xi32, #tpu.memory_space<hbm>> -> memref<128xi32, #tpu.memory_space<hbm>>
          tpu.enqueue_dma source(%dma_start3A_48 : memref<128xi32, #tpu.memory_space<hbm>>) target(%arg10 : memref<128xi32, #tpu.memory_space<vmem>>) target_semaphore(%run_scoped3A : memref<!tpu.dma_semaphore, #tpu.memory_space<semaphore_mem>>)
          %dma_wait3A = tpu.memref_slice %arg6[%mul3A_41] : memref<320000xi32, #tpu.memory_space<hbm>> -> memref<128xi32, #tpu.memory_space<hbm>>
          %dma_wait3A_49 = tpu.memref_slice %arg6[%mul3A_41] : memref<320000xi32, #tpu.memory_space<hbm>> -> memref<128xi32, #tpu.memory_space<hbm>>
          tpu.wait_dma2 semaphore(%run_scoped3A : memref<!tpu.dma_semaphore, #tpu.memory_space<semaphore_mem>>) src(%dma_wait3A_49 : memref<128xi32, #tpu.memory_space<hbm>>) dst(%arg10 : memref<128xi32, #tpu.memory_space<vmem>>)
          tpu.yield
        }) : () -> ()
        "tpu.region"() ({
          %run_scoped3A = tpu.sem_alloc : memref<!tpu.dma_semaphore, #tpu.memory_space<semaphore_mem>>
          %dma_start3A = arith.constant 0 : i32
          %dma_start3A_48 = arith.constant 0 : i32
          %dma_start3A_49 = tpu.memref_slice %arg2[%dma_start3A, %dma_start3A_48] : memref<10000x128xf32, #tpu.memory_space<hbm>> -> memref<10000x128xf32, #tpu.memory_space<hbm>>
          tpu.enqueue_indirect_dma source(%dma_start3A_49 : memref<10000x128xf32, #tpu.memory_space<hbm>>) target(%arg11 : memref<128x128xf32, #tpu.memory_space<vmem>>) offsets(%arg8 : memref<128xi32, #tpu.memory_space<vmem>>) semaphore(%run_scoped3A : memref<!tpu.dma_semaphore, #tpu.memory_space<semaphore_mem>>)
          %dma_wait3A = arith.constant 0 : i32
          %dma_wait3A_50 = arith.constant 0 : i32
          %dma_wait3A_51 = tpu.memref_slice %arg2[%dma_wait3A, %dma_wait3A_50] : memref<10000x128xf32, #tpu.memory_space<hbm>> -> memref<10000x128xf32, #tpu.memory_space<hbm>>
          tpu.wait_indirect_dma semaphore(%run_scoped3A : memref<!tpu.dma_semaphore, #tpu.memory_space<semaphore_mem>>) src(%dma_wait3A_51 : memref<10000x128xf32, #tpu.memory_space<hbm>>) dst(%arg11 : memref<128x128xf32, #tpu.memory_space<vmem>>)
          tpu.yield
        }) : () -> ()
        "tpu.region"() ({
          %run_scoped3A = tpu.sem_alloc : memref<!tpu.dma_semaphore, #tpu.memory_space<semaphore_mem>>
          %dma_start3A = arith.constant 0 : i32
          %dma_start3A_48 = arith.constant 0 : i32
          %dma_start3A_49 = tpu.memref_slice %arg3[%dma_start3A, %dma_start3A_48] : memref<32768x128xf32, #tpu.memory_space<hbm>> -> memref<32768x128xf32, #tpu.memory_space<hbm>>
          tpu.enqueue_indirect_dma source(%dma_start3A_49 : memref<32768x128xf32, #tpu.memory_space<hbm>>) target(%arg12 : memref<128x128xf32, #tpu.memory_space<vmem>>) offsets(%arg10 : memref<128xi32, #tpu.memory_space<vmem>>) semaphore(%run_scoped3A : memref<!tpu.dma_semaphore, #tpu.memory_space<semaphore_mem>>)
          %dma_wait3A = arith.constant 0 : i32
          %dma_wait3A_50 = arith.constant 0 : i32
          %dma_wait3A_51 = tpu.memref_slice %arg3[%dma_wait3A, %dma_wait3A_50] : memref<32768x128xf32, #tpu.memory_space<hbm>> -> memref<32768x128xf32, #tpu.memory_space<hbm>>
          tpu.wait_indirect_dma semaphore(%run_scoped3A : memref<!tpu.dma_semaphore, #tpu.memory_space<semaphore_mem>>) src(%dma_wait3A_51 : memref<32768x128xf32, #tpu.memory_space<hbm>>) dst(%arg12 : memref<128x128xf32, #tpu.memory_space<vmem>>)
          tpu.yield
        }) : () -> ()
        %scan3A_42 = arith.constant 0 : i32
        %scan3A_43 = arith.constant 0 : i32
        %scan3A_44 = arith.constant 128 : i32
        %scan3A_45 = arith.addi %scan3A_43, %scan3A_44 : i32
        %scan3A_46 = arith.constant 1 : i32
        scf.for %scan3A_48 = %scan3A_43 to %scan3A_45 step %scan3A_46  : i32 {
          %get3A = arith.index_cast %scan3A_48 : i32 to index
          %get3A_49 = arith.constant 0 : index
          %get3A_50 = tpu.vector_load %arg11[%get3A, %get3A_49] {strides = array<i32>} : memref<128x128xf32, #tpu.memory_space<vmem>>, vector<1x16xf32>,
          %get3A_51 = vector.shape_cast %get3A_50 : vector<1x16xf32> to vector<16xf32>
          %get3A_52 = arith.index_cast %scan3A_48 : i32 to index
          %get3A_53 = arith.constant 0 : index
          %get3A_54 = tpu.vector_load %arg12[%get3A_52, %get3A_53] {strides = array<i32>} : memref<128x128xf32, #tpu.memory_space<vmem>>, vector<1x16xf32>,
          %get3A_55 = vector.shape_cast %get3A_54 : vector<1x16xf32> to vector<16xf32>
          %add3A_56 = arith.addf %get3A_51, %get3A_55 : vector<16xf32>
          %max3A = arith.constant 0.000000e+00 : f32
          %max3A_57 = vector.broadcast %max3A : f32 to vector<16xf32>
          %max3A_58 = arith.maximumf %add3A_56, %max3A_57 : vector<16xf32>
          %swap3A = arith.index_cast %scan3A_48 : i32 to index
          %swap3A_59 = arith.constant 0 : index
          %swap3A_60 = tpu.vector_load %arg12[%swap3A, %swap3A_59] {strides = array<i32>} : memref<128x128xf32, #tpu.memory_space<vmem>>, vector<1x16xf32>,
          %swap3A_61 = vector.shape_cast %swap3A_60 : vector<1x16xf32> to vector<16xf32>
          %swap3A_62 = vector.shape_cast %max3A_58 : vector<16xf32> to vector<1x16xf32>
          tpu.vector_store %arg12[%swap3A, %swap3A_59], %swap3A_62 {strides = array<i32>} : memref<128x128xf32, #tpu.memory_space<vmem>>, vector<1x16xf32>,
          %get3A_63 = arith.index_cast %scan3A_48 : i32 to index
          %get3A_64 = arith.constant 16 : index
          %get3A_65 = tpu.vector_load %arg11[%get3A_63, %get3A_64] {strides = array<i32>} : memref<128x128xf32, #tpu.memory_space<vmem>>, vector<1x16xf32>,
          %get3A_66 = vector.shape_cast %get3A_65 : vector<1x16xf32> to vector<16xf32>
          %get3A_67 = arith.index_cast %scan3A_48 : i32 to index
          %get3A_68 = arith.constant 16 : index
          %get3A_69 = tpu.vector_load %arg12[%get3A_67, %get3A_68] {strides = array<i32>} : memref<128x128xf32, #tpu.memory_space<vmem>>, vector<1x16xf32>,
          %get3A_70 = vector.shape_cast %get3A_69 : vector<1x16xf32> to vector<16xf32>
          %add3A_71 = arith.addf %get3A_66, %get3A_70 : vector<16xf32>
          %max3A_72 = arith.constant 0.000000e+00 : f32
          %max3A_73 = vector.broadcast %max3A_72 : f32 to vector<16xf32>
          %max3A_74 = arith.maximumf %add3A_71, %max3A_73 : vector<16xf32>
          %swap3A_75 = arith.index_cast %scan3A_48 : i32 to index
          %swap3A_76 = arith.constant 16 : index
          %swap3A_77 = tpu.vector_load %arg12[%swap3A_75, %swap3A_76] {strides = array<i32>} : memref<128x128xf32, #tpu.memory_space<vmem>>, vector<1x16xf32>,
          %swap3A_78 = vector.shape_cast %swap3A_77 : vector<1x16xf32> to vector<16xf32>
          %swap3A_79 = vector.shape_cast %max3A_74 : vector<16xf32> to vector<1x16xf32>
          tpu.vector_store %arg12[%swap3A_75, %swap3A_76], %swap3A_79 {strides = array<i32>} : memref<128x128xf32, #tpu.memory_space<vmem>>, vector<1x16xf32>,
          %get3A_80 = arith.index_cast %scan3A_48 : i32 to index
          %get3A_81 = arith.constant 32 : index
          %get3A_82 = tpu.vector_load %arg11[%get3A_80, %get3A_81] {strides = array<i32>} : memref<128x128xf32, #tpu.memory_space<vmem>>, vector<1x16xf32>,
          %get3A_83 = vector.shape_cast %get3A_82 : vector<1x16xf32> to vector<16xf32>
          %get3A_84 = arith.index_cast %scan3A_48 : i32 to index
          %get3A_85 = arith.constant 32 : index
          %get3A_86 = tpu.vector_load %arg12[%get3A_84, %get3A_85] {strides = array<i32>} : memref<128x128xf32, #tpu.memory_space<vmem>>, vector<1x16xf32>,
          %get3A_87 = vector.shape_cast %get3A_86 : vector<1x16xf32> to vector<16xf32>
          %add3A_88 = arith.addf %get3A_83, %get3A_87 : vector<16xf32>
          %max3A_89 = arith.constant 0.000000e+00 : f32
          %max3A_90 = vector.broadcast %max3A_89 : f32 to vector<16xf32>
          %max3A_91 = arith.maximumf %add3A_88, %max3A_90 : vector<16xf32>
          %swap3A_92 = arith.index_cast %scan3A_48 : i32 to index
          %swap3A_93 = arith.constant 32 : index
          %swap3A_94 = tpu.vector_load %arg12[%swap3A_92, %swap3A_93] {strides = array<i32>} : memref<128x128xf32, #tpu.memory_space<vmem>>, vector<1x16xf32>,
          %swap3A_95 = vector.shape_cast %swap3A_94 : vector<1x16xf32> to vector<16xf32>
          %swap3A_96 = vector.shape_cast %max3A_91 : vector<16xf32> to vector<1x16xf32>
          tpu.vector_store %arg12[%swap3A_92, %swap3A_93], %swap3A_96 {strides = array<i32>} : memref<128x128xf32, #tpu.memory_space<vmem>>, vector<1x16xf32>,
          %get3A_97 = arith.index_cast %scan3A_48 : i32 to index
          %get3A_98 = arith.constant 48 : index
          %get3A_99 = tpu.vector_load %arg11[%get3A_97, %get3A_98] {strides = array<i32>} : memref<128x128xf32, #tpu.memory_space<vmem>>, vector<1x16xf32>,
          %get3A_100 = vector.shape_cast %get3A_99 : vector<1x16xf32> to vector<16xf32>
          %get3A_101 = arith.index_cast %scan3A_48 : i32 to index
          %get3A_102 = arith.constant 48 : index
          %get3A_103 = tpu.vector_load %arg12[%get3A_101, %get3A_102] {strides = array<i32>} : memref<128x128xf32, #tpu.memory_space<vmem>>, vector<1x16xf32>,
          %get3A_104 = vector.shape_cast %get3A_103 : vector<1x16xf32> to vector<16xf32>
          %add3A_105 = arith.addf %get3A_100, %get3A_104 : vector<16xf32>
          %max3A_106 = arith.constant 0.000000e+00 : f32
          %max3A_107 = vector.broadcast %max3A_106 : f32 to vector<16xf32>
          %max3A_108 = arith.maximumf %add3A_105, %max3A_107 : vector<16xf32>
          %swap3A_109 = arith.index_cast %scan3A_48 : i32 to index
          %swap3A_110 = arith.constant 48 : index
          %swap3A_111 = tpu.vector_load %arg12[%swap3A_109, %swap3A_110] {strides = array<i32>} : memref<128x128xf32, #tpu.memory_space<vmem>>, vector<1x16xf32>,
          %swap3A_112 = vector.shape_cast %swap3A_111 : vector<1x16xf32> to vector<16xf32>
          %swap3A_113 = vector.shape_cast %max3A_108 : vector<16xf32> to vector<1x16xf32>
          tpu.vector_store %arg12[%swap3A_109, %swap3A_110], %swap3A_113 {strides = array<i32>} : memref<128x128xf32, #tpu.memory_space<vmem>>, vector<1x16xf32>,
          %get3A_114 = arith.index_cast %scan3A_48 : i32 to index
          %get3A_115 = arith.constant 64 : index
          %get3A_116 = tpu.vector_load %arg11[%get3A_114, %get3A_115] {strides = array<i32>} : memref<128x128xf32, #tpu.memory_space<vmem>>, vector<1x16xf32>,
          %get3A_117 = vector.shape_cast %get3A_116 : vector<1x16xf32> to vector<16xf32>
          %get3A_118 = arith.index_cast %scan3A_48 : i32 to index
          %get3A_119 = arith.constant 64 : index
          %get3A_120 = tpu.vector_load %arg12[%get3A_118, %get3A_119] {strides = array<i32>} : memref<128x128xf32, #tpu.memory_space<vmem>>, vector<1x16xf32>,
          %get3A_121 = vector.shape_cast %get3A_120 : vector<1x16xf32> to vector<16xf32>
          %add3A_122 = arith.addf %get3A_117, %get3A_121 : vector<16xf32>
          %max3A_123 = arith.constant 0.000000e+00 : f32
          %max3A_124 = vector.broadcast %max3A_123 : f32 to vector<16xf32>
          %max3A_125 = arith.maximumf %add3A_122, %max3A_124 : vector<16xf32>
          %swap3A_126 = arith.index_cast %scan3A_48 : i32 to index
          %swap3A_127 = arith.constant 64 : index
          %swap3A_128 = tpu.vector_load %arg12[%swap3A_126, %swap3A_127] {strides = array<i32>} : memref<128x128xf32, #tpu.memory_space<vmem>>, vector<1x16xf32>,
          %swap3A_129 = vector.shape_cast %swap3A_128 : vector<1x16xf32> to vector<16xf32>
          %swap3A_130 = vector.shape_cast %max3A_125 : vector<16xf32> to vector<1x16xf32>
          tpu.vector_store %arg12[%swap3A_126, %swap3A_127], %swap3A_130 {strides = array<i32>} : memref<128x128xf32, #tpu.memory_space<vmem>>, vector<1x16xf32>,
          %get3A_131 = arith.index_cast %scan3A_48 : i32 to index
          %get3A_132 = arith.constant 80 : index
          %get3A_133 = tpu.vector_load %arg11[%get3A_131, %get3A_132] {strides = array<i32>} : memref<128x128xf32, #tpu.memory_space<vmem>>, vector<1x16xf32>,
          %get3A_134 = vector.shape_cast %get3A_133 : vector<1x16xf32> to vector<16xf32>
          %get3A_135 = arith.index_cast %scan3A_48 : i32 to index
          %get3A_136 = arith.constant 80 : index
          %get3A_137 = tpu.vector_load %arg12[%get3A_135, %get3A_136] {strides = array<i32>} : memref<128x128xf32, #tpu.memory_space<vmem>>, vector<1x16xf32>,
          %get3A_138 = vector.shape_cast %get3A_137 : vector<1x16xf32> to vector<16xf32>
          %add3A_139 = arith.addf %get3A_134, %get3A_138 : vector<16xf32>
          %max3A_140 = arith.constant 0.000000e+00 : f32
          %max3A_141 = vector.broadcast %max3A_140 : f32 to vector<16xf32>
          %max3A_142 = arith.maximumf %add3A_139, %max3A_141 : vector<16xf32>
          %swap3A_143 = arith.index_cast %scan3A_48 : i32 to index
          %swap3A_144 = arith.constant 80 : index
          %swap3A_145 = tpu.vector_load %arg12[%swap3A_143, %swap3A_144] {strides = array<i32>} : memref<128x128xf32, #tpu.memory_space<vmem>>, vector<1x16xf32>,
          %swap3A_146 = vector.shape_cast %swap3A_145 : vector<1x16xf32> to vector<16xf32>
          %swap3A_147 = vector.shape_cast %max3A_142 : vector<16xf32> to vector<1x16xf32>
          tpu.vector_store %arg12[%swap3A_143, %swap3A_144], %swap3A_147 {strides = array<i32>} : memref<128x128xf32, #tpu.memory_space<vmem>>, vector<1x16xf32>,
          %get3A_148 = arith.index_cast %scan3A_48 : i32 to index
          %get3A_149 = arith.constant 96 : index
          %get3A_150 = tpu.vector_load %arg11[%get3A_148, %get3A_149] {strides = array<i32>} : memref<128x128xf32, #tpu.memory_space<vmem>>, vector<1x16xf32>,
          %get3A_151 = vector.shape_cast %get3A_150 : vector<1x16xf32> to vector<16xf32>
          %get3A_152 = arith.index_cast %scan3A_48 : i32 to index
          %get3A_153 = arith.constant 96 : index
          %get3A_154 = tpu.vector_load %arg12[%get3A_152, %get3A_153] {strides = array<i32>} : memref<128x128xf32, #tpu.memory_space<vmem>>, vector<1x16xf32>,
          %get3A_155 = vector.shape_cast %get3A_154 : vector<1x16xf32> to vector<16xf32>
          %add3A_156 = arith.addf %get3A_151, %get3A_155 : vector<16xf32>
          %max3A_157 = arith.constant 0.000000e+00 : f32
          %max3A_158 = vector.broadcast %max3A_157 : f32 to vector<16xf32>
          %max3A_159 = arith.maximumf %add3A_156, %max3A_158 : vector<16xf32>
          %swap3A_160 = arith.index_cast %scan3A_48 : i32 to index
          %swap3A_161 = arith.constant 96 : index
          %swap3A_162 = tpu.vector_load %arg12[%swap3A_160, %swap3A_161] {strides = array<i32>} : memref<128x128xf32, #tpu.memory_space<vmem>>, vector<1x16xf32>,
          %swap3A_163 = vector.shape_cast %swap3A_162 : vector<1x16xf32> to vector<16xf32>
          %swap3A_164 = vector.shape_cast %max3A_159 : vector<16xf32> to vector<1x16xf32>
          tpu.vector_store %arg12[%swap3A_160, %swap3A_161], %swap3A_164 {strides = array<i32>} : memref<128x128xf32, #tpu.memory_space<vmem>>, vector<1x16xf32>,
          %get3A_165 = arith.index_cast %scan3A_48 : i32 to index
          %get3A_166 = arith.constant 112 : index
          %get3A_167 = tpu.vector_load %arg11[%get3A_165, %get3A_166] {strides = array<i32>} : memref<128x128xf32, #tpu.memory_space<vmem>>, vector<1x16xf32>,
          %get3A_168 = vector.shape_cast %get3A_167 : vector<1x16xf32> to vector<16xf32>
          %get3A_169 = arith.index_cast %scan3A_48 : i32 to index
          %get3A_170 = arith.constant 112 : index
          %get3A_171 = tpu.vector_load %arg12[%get3A_169, %get3A_170] {strides = array<i32>} : memref<128x128xf32, #tpu.memory_space<vmem>>, vector<1x16xf32>,
          %get3A_172 = vector.shape_cast %get3A_171 : vector<1x16xf32> to vector<16xf32>
          %add3A_173 = arith.addf %get3A_168, %get3A_172 : vector<16xf32>
          %max3A_174 = arith.constant 0.000000e+00 : f32
          %max3A_175 = vector.broadcast %max3A_174 : f32 to vector<16xf32>
          %max3A_176 = arith.maximumf %add3A_173, %max3A_175 : vector<16xf32>
          %swap3A_177 = arith.index_cast %scan3A_48 : i32 to index
          %swap3A_178 = arith.constant 112 : index
          %swap3A_179 = tpu.vector_load %arg12[%swap3A_177, %swap3A_178] {strides = array<i32>} : memref<128x128xf32, #tpu.memory_space<vmem>>, vector<1x16xf32>,
          %swap3A_180 = vector.shape_cast %swap3A_179 : vector<1x16xf32> to vector<16xf32>
          %swap3A_181 = vector.shape_cast %max3A_176 : vector<16xf32> to vector<1x16xf32>
          tpu.vector_store %arg12[%swap3A_177, %swap3A_178], %swap3A_181 {strides = array<i32>} : memref<128x128xf32, #tpu.memory_space<vmem>>, vector<1x16xf32>,
        }
        %scan3A_47 = arith.constant 128 : i32
        "tpu.region"() ({
          %run_scoped3A = tpu.sem_alloc : memref<!tpu.dma_semaphore, #tpu.memory_space<semaphore_mem>>
          %dma_start3A = arith.constant 0 : i32
          %dma_start3A_48 = arith.constant 0 : i32
          %dma_start3A_49 = tpu.memref_slice %arg14[%dma_start3A, %dma_start3A_48] : memref<10000x128xf32, #tpu.memory_space<vmem_shared>> -> memref<10000x128xf32, #tpu.memory_space<vmem_shared>>
          tpu.enqueue_indirect_dma source(%arg12 : memref<128x128xf32, #tpu.memory_space<vmem>>) target(%dma_start3A_49 : memref<10000x128xf32, #tpu.memory_space<vmem_shared>>) offsets(%arg9 : memref<128xi32, #tpu.memory_space<vmem>>) semaphore(%run_scoped3A : memref<!tpu.dma_semaphore, #tpu.memory_space<semaphore_mem>>) {add = true}
          %dma_wait3A = arith.constant 0 : i32
          %dma_wait3A_50 = arith.constant 0 : i32
          %dma_wait3A_51 = tpu.memref_slice %arg14[%dma_wait3A, %dma_wait3A_50] : memref<10000x128xf32, #tpu.memory_space<vmem_shared>> -> memref<10000x128xf32, #tpu.memory_space<vmem_shared>>
          tpu.wait_indirect_dma semaphore(%run_scoped3A : memref<!tpu.dma_semaphore, #tpu.memory_space<semaphore_mem>>) src(%arg12 : memref<128x128xf32, #tpu.memory_space<vmem>>) dst(%dma_wait3A_51 : memref<10000x128xf32, #tpu.memory_space<vmem_shared>>)
          tpu.yield
        }) : () -> ()
      } else {
      }
    }
    %scan3A_19 = arith.constant 79 : i32
    %barrier3A_20 = arith.constant 0 : index
    tpu.barrier barrier_id(%barrier3A_20)
    %scan3A_21 = arith.constant 0 : i32
    %scan3A_22 = arith.constant 0 : i32
    %scan3A_23 = arith.constant 5 : i32
    %scan3A_24 = arith.addi %scan3A_22, %scan3A_23 : i32
    %scan3A_25 = arith.constant 1 : i32
    scf.for %scan3A_32 = %scan3A_22 to %scan3A_24 step %scan3A_25  : i32 {
      %mul3A_33 = arith.constant 16 : i32
      %mul3A_34 = arith.muli %mul3A_33, %scan3A_32 : i32
      %add3A_35 = arith.addi %arg1, %mul3A_34 : i32
      %lt3A = arith.constant 78 : i32
      %lt3A_36 = arith.cmpi slt, %add3A_35, %lt3A : i32
      %convert_element_type3A_37 = arith.extui %lt3A_36 : i1 to i32
      %cond3A_38 = arith.constant 0 : i32
      %cond3A_39 = arith.cmpi ne, %convert_element_type3A_37, %cond3A_38 : i32
      scf.if %cond3A_39 {
        %mul3A_40 = arith.constant 128 : i32
        %mul3A_41 = arith.muli %add3A_35, %mul3A_40 : i32
        %mul3A_42 = arith.constant 128 : i32
        %mul3A_43 = arith.muli %add3A_35, %mul3A_42 : i32
        "tpu.region"() ({
          %run_scoped3A = tpu.sem_alloc : memref<!tpu.dma_semaphore, #tpu.memory_space<semaphore_mem>>
          %dma_start3A = arith.constant 0 : i32
          %dma_start3A_44 = tpu.memref_slice %arg7[%arg0, %mul3A_43, %dma_start3A] : memref<2x10000x128xf32, #tpu.memory_space<hbm>> -> memref<1x128x128xf32, #tpu.memory_space<hbm>>
          %dma_start3A_45 = tpu.memref_squeeze %dma_start3A_44 : memref<1x128x128xf32, #tpu.memory_space<hbm>> -> memref<128x128xf32, #tpu.memory_space<hbm>>
          %dma_start3A_46 = arith.constant 0 : i32
          %dma_start3A_47 = tpu.memref_slice %arg14[%mul3A_41, %dma_start3A_46] : memref<10000x128xf32, #tpu.memory_space<vmem_shared>> -> memref<128x128xf32, #tpu.memory_space<vmem_shared>>
          tpu.enqueue_dma source(%dma_start3A_47 : memref<128x128xf32, #tpu.memory_space<vmem_shared>>) target(%dma_start3A_45 : memref<128x128xf32, #tpu.memory_space<hbm>>) target_semaphore(%run_scoped3A : memref<!tpu.dma_semaphore, #tpu.memory_space<semaphore_mem>>)
          %dma_wait3A = arith.constant 0 : i32
          %dma_wait3A_48 = tpu.memref_slice %arg7[%arg0, %mul3A_43, %dma_wait3A] : memref<2x10000x128xf32, #tpu.memory_space<hbm>> -> memref<1x128x128xf32, #tpu.memory_space<hbm>>
          %dma_wait3A_49 = tpu.memref_squeeze %dma_wait3A_48 : memref<1x128x128xf32, #tpu.memory_space<hbm>> -> memref<128x128xf32, #tpu.memory_space<hbm>>
          %dma_wait3A_50 = arith.constant 0 : i32
          %dma_wait3A_51 = tpu.memref_slice %arg14[%mul3A_41, %dma_wait3A_50] : memref<10000x128xf32, #tpu.memory_space<vmem_shared>> -> memref<128x128xf32, #tpu.memory_space<vmem_shared>>
          tpu.wait_dma2 semaphore(%run_scoped3A : memref<!tpu.dma_semaphore, #tpu.memory_space<semaphore_mem>>) src(%dma_wait3A_51 : memref<128x128xf32, #tpu.memory_space<vmem_shared>>) dst(%dma_wait3A_49 : memref<128x128xf32, #tpu.memory_space<hbm>>)
          tpu.yield
        }) : () -> ()
      } else {
      }
    }
    %scan3A_26 = arith.constant 5 : i32
    %eq3A_27 = arith.constant 0 : i32
    %eq3A_28 = arith.cmpi eq, %arg1, %eq3A_27 : i32
    %convert_element_type3A_29 = arith.extui %eq3A_28 : i1 to i32
    %cond3A_30 = arith.constant 0 : i32
    %cond3A_31 = arith.cmpi ne, %convert_element_type3A_29, %cond3A_30 : i32
    scf.if %cond3A_31 {
      "tpu.region"() ({
        %run_scoped3A = tpu.sem_alloc : memref<!tpu.dma_semaphore, #tpu.memory_space<semaphore_mem>>
        %dma_start3A = arith.constant 9984 : i32
        %dma_start3A_32 = arith.constant 0 : i32
        %dma_start3A_33 = tpu.memref_slice %arg7[%arg0, %dma_start3A, %dma_start3A_32] : memref<2x10000x128xf32, #tpu.memory_space<hbm>> -> memref<1x16x128xf32, #tpu.memory_space<hbm>>
        %dma_start3A_34 = tpu.memref_squeeze %dma_start3A_33 : memref<1x16x128xf32, #tpu.memory_space<hbm>> -> memref<16x128xf32, #tpu.memory_space<hbm>>
        %dma_start3A_35 = arith.constant 9984 : i32
        %dma_start3A_36 = arith.constant 0 : i32
        %dma_start3A_37 = tpu.memref_slice %arg14[%dma_start3A_35, %dma_start3A_36] : memref<10000x128xf32, #tpu.memory_space<vmem_shared>> -> memref<16x128xf32, #tpu.memory_space<vmem_shared>>
        tpu.enqueue_dma source(%dma_start3A_37 : memref<16x128xf32, #tpu.memory_space<vmem_shared>>) target(%dma_start3A_34 : memref<16x128xf32, #tpu.memory_space<hbm>>) target_semaphore(%run_scoped3A : memref<!tpu.dma_semaphore, #tpu.memory_space<semaphore_mem>>)
        %dma_wait3A = arith.constant 9984 : i32
        %dma_wait3A_38 = arith.constant 0 : i32
        %dma_wait3A_39 = tpu.memref_slice %arg7[%arg0, %dma_wait3A, %dma_wait3A_38] : memref<2x10000x128xf32, #tpu.memory_space<hbm>> -> memref<1x16x128xf32, #tpu.memory_space<hbm>>
        %dma_wait3A_40 = tpu.memref_squeeze %dma_wait3A_39 : memref<1x16x128xf32, #tpu.memory_space<hbm>> -> memref<16x128xf32, #tpu.memory_space<hbm>>
        %dma_wait3A_41 = arith.constant 9984 : i32
        %dma_wait3A_42 = arith.constant 0 : i32
        %dma_wait3A_43 = tpu.memref_slice %arg14[%dma_wait3A_41, %dma_wait3A_42] : memref<10000x128xf32, #tpu.memory_space<vmem_shared>> -> memref<16x128xf32, #tpu.memory_space<vmem_shared>>
        tpu.wait_dma2 semaphore(%run_scoped3A : memref<!tpu.dma_semaphore, #tpu.memory_space<semaphore_mem>>) src(%dma_wait3A_43 : memref<16x128xf32, #tpu.memory_space<vmem_shared>>) dst(%dma_wait3A_40 : memref<16x128xf32, #tpu.memory_space<hbm>>)
        tpu.yield
      }) : () -> ()
    } else {
    }
    return
  }
}

#map = affine_map<(d0, d1) -> (0)>
#map1 = affine_map<(d0, d1) -> (0, 0)>
module attributes {stable_mosaic.version = 14 : i64} {
  func.func @_atom_encode_sc(%arg0: i32, %arg1: i32, %arg2: memref<91008xi32, #tpu.memory_space<hbm>>, %arg3: memref<1116x128xf32, #tpu.memory_space<hbm>>, %arg4: memref<10112x128xf32, #tpu.memory_space<hbm>>, %arg5: memref<128xi32, #tpu.memory_space<vmem>>, %arg6: memref<128x128xf32, #tpu.memory_space<vmem>>, %arg7: memref<128x128xf32, #tpu.memory_space<vmem>>) attributes {dimension_semantics = [#tpu.dimension_semantics<core_parallel>, #tpu.dimension_semantics<subcore_parallel>], iteration_bounds = array<i64: 2, 16>, scalar_prefetch = 0 : i64, scratch_operands = 3 : i64, tpu.core_type = #tpu.core_type<sc_vector_subcore>, window_params = [{transform_indices = #map}, {transform_indices = #map1}, {transform_indices = #map1}]} {
    %mul3A = arith.constant 2 : i32
    %mul3A_0 = arith.muli %arg1, %mul3A : i32
    %add3A = arith.addi %mul3A_0, %arg0 : i32
    %scan3A = arith.constant 0 : i32
    %scan3A_1 = arith.constant 0 : i32
    %scan3A_2 = arith.constant 3 : i32
    %scan3A_3 = arith.addi %scan3A_1, %scan3A_2 : i32
    %scan3A_4 = arith.constant 1 : i32
    scf.for %scan3A_6 = %scan3A_1 to %scan3A_3 step %scan3A_4  : i32 {
      %mul3A_7 = arith.constant 32 : i32
      %mul3A_8 = arith.muli %mul3A_7, %scan3A_6 : i32
      %add3A_9 = arith.addi %add3A, %mul3A_8 : i32
      %lt3A = arith.constant 79 : i32
      %lt3A_10 = arith.cmpi slt, %add3A_9, %lt3A : i32
      %convert_element_type3A = arith.extui %lt3A_10 : i1 to i32
      %cond3A = arith.constant 0 : i32
      %cond3A_11 = arith.cmpi ne, %convert_element_type3A, %cond3A : i32
      scf.if %cond3A_11 {
        %mul3A_12 = arith.constant 128 : i32
        %mul3A_13 = arith.muli %add3A_9, %mul3A_12 : i32
        "tpu.region"() ({
          %run_scoped3A = tpu.sem_alloc : memref<!tpu.dma_semaphore, #tpu.memory_space<semaphore_mem>>
          %dma_start3A = tpu.memref_slice %arg2[%mul3A_13] : memref<91008xi32, #tpu.memory_space<hbm>> -> memref<128xi32, #tpu.memory_space<hbm>>
          %dma_start3A_78 = tpu.memref_slice %arg2[%mul3A_13] : memref<91008xi32, #tpu.memory_space<hbm>> -> memref<128xi32, #tpu.memory_space<hbm>>
          tpu.enqueue_dma source(%dma_start3A_78 : memref<128xi32, #tpu.memory_space<hbm>>) target(%arg5 : memref<128xi32, #tpu.memory_space<vmem>>) target_semaphore(%run_scoped3A : memref<!tpu.dma_semaphore, #tpu.memory_space<semaphore_mem>>)
          %dma_wait3A = tpu.memref_slice %arg2[%mul3A_13] : memref<91008xi32, #tpu.memory_space<hbm>> -> memref<128xi32, #tpu.memory_space<hbm>>
          %dma_wait3A_79 = tpu.memref_slice %arg2[%mul3A_13] : memref<91008xi32, #tpu.memory_space<hbm>> -> memref<128xi32, #tpu.memory_space<hbm>>
          tpu.wait_dma2 semaphore(%run_scoped3A : memref<!tpu.dma_semaphore, #tpu.memory_space<semaphore_mem>>) src(%dma_wait3A_79 : memref<128xi32, #tpu.memory_space<hbm>>) dst(%arg5 : memref<128xi32, #tpu.memory_space<vmem>>)
          tpu.yield
        }) : () -> ()
        "tpu.region"() ({
          %run_scoped3A = tpu.sem_alloc : memref<!tpu.dma_semaphore, #tpu.memory_space<semaphore_mem>>
          %dma_start3A = arith.constant 0 : i32
          %dma_start3A_78 = arith.constant 0 : i32
          %dma_start3A_79 = tpu.memref_slice %arg3[%dma_start3A, %dma_start3A_78] : memref<1116x128xf32, #tpu.memory_space<hbm>> -> memref<1116x128xf32, #tpu.memory_space<hbm>>
          tpu.enqueue_indirect_dma source(%dma_start3A_79 : memref<1116x128xf32, #tpu.memory_space<hbm>>) target(%arg7 : memref<128x128xf32, #tpu.memory_space<vmem>>) offsets(%arg5 : memref<128xi32, #tpu.memory_space<vmem>>) semaphore(%run_scoped3A : memref<!tpu.dma_semaphore, #tpu.memory_space<semaphore_mem>>)
          %dma_wait3A = arith.constant 0 : i32
          %dma_wait3A_80 = arith.constant 0 : i32
          %dma_wait3A_81 = tpu.memref_slice %arg3[%dma_wait3A, %dma_wait3A_80] : memref<1116x128xf32, #tpu.memory_space<hbm>> -> memref<1116x128xf32, #tpu.memory_space<hbm>>
          tpu.wait_indirect_dma semaphore(%run_scoped3A : memref<!tpu.dma_semaphore, #tpu.memory_space<semaphore_mem>>) src(%dma_wait3A_81 : memref<1116x128xf32, #tpu.memory_space<hbm>>) dst(%arg7 : memref<128x128xf32, #tpu.memory_space<vmem>>)
          tpu.yield
        }) : () -> ()
        %add3A_14 = arith.constant 10112 : i32
        %add3A_15 = arith.addi %add3A_14, %mul3A_13 : i32
        "tpu.region"() ({
          %run_scoped3A = tpu.sem_alloc : memref<!tpu.dma_semaphore, #tpu.memory_space<semaphore_mem>>
          %dma_start3A = tpu.memref_slice %arg2[%add3A_15] : memref<91008xi32, #tpu.memory_space<hbm>> -> memref<128xi32, #tpu.memory_space<hbm>>
          %dma_start3A_78 = tpu.memref_slice %arg2[%add3A_15] : memref<91008xi32, #tpu.memory_space<hbm>> -> memref<128xi32, #tpu.memory_space<hbm>>
          tpu.enqueue_dma source(%dma_start3A_78 : memref<128xi32, #tpu.memory_space<hbm>>) target(%arg5 : memref<128xi32, #tpu.memory_space<vmem>>) target_semaphore(%run_scoped3A : memref<!tpu.dma_semaphore, #tpu.memory_space<semaphore_mem>>)
          %dma_wait3A = tpu.memref_slice %arg2[%add3A_15] : memref<91008xi32, #tpu.memory_space<hbm>> -> memref<128xi32, #tpu.memory_space<hbm>>
          %dma_wait3A_79 = tpu.memref_slice %arg2[%add3A_15] : memref<91008xi32, #tpu.memory_space<hbm>> -> memref<128xi32, #tpu.memory_space<hbm>>
          tpu.wait_dma2 semaphore(%run_scoped3A : memref<!tpu.dma_semaphore, #tpu.memory_space<semaphore_mem>>) src(%dma_wait3A_79 : memref<128xi32, #tpu.memory_space<hbm>>) dst(%arg5 : memref<128xi32, #tpu.memory_space<vmem>>)
          tpu.yield
        }) : () -> ()
        "tpu.region"() ({
          %run_scoped3A = tpu.sem_alloc : memref<!tpu.dma_semaphore, #tpu.memory_space<semaphore_mem>>
          %dma_start3A = arith.constant 0 : i32
          %dma_start3A_78 = arith.constant 0 : i32
          %dma_start3A_79 = tpu.memref_slice %arg3[%dma_start3A, %dma_start3A_78] : memref<1116x128xf32, #tpu.memory_space<hbm>> -> memref<1116x128xf32, #tpu.memory_space<hbm>>
          tpu.enqueue_indirect_dma source(%dma_start3A_79 : memref<1116x128xf32, #tpu.memory_space<hbm>>) target(%arg6 : memref<128x128xf32, #tpu.memory_space<vmem>>) offsets(%arg5 : memref<128xi32, #tpu.memory_space<vmem>>) semaphore(%run_scoped3A : memref<!tpu.dma_semaphore, #tpu.memory_space<semaphore_mem>>)
          %dma_wait3A = arith.constant 0 : i32
          %dma_wait3A_80 = arith.constant 0 : i32
          %dma_wait3A_81 = tpu.memref_slice %arg3[%dma_wait3A, %dma_wait3A_80] : memref<1116x128xf32, #tpu.memory_space<hbm>> -> memref<1116x128xf32, #tpu.memory_space<hbm>>
          tpu.wait_indirect_dma semaphore(%run_scoped3A : memref<!tpu.dma_semaphore, #tpu.memory_space<semaphore_mem>>) src(%dma_wait3A_81 : memref<1116x128xf32, #tpu.memory_space<hbm>>) dst(%arg6 : memref<128x128xf32, #tpu.memory_space<vmem>>)
          tpu.yield
        }) : () -> ()
        %scan3A_16 = arith.constant 0 : i32
        %scan3A_17 = arith.constant 0 : i32
        %scan3A_18 = arith.constant 128 : i32
        %scan3A_19 = arith.addi %scan3A_17, %scan3A_18 : i32
        %scan3A_20 = arith.constant 1 : i32
        scf.for %scan3A_78 = %scan3A_17 to %scan3A_19 step %scan3A_20  : i32 {
          %get3A = arith.index_cast %scan3A_78 : i32 to index
          %get3A_79 = arith.constant 0 : index
          %get3A_80 = tpu.vector_load %arg7[%get3A, %get3A_79] {strides = array<i32>} : memref<128x128xf32, #tpu.memory_space<vmem>>, vector<1x16xf32>,
          %get3A_81 = vector.shape_cast %get3A_80 : vector<1x16xf32> to vector<16xf32>
          %get3A_82 = arith.index_cast %scan3A_78 : i32 to index
          %get3A_83 = arith.constant 0 : index
          %get3A_84 = tpu.vector_load %arg6[%get3A_82, %get3A_83] {strides = array<i32>} : memref<128x128xf32, #tpu.memory_space<vmem>>, vector<1x16xf32>,
          %get3A_85 = vector.shape_cast %get3A_84 : vector<1x16xf32> to vector<16xf32>
          %add3A_86 = arith.addf %get3A_81, %get3A_85 : vector<16xf32>
          %swap3A = arith.index_cast %scan3A_78 : i32 to index
          %swap3A_87 = arith.constant 0 : index
          %swap3A_88 = tpu.vector_load %arg7[%swap3A, %swap3A_87] {strides = array<i32>} : memref<128x128xf32, #tpu.memory_space<vmem>>, vector<1x16xf32>,
          %swap3A_89 = vector.shape_cast %swap3A_88 : vector<1x16xf32> to vector<16xf32>
          %swap3A_90 = vector.shape_cast %add3A_86 : vector<16xf32> to vector<1x16xf32>
          tpu.vector_store %arg7[%swap3A, %swap3A_87], %swap3A_90 {strides = array<i32>} : memref<128x128xf32, #tpu.memory_space<vmem>>, vector<1x16xf32>,
          %get3A_91 = arith.index_cast %scan3A_78 : i32 to index
          %get3A_92 = arith.constant 16 : index
          %get3A_93 = tpu.vector_load %arg7[%get3A_91, %get3A_92] {strides = array<i32>} : memref<128x128xf32, #tpu.memory_space<vmem>>, vector<1x16xf32>,
          %get3A_94 = vector.shape_cast %get3A_93 : vector<1x16xf32> to vector<16xf32>
          %get3A_95 = arith.index_cast %scan3A_78 : i32 to index
          %get3A_96 = arith.constant 16 : index
          %get3A_97 = tpu.vector_load %arg6[%get3A_95, %get3A_96] {strides = array<i32>} : memref<128x128xf32, #tpu.memory_space<vmem>>, vector<1x16xf32>,
          %get3A_98 = vector.shape_cast %get3A_97 : vector<1x16xf32> to vector<16xf32>
          %add3A_99 = arith.addf %get3A_94, %get3A_98 : vector<16xf32>
          %swap3A_100 = arith.index_cast %scan3A_78 : i32 to index
          %swap3A_101 = arith.constant 16 : index
          %swap3A_102 = tpu.vector_load %arg7[%swap3A_100, %swap3A_101] {strides = array<i32>} : memref<128x128xf32, #tpu.memory_space<vmem>>, vector<1x16xf32>,
          %swap3A_103 = vector.shape_cast %swap3A_102 : vector<1x16xf32> to vector<16xf32>
          %swap3A_104 = vector.shape_cast %add3A_99 : vector<16xf32> to vector<1x16xf32>
          tpu.vector_store %arg7[%swap3A_100, %swap3A_101], %swap3A_104 {strides = array<i32>} : memref<128x128xf32, #tpu.memory_space<vmem>>, vector<1x16xf32>,
          %get3A_105 = arith.index_cast %scan3A_78 : i32 to index
          %get3A_106 = arith.constant 32 : index
          %get3A_107 = tpu.vector_load %arg7[%get3A_105, %get3A_106] {strides = array<i32>} : memref<128x128xf32, #tpu.memory_space<vmem>>, vector<1x16xf32>,
          %get3A_108 = vector.shape_cast %get3A_107 : vector<1x16xf32> to vector<16xf32>
          %get3A_109 = arith.index_cast %scan3A_78 : i32 to index
          %get3A_110 = arith.constant 32 : index
          %get3A_111 = tpu.vector_load %arg6[%get3A_109, %get3A_110] {strides = array<i32>} : memref<128x128xf32, #tpu.memory_space<vmem>>, vector<1x16xf32>,
          %get3A_112 = vector.shape_cast %get3A_111 : vector<1x16xf32> to vector<16xf32>
          %add3A_113 = arith.addf %get3A_108, %get3A_112 : vector<16xf32>
          %swap3A_114 = arith.index_cast %scan3A_78 : i32 to index
          %swap3A_115 = arith.constant 32 : index
          %swap3A_116 = tpu.vector_load %arg7[%swap3A_114, %swap3A_115] {strides = array<i32>} : memref<128x128xf32, #tpu.memory_space<vmem>>, vector<1x16xf32>,
          %swap3A_117 = vector.shape_cast %swap3A_116 : vector<1x16xf32> to vector<16xf32>
          %swap3A_118 = vector.shape_cast %add3A_113 : vector<16xf32> to vector<1x16xf32>
          tpu.vector_store %arg7[%swap3A_114, %swap3A_115], %swap3A_118 {strides = array<i32>} : memref<128x128xf32, #tpu.memory_space<vmem>>, vector<1x16xf32>,
          %get3A_119 = arith.index_cast %scan3A_78 : i32 to index
          %get3A_120 = arith.constant 48 : index
          %get3A_121 = tpu.vector_load %arg7[%get3A_119, %get3A_120] {strides = array<i32>} : memref<128x128xf32, #tpu.memory_space<vmem>>, vector<1x16xf32>,
          %get3A_122 = vector.shape_cast %get3A_121 : vector<1x16xf32> to vector<16xf32>
          %get3A_123 = arith.index_cast %scan3A_78 : i32 to index
          %get3A_124 = arith.constant 48 : index
          %get3A_125 = tpu.vector_load %arg6[%get3A_123, %get3A_124] {strides = array<i32>} : memref<128x128xf32, #tpu.memory_space<vmem>>, vector<1x16xf32>,
          %get3A_126 = vector.shape_cast %get3A_125 : vector<1x16xf32> to vector<16xf32>
          %add3A_127 = arith.addf %get3A_122, %get3A_126 : vector<16xf32>
          %swap3A_128 = arith.index_cast %scan3A_78 : i32 to index
          %swap3A_129 = arith.constant 48 : index
          %swap3A_130 = tpu.vector_load %arg7[%swap3A_128, %swap3A_129] {strides = array<i32>} : memref<128x128xf32, #tpu.memory_space<vmem>>, vector<1x16xf32>,
          %swap3A_131 = vector.shape_cast %swap3A_130 : vector<1x16xf32> to vector<16xf32>
          %swap3A_132 = vector.shape_cast %add3A_127 : vector<16xf32> to vector<1x16xf32>
          tpu.vector_store %arg7[%swap3A_128, %swap3A_129], %swap3A_132 {strides = array<i32>} : memref<128x128xf32, #tpu.memory_space<vmem>>, vector<1x16xf32>,
          %get3A_133 = arith.index_cast %scan3A_78 : i32 to index
          %get3A_134 = arith.constant 64 : index
          %get3A_135 = tpu.vector_load %arg7[%get3A_133, %get3A_134] {strides = array<i32>} : memref<128x128xf32, #tpu.memory_space<vmem>>, vector<1x16xf32>,
          %get3A_136 = vector.shape_cast %get3A_135 : vector<1x16xf32> to vector<16xf32>
          %get3A_137 = arith.index_cast %scan3A_78 : i32 to index
          %get3A_138 = arith.constant 64 : index
          %get3A_139 = tpu.vector_load %arg6[%get3A_137, %get3A_138] {strides = array<i32>} : memref<128x128xf32, #tpu.memory_space<vmem>>, vector<1x16xf32>,
          %get3A_140 = vector.shape_cast %get3A_139 : vector<1x16xf32> to vector<16xf32>
          %add3A_141 = arith.addf %get3A_136, %get3A_140 : vector<16xf32>
          %swap3A_142 = arith.index_cast %scan3A_78 : i32 to index
          %swap3A_143 = arith.constant 64 : index
          %swap3A_144 = tpu.vector_load %arg7[%swap3A_142, %swap3A_143] {strides = array<i32>} : memref<128x128xf32, #tpu.memory_space<vmem>>, vector<1x16xf32>,
          %swap3A_145 = vector.shape_cast %swap3A_144 : vector<1x16xf32> to vector<16xf32>
          %swap3A_146 = vector.shape_cast %add3A_141 : vector<16xf32> to vector<1x16xf32>
          tpu.vector_store %arg7[%swap3A_142, %swap3A_143], %swap3A_146 {strides = array<i32>} : memref<128x128xf32, #tpu.memory_space<vmem>>, vector<1x16xf32>,
          %get3A_147 = arith.index_cast %scan3A_78 : i32 to index
          %get3A_148 = arith.constant 80 : index
          %get3A_149 = tpu.vector_load %arg7[%get3A_147, %get3A_148] {strides = array<i32>} : memref<128x128xf32, #tpu.memory_space<vmem>>, vector<1x16xf32>,
          %get3A_150 = vector.shape_cast %get3A_149 : vector<1x16xf32> to vector<16xf32>
          %get3A_151 = arith.index_cast %scan3A_78 : i32 to index
          %get3A_152 = arith.constant 80 : index
          %get3A_153 = tpu.vector_load %arg6[%get3A_151, %get3A_152] {strides = array<i32>} : memref<128x128xf32, #tpu.memory_space<vmem>>, vector<1x16xf32>,
          %get3A_154 = vector.shape_cast %get3A_153 : vector<1x16xf32> to vector<16xf32>
          %add3A_155 = arith.addf %get3A_150, %get3A_154 : vector<16xf32>
          %swap3A_156 = arith.index_cast %scan3A_78 : i32 to index
          %swap3A_157 = arith.constant 80 : index
          %swap3A_158 = tpu.vector_load %arg7[%swap3A_156, %swap3A_157] {strides = array<i32>} : memref<128x128xf32, #tpu.memory_space<vmem>>, vector<1x16xf32>,
          %swap3A_159 = vector.shape_cast %swap3A_158 : vector<1x16xf32> to vector<16xf32>
          %swap3A_160 = vector.shape_cast %add3A_155 : vector<16xf32> to vector<1x16xf32>
          tpu.vector_store %arg7[%swap3A_156, %swap3A_157], %swap3A_160 {strides = array<i32>} : memref<128x128xf32, #tpu.memory_space<vmem>>, vector<1x16xf32>,
          %get3A_161 = arith.index_cast %scan3A_78 : i32 to index
          %get3A_162 = arith.constant 96 : index
          %get3A_163 = tpu.vector_load %arg7[%get3A_161, %get3A_162] {strides = array<i32>} : memref<128x128xf32, #tpu.memory_space<vmem>>, vector<1x16xf32>,
          %get3A_164 = vector.shape_cast %get3A_163 : vector<1x16xf32> to vector<16xf32>
          %get3A_165 = arith.index_cast %scan3A_78 : i32 to index
          %get3A_166 = arith.constant 96 : index
          %get3A_167 = tpu.vector_load %arg6[%get3A_165, %get3A_166] {strides = array<i32>} : memref<128x128xf32, #tpu.memory_space<vmem>>, vector<1x16xf32>,
          %get3A_168 = vector.shape_cast %get3A_167 : vector<1x16xf32> to vector<16xf32>
          %add3A_169 = arith.addf %get3A_164, %get3A_168 : vector<16xf32>
          %swap3A_170 = arith.index_cast %scan3A_78 : i32 to index
          %swap3A_171 = arith.constant 96 : index
          %swap3A_172 = tpu.vector_load %arg7[%swap3A_170, %swap3A_171] {strides = array<i32>} : memref<128x128xf32, #tpu.memory_space<vmem>>, vector<1x16xf32>,
          %swap3A_173 = vector.shape_cast %swap3A_172 : vector<1x16xf32> to vector<16xf32>
          %swap3A_174 = vector.shape_cast %add3A_169 : vector<16xf32> to vector<1x16xf32>
          tpu.vector_store %arg7[%swap3A_170, %swap3A_171], %swap3A_174 {strides = array<i32>} : memref<128x128xf32, #tpu.memory_space<vmem>>, vector<1x16xf32>,
          %get3A_175 = arith.index_cast %scan3A_78 : i32 to index
          %get3A_176 = arith.constant 112 : index
          %get3A_177 = tpu.vector_load %arg7[%get3A_175, %get3A_176] {strides = array<i32>} : memref<128x128xf32, #tpu.memory_space<vmem>>, vector<1x16xf32>,
          %get3A_178 = vector.shape_cast %get3A_177 : vector<1x16xf32> to vector<16xf32>
          %get3A_179 = arith.index_cast %scan3A_78 : i32 to index
          %get3A_180 = arith.constant 112 : index
          %get3A_181 = tpu.vector_load %arg6[%get3A_179, %get3A_180] {strides = array<i32>} : memref<128x128xf32, #tpu.memory_space<vmem>>, vector<1x16xf32>,
          %get3A_182 = vector.shape_cast %get3A_181 : vector<1x16xf32> to vector<16xf32>
          %add3A_183 = arith.addf %get3A_178, %get3A_182 : vector<16xf32>
          %swap3A_184 = arith.index_cast %scan3A_78 : i32 to index
          %swap3A_185 = arith.constant 112 : index
          %swap3A_186 = tpu.vector_load %arg7[%swap3A_184, %swap3A_185] {strides = array<i32>} : memref<128x128xf32, #tpu.memory_space<vmem>>, vector<1x16xf32>,
          %swap3A_187 = vector.shape_cast %swap3A_186 : vector<1x16xf32> to vector<16xf32>
          %swap3A_188 = vector.shape_cast %add3A_183 : vector<16xf32> to vector<1x16xf32>
          tpu.vector_store %arg7[%swap3A_184, %swap3A_185], %swap3A_188 {strides = array<i32>} : memref<128x128xf32, #tpu.memory_space<vmem>>, vector<1x16xf32>,
        }
        %scan3A_21 = arith.constant 128 : i32
        %add3A_22 = arith.constant 20224 : i32
        %add3A_23 = arith.addi %add3A_22, %mul3A_13 : i32
        "tpu.region"() ({
          %run_scoped3A = tpu.sem_alloc : memref<!tpu.dma_semaphore, #tpu.memory_space<semaphore_mem>>
          %dma_start3A = tpu.memref_slice %arg2[%add3A_23] : memref<91008xi32, #tpu.memory_space<hbm>> -> memref<128xi32, #tpu.memory_space<hbm>>
          %dma_start3A_78 = tpu.memref_slice %arg2[%add3A_23] : memref<91008xi32, #tpu.memory_space<hbm>> -> memref<128xi32, #tpu.memory_space<hbm>>
          tpu.enqueue_dma source(%dma_start3A_78 : memref<128xi32, #tpu.memory_space<hbm>>) target(%arg5 : memref<128xi32, #tpu.memory_space<vmem>>) target_semaphore(%run_scoped3A : memref<!tpu.dma_semaphore, #tpu.memory_space<semaphore_mem>>)
          %dma_wait3A = tpu.memref_slice %arg2[%add3A_23] : memref<91008xi32, #tpu.memory_space<hbm>> -> memref<128xi32, #tpu.memory_space<hbm>>
          %dma_wait3A_79 = tpu.memref_slice %arg2[%add3A_23] : memref<91008xi32, #tpu.memory_space<hbm>> -> memref<128xi32, #tpu.memory_space<hbm>>
          tpu.wait_dma2 semaphore(%run_scoped3A : memref<!tpu.dma_semaphore, #tpu.memory_space<semaphore_mem>>) src(%dma_wait3A_79 : memref<128xi32, #tpu.memory_space<hbm>>) dst(%arg5 : memref<128xi32, #tpu.memory_space<vmem>>)
          tpu.yield
        }) : () -> ()
        "tpu.region"() ({
          %run_scoped3A = tpu.sem_alloc : memref<!tpu.dma_semaphore, #tpu.memory_space<semaphore_mem>>
          %dma_start3A = arith.constant 0 : i32
          %dma_start3A_78 = arith.constant 0 : i32
          %dma_start3A_79 = tpu.memref_slice %arg3[%dma_start3A, %dma_start3A_78] : memref<1116x128xf32, #tpu.memory_space<hbm>> -> memref<1116x128xf32, #tpu.memory_space<hbm>>
          tpu.enqueue_indirect_dma source(%dma_start3A_79 : memref<1116x128xf32, #tpu.memory_space<hbm>>) target(%arg6 : memref<128x128xf32, #tpu.memory_space<vmem>>) offsets(%arg5 : memref<128xi32, #tpu.memory_space<vmem>>) semaphore(%run_scoped3A : memref<!tpu.dma_semaphore, #tpu.memory_space<semaphore_mem>>)
          %dma_wait3A = arith.constant 0 : i32
          %dma_wait3A_80 = arith.constant 0 : i32
          %dma_wait3A_81 = tpu.memref_slice %arg3[%dma_wait3A, %dma_wait3A_80] : memref<1116x128xf32, #tpu.memory_space<hbm>> -> memref<1116x128xf32, #tpu.memory_space<hbm>>
          tpu.wait_indirect_dma semaphore(%run_scoped3A : memref<!tpu.dma_semaphore, #tpu.memory_space<semaphore_mem>>) src(%dma_wait3A_81 : memref<1116x128xf32, #tpu.memory_space<hbm>>) dst(%arg6 : memref<128x128xf32, #tpu.memory_space<vmem>>)
          tpu.yield
        }) : () -> ()
        %scan3A_24 = arith.constant 0 : i32
        %scan3A_25 = arith.constant 0 : i32
        %scan3A_26 = arith.constant 128 : i32
        %scan3A_27 = arith.addi %scan3A_25, %scan3A_26 : i32
        %scan3A_28 = arith.constant 1 : i32
        scf.for %scan3A_78 = %scan3A_25 to %scan3A_27 step %scan3A_28  : i32 {
          %get3A = arith.index_cast %scan3A_78 : i32 to index
          %get3A_79 = arith.constant 0 : index
          %get3A_80 = tpu.vector_load %arg7[%get3A, %get3A_79] {strides = array<i32>} : memref<128x128xf32, #tpu.memory_space<vmem>>, vector<1x16xf32>,
          %get3A_81 = vector.shape_cast %get3A_80 : vector<1x16xf32> to vector<16xf32>
          %get3A_82 = arith.index_cast %scan3A_78 : i32 to index
          %get3A_83 = arith.constant 0 : index
          %get3A_84 = tpu.vector_load %arg6[%get3A_82, %get3A_83] {strides = array<i32>} : memref<128x128xf32, #tpu.memory_space<vmem>>, vector<1x16xf32>,
          %get3A_85 = vector.shape_cast %get3A_84 : vector<1x16xf32> to vector<16xf32>
          %add3A_86 = arith.addf %get3A_81, %get3A_85 : vector<16xf32>
          %swap3A = arith.index_cast %scan3A_78 : i32 to index
          %swap3A_87 = arith.constant 0 : index
          %swap3A_88 = tpu.vector_load %arg7[%swap3A, %swap3A_87] {strides = array<i32>} : memref<128x128xf32, #tpu.memory_space<vmem>>, vector<1x16xf32>,
          %swap3A_89 = vector.shape_cast %swap3A_88 : vector<1x16xf32> to vector<16xf32>
          %swap3A_90 = vector.shape_cast %add3A_86 : vector<16xf32> to vector<1x16xf32>
          tpu.vector_store %arg7[%swap3A, %swap3A_87], %swap3A_90 {strides = array<i32>} : memref<128x128xf32, #tpu.memory_space<vmem>>, vector<1x16xf32>,
          %get3A_91 = arith.index_cast %scan3A_78 : i32 to index
          %get3A_92 = arith.constant 16 : index
          %get3A_93 = tpu.vector_load %arg7[%get3A_91, %get3A_92] {strides = array<i32>} : memref<128x128xf32, #tpu.memory_space<vmem>>, vector<1x16xf32>,
          %get3A_94 = vector.shape_cast %get3A_93 : vector<1x16xf32> to vector<16xf32>
          %get3A_95 = arith.index_cast %scan3A_78 : i32 to index
          %get3A_96 = arith.constant 16 : index
          %get3A_97 = tpu.vector_load %arg6[%get3A_95, %get3A_96] {strides = array<i32>} : memref<128x128xf32, #tpu.memory_space<vmem>>, vector<1x16xf32>,
          %get3A_98 = vector.shape_cast %get3A_97 : vector<1x16xf32> to vector<16xf32>
          %add3A_99 = arith.addf %get3A_94, %get3A_98 : vector<16xf32>
          %swap3A_100 = arith.index_cast %scan3A_78 : i32 to index
          %swap3A_101 = arith.constant 16 : index
          %swap3A_102 = tpu.vector_load %arg7[%swap3A_100, %swap3A_101] {strides = array<i32>} : memref<128x128xf32, #tpu.memory_space<vmem>>, vector<1x16xf32>,
          %swap3A_103 = vector.shape_cast %swap3A_102 : vector<1x16xf32> to vector<16xf32>
          %swap3A_104 = vector.shape_cast %add3A_99 : vector<16xf32> to vector<1x16xf32>
          tpu.vector_store %arg7[%swap3A_100, %swap3A_101], %swap3A_104 {strides = array<i32>} : memref<128x128xf32, #tpu.memory_space<vmem>>, vector<1x16xf32>,
          %get3A_105 = arith.index_cast %scan3A_78 : i32 to index
          %get3A_106 = arith.constant 32 : index
          %get3A_107 = tpu.vector_load %arg7[%get3A_105, %get3A_106] {strides = array<i32>} : memref<128x128xf32, #tpu.memory_space<vmem>>, vector<1x16xf32>,
          %get3A_108 = vector.shape_cast %get3A_107 : vector<1x16xf32> to vector<16xf32>
          %get3A_109 = arith.index_cast %scan3A_78 : i32 to index
          %get3A_110 = arith.constant 32 : index
          %get3A_111 = tpu.vector_load %arg6[%get3A_109, %get3A_110] {strides = array<i32>} : memref<128x128xf32, #tpu.memory_space<vmem>>, vector<1x16xf32>,
          %get3A_112 = vector.shape_cast %get3A_111 : vector<1x16xf32> to vector<16xf32>
          %add3A_113 = arith.addf %get3A_108, %get3A_112 : vector<16xf32>
          %swap3A_114 = arith.index_cast %scan3A_78 : i32 to index
          %swap3A_115 = arith.constant 32 : index
          %swap3A_116 = tpu.vector_load %arg7[%swap3A_114, %swap3A_115] {strides = array<i32>} : memref<128x128xf32, #tpu.memory_space<vmem>>, vector<1x16xf32>,
          %swap3A_117 = vector.shape_cast %swap3A_116 : vector<1x16xf32> to vector<16xf32>
          %swap3A_118 = vector.shape_cast %add3A_113 : vector<16xf32> to vector<1x16xf32>
          tpu.vector_store %arg7[%swap3A_114, %swap3A_115], %swap3A_118 {strides = array<i32>} : memref<128x128xf32, #tpu.memory_space<vmem>>, vector<1x16xf32>,
          %get3A_119 = arith.index_cast %scan3A_78 : i32 to index
          %get3A_120 = arith.constant 48 : index
          %get3A_121 = tpu.vector_load %arg7[%get3A_119, %get3A_120] {strides = array<i32>} : memref<128x128xf32, #tpu.memory_space<vmem>>, vector<1x16xf32>,
          %get3A_122 = vector.shape_cast %get3A_121 : vector<1x16xf32> to vector<16xf32>
          %get3A_123 = arith.index_cast %scan3A_78 : i32 to index
          %get3A_124 = arith.constant 48 : index
          %get3A_125 = tpu.vector_load %arg6[%get3A_123, %get3A_124] {strides = array<i32>} : memref<128x128xf32, #tpu.memory_space<vmem>>, vector<1x16xf32>,
          %get3A_126 = vector.shape_cast %get3A_125 : vector<1x16xf32> to vector<16xf32>
          %add3A_127 = arith.addf %get3A_122, %get3A_126 : vector<16xf32>
          %swap3A_128 = arith.index_cast %scan3A_78 : i32 to index
          %swap3A_129 = arith.constant 48 : index
          %swap3A_130 = tpu.vector_load %arg7[%swap3A_128, %swap3A_129] {strides = array<i32>} : memref<128x128xf32, #tpu.memory_space<vmem>>, vector<1x16xf32>,
          %swap3A_131 = vector.shape_cast %swap3A_130 : vector<1x16xf32> to vector<16xf32>
          %swap3A_132 = vector.shape_cast %add3A_127 : vector<16xf32> to vector<1x16xf32>
          tpu.vector_store %arg7[%swap3A_128, %swap3A_129], %swap3A_132 {strides = array<i32>} : memref<128x128xf32, #tpu.memory_space<vmem>>, vector<1x16xf32>,
          %get3A_133 = arith.index_cast %scan3A_78 : i32 to index
          %get3A_134 = arith.constant 64 : index
          %get3A_135 = tpu.vector_load %arg7[%get3A_133, %get3A_134] {strides = array<i32>} : memref<128x128xf32, #tpu.memory_space<vmem>>, vector<1x16xf32>,
          %get3A_136 = vector.shape_cast %get3A_135 : vector<1x16xf32> to vector<16xf32>
          %get3A_137 = arith.index_cast %scan3A_78 : i32 to index
          %get3A_138 = arith.constant 64 : index
          %get3A_139 = tpu.vector_load %arg6[%get3A_137, %get3A_138] {strides = array<i32>} : memref<128x128xf32, #tpu.memory_space<vmem>>, vector<1x16xf32>,
          %get3A_140 = vector.shape_cast %get3A_139 : vector<1x16xf32> to vector<16xf32>
          %add3A_141 = arith.addf %get3A_136, %get3A_140 : vector<16xf32>
          %swap3A_142 = arith.index_cast %scan3A_78 : i32 to index
          %swap3A_143 = arith.constant 64 : index
          %swap3A_144 = tpu.vector_load %arg7[%swap3A_142, %swap3A_143] {strides = array<i32>} : memref<128x128xf32, #tpu.memory_space<vmem>>, vector<1x16xf32>,
          %swap3A_145 = vector.shape_cast %swap3A_144 : vector<1x16xf32> to vector<16xf32>
          %swap3A_146 = vector.shape_cast %add3A_141 : vector<16xf32> to vector<1x16xf32>
          tpu.vector_store %arg7[%swap3A_142, %swap3A_143], %swap3A_146 {strides = array<i32>} : memref<128x128xf32, #tpu.memory_space<vmem>>, vector<1x16xf32>,
          %get3A_147 = arith.index_cast %scan3A_78 : i32 to index
          %get3A_148 = arith.constant 80 : index
          %get3A_149 = tpu.vector_load %arg7[%get3A_147, %get3A_148] {strides = array<i32>} : memref<128x128xf32, #tpu.memory_space<vmem>>, vector<1x16xf32>,
          %get3A_150 = vector.shape_cast %get3A_149 : vector<1x16xf32> to vector<16xf32>
          %get3A_151 = arith.index_cast %scan3A_78 : i32 to index
          %get3A_152 = arith.constant 80 : index
          %get3A_153 = tpu.vector_load %arg6[%get3A_151, %get3A_152] {strides = array<i32>} : memref<128x128xf32, #tpu.memory_space<vmem>>, vector<1x16xf32>,
          %get3A_154 = vector.shape_cast %get3A_153 : vector<1x16xf32> to vector<16xf32>
          %add3A_155 = arith.addf %get3A_150, %get3A_154 : vector<16xf32>
          %swap3A_156 = arith.index_cast %scan3A_78 : i32 to index
          %swap3A_157 = arith.constant 80 : index
          %swap3A_158 = tpu.vector_load %arg7[%swap3A_156, %swap3A_157] {strides = array<i32>} : memref<128x128xf32, #tpu.memory_space<vmem>>, vector<1x16xf32>,
          %swap3A_159 = vector.shape_cast %swap3A_158 : vector<1x16xf32> to vector<16xf32>
          %swap3A_160 = vector.shape_cast %add3A_155 : vector<16xf32> to vector<1x16xf32>
          tpu.vector_store %arg7[%swap3A_156, %swap3A_157], %swap3A_160 {strides = array<i32>} : memref<128x128xf32, #tpu.memory_space<vmem>>, vector<1x16xf32>,
          %get3A_161 = arith.index_cast %scan3A_78 : i32 to index
          %get3A_162 = arith.constant 96 : index
          %get3A_163 = tpu.vector_load %arg7[%get3A_161, %get3A_162] {strides = array<i32>} : memref<128x128xf32, #tpu.memory_space<vmem>>, vector<1x16xf32>,
          %get3A_164 = vector.shape_cast %get3A_163 : vector<1x16xf32> to vector<16xf32>
          %get3A_165 = arith.index_cast %scan3A_78 : i32 to index
          %get3A_166 = arith.constant 96 : index
          %get3A_167 = tpu.vector_load %arg6[%get3A_165, %get3A_166] {strides = array<i32>} : memref<128x128xf32, #tpu.memory_space<vmem>>, vector<1x16xf32>,
          %get3A_168 = vector.shape_cast %get3A_167 : vector<1x16xf32> to vector<16xf32>
          %add3A_169 = arith.addf %get3A_164, %get3A_168 : vector<16xf32>
          %swap3A_170 = arith.index_cast %scan3A_78 : i32 to index
          %swap3A_171 = arith.constant 96 : index
          %swap3A_172 = tpu.vector_load %arg7[%swap3A_170, %swap3A_171] {strides = array<i32>} : memref<128x128xf32, #tpu.memory_space<vmem>>, vector<1x16xf32>,
          %swap3A_173 = vector.shape_cast %swap3A_172 : vector<1x16xf32> to vector<16xf32>
          %swap3A_174 = vector.shape_cast %add3A_169 : vector<16xf32> to vector<1x16xf32>
          tpu.vector_store %arg7[%swap3A_170, %swap3A_171], %swap3A_174 {strides = array<i32>} : memref<128x128xf32, #tpu.memory_space<vmem>>, vector<1x16xf32>,
          %get3A_175 = arith.index_cast %scan3A_78 : i32 to index
          %get3A_176 = arith.constant 112 : index
          %get3A_177 = tpu.vector_load %arg7[%get3A_175, %get3A_176] {strides = array<i32>} : memref<128x128xf32, #tpu.memory_space<vmem>>, vector<1x16xf32>,
          %get3A_178 = vector.shape_cast %get3A_177 : vector<1x16xf32> to vector<16xf32>
          %get3A_179 = arith.index_cast %scan3A_78 : i32 to index
          %get3A_180 = arith.constant 112 : index
          %get3A_181 = tpu.vector_load %arg6[%get3A_179, %get3A_180] {strides = array<i32>} : memref<128x128xf32, #tpu.memory_space<vmem>>, vector<1x16xf32>,
          %get3A_182 = vector.shape_cast %get3A_181 : vector<1x16xf32> to vector<16xf32>
          %add3A_183 = arith.addf %get3A_178, %get3A_182 : vector<16xf32>
          %swap3A_184 = arith.index_cast %scan3A_78 : i32 to index
          %swap3A_185 = arith.constant 112 : index
          %swap3A_186 = tpu.vector_load %arg7[%swap3A_184, %swap3A_185] {strides = array<i32>} : memref<128x128xf32, #tpu.memory_space<vmem>>, vector<1x16xf32>,
          %swap3A_187 = vector.shape_cast %swap3A_186 : vector<1x16xf32> to vector<16xf32>
          %swap3A_188 = vector.shape_cast %add3A_183 : vector<16xf32> to vector<1x16xf32>
          tpu.vector_store %arg7[%swap3A_184, %swap3A_185], %swap3A_188 {strides = array<i32>} : memref<128x128xf32, #tpu.memory_space<vmem>>, vector<1x16xf32>,
        }
        %scan3A_29 = arith.constant 128 : i32
        %add3A_30 = arith.constant 30336 : i32
        %add3A_31 = arith.addi %add3A_30, %mul3A_13 : i32
        "tpu.region"() ({
          %run_scoped3A = tpu.sem_alloc : memref<!tpu.dma_semaphore, #tpu.memory_space<semaphore_mem>>
          %dma_start3A = tpu.memref_slice %arg2[%add3A_31] : memref<91008xi32, #tpu.memory_space<hbm>> -> memref<128xi32, #tpu.memory_space<hbm>>
          %dma_start3A_78 = tpu.memref_slice %arg2[%add3A_31] : memref<91008xi32, #tpu.memory_space<hbm>> -> memref<128xi32, #tpu.memory_space<hbm>>
          tpu.enqueue_dma source(%dma_start3A_78 : memref<128xi32, #tpu.memory_space<hbm>>) target(%arg5 : memref<128xi32, #tpu.memory_space<vmem>>) target_semaphore(%run_scoped3A : memref<!tpu.dma_semaphore, #tpu.memory_space<semaphore_mem>>)
          %dma_wait3A = tpu.memref_slice %arg2[%add3A_31] : memref<91008xi32, #tpu.memory_space<hbm>> -> memref<128xi32, #tpu.memory_space<hbm>>
          %dma_wait3A_79 = tpu.memref_slice %arg2[%add3A_31] : memref<91008xi32, #tpu.memory_space<hbm>> -> memref<128xi32, #tpu.memory_space<hbm>>
          tpu.wait_dma2 semaphore(%run_scoped3A : memref<!tpu.dma_semaphore, #tpu.memory_space<semaphore_mem>>) src(%dma_wait3A_79 : memref<128xi32, #tpu.memory_space<hbm>>) dst(%arg5 : memref<128xi32, #tpu.memory_space<vmem>>)
          tpu.yield
        }) : () -> ()
        "tpu.region"() ({
          %run_scoped3A = tpu.sem_alloc : memref<!tpu.dma_semaphore, #tpu.memory_space<semaphore_mem>>
          %dma_start3A = arith.constant 0 : i32
          %dma_start3A_78 = arith.constant 0 : i32
          %dma_start3A_79 = tpu.memref_slice %arg3[%dma_start3A, %dma_start3A_78] : memref<1116x128xf32, #tpu.memory_space<hbm>> -> memref<1116x128xf32, #tpu.memory_space<hbm>>
          tpu.enqueue_indirect_dma source(%dma_start3A_79 : memref<1116x128xf32, #tpu.memory_space<hbm>>) target(%arg6 : memref<128x128xf32, #tpu.memory_space<vmem>>) offsets(%arg5 : memref<128xi32, #tpu.memory_space<vmem>>) semaphore(%run_scoped3A : memref<!tpu.dma_semaphore, #tpu.memory_space<semaphore_mem>>)
          %dma_wait3A = arith.constant 0 : i32
          %dma_wait3A_80 = arith.constant 0 : i32
          %dma_wait3A_81 = tpu.memref_slice %arg3[%dma_wait3A, %dma_wait3A_80] : memref<1116x128xf32, #tpu.memory_space<hbm>> -> memref<1116x128xf32, #tpu.memory_space<hbm>>
          tpu.wait_indirect_dma semaphore(%run_scoped3A : memref<!tpu.dma_semaphore, #tpu.memory_space<semaphore_mem>>) src(%dma_wait3A_81 : memref<1116x128xf32, #tpu.memory_space<hbm>>) dst(%arg6 : memref<128x128xf32, #tpu.memory_space<vmem>>)
          tpu.yield
        }) : () -> ()
        %scan3A_32 = arith.constant 0 : i32
        %scan3A_33 = arith.constant 0 : i32
        %scan3A_34 = arith.constant 128 : i32
        %scan3A_35 = arith.addi %scan3A_33, %scan3A_34 : i32
        %scan3A_36 = arith.constant 1 : i32
        scf.for %scan3A_78 = %scan3A_33 to %scan3A_35 step %scan3A_36  : i32 {
          %get3A = arith.index_cast %scan3A_78 : i32 to index
          %get3A_79 = arith.constant 0 : index
          %get3A_80 = tpu.vector_load %arg7[%get3A, %get3A_79] {strides = array<i32>} : memref<128x128xf32, #tpu.memory_space<vmem>>, vector<1x16xf32>,
          %get3A_81 = vector.shape_cast %get3A_80 : vector<1x16xf32> to vector<16xf32>
          %get3A_82 = arith.index_cast %scan3A_78 : i32 to index
          %get3A_83 = arith.constant 0 : index
          %get3A_84 = tpu.vector_load %arg6[%get3A_82, %get3A_83] {strides = array<i32>} : memref<128x128xf32, #tpu.memory_space<vmem>>, vector<1x16xf32>,
          %get3A_85 = vector.shape_cast %get3A_84 : vector<1x16xf32> to vector<16xf32>
          %add3A_86 = arith.addf %get3A_81, %get3A_85 : vector<16xf32>
          %swap3A = arith.index_cast %scan3A_78 : i32 to index
          %swap3A_87 = arith.constant 0 : index
          %swap3A_88 = tpu.vector_load %arg7[%swap3A, %swap3A_87] {strides = array<i32>} : memref<128x128xf32, #tpu.memory_space<vmem>>, vector<1x16xf32>,
          %swap3A_89 = vector.shape_cast %swap3A_88 : vector<1x16xf32> to vector<16xf32>
          %swap3A_90 = vector.shape_cast %add3A_86 : vector<16xf32> to vector<1x16xf32>
          tpu.vector_store %arg7[%swap3A, %swap3A_87], %swap3A_90 {strides = array<i32>} : memref<128x128xf32, #tpu.memory_space<vmem>>, vector<1x16xf32>,
          %get3A_91 = arith.index_cast %scan3A_78 : i32 to index
          %get3A_92 = arith.constant 16 : index
          %get3A_93 = tpu.vector_load %arg7[%get3A_91, %get3A_92] {strides = array<i32>} : memref<128x128xf32, #tpu.memory_space<vmem>>, vector<1x16xf32>,
          %get3A_94 = vector.shape_cast %get3A_93 : vector<1x16xf32> to vector<16xf32>
          %get3A_95 = arith.index_cast %scan3A_78 : i32 to index
          %get3A_96 = arith.constant 16 : index
          %get3A_97 = tpu.vector_load %arg6[%get3A_95, %get3A_96] {strides = array<i32>} : memref<128x128xf32, #tpu.memory_space<vmem>>, vector<1x16xf32>,
          %get3A_98 = vector.shape_cast %get3A_97 : vector<1x16xf32> to vector<16xf32>
          %add3A_99 = arith.addf %get3A_94, %get3A_98 : vector<16xf32>
          %swap3A_100 = arith.index_cast %scan3A_78 : i32 to index
          %swap3A_101 = arith.constant 16 : index
          %swap3A_102 = tpu.vector_load %arg7[%swap3A_100, %swap3A_101] {strides = array<i32>} : memref<128x128xf32, #tpu.memory_space<vmem>>, vector<1x16xf32>,
          %swap3A_103 = vector.shape_cast %swap3A_102 : vector<1x16xf32> to vector<16xf32>
          %swap3A_104 = vector.shape_cast %add3A_99 : vector<16xf32> to vector<1x16xf32>
          tpu.vector_store %arg7[%swap3A_100, %swap3A_101], %swap3A_104 {strides = array<i32>} : memref<128x128xf32, #tpu.memory_space<vmem>>, vector<1x16xf32>,
          %get3A_105 = arith.index_cast %scan3A_78 : i32 to index
          %get3A_106 = arith.constant 32 : index
          %get3A_107 = tpu.vector_load %arg7[%get3A_105, %get3A_106] {strides = array<i32>} : memref<128x128xf32, #tpu.memory_space<vmem>>, vector<1x16xf32>,
          %get3A_108 = vector.shape_cast %get3A_107 : vector<1x16xf32> to vector<16xf32>
          %get3A_109 = arith.index_cast %scan3A_78 : i32 to index
          %get3A_110 = arith.constant 32 : index
          %get3A_111 = tpu.vector_load %arg6[%get3A_109, %get3A_110] {strides = array<i32>} : memref<128x128xf32, #tpu.memory_space<vmem>>, vector<1x16xf32>,
          %get3A_112 = vector.shape_cast %get3A_111 : vector<1x16xf32> to vector<16xf32>
          %add3A_113 = arith.addf %get3A_108, %get3A_112 : vector<16xf32>
          %swap3A_114 = arith.index_cast %scan3A_78 : i32 to index
          %swap3A_115 = arith.constant 32 : index
          %swap3A_116 = tpu.vector_load %arg7[%swap3A_114, %swap3A_115] {strides = array<i32>} : memref<128x128xf32, #tpu.memory_space<vmem>>, vector<1x16xf32>,
          %swap3A_117 = vector.shape_cast %swap3A_116 : vector<1x16xf32> to vector<16xf32>
          %swap3A_118 = vector.shape_cast %add3A_113 : vector<16xf32> to vector<1x16xf32>
          tpu.vector_store %arg7[%swap3A_114, %swap3A_115], %swap3A_118 {strides = array<i32>} : memref<128x128xf32, #tpu.memory_space<vmem>>, vector<1x16xf32>,
          %get3A_119 = arith.index_cast %scan3A_78 : i32 to index
          %get3A_120 = arith.constant 48 : index
          %get3A_121 = tpu.vector_load %arg7[%get3A_119, %get3A_120] {strides = array<i32>} : memref<128x128xf32, #tpu.memory_space<vmem>>, vector<1x16xf32>,
          %get3A_122 = vector.shape_cast %get3A_121 : vector<1x16xf32> to vector<16xf32>
          %get3A_123 = arith.index_cast %scan3A_78 : i32 to index
          %get3A_124 = arith.constant 48 : index
          %get3A_125 = tpu.vector_load %arg6[%get3A_123, %get3A_124] {strides = array<i32>} : memref<128x128xf32, #tpu.memory_space<vmem>>, vector<1x16xf32>,
          %get3A_126 = vector.shape_cast %get3A_125 : vector<1x16xf32> to vector<16xf32>
          %add3A_127 = arith.addf %get3A_122, %get3A_126 : vector<16xf32>
          %swap3A_128 = arith.index_cast %scan3A_78 : i32 to index
          %swap3A_129 = arith.constant 48 : index
          %swap3A_130 = tpu.vector_load %arg7[%swap3A_128, %swap3A_129] {strides = array<i32>} : memref<128x128xf32, #tpu.memory_space<vmem>>, vector<1x16xf32>,
          %swap3A_131 = vector.shape_cast %swap3A_130 : vector<1x16xf32> to vector<16xf32>
          %swap3A_132 = vector.shape_cast %add3A_127 : vector<16xf32> to vector<1x16xf32>
          tpu.vector_store %arg7[%swap3A_128, %swap3A_129], %swap3A_132 {strides = array<i32>} : memref<128x128xf32, #tpu.memory_space<vmem>>, vector<1x16xf32>,
          %get3A_133 = arith.index_cast %scan3A_78 : i32 to index
          %get3A_134 = arith.constant 64 : index
          %get3A_135 = tpu.vector_load %arg7[%get3A_133, %get3A_134] {strides = array<i32>} : memref<128x128xf32, #tpu.memory_space<vmem>>, vector<1x16xf32>,
          %get3A_136 = vector.shape_cast %get3A_135 : vector<1x16xf32> to vector<16xf32>
          %get3A_137 = arith.index_cast %scan3A_78 : i32 to index
          %get3A_138 = arith.constant 64 : index
          %get3A_139 = tpu.vector_load %arg6[%get3A_137, %get3A_138] {strides = array<i32>} : memref<128x128xf32, #tpu.memory_space<vmem>>, vector<1x16xf32>,
          %get3A_140 = vector.shape_cast %get3A_139 : vector<1x16xf32> to vector<16xf32>
          %add3A_141 = arith.addf %get3A_136, %get3A_140 : vector<16xf32>
          %swap3A_142 = arith.index_cast %scan3A_78 : i32 to index
          %swap3A_143 = arith.constant 64 : index
          %swap3A_144 = tpu.vector_load %arg7[%swap3A_142, %swap3A_143] {strides = array<i32>} : memref<128x128xf32, #tpu.memory_space<vmem>>, vector<1x16xf32>,
          %swap3A_145 = vector.shape_cast %swap3A_144 : vector<1x16xf32> to vector<16xf32>
          %swap3A_146 = vector.shape_cast %add3A_141 : vector<16xf32> to vector<1x16xf32>
          tpu.vector_store %arg7[%swap3A_142, %swap3A_143], %swap3A_146 {strides = array<i32>} : memref<128x128xf32, #tpu.memory_space<vmem>>, vector<1x16xf32>,
          %get3A_147 = arith.index_cast %scan3A_78 : i32 to index
          %get3A_148 = arith.constant 80 : index
          %get3A_149 = tpu.vector_load %arg7[%get3A_147, %get3A_148] {strides = array<i32>} : memref<128x128xf32, #tpu.memory_space<vmem>>, vector<1x16xf32>,
          %get3A_150 = vector.shape_cast %get3A_149 : vector<1x16xf32> to vector<16xf32>
          %get3A_151 = arith.index_cast %scan3A_78 : i32 to index
          %get3A_152 = arith.constant 80 : index
          %get3A_153 = tpu.vector_load %arg6[%get3A_151, %get3A_152] {strides = array<i32>} : memref<128x128xf32, #tpu.memory_space<vmem>>, vector<1x16xf32>,
          %get3A_154 = vector.shape_cast %get3A_153 : vector<1x16xf32> to vector<16xf32>
          %add3A_155 = arith.addf %get3A_150, %get3A_154 : vector<16xf32>
          %swap3A_156 = arith.index_cast %scan3A_78 : i32 to index
          %swap3A_157 = arith.constant 80 : index
          %swap3A_158 = tpu.vector_load %arg7[%swap3A_156, %swap3A_157] {strides = array<i32>} : memref<128x128xf32, #tpu.memory_space<vmem>>, vector<1x16xf32>,
          %swap3A_159 = vector.shape_cast %swap3A_158 : vector<1x16xf32> to vector<16xf32>
          %swap3A_160 = vector.shape_cast %add3A_155 : vector<16xf32> to vector<1x16xf32>
          tpu.vector_store %arg7[%swap3A_156, %swap3A_157], %swap3A_160 {strides = array<i32>} : memref<128x128xf32, #tpu.memory_space<vmem>>, vector<1x16xf32>,
          %get3A_161 = arith.index_cast %scan3A_78 : i32 to index
          %get3A_162 = arith.constant 96 : index
          %get3A_163 = tpu.vector_load %arg7[%get3A_161, %get3A_162] {strides = array<i32>} : memref<128x128xf32, #tpu.memory_space<vmem>>, vector<1x16xf32>,
          %get3A_164 = vector.shape_cast %get3A_163 : vector<1x16xf32> to vector<16xf32>
          %get3A_165 = arith.index_cast %scan3A_78 : i32 to index
          %get3A_166 = arith.constant 96 : index
          %get3A_167 = tpu.vector_load %arg6[%get3A_165, %get3A_166] {strides = array<i32>} : memref<128x128xf32, #tpu.memory_space<vmem>>, vector<1x16xf32>,
          %get3A_168 = vector.shape_cast %get3A_167 : vector<1x16xf32> to vector<16xf32>
          %add3A_169 = arith.addf %get3A_164, %get3A_168 : vector<16xf32>
          %swap3A_170 = arith.index_cast %scan3A_78 : i32 to index
          %swap3A_171 = arith.constant 96 : index
          %swap3A_172 = tpu.vector_load %arg7[%swap3A_170, %swap3A_171] {strides = array<i32>} : memref<128x128xf32, #tpu.memory_space<vmem>>, vector<1x16xf32>,
          %swap3A_173 = vector.shape_cast %swap3A_172 : vector<1x16xf32> to vector<16xf32>
          %swap3A_174 = vector.shape_cast %add3A_169 : vector<16xf32> to vector<1x16xf32>
          tpu.vector_store %arg7[%swap3A_170, %swap3A_171], %swap3A_174 {strides = array<i32>} : memref<128x128xf32, #tpu.memory_space<vmem>>, vector<1x16xf32>,
          %get3A_175 = arith.index_cast %scan3A_78 : i32 to index
          %get3A_176 = arith.constant 112 : index
          %get3A_177 = tpu.vector_load %arg7[%get3A_175, %get3A_176] {strides = array<i32>} : memref<128x128xf32, #tpu.memory_space<vmem>>, vector<1x16xf32>,
          %get3A_178 = vector.shape_cast %get3A_177 : vector<1x16xf32> to vector<16xf32>
          %get3A_179 = arith.index_cast %scan3A_78 : i32 to index
          %get3A_180 = arith.constant 112 : index
          %get3A_181 = tpu.vector_load %arg6[%get3A_179, %get3A_180] {strides = array<i32>} : memref<128x128xf32, #tpu.memory_space<vmem>>, vector<1x16xf32>,
          %get3A_182 = vector.shape_cast %get3A_181 : vector<1x16xf32> to vector<16xf32>
          %add3A_183 = arith.addf %get3A_178, %get3A_182 : vector<16xf32>
          %swap3A_184 = arith.index_cast %scan3A_78 : i32 to index
          %swap3A_185 = arith.constant 112 : index
          %swap3A_186 = tpu.vector_load %arg7[%swap3A_184, %swap3A_185] {strides = array<i32>} : memref<128x128xf32, #tpu.memory_space<vmem>>, vector<1x16xf32>,
          %swap3A_187 = vector.shape_cast %swap3A_186 : vector<1x16xf32> to vector<16xf32>
          %swap3A_188 = vector.shape_cast %add3A_183 : vector<16xf32> to vector<1x16xf32>
          tpu.vector_store %arg7[%swap3A_184, %swap3A_185], %swap3A_188 {strides = array<i32>} : memref<128x128xf32, #tpu.memory_space<vmem>>, vector<1x16xf32>,
        }
        %scan3A_37 = arith.constant 128 : i32
        %add3A_38 = arith.constant 40448 : i32
        %add3A_39 = arith.addi %add3A_38, %mul3A_13 : i32
        "tpu.region"() ({
          %run_scoped3A = tpu.sem_alloc : memref<!tpu.dma_semaphore, #tpu.memory_space<semaphore_mem>>
          %dma_start3A = tpu.memref_slice %arg2[%add3A_39] : memref<91008xi32, #tpu.memory_space<hbm>> -> memref<128xi32, #tpu.memory_space<hbm>>
          %dma_start3A_78 = tpu.memref_slice %arg2[%add3A_39] : memref<91008xi32, #tpu.memory_space<hbm>> -> memref<128xi32, #tpu.memory_space<hbm>>
          tpu.enqueue_dma source(%dma_start3A_78 : memref<128xi32, #tpu.memory_space<hbm>>) target(%arg5 : memref<128xi32, #tpu.memory_space<vmem>>) target_semaphore(%run_scoped3A : memref<!tpu.dma_semaphore, #tpu.memory_space<semaphore_mem>>)
          %dma_wait3A = tpu.memref_slice %arg2[%add3A_39] : memref<91008xi32, #tpu.memory_space<hbm>> -> memref<128xi32, #tpu.memory_space<hbm>>
          %dma_wait3A_79 = tpu.memref_slice %arg2[%add3A_39] : memref<91008xi32, #tpu.memory_space<hbm>> -> memref<128xi32, #tpu.memory_space<hbm>>
          tpu.wait_dma2 semaphore(%run_scoped3A : memref<!tpu.dma_semaphore, #tpu.memory_space<semaphore_mem>>) src(%dma_wait3A_79 : memref<128xi32, #tpu.memory_space<hbm>>) dst(%arg5 : memref<128xi32, #tpu.memory_space<vmem>>)
          tpu.yield
        }) : () -> ()
        "tpu.region"() ({
          %run_scoped3A = tpu.sem_alloc : memref<!tpu.dma_semaphore, #tpu.memory_space<semaphore_mem>>
          %dma_start3A = arith.constant 0 : i32
          %dma_start3A_78 = arith.constant 0 : i32
          %dma_start3A_79 = tpu.memref_slice %arg3[%dma_start3A, %dma_start3A_78] : memref<1116x128xf32, #tpu.memory_space<hbm>> -> memref<1116x128xf32, #tpu.memory_space<hbm>>
          tpu.enqueue_indirect_dma source(%dma_start3A_79 : memref<1116x128xf32, #tpu.memory_space<hbm>>) target(%arg6 : memref<128x128xf32, #tpu.memory_space<vmem>>) offsets(%arg5 : memref<128xi32, #tpu.memory_space<vmem>>) semaphore(%run_scoped3A : memref<!tpu.dma_semaphore, #tpu.memory_space<semaphore_mem>>)
          %dma_wait3A = arith.constant 0 : i32
          %dma_wait3A_80 = arith.constant 0 : i32
          %dma_wait3A_81 = tpu.memref_slice %arg3[%dma_wait3A, %dma_wait3A_80] : memref<1116x128xf32, #tpu.memory_space<hbm>> -> memref<1116x128xf32, #tpu.memory_space<hbm>>
          tpu.wait_indirect_dma semaphore(%run_scoped3A : memref<!tpu.dma_semaphore, #tpu.memory_space<semaphore_mem>>) src(%dma_wait3A_81 : memref<1116x128xf32, #tpu.memory_space<hbm>>) dst(%arg6 : memref<128x128xf32, #tpu.memory_space<vmem>>)
          tpu.yield
        }) : () -> ()
        %scan3A_40 = arith.constant 0 : i32
        %scan3A_41 = arith.constant 0 : i32
        %scan3A_42 = arith.constant 128 : i32
        %scan3A_43 = arith.addi %scan3A_41, %scan3A_42 : i32
        %scan3A_44 = arith.constant 1 : i32
        scf.for %scan3A_78 = %scan3A_41 to %scan3A_43 step %scan3A_44  : i32 {
          %get3A = arith.index_cast %scan3A_78 : i32 to index
          %get3A_79 = arith.constant 0 : index
          %get3A_80 = tpu.vector_load %arg7[%get3A, %get3A_79] {strides = array<i32>} : memref<128x128xf32, #tpu.memory_space<vmem>>, vector<1x16xf32>,
          %get3A_81 = vector.shape_cast %get3A_80 : vector<1x16xf32> to vector<16xf32>
          %get3A_82 = arith.index_cast %scan3A_78 : i32 to index
          %get3A_83 = arith.constant 0 : index
          %get3A_84 = tpu.vector_load %arg6[%get3A_82, %get3A_83] {strides = array<i32>} : memref<128x128xf32, #tpu.memory_space<vmem>>, vector<1x16xf32>,
          %get3A_85 = vector.shape_cast %get3A_84 : vector<1x16xf32> to vector<16xf32>
          %add3A_86 = arith.addf %get3A_81, %get3A_85 : vector<16xf32>
          %swap3A = arith.index_cast %scan3A_78 : i32 to index
          %swap3A_87 = arith.constant 0 : index
          %swap3A_88 = tpu.vector_load %arg7[%swap3A, %swap3A_87] {strides = array<i32>} : memref<128x128xf32, #tpu.memory_space<vmem>>, vector<1x16xf32>,
          %swap3A_89 = vector.shape_cast %swap3A_88 : vector<1x16xf32> to vector<16xf32>
          %swap3A_90 = vector.shape_cast %add3A_86 : vector<16xf32> to vector<1x16xf32>
          tpu.vector_store %arg7[%swap3A, %swap3A_87], %swap3A_90 {strides = array<i32>} : memref<128x128xf32, #tpu.memory_space<vmem>>, vector<1x16xf32>,
          %get3A_91 = arith.index_cast %scan3A_78 : i32 to index
          %get3A_92 = arith.constant 16 : index
          %get3A_93 = tpu.vector_load %arg7[%get3A_91, %get3A_92] {strides = array<i32>} : memref<128x128xf32, #tpu.memory_space<vmem>>, vector<1x16xf32>,
          %get3A_94 = vector.shape_cast %get3A_93 : vector<1x16xf32> to vector<16xf32>
          %get3A_95 = arith.index_cast %scan3A_78 : i32 to index
          %get3A_96 = arith.constant 16 : index
          %get3A_97 = tpu.vector_load %arg6[%get3A_95, %get3A_96] {strides = array<i32>} : memref<128x128xf32, #tpu.memory_space<vmem>>, vector<1x16xf32>,
          %get3A_98 = vector.shape_cast %get3A_97 : vector<1x16xf32> to vector<16xf32>
          %add3A_99 = arith.addf %get3A_94, %get3A_98 : vector<16xf32>
          %swap3A_100 = arith.index_cast %scan3A_78 : i32 to index
          %swap3A_101 = arith.constant 16 : index
          %swap3A_102 = tpu.vector_load %arg7[%swap3A_100, %swap3A_101] {strides = array<i32>} : memref<128x128xf32, #tpu.memory_space<vmem>>, vector<1x16xf32>,
          %swap3A_103 = vector.shape_cast %swap3A_102 : vector<1x16xf32> to vector<16xf32>
          %swap3A_104 = vector.shape_cast %add3A_99 : vector<16xf32> to vector<1x16xf32>
          tpu.vector_store %arg7[%swap3A_100, %swap3A_101], %swap3A_104 {strides = array<i32>} : memref<128x128xf32, #tpu.memory_space<vmem>>, vector<1x16xf32>,
          %get3A_105 = arith.index_cast %scan3A_78 : i32 to index
          %get3A_106 = arith.constant 32 : index
          %get3A_107 = tpu.vector_load %arg7[%get3A_105, %get3A_106] {strides = array<i32>} : memref<128x128xf32, #tpu.memory_space<vmem>>, vector<1x16xf32>,
          %get3A_108 = vector.shape_cast %get3A_107 : vector<1x16xf32> to vector<16xf32>
          %get3A_109 = arith.index_cast %scan3A_78 : i32 to index
          %get3A_110 = arith.constant 32 : index
          %get3A_111 = tpu.vector_load %arg6[%get3A_109, %get3A_110] {strides = array<i32>} : memref<128x128xf32, #tpu.memory_space<vmem>>, vector<1x16xf32>,
          %get3A_112 = vector.shape_cast %get3A_111 : vector<1x16xf32> to vector<16xf32>
          %add3A_113 = arith.addf %get3A_108, %get3A_112 : vector<16xf32>
          %swap3A_114 = arith.index_cast %scan3A_78 : i32 to index
          %swap3A_115 = arith.constant 32 : index
          %swap3A_116 = tpu.vector_load %arg7[%swap3A_114, %swap3A_115] {strides = array<i32>} : memref<128x128xf32, #tpu.memory_space<vmem>>, vector<1x16xf32>,
          %swap3A_117 = vector.shape_cast %swap3A_116 : vector<1x16xf32> to vector<16xf32>
          %swap3A_118 = vector.shape_cast %add3A_113 : vector<16xf32> to vector<1x16xf32>
          tpu.vector_store %arg7[%swap3A_114, %swap3A_115], %swap3A_118 {strides = array<i32>} : memref<128x128xf32, #tpu.memory_space<vmem>>, vector<1x16xf32>,
          %get3A_119 = arith.index_cast %scan3A_78 : i32 to index
          %get3A_120 = arith.constant 48 : index
          %get3A_121 = tpu.vector_load %arg7[%get3A_119, %get3A_120] {strides = array<i32>} : memref<128x128xf32, #tpu.memory_space<vmem>>, vector<1x16xf32>,
          %get3A_122 = vector.shape_cast %get3A_121 : vector<1x16xf32> to vector<16xf32>
          %get3A_123 = arith.index_cast %scan3A_78 : i32 to index
          %get3A_124 = arith.constant 48 : index
          %get3A_125 = tpu.vector_load %arg6[%get3A_123, %get3A_124] {strides = array<i32>} : memref<128x128xf32, #tpu.memory_space<vmem>>, vector<1x16xf32>,
          %get3A_126 = vector.shape_cast %get3A_125 : vector<1x16xf32> to vector<16xf32>
          %add3A_127 = arith.addf %get3A_122, %get3A_126 : vector<16xf32>
          %swap3A_128 = arith.index_cast %scan3A_78 : i32 to index
          %swap3A_129 = arith.constant 48 : index
          %swap3A_130 = tpu.vector_load %arg7[%swap3A_128, %swap3A_129] {strides = array<i32>} : memref<128x128xf32, #tpu.memory_space<vmem>>, vector<1x16xf32>,
          %swap3A_131 = vector.shape_cast %swap3A_130 : vector<1x16xf32> to vector<16xf32>
          %swap3A_132 = vector.shape_cast %add3A_127 : vector<16xf32> to vector<1x16xf32>
          tpu.vector_store %arg7[%swap3A_128, %swap3A_129], %swap3A_132 {strides = array<i32>} : memref<128x128xf32, #tpu.memory_space<vmem>>, vector<1x16xf32>,
          %get3A_133 = arith.index_cast %scan3A_78 : i32 to index
          %get3A_134 = arith.constant 64 : index
          %get3A_135 = tpu.vector_load %arg7[%get3A_133, %get3A_134] {strides = array<i32>} : memref<128x128xf32, #tpu.memory_space<vmem>>, vector<1x16xf32>,
          %get3A_136 = vector.shape_cast %get3A_135 : vector<1x16xf32> to vector<16xf32>
          %get3A_137 = arith.index_cast %scan3A_78 : i32 to index
          %get3A_138 = arith.constant 64 : index
          %get3A_139 = tpu.vector_load %arg6[%get3A_137, %get3A_138] {strides = array<i32>} : memref<128x128xf32, #tpu.memory_space<vmem>>, vector<1x16xf32>,
          %get3A_140 = vector.shape_cast %get3A_139 : vector<1x16xf32> to vector<16xf32>
          %add3A_141 = arith.addf %get3A_136, %get3A_140 : vector<16xf32>
          %swap3A_142 = arith.index_cast %scan3A_78 : i32 to index
          %swap3A_143 = arith.constant 64 : index
          %swap3A_144 = tpu.vector_load %arg7[%swap3A_142, %swap3A_143] {strides = array<i32>} : memref<128x128xf32, #tpu.memory_space<vmem>>, vector<1x16xf32>,
          %swap3A_145 = vector.shape_cast %swap3A_144 : vector<1x16xf32> to vector<16xf32>
          %swap3A_146 = vector.shape_cast %add3A_141 : vector<16xf32> to vector<1x16xf32>
          tpu.vector_store %arg7[%swap3A_142, %swap3A_143], %swap3A_146 {strides = array<i32>} : memref<128x128xf32, #tpu.memory_space<vmem>>, vector<1x16xf32>,
          %get3A_147 = arith.index_cast %scan3A_78 : i32 to index
          %get3A_148 = arith.constant 80 : index
          %get3A_149 = tpu.vector_load %arg7[%get3A_147, %get3A_148] {strides = array<i32>} : memref<128x128xf32, #tpu.memory_space<vmem>>, vector<1x16xf32>,
          %get3A_150 = vector.shape_cast %get3A_149 : vector<1x16xf32> to vector<16xf32>
          %get3A_151 = arith.index_cast %scan3A_78 : i32 to index
          %get3A_152 = arith.constant 80 : index
          %get3A_153 = tpu.vector_load %arg6[%get3A_151, %get3A_152] {strides = array<i32>} : memref<128x128xf32, #tpu.memory_space<vmem>>, vector<1x16xf32>,
          %get3A_154 = vector.shape_cast %get3A_153 : vector<1x16xf32> to vector<16xf32>
          %add3A_155 = arith.addf %get3A_150, %get3A_154 : vector<16xf32>
          %swap3A_156 = arith.index_cast %scan3A_78 : i32 to index
          %swap3A_157 = arith.constant 80 : index
          %swap3A_158 = tpu.vector_load %arg7[%swap3A_156, %swap3A_157] {strides = array<i32>} : memref<128x128xf32, #tpu.memory_space<vmem>>, vector<1x16xf32>,
          %swap3A_159 = vector.shape_cast %swap3A_158 : vector<1x16xf32> to vector<16xf32>
          %swap3A_160 = vector.shape_cast %add3A_155 : vector<16xf32> to vector<1x16xf32>
          tpu.vector_store %arg7[%swap3A_156, %swap3A_157], %swap3A_160 {strides = array<i32>} : memref<128x128xf32, #tpu.memory_space<vmem>>, vector<1x16xf32>,
          %get3A_161 = arith.index_cast %scan3A_78 : i32 to index
          %get3A_162 = arith.constant 96 : index
          %get3A_163 = tpu.vector_load %arg7[%get3A_161, %get3A_162] {strides = array<i32>} : memref<128x128xf32, #tpu.memory_space<vmem>>, vector<1x16xf32>,
          %get3A_164 = vector.shape_cast %get3A_163 : vector<1x16xf32> to vector<16xf32>
          %get3A_165 = arith.index_cast %scan3A_78 : i32 to index
          %get3A_166 = arith.constant 96 : index
          %get3A_167 = tpu.vector_load %arg6[%get3A_165, %get3A_166] {strides = array<i32>} : memref<128x128xf32, #tpu.memory_space<vmem>>, vector<1x16xf32>,
          %get3A_168 = vector.shape_cast %get3A_167 : vector<1x16xf32> to vector<16xf32>
          %add3A_169 = arith.addf %get3A_164, %get3A_168 : vector<16xf32>
          %swap3A_170 = arith.index_cast %scan3A_78 : i32 to index
          %swap3A_171 = arith.constant 96 : index
          %swap3A_172 = tpu.vector_load %arg7[%swap3A_170, %swap3A_171] {strides = array<i32>} : memref<128x128xf32, #tpu.memory_space<vmem>>, vector<1x16xf32>,
          %swap3A_173 = vector.shape_cast %swap3A_172 : vector<1x16xf32> to vector<16xf32>
          %swap3A_174 = vector.shape_cast %add3A_169 : vector<16xf32> to vector<1x16xf32>
          tpu.vector_store %arg7[%swap3A_170, %swap3A_171], %swap3A_174 {strides = array<i32>} : memref<128x128xf32, #tpu.memory_space<vmem>>, vector<1x16xf32>,
          %get3A_175 = arith.index_cast %scan3A_78 : i32 to index
          %get3A_176 = arith.constant 112 : index
          %get3A_177 = tpu.vector_load %arg7[%get3A_175, %get3A_176] {strides = array<i32>} : memref<128x128xf32, #tpu.memory_space<vmem>>, vector<1x16xf32>,
          %get3A_178 = vector.shape_cast %get3A_177 : vector<1x16xf32> to vector<16xf32>
          %get3A_179 = arith.index_cast %scan3A_78 : i32 to index
          %get3A_180 = arith.constant 112 : index
          %get3A_181 = tpu.vector_load %arg6[%get3A_179, %get3A_180] {strides = array<i32>} : memref<128x128xf32, #tpu.memory_space<vmem>>, vector<1x16xf32>,
          %get3A_182 = vector.shape_cast %get3A_181 : vector<1x16xf32> to vector<16xf32>
          %add3A_183 = arith.addf %get3A_178, %get3A_182 : vector<16xf32>
          %swap3A_184 = arith.index_cast %scan3A_78 : i32 to index
          %swap3A_185 = arith.constant 112 : index
          %swap3A_186 = tpu.vector_load %arg7[%swap3A_184, %swap3A_185] {strides = array<i32>} : memref<128x128xf32, #tpu.memory_space<vmem>>, vector<1x16xf32>,
          %swap3A_187 = vector.shape_cast %swap3A_186 : vector<1x16xf32> to vector<16xf32>
          %swap3A_188 = vector.shape_cast %add3A_183 : vector<16xf32> to vector<1x16xf32>
          tpu.vector_store %arg7[%swap3A_184, %swap3A_185], %swap3A_188 {strides = array<i32>} : memref<128x128xf32, #tpu.memory_space<vmem>>, vector<1x16xf32>,
        }
        %scan3A_45 = arith.constant 128 : i32
        %add3A_46 = arith.constant 50560 : i32
        %add3A_47 = arith.addi %add3A_46, %mul3A_13 : i32
        "tpu.region"() ({
          %run_scoped3A = tpu.sem_alloc : memref<!tpu.dma_semaphore, #tpu.memory_space<semaphore_mem>>
          %dma_start3A = tpu.memref_slice %arg2[%add3A_47] : memref<91008xi32, #tpu.memory_space<hbm>> -> memref<128xi32, #tpu.memory_space<hbm>>
          %dma_start3A_78 = tpu.memref_slice %arg2[%add3A_47] : memref<91008xi32, #tpu.memory_space<hbm>> -> memref<128xi32, #tpu.memory_space<hbm>>
          tpu.enqueue_dma source(%dma_start3A_78 : memref<128xi32, #tpu.memory_space<hbm>>) target(%arg5 : memref<128xi32, #tpu.memory_space<vmem>>) target_semaphore(%run_scoped3A : memref<!tpu.dma_semaphore, #tpu.memory_space<semaphore_mem>>)
          %dma_wait3A = tpu.memref_slice %arg2[%add3A_47] : memref<91008xi32, #tpu.memory_space<hbm>> -> memref<128xi32, #tpu.memory_space<hbm>>
          %dma_wait3A_79 = tpu.memref_slice %arg2[%add3A_47] : memref<91008xi32, #tpu.memory_space<hbm>> -> memref<128xi32, #tpu.memory_space<hbm>>
          tpu.wait_dma2 semaphore(%run_scoped3A : memref<!tpu.dma_semaphore, #tpu.memory_space<semaphore_mem>>) src(%dma_wait3A_79 : memref<128xi32, #tpu.memory_space<hbm>>) dst(%arg5 : memref<128xi32, #tpu.memory_space<vmem>>)
          tpu.yield
        }) : () -> ()
        "tpu.region"() ({
          %run_scoped3A = tpu.sem_alloc : memref<!tpu.dma_semaphore, #tpu.memory_space<semaphore_mem>>
          %dma_start3A = arith.constant 0 : i32
          %dma_start3A_78 = arith.constant 0 : i32
          %dma_start3A_79 = tpu.memref_slice %arg3[%dma_start3A, %dma_start3A_78] : memref<1116x128xf32, #tpu.memory_space<hbm>> -> memref<1116x128xf32, #tpu.memory_space<hbm>>
          tpu.enqueue_indirect_dma source(%dma_start3A_79 : memref<1116x128xf32, #tpu.memory_space<hbm>>) target(%arg6 : memref<128x128xf32, #tpu.memory_space<vmem>>) offsets(%arg5 : memref<128xi32, #tpu.memory_space<vmem>>) semaphore(%run_scoped3A : memref<!tpu.dma_semaphore, #tpu.memory_space<semaphore_mem>>)
          %dma_wait3A = arith.constant 0 : i32
          %dma_wait3A_80 = arith.constant 0 : i32
          %dma_wait3A_81 = tpu.memref_slice %arg3[%dma_wait3A, %dma_wait3A_80] : memref<1116x128xf32, #tpu.memory_space<hbm>> -> memref<1116x128xf32, #tpu.memory_space<hbm>>
          tpu.wait_indirect_dma semaphore(%run_scoped3A : memref<!tpu.dma_semaphore, #tpu.memory_space<semaphore_mem>>) src(%dma_wait3A_81 : memref<1116x128xf32, #tpu.memory_space<hbm>>) dst(%arg6 : memref<128x128xf32, #tpu.memory_space<vmem>>)
          tpu.yield
        }) : () -> ()
        %scan3A_48 = arith.constant 0 : i32
        %scan3A_49 = arith.constant 0 : i32
        %scan3A_50 = arith.constant 128 : i32
        %scan3A_51 = arith.addi %scan3A_49, %scan3A_50 : i32
        %scan3A_52 = arith.constant 1 : i32
        scf.for %scan3A_78 = %scan3A_49 to %scan3A_51 step %scan3A_52  : i32 {
          %get3A = arith.index_cast %scan3A_78 : i32 to index
          %get3A_79 = arith.constant 0 : index
          %get3A_80 = tpu.vector_load %arg7[%get3A, %get3A_79] {strides = array<i32>} : memref<128x128xf32, #tpu.memory_space<vmem>>, vector<1x16xf32>,
          %get3A_81 = vector.shape_cast %get3A_80 : vector<1x16xf32> to vector<16xf32>
          %get3A_82 = arith.index_cast %scan3A_78 : i32 to index
          %get3A_83 = arith.constant 0 : index
          %get3A_84 = tpu.vector_load %arg6[%get3A_82, %get3A_83] {strides = array<i32>} : memref<128x128xf32, #tpu.memory_space<vmem>>, vector<1x16xf32>,
          %get3A_85 = vector.shape_cast %get3A_84 : vector<1x16xf32> to vector<16xf32>
          %add3A_86 = arith.addf %get3A_81, %get3A_85 : vector<16xf32>
          %swap3A = arith.index_cast %scan3A_78 : i32 to index
          %swap3A_87 = arith.constant 0 : index
          %swap3A_88 = tpu.vector_load %arg7[%swap3A, %swap3A_87] {strides = array<i32>} : memref<128x128xf32, #tpu.memory_space<vmem>>, vector<1x16xf32>,
          %swap3A_89 = vector.shape_cast %swap3A_88 : vector<1x16xf32> to vector<16xf32>
          %swap3A_90 = vector.shape_cast %add3A_86 : vector<16xf32> to vector<1x16xf32>
          tpu.vector_store %arg7[%swap3A, %swap3A_87], %swap3A_90 {strides = array<i32>} : memref<128x128xf32, #tpu.memory_space<vmem>>, vector<1x16xf32>,
          %get3A_91 = arith.index_cast %scan3A_78 : i32 to index
          %get3A_92 = arith.constant 16 : index
          %get3A_93 = tpu.vector_load %arg7[%get3A_91, %get3A_92] {strides = array<i32>} : memref<128x128xf32, #tpu.memory_space<vmem>>, vector<1x16xf32>,
          %get3A_94 = vector.shape_cast %get3A_93 : vector<1x16xf32> to vector<16xf32>
          %get3A_95 = arith.index_cast %scan3A_78 : i32 to index
          %get3A_96 = arith.constant 16 : index
          %get3A_97 = tpu.vector_load %arg6[%get3A_95, %get3A_96] {strides = array<i32>} : memref<128x128xf32, #tpu.memory_space<vmem>>, vector<1x16xf32>,
          %get3A_98 = vector.shape_cast %get3A_97 : vector<1x16xf32> to vector<16xf32>
          %add3A_99 = arith.addf %get3A_94, %get3A_98 : vector<16xf32>
          %swap3A_100 = arith.index_cast %scan3A_78 : i32 to index
          %swap3A_101 = arith.constant 16 : index
          %swap3A_102 = tpu.vector_load %arg7[%swap3A_100, %swap3A_101] {strides = array<i32>} : memref<128x128xf32, #tpu.memory_space<vmem>>, vector<1x16xf32>,
          %swap3A_103 = vector.shape_cast %swap3A_102 : vector<1x16xf32> to vector<16xf32>
          %swap3A_104 = vector.shape_cast %add3A_99 : vector<16xf32> to vector<1x16xf32>
          tpu.vector_store %arg7[%swap3A_100, %swap3A_101], %swap3A_104 {strides = array<i32>} : memref<128x128xf32, #tpu.memory_space<vmem>>, vector<1x16xf32>,
          %get3A_105 = arith.index_cast %scan3A_78 : i32 to index
          %get3A_106 = arith.constant 32 : index
          %get3A_107 = tpu.vector_load %arg7[%get3A_105, %get3A_106] {strides = array<i32>} : memref<128x128xf32, #tpu.memory_space<vmem>>, vector<1x16xf32>,
          %get3A_108 = vector.shape_cast %get3A_107 : vector<1x16xf32> to vector<16xf32>
          %get3A_109 = arith.index_cast %scan3A_78 : i32 to index
          %get3A_110 = arith.constant 32 : index
          %get3A_111 = tpu.vector_load %arg6[%get3A_109, %get3A_110] {strides = array<i32>} : memref<128x128xf32, #tpu.memory_space<vmem>>, vector<1x16xf32>,
          %get3A_112 = vector.shape_cast %get3A_111 : vector<1x16xf32> to vector<16xf32>
          %add3A_113 = arith.addf %get3A_108, %get3A_112 : vector<16xf32>
          %swap3A_114 = arith.index_cast %scan3A_78 : i32 to index
          %swap3A_115 = arith.constant 32 : index
          %swap3A_116 = tpu.vector_load %arg7[%swap3A_114, %swap3A_115] {strides = array<i32>} : memref<128x128xf32, #tpu.memory_space<vmem>>, vector<1x16xf32>,
          %swap3A_117 = vector.shape_cast %swap3A_116 : vector<1x16xf32> to vector<16xf32>
          %swap3A_118 = vector.shape_cast %add3A_113 : vector<16xf32> to vector<1x16xf32>
          tpu.vector_store %arg7[%swap3A_114, %swap3A_115], %swap3A_118 {strides = array<i32>} : memref<128x128xf32, #tpu.memory_space<vmem>>, vector<1x16xf32>,
          %get3A_119 = arith.index_cast %scan3A_78 : i32 to index
          %get3A_120 = arith.constant 48 : index
          %get3A_121 = tpu.vector_load %arg7[%get3A_119, %get3A_120] {strides = array<i32>} : memref<128x128xf32, #tpu.memory_space<vmem>>, vector<1x16xf32>,
          %get3A_122 = vector.shape_cast %get3A_121 : vector<1x16xf32> to vector<16xf32>
          %get3A_123 = arith.index_cast %scan3A_78 : i32 to index
          %get3A_124 = arith.constant 48 : index
          %get3A_125 = tpu.vector_load %arg6[%get3A_123, %get3A_124] {strides = array<i32>} : memref<128x128xf32, #tpu.memory_space<vmem>>, vector<1x16xf32>,
          %get3A_126 = vector.shape_cast %get3A_125 : vector<1x16xf32> to vector<16xf32>
          %add3A_127 = arith.addf %get3A_122, %get3A_126 : vector<16xf32>
          %swap3A_128 = arith.index_cast %scan3A_78 : i32 to index
          %swap3A_129 = arith.constant 48 : index
          %swap3A_130 = tpu.vector_load %arg7[%swap3A_128, %swap3A_129] {strides = array<i32>} : memref<128x128xf32, #tpu.memory_space<vmem>>, vector<1x16xf32>,
          %swap3A_131 = vector.shape_cast %swap3A_130 : vector<1x16xf32> to vector<16xf32>
          %swap3A_132 = vector.shape_cast %add3A_127 : vector<16xf32> to vector<1x16xf32>
          tpu.vector_store %arg7[%swap3A_128, %swap3A_129], %swap3A_132 {strides = array<i32>} : memref<128x128xf32, #tpu.memory_space<vmem>>, vector<1x16xf32>,
          %get3A_133 = arith.index_cast %scan3A_78 : i32 to index
          %get3A_134 = arith.constant 64 : index
          %get3A_135 = tpu.vector_load %arg7[%get3A_133, %get3A_134] {strides = array<i32>} : memref<128x128xf32, #tpu.memory_space<vmem>>, vector<1x16xf32>,
          %get3A_136 = vector.shape_cast %get3A_135 : vector<1x16xf32> to vector<16xf32>
          %get3A_137 = arith.index_cast %scan3A_78 : i32 to index
          %get3A_138 = arith.constant 64 : index
          %get3A_139 = tpu.vector_load %arg6[%get3A_137, %get3A_138] {strides = array<i32>} : memref<128x128xf32, #tpu.memory_space<vmem>>, vector<1x16xf32>,
          %get3A_140 = vector.shape_cast %get3A_139 : vector<1x16xf32> to vector<16xf32>
          %add3A_141 = arith.addf %get3A_136, %get3A_140 : vector<16xf32>
          %swap3A_142 = arith.index_cast %scan3A_78 : i32 to index
          %swap3A_143 = arith.constant 64 : index
          %swap3A_144 = tpu.vector_load %arg7[%swap3A_142, %swap3A_143] {strides = array<i32>} : memref<128x128xf32, #tpu.memory_space<vmem>>, vector<1x16xf32>,
          %swap3A_145 = vector.shape_cast %swap3A_144 : vector<1x16xf32> to vector<16xf32>
          %swap3A_146 = vector.shape_cast %add3A_141 : vector<16xf32> to vector<1x16xf32>
          tpu.vector_store %arg7[%swap3A_142, %swap3A_143], %swap3A_146 {strides = array<i32>} : memref<128x128xf32, #tpu.memory_space<vmem>>, vector<1x16xf32>,
          %get3A_147 = arith.index_cast %scan3A_78 : i32 to index
          %get3A_148 = arith.constant 80 : index
          %get3A_149 = tpu.vector_load %arg7[%get3A_147, %get3A_148] {strides = array<i32>} : memref<128x128xf32, #tpu.memory_space<vmem>>, vector<1x16xf32>,
          %get3A_150 = vector.shape_cast %get3A_149 : vector<1x16xf32> to vector<16xf32>
          %get3A_151 = arith.index_cast %scan3A_78 : i32 to index
          %get3A_152 = arith.constant 80 : index
          %get3A_153 = tpu.vector_load %arg6[%get3A_151, %get3A_152] {strides = array<i32>} : memref<128x128xf32, #tpu.memory_space<vmem>>, vector<1x16xf32>,
          %get3A_154 = vector.shape_cast %get3A_153 : vector<1x16xf32> to vector<16xf32>
          %add3A_155 = arith.addf %get3A_150, %get3A_154 : vector<16xf32>
          %swap3A_156 = arith.index_cast %scan3A_78 : i32 to index
          %swap3A_157 = arith.constant 80 : index
          %swap3A_158 = tpu.vector_load %arg7[%swap3A_156, %swap3A_157] {strides = array<i32>} : memref<128x128xf32, #tpu.memory_space<vmem>>, vector<1x16xf32>,
          %swap3A_159 = vector.shape_cast %swap3A_158 : vector<1x16xf32> to vector<16xf32>
          %swap3A_160 = vector.shape_cast %add3A_155 : vector<16xf32> to vector<1x16xf32>
          tpu.vector_store %arg7[%swap3A_156, %swap3A_157], %swap3A_160 {strides = array<i32>} : memref<128x128xf32, #tpu.memory_space<vmem>>, vector<1x16xf32>,
          %get3A_161 = arith.index_cast %scan3A_78 : i32 to index
          %get3A_162 = arith.constant 96 : index
          %get3A_163 = tpu.vector_load %arg7[%get3A_161, %get3A_162] {strides = array<i32>} : memref<128x128xf32, #tpu.memory_space<vmem>>, vector<1x16xf32>,
          %get3A_164 = vector.shape_cast %get3A_163 : vector<1x16xf32> to vector<16xf32>
          %get3A_165 = arith.index_cast %scan3A_78 : i32 to index
          %get3A_166 = arith.constant 96 : index
          %get3A_167 = tpu.vector_load %arg6[%get3A_165, %get3A_166] {strides = array<i32>} : memref<128x128xf32, #tpu.memory_space<vmem>>, vector<1x16xf32>,
          %get3A_168 = vector.shape_cast %get3A_167 : vector<1x16xf32> to vector<16xf32>
          %add3A_169 = arith.addf %get3A_164, %get3A_168 : vector<16xf32>
          %swap3A_170 = arith.index_cast %scan3A_78 : i32 to index
          %swap3A_171 = arith.constant 96 : index
          %swap3A_172 = tpu.vector_load %arg7[%swap3A_170, %swap3A_171] {strides = array<i32>} : memref<128x128xf32, #tpu.memory_space<vmem>>, vector<1x16xf32>,
          %swap3A_173 = vector.shape_cast %swap3A_172 : vector<1x16xf32> to vector<16xf32>
          %swap3A_174 = vector.shape_cast %add3A_169 : vector<16xf32> to vector<1x16xf32>
          tpu.vector_store %arg7[%swap3A_170, %swap3A_171], %swap3A_174 {strides = array<i32>} : memref<128x128xf32, #tpu.memory_space<vmem>>, vector<1x16xf32>,
          %get3A_175 = arith.index_cast %scan3A_78 : i32 to index
          %get3A_176 = arith.constant 112 : index
          %get3A_177 = tpu.vector_load %arg7[%get3A_175, %get3A_176] {strides = array<i32>} : memref<128x128xf32, #tpu.memory_space<vmem>>, vector<1x16xf32>,
          %get3A_178 = vector.shape_cast %get3A_177 : vector<1x16xf32> to vector<16xf32>
          %get3A_179 = arith.index_cast %scan3A_78 : i32 to index
          %get3A_180 = arith.constant 112 : index
          %get3A_181 = tpu.vector_load %arg6[%get3A_179, %get3A_180] {strides = array<i32>} : memref<128x128xf32, #tpu.memory_space<vmem>>, vector<1x16xf32>,
          %get3A_182 = vector.shape_cast %get3A_181 : vector<1x16xf32> to vector<16xf32>
          %add3A_183 = arith.addf %get3A_178, %get3A_182 : vector<16xf32>
          %swap3A_184 = arith.index_cast %scan3A_78 : i32 to index
          %swap3A_185 = arith.constant 112 : index
          %swap3A_186 = tpu.vector_load %arg7[%swap3A_184, %swap3A_185] {strides = array<i32>} : memref<128x128xf32, #tpu.memory_space<vmem>>, vector<1x16xf32>,
          %swap3A_187 = vector.shape_cast %swap3A_186 : vector<1x16xf32> to vector<16xf32>
          %swap3A_188 = vector.shape_cast %add3A_183 : vector<16xf32> to vector<1x16xf32>
          tpu.vector_store %arg7[%swap3A_184, %swap3A_185], %swap3A_188 {strides = array<i32>} : memref<128x128xf32, #tpu.memory_space<vmem>>, vector<1x16xf32>,
        }
        %scan3A_53 = arith.constant 128 : i32
        %add3A_54 = arith.constant 60672 : i32
        %add3A_55 = arith.addi %add3A_54, %mul3A_13 : i32
        "tpu.region"() ({
          %run_scoped3A = tpu.sem_alloc : memref<!tpu.dma_semaphore, #tpu.memory_space<semaphore_mem>>
          %dma_start3A = tpu.memref_slice %arg2[%add3A_55] : memref<91008xi32, #tpu.memory_space<hbm>> -> memref<128xi32, #tpu.memory_space<hbm>>
          %dma_start3A_78 = tpu.memref_slice %arg2[%add3A_55] : memref<91008xi32, #tpu.memory_space<hbm>> -> memref<128xi32, #tpu.memory_space<hbm>>
          tpu.enqueue_dma source(%dma_start3A_78 : memref<128xi32, #tpu.memory_space<hbm>>) target(%arg5 : memref<128xi32, #tpu.memory_space<vmem>>) target_semaphore(%run_scoped3A : memref<!tpu.dma_semaphore, #tpu.memory_space<semaphore_mem>>)
          %dma_wait3A = tpu.memref_slice %arg2[%add3A_55] : memref<91008xi32, #tpu.memory_space<hbm>> -> memref<128xi32, #tpu.memory_space<hbm>>
          %dma_wait3A_79 = tpu.memref_slice %arg2[%add3A_55] : memref<91008xi32, #tpu.memory_space<hbm>> -> memref<128xi32, #tpu.memory_space<hbm>>
          tpu.wait_dma2 semaphore(%run_scoped3A : memref<!tpu.dma_semaphore, #tpu.memory_space<semaphore_mem>>) src(%dma_wait3A_79 : memref<128xi32, #tpu.memory_space<hbm>>) dst(%arg5 : memref<128xi32, #tpu.memory_space<vmem>>)
          tpu.yield
        }) : () -> ()
        "tpu.region"() ({
          %run_scoped3A = tpu.sem_alloc : memref<!tpu.dma_semaphore, #tpu.memory_space<semaphore_mem>>
          %dma_start3A = arith.constant 0 : i32
          %dma_start3A_78 = arith.constant 0 : i32
          %dma_start3A_79 = tpu.memref_slice %arg3[%dma_start3A, %dma_start3A_78] : memref<1116x128xf32, #tpu.memory_space<hbm>> -> memref<1116x128xf32, #tpu.memory_space<hbm>>
          tpu.enqueue_indirect_dma source(%dma_start3A_79 : memref<1116x128xf32, #tpu.memory_space<hbm>>) target(%arg6 : memref<128x128xf32, #tpu.memory_space<vmem>>) offsets(%arg5 : memref<128xi32, #tpu.memory_space<vmem>>) semaphore(%run_scoped3A : memref<!tpu.dma_semaphore, #tpu.memory_space<semaphore_mem>>)
          %dma_wait3A = arith.constant 0 : i32
          %dma_wait3A_80 = arith.constant 0 : i32
          %dma_wait3A_81 = tpu.memref_slice %arg3[%dma_wait3A, %dma_wait3A_80] : memref<1116x128xf32, #tpu.memory_space<hbm>> -> memref<1116x128xf32, #tpu.memory_space<hbm>>
          tpu.wait_indirect_dma semaphore(%run_scoped3A : memref<!tpu.dma_semaphore, #tpu.memory_space<semaphore_mem>>) src(%dma_wait3A_81 : memref<1116x128xf32, #tpu.memory_space<hbm>>) dst(%arg6 : memref<128x128xf32, #tpu.memory_space<vmem>>)
          tpu.yield
        }) : () -> ()
        %scan3A_56 = arith.constant 0 : i32
        %scan3A_57 = arith.constant 0 : i32
        %scan3A_58 = arith.constant 128 : i32
        %scan3A_59 = arith.addi %scan3A_57, %scan3A_58 : i32
        %scan3A_60 = arith.constant 1 : i32
        scf.for %scan3A_78 = %scan3A_57 to %scan3A_59 step %scan3A_60  : i32 {
          %get3A = arith.index_cast %scan3A_78 : i32 to index
          %get3A_79 = arith.constant 0 : index
          %get3A_80 = tpu.vector_load %arg7[%get3A, %get3A_79] {strides = array<i32>} : memref<128x128xf32, #tpu.memory_space<vmem>>, vector<1x16xf32>,
          %get3A_81 = vector.shape_cast %get3A_80 : vector<1x16xf32> to vector<16xf32>
          %get3A_82 = arith.index_cast %scan3A_78 : i32 to index
          %get3A_83 = arith.constant 0 : index
          %get3A_84 = tpu.vector_load %arg6[%get3A_82, %get3A_83] {strides = array<i32>} : memref<128x128xf32, #tpu.memory_space<vmem>>, vector<1x16xf32>,
          %get3A_85 = vector.shape_cast %get3A_84 : vector<1x16xf32> to vector<16xf32>
          %add3A_86 = arith.addf %get3A_81, %get3A_85 : vector<16xf32>
          %swap3A = arith.index_cast %scan3A_78 : i32 to index
          %swap3A_87 = arith.constant 0 : index
          %swap3A_88 = tpu.vector_load %arg7[%swap3A, %swap3A_87] {strides = array<i32>} : memref<128x128xf32, #tpu.memory_space<vmem>>, vector<1x16xf32>,
          %swap3A_89 = vector.shape_cast %swap3A_88 : vector<1x16xf32> to vector<16xf32>
          %swap3A_90 = vector.shape_cast %add3A_86 : vector<16xf32> to vector<1x16xf32>
          tpu.vector_store %arg7[%swap3A, %swap3A_87], %swap3A_90 {strides = array<i32>} : memref<128x128xf32, #tpu.memory_space<vmem>>, vector<1x16xf32>,
          %get3A_91 = arith.index_cast %scan3A_78 : i32 to index
          %get3A_92 = arith.constant 16 : index
          %get3A_93 = tpu.vector_load %arg7[%get3A_91, %get3A_92] {strides = array<i32>} : memref<128x128xf32, #tpu.memory_space<vmem>>, vector<1x16xf32>,
          %get3A_94 = vector.shape_cast %get3A_93 : vector<1x16xf32> to vector<16xf32>
          %get3A_95 = arith.index_cast %scan3A_78 : i32 to index
          %get3A_96 = arith.constant 16 : index
          %get3A_97 = tpu.vector_load %arg6[%get3A_95, %get3A_96] {strides = array<i32>} : memref<128x128xf32, #tpu.memory_space<vmem>>, vector<1x16xf32>,
          %get3A_98 = vector.shape_cast %get3A_97 : vector<1x16xf32> to vector<16xf32>
          %add3A_99 = arith.addf %get3A_94, %get3A_98 : vector<16xf32>
          %swap3A_100 = arith.index_cast %scan3A_78 : i32 to index
          %swap3A_101 = arith.constant 16 : index
          %swap3A_102 = tpu.vector_load %arg7[%swap3A_100, %swap3A_101] {strides = array<i32>} : memref<128x128xf32, #tpu.memory_space<vmem>>, vector<1x16xf32>,
          %swap3A_103 = vector.shape_cast %swap3A_102 : vector<1x16xf32> to vector<16xf32>
          %swap3A_104 = vector.shape_cast %add3A_99 : vector<16xf32> to vector<1x16xf32>
          tpu.vector_store %arg7[%swap3A_100, %swap3A_101], %swap3A_104 {strides = array<i32>} : memref<128x128xf32, #tpu.memory_space<vmem>>, vector<1x16xf32>,
          %get3A_105 = arith.index_cast %scan3A_78 : i32 to index
          %get3A_106 = arith.constant 32 : index
          %get3A_107 = tpu.vector_load %arg7[%get3A_105, %get3A_106] {strides = array<i32>} : memref<128x128xf32, #tpu.memory_space<vmem>>, vector<1x16xf32>,
          %get3A_108 = vector.shape_cast %get3A_107 : vector<1x16xf32> to vector<16xf32>
          %get3A_109 = arith.index_cast %scan3A_78 : i32 to index
          %get3A_110 = arith.constant 32 : index
          %get3A_111 = tpu.vector_load %arg6[%get3A_109, %get3A_110] {strides = array<i32>} : memref<128x128xf32, #tpu.memory_space<vmem>>, vector<1x16xf32>,
          %get3A_112 = vector.shape_cast %get3A_111 : vector<1x16xf32> to vector<16xf32>
          %add3A_113 = arith.addf %get3A_108, %get3A_112 : vector<16xf32>
          %swap3A_114 = arith.index_cast %scan3A_78 : i32 to index
          %swap3A_115 = arith.constant 32 : index
          %swap3A_116 = tpu.vector_load %arg7[%swap3A_114, %swap3A_115] {strides = array<i32>} : memref<128x128xf32, #tpu.memory_space<vmem>>, vector<1x16xf32>,
          %swap3A_117 = vector.shape_cast %swap3A_116 : vector<1x16xf32> to vector<16xf32>
          %swap3A_118 = vector.shape_cast %add3A_113 : vector<16xf32> to vector<1x16xf32>
          tpu.vector_store %arg7[%swap3A_114, %swap3A_115], %swap3A_118 {strides = array<i32>} : memref<128x128xf32, #tpu.memory_space<vmem>>, vector<1x16xf32>,
          %get3A_119 = arith.index_cast %scan3A_78 : i32 to index
          %get3A_120 = arith.constant 48 : index
          %get3A_121 = tpu.vector_load %arg7[%get3A_119, %get3A_120] {strides = array<i32>} : memref<128x128xf32, #tpu.memory_space<vmem>>, vector<1x16xf32>,
          %get3A_122 = vector.shape_cast %get3A_121 : vector<1x16xf32> to vector<16xf32>
          %get3A_123 = arith.index_cast %scan3A_78 : i32 to index
          %get3A_124 = arith.constant 48 : index
          %get3A_125 = tpu.vector_load %arg6[%get3A_123, %get3A_124] {strides = array<i32>} : memref<128x128xf32, #tpu.memory_space<vmem>>, vector<1x16xf32>,
          %get3A_126 = vector.shape_cast %get3A_125 : vector<1x16xf32> to vector<16xf32>
          %add3A_127 = arith.addf %get3A_122, %get3A_126 : vector<16xf32>
          %swap3A_128 = arith.index_cast %scan3A_78 : i32 to index
          %swap3A_129 = arith.constant 48 : index
          %swap3A_130 = tpu.vector_load %arg7[%swap3A_128, %swap3A_129] {strides = array<i32>} : memref<128x128xf32, #tpu.memory_space<vmem>>, vector<1x16xf32>,
          %swap3A_131 = vector.shape_cast %swap3A_130 : vector<1x16xf32> to vector<16xf32>
          %swap3A_132 = vector.shape_cast %add3A_127 : vector<16xf32> to vector<1x16xf32>
          tpu.vector_store %arg7[%swap3A_128, %swap3A_129], %swap3A_132 {strides = array<i32>} : memref<128x128xf32, #tpu.memory_space<vmem>>, vector<1x16xf32>,
          %get3A_133 = arith.index_cast %scan3A_78 : i32 to index
          %get3A_134 = arith.constant 64 : index
          %get3A_135 = tpu.vector_load %arg7[%get3A_133, %get3A_134] {strides = array<i32>} : memref<128x128xf32, #tpu.memory_space<vmem>>, vector<1x16xf32>,
          %get3A_136 = vector.shape_cast %get3A_135 : vector<1x16xf32> to vector<16xf32>
          %get3A_137 = arith.index_cast %scan3A_78 : i32 to index
          %get3A_138 = arith.constant 64 : index
          %get3A_139 = tpu.vector_load %arg6[%get3A_137, %get3A_138] {strides = array<i32>} : memref<128x128xf32, #tpu.memory_space<vmem>>, vector<1x16xf32>,
          %get3A_140 = vector.shape_cast %get3A_139 : vector<1x16xf32> to vector<16xf32>
          %add3A_141 = arith.addf %get3A_136, %get3A_140 : vector<16xf32>
          %swap3A_142 = arith.index_cast %scan3A_78 : i32 to index
          %swap3A_143 = arith.constant 64 : index
          %swap3A_144 = tpu.vector_load %arg7[%swap3A_142, %swap3A_143] {strides = array<i32>} : memref<128x128xf32, #tpu.memory_space<vmem>>, vector<1x16xf32>,
          %swap3A_145 = vector.shape_cast %swap3A_144 : vector<1x16xf32> to vector<16xf32>
          %swap3A_146 = vector.shape_cast %add3A_141 : vector<16xf32> to vector<1x16xf32>
          tpu.vector_store %arg7[%swap3A_142, %swap3A_143], %swap3A_146 {strides = array<i32>} : memref<128x128xf32, #tpu.memory_space<vmem>>, vector<1x16xf32>,
          %get3A_147 = arith.index_cast %scan3A_78 : i32 to index
          %get3A_148 = arith.constant 80 : index
          %get3A_149 = tpu.vector_load %arg7[%get3A_147, %get3A_148] {strides = array<i32>} : memref<128x128xf32, #tpu.memory_space<vmem>>, vector<1x16xf32>,
          %get3A_150 = vector.shape_cast %get3A_149 : vector<1x16xf32> to vector<16xf32>
          %get3A_151 = arith.index_cast %scan3A_78 : i32 to index
          %get3A_152 = arith.constant 80 : index
          %get3A_153 = tpu.vector_load %arg6[%get3A_151, %get3A_152] {strides = array<i32>} : memref<128x128xf32, #tpu.memory_space<vmem>>, vector<1x16xf32>,
          %get3A_154 = vector.shape_cast %get3A_153 : vector<1x16xf32> to vector<16xf32>
          %add3A_155 = arith.addf %get3A_150, %get3A_154 : vector<16xf32>
          %swap3A_156 = arith.index_cast %scan3A_78 : i32 to index
          %swap3A_157 = arith.constant 80 : index
          %swap3A_158 = tpu.vector_load %arg7[%swap3A_156, %swap3A_157] {strides = array<i32>} : memref<128x128xf32, #tpu.memory_space<vmem>>, vector<1x16xf32>,
          %swap3A_159 = vector.shape_cast %swap3A_158 : vector<1x16xf32> to vector<16xf32>
          %swap3A_160 = vector.shape_cast %add3A_155 : vector<16xf32> to vector<1x16xf32>
          tpu.vector_store %arg7[%swap3A_156, %swap3A_157], %swap3A_160 {strides = array<i32>} : memref<128x128xf32, #tpu.memory_space<vmem>>, vector<1x16xf32>,
          %get3A_161 = arith.index_cast %scan3A_78 : i32 to index
          %get3A_162 = arith.constant 96 : index
          %get3A_163 = tpu.vector_load %arg7[%get3A_161, %get3A_162] {strides = array<i32>} : memref<128x128xf32, #tpu.memory_space<vmem>>, vector<1x16xf32>,
          %get3A_164 = vector.shape_cast %get3A_163 : vector<1x16xf32> to vector<16xf32>
          %get3A_165 = arith.index_cast %scan3A_78 : i32 to index
          %get3A_166 = arith.constant 96 : index
          %get3A_167 = tpu.vector_load %arg6[%get3A_165, %get3A_166] {strides = array<i32>} : memref<128x128xf32, #tpu.memory_space<vmem>>, vector<1x16xf32>,
          %get3A_168 = vector.shape_cast %get3A_167 : vector<1x16xf32> to vector<16xf32>
          %add3A_169 = arith.addf %get3A_164, %get3A_168 : vector<16xf32>
          %swap3A_170 = arith.index_cast %scan3A_78 : i32 to index
          %swap3A_171 = arith.constant 96 : index
          %swap3A_172 = tpu.vector_load %arg7[%swap3A_170, %swap3A_171] {strides = array<i32>} : memref<128x128xf32, #tpu.memory_space<vmem>>, vector<1x16xf32>,
          %swap3A_173 = vector.shape_cast %swap3A_172 : vector<1x16xf32> to vector<16xf32>
          %swap3A_174 = vector.shape_cast %add3A_169 : vector<16xf32> to vector<1x16xf32>
          tpu.vector_store %arg7[%swap3A_170, %swap3A_171], %swap3A_174 {strides = array<i32>} : memref<128x128xf32, #tpu.memory_space<vmem>>, vector<1x16xf32>,
          %get3A_175 = arith.index_cast %scan3A_78 : i32 to index
          %get3A_176 = arith.constant 112 : index
          %get3A_177 = tpu.vector_load %arg7[%get3A_175, %get3A_176] {strides = array<i32>} : memref<128x128xf32, #tpu.memory_space<vmem>>, vector<1x16xf32>,
          %get3A_178 = vector.shape_cast %get3A_177 : vector<1x16xf32> to vector<16xf32>
          %get3A_179 = arith.index_cast %scan3A_78 : i32 to index
          %get3A_180 = arith.constant 112 : index
          %get3A_181 = tpu.vector_load %arg6[%get3A_179, %get3A_180] {strides = array<i32>} : memref<128x128xf32, #tpu.memory_space<vmem>>, vector<1x16xf32>,
          %get3A_182 = vector.shape_cast %get3A_181 : vector<1x16xf32> to vector<16xf32>
          %add3A_183 = arith.addf %get3A_178, %get3A_182 : vector<16xf32>
          %swap3A_184 = arith.index_cast %scan3A_78 : i32 to index
          %swap3A_185 = arith.constant 112 : index
          %swap3A_186 = tpu.vector_load %arg7[%swap3A_184, %swap3A_185] {strides = array<i32>} : memref<128x128xf32, #tpu.memory_space<vmem>>, vector<1x16xf32>,
          %swap3A_187 = vector.shape_cast %swap3A_186 : vector<1x16xf32> to vector<16xf32>
          %swap3A_188 = vector.shape_cast %add3A_183 : vector<16xf32> to vector<1x16xf32>
          tpu.vector_store %arg7[%swap3A_184, %swap3A_185], %swap3A_188 {strides = array<i32>} : memref<128x128xf32, #tpu.memory_space<vmem>>, vector<1x16xf32>,
        }
        %scan3A_61 = arith.constant 128 : i32
        %add3A_62 = arith.constant 70784 : i32
        %add3A_63 = arith.addi %add3A_62, %mul3A_13 : i32
        "tpu.region"() ({
          %run_scoped3A = tpu.sem_alloc : memref<!tpu.dma_semaphore, #tpu.memory_space<semaphore_mem>>
          %dma_start3A = tpu.memref_slice %arg2[%add3A_63] : memref<91008xi32, #tpu.memory_space<hbm>> -> memref<128xi32, #tpu.memory_space<hbm>>
          %dma_start3A_78 = tpu.memref_slice %arg2[%add3A_63] : memref<91008xi32, #tpu.memory_space<hbm>> -> memref<128xi32, #tpu.memory_space<hbm>>
          tpu.enqueue_dma source(%dma_start3A_78 : memref<128xi32, #tpu.memory_space<hbm>>) target(%arg5 : memref<128xi32, #tpu.memory_space<vmem>>) target_semaphore(%run_scoped3A : memref<!tpu.dma_semaphore, #tpu.memory_space<semaphore_mem>>)
          %dma_wait3A = tpu.memref_slice %arg2[%add3A_63] : memref<91008xi32, #tpu.memory_space<hbm>> -> memref<128xi32, #tpu.memory_space<hbm>>
          %dma_wait3A_79 = tpu.memref_slice %arg2[%add3A_63] : memref<91008xi32, #tpu.memory_space<hbm>> -> memref<128xi32, #tpu.memory_space<hbm>>
          tpu.wait_dma2 semaphore(%run_scoped3A : memref<!tpu.dma_semaphore, #tpu.memory_space<semaphore_mem>>) src(%dma_wait3A_79 : memref<128xi32, #tpu.memory_space<hbm>>) dst(%arg5 : memref<128xi32, #tpu.memory_space<vmem>>)
          tpu.yield
        }) : () -> ()
        "tpu.region"() ({
          %run_scoped3A = tpu.sem_alloc : memref<!tpu.dma_semaphore, #tpu.memory_space<semaphore_mem>>
          %dma_start3A = arith.constant 0 : i32
          %dma_start3A_78 = arith.constant 0 : i32
          %dma_start3A_79 = tpu.memref_slice %arg3[%dma_start3A, %dma_start3A_78] : memref<1116x128xf32, #tpu.memory_space<hbm>> -> memref<1116x128xf32, #tpu.memory_space<hbm>>
          tpu.enqueue_indirect_dma source(%dma_start3A_79 : memref<1116x128xf32, #tpu.memory_space<hbm>>) target(%arg6 : memref<128x128xf32, #tpu.memory_space<vmem>>) offsets(%arg5 : memref<128xi32, #tpu.memory_space<vmem>>) semaphore(%run_scoped3A : memref<!tpu.dma_semaphore, #tpu.memory_space<semaphore_mem>>)
          %dma_wait3A = arith.constant 0 : i32
          %dma_wait3A_80 = arith.constant 0 : i32
          %dma_wait3A_81 = tpu.memref_slice %arg3[%dma_wait3A, %dma_wait3A_80] : memref<1116x128xf32, #tpu.memory_space<hbm>> -> memref<1116x128xf32, #tpu.memory_space<hbm>>
          tpu.wait_indirect_dma semaphore(%run_scoped3A : memref<!tpu.dma_semaphore, #tpu.memory_space<semaphore_mem>>) src(%dma_wait3A_81 : memref<1116x128xf32, #tpu.memory_space<hbm>>) dst(%arg6 : memref<128x128xf32, #tpu.memory_space<vmem>>)
          tpu.yield
        }) : () -> ()
        %scan3A_64 = arith.constant 0 : i32
        %scan3A_65 = arith.constant 0 : i32
        %scan3A_66 = arith.constant 128 : i32
        %scan3A_67 = arith.addi %scan3A_65, %scan3A_66 : i32
        %scan3A_68 = arith.constant 1 : i32
        scf.for %scan3A_78 = %scan3A_65 to %scan3A_67 step %scan3A_68  : i32 {
          %get3A = arith.index_cast %scan3A_78 : i32 to index
          %get3A_79 = arith.constant 0 : index
          %get3A_80 = tpu.vector_load %arg7[%get3A, %get3A_79] {strides = array<i32>} : memref<128x128xf32, #tpu.memory_space<vmem>>, vector<1x16xf32>,
          %get3A_81 = vector.shape_cast %get3A_80 : vector<1x16xf32> to vector<16xf32>
          %get3A_82 = arith.index_cast %scan3A_78 : i32 to index
          %get3A_83 = arith.constant 0 : index
          %get3A_84 = tpu.vector_load %arg6[%get3A_82, %get3A_83] {strides = array<i32>} : memref<128x128xf32, #tpu.memory_space<vmem>>, vector<1x16xf32>,
          %get3A_85 = vector.shape_cast %get3A_84 : vector<1x16xf32> to vector<16xf32>
          %add3A_86 = arith.addf %get3A_81, %get3A_85 : vector<16xf32>
          %swap3A = arith.index_cast %scan3A_78 : i32 to index
          %swap3A_87 = arith.constant 0 : index
          %swap3A_88 = tpu.vector_load %arg7[%swap3A, %swap3A_87] {strides = array<i32>} : memref<128x128xf32, #tpu.memory_space<vmem>>, vector<1x16xf32>,
          %swap3A_89 = vector.shape_cast %swap3A_88 : vector<1x16xf32> to vector<16xf32>
          %swap3A_90 = vector.shape_cast %add3A_86 : vector<16xf32> to vector<1x16xf32>
          tpu.vector_store %arg7[%swap3A, %swap3A_87], %swap3A_90 {strides = array<i32>} : memref<128x128xf32, #tpu.memory_space<vmem>>, vector<1x16xf32>,
          %get3A_91 = arith.index_cast %scan3A_78 : i32 to index
          %get3A_92 = arith.constant 16 : index
          %get3A_93 = tpu.vector_load %arg7[%get3A_91, %get3A_92] {strides = array<i32>} : memref<128x128xf32, #tpu.memory_space<vmem>>, vector<1x16xf32>,
          %get3A_94 = vector.shape_cast %get3A_93 : vector<1x16xf32> to vector<16xf32>
          %get3A_95 = arith.index_cast %scan3A_78 : i32 to index
          %get3A_96 = arith.constant 16 : index
          %get3A_97 = tpu.vector_load %arg6[%get3A_95, %get3A_96] {strides = array<i32>} : memref<128x128xf32, #tpu.memory_space<vmem>>, vector<1x16xf32>,
          %get3A_98 = vector.shape_cast %get3A_97 : vector<1x16xf32> to vector<16xf32>
          %add3A_99 = arith.addf %get3A_94, %get3A_98 : vector<16xf32>
          %swap3A_100 = arith.index_cast %scan3A_78 : i32 to index
          %swap3A_101 = arith.constant 16 : index
          %swap3A_102 = tpu.vector_load %arg7[%swap3A_100, %swap3A_101] {strides = array<i32>} : memref<128x128xf32, #tpu.memory_space<vmem>>, vector<1x16xf32>,
          %swap3A_103 = vector.shape_cast %swap3A_102 : vector<1x16xf32> to vector<16xf32>
          %swap3A_104 = vector.shape_cast %add3A_99 : vector<16xf32> to vector<1x16xf32>
          tpu.vector_store %arg7[%swap3A_100, %swap3A_101], %swap3A_104 {strides = array<i32>} : memref<128x128xf32, #tpu.memory_space<vmem>>, vector<1x16xf32>,
          %get3A_105 = arith.index_cast %scan3A_78 : i32 to index
          %get3A_106 = arith.constant 32 : index
          %get3A_107 = tpu.vector_load %arg7[%get3A_105, %get3A_106] {strides = array<i32>} : memref<128x128xf32, #tpu.memory_space<vmem>>, vector<1x16xf32>,
          %get3A_108 = vector.shape_cast %get3A_107 : vector<1x16xf32> to vector<16xf32>
          %get3A_109 = arith.index_cast %scan3A_78 : i32 to index
          %get3A_110 = arith.constant 32 : index
          %get3A_111 = tpu.vector_load %arg6[%get3A_109, %get3A_110] {strides = array<i32>} : memref<128x128xf32, #tpu.memory_space<vmem>>, vector<1x16xf32>,
          %get3A_112 = vector.shape_cast %get3A_111 : vector<1x16xf32> to vector<16xf32>
          %add3A_113 = arith.addf %get3A_108, %get3A_112 : vector<16xf32>
          %swap3A_114 = arith.index_cast %scan3A_78 : i32 to index
          %swap3A_115 = arith.constant 32 : index
          %swap3A_116 = tpu.vector_load %arg7[%swap3A_114, %swap3A_115] {strides = array<i32>} : memref<128x128xf32, #tpu.memory_space<vmem>>, vector<1x16xf32>,
          %swap3A_117 = vector.shape_cast %swap3A_116 : vector<1x16xf32> to vector<16xf32>
          %swap3A_118 = vector.shape_cast %add3A_113 : vector<16xf32> to vector<1x16xf32>
          tpu.vector_store %arg7[%swap3A_114, %swap3A_115], %swap3A_118 {strides = array<i32>} : memref<128x128xf32, #tpu.memory_space<vmem>>, vector<1x16xf32>,
          %get3A_119 = arith.index_cast %scan3A_78 : i32 to index
          %get3A_120 = arith.constant 48 : index
          %get3A_121 = tpu.vector_load %arg7[%get3A_119, %get3A_120] {strides = array<i32>} : memref<128x128xf32, #tpu.memory_space<vmem>>, vector<1x16xf32>,
          %get3A_122 = vector.shape_cast %get3A_121 : vector<1x16xf32> to vector<16xf32>
          %get3A_123 = arith.index_cast %scan3A_78 : i32 to index
          %get3A_124 = arith.constant 48 : index
          %get3A_125 = tpu.vector_load %arg6[%get3A_123, %get3A_124] {strides = array<i32>} : memref<128x128xf32, #tpu.memory_space<vmem>>, vector<1x16xf32>,
          %get3A_126 = vector.shape_cast %get3A_125 : vector<1x16xf32> to vector<16xf32>
          %add3A_127 = arith.addf %get3A_122, %get3A_126 : vector<16xf32>
          %swap3A_128 = arith.index_cast %scan3A_78 : i32 to index
          %swap3A_129 = arith.constant 48 : index
          %swap3A_130 = tpu.vector_load %arg7[%swap3A_128, %swap3A_129] {strides = array<i32>} : memref<128x128xf32, #tpu.memory_space<vmem>>, vector<1x16xf32>,
          %swap3A_131 = vector.shape_cast %swap3A_130 : vector<1x16xf32> to vector<16xf32>
          %swap3A_132 = vector.shape_cast %add3A_127 : vector<16xf32> to vector<1x16xf32>
          tpu.vector_store %arg7[%swap3A_128, %swap3A_129], %swap3A_132 {strides = array<i32>} : memref<128x128xf32, #tpu.memory_space<vmem>>, vector<1x16xf32>,
          %get3A_133 = arith.index_cast %scan3A_78 : i32 to index
          %get3A_134 = arith.constant 64 : index
          %get3A_135 = tpu.vector_load %arg7[%get3A_133, %get3A_134] {strides = array<i32>} : memref<128x128xf32, #tpu.memory_space<vmem>>, vector<1x16xf32>,
          %get3A_136 = vector.shape_cast %get3A_135 : vector<1x16xf32> to vector<16xf32>
          %get3A_137 = arith.index_cast %scan3A_78 : i32 to index
          %get3A_138 = arith.constant 64 : index
          %get3A_139 = tpu.vector_load %arg6[%get3A_137, %get3A_138] {strides = array<i32>} : memref<128x128xf32, #tpu.memory_space<vmem>>, vector<1x16xf32>,
          %get3A_140 = vector.shape_cast %get3A_139 : vector<1x16xf32> to vector<16xf32>
          %add3A_141 = arith.addf %get3A_136, %get3A_140 : vector<16xf32>
          %swap3A_142 = arith.index_cast %scan3A_78 : i32 to index
          %swap3A_143 = arith.constant 64 : index
          %swap3A_144 = tpu.vector_load %arg7[%swap3A_142, %swap3A_143] {strides = array<i32>} : memref<128x128xf32, #tpu.memory_space<vmem>>, vector<1x16xf32>,
          %swap3A_145 = vector.shape_cast %swap3A_144 : vector<1x16xf32> to vector<16xf32>
          %swap3A_146 = vector.shape_cast %add3A_141 : vector<16xf32> to vector<1x16xf32>
          tpu.vector_store %arg7[%swap3A_142, %swap3A_143], %swap3A_146 {strides = array<i32>} : memref<128x128xf32, #tpu.memory_space<vmem>>, vector<1x16xf32>,
          %get3A_147 = arith.index_cast %scan3A_78 : i32 to index
          %get3A_148 = arith.constant 80 : index
          %get3A_149 = tpu.vector_load %arg7[%get3A_147, %get3A_148] {strides = array<i32>} : memref<128x128xf32, #tpu.memory_space<vmem>>, vector<1x16xf32>,
          %get3A_150 = vector.shape_cast %get3A_149 : vector<1x16xf32> to vector<16xf32>
          %get3A_151 = arith.index_cast %scan3A_78 : i32 to index
          %get3A_152 = arith.constant 80 : index
          %get3A_153 = tpu.vector_load %arg6[%get3A_151, %get3A_152] {strides = array<i32>} : memref<128x128xf32, #tpu.memory_space<vmem>>, vector<1x16xf32>,
          %get3A_154 = vector.shape_cast %get3A_153 : vector<1x16xf32> to vector<16xf32>
          %add3A_155 = arith.addf %get3A_150, %get3A_154 : vector<16xf32>
          %swap3A_156 = arith.index_cast %scan3A_78 : i32 to index
          %swap3A_157 = arith.constant 80 : index
          %swap3A_158 = tpu.vector_load %arg7[%swap3A_156, %swap3A_157] {strides = array<i32>} : memref<128x128xf32, #tpu.memory_space<vmem>>, vector<1x16xf32>,
          %swap3A_159 = vector.shape_cast %swap3A_158 : vector<1x16xf32> to vector<16xf32>
          %swap3A_160 = vector.shape_cast %add3A_155 : vector<16xf32> to vector<1x16xf32>
          tpu.vector_store %arg7[%swap3A_156, %swap3A_157], %swap3A_160 {strides = array<i32>} : memref<128x128xf32, #tpu.memory_space<vmem>>, vector<1x16xf32>,
          %get3A_161 = arith.index_cast %scan3A_78 : i32 to index
          %get3A_162 = arith.constant 96 : index
          %get3A_163 = tpu.vector_load %arg7[%get3A_161, %get3A_162] {strides = array<i32>} : memref<128x128xf32, #tpu.memory_space<vmem>>, vector<1x16xf32>,
          %get3A_164 = vector.shape_cast %get3A_163 : vector<1x16xf32> to vector<16xf32>
          %get3A_165 = arith.index_cast %scan3A_78 : i32 to index
          %get3A_166 = arith.constant 96 : index
          %get3A_167 = tpu.vector_load %arg6[%get3A_165, %get3A_166] {strides = array<i32>} : memref<128x128xf32, #tpu.memory_space<vmem>>, vector<1x16xf32>,
          %get3A_168 = vector.shape_cast %get3A_167 : vector<1x16xf32> to vector<16xf32>
          %add3A_169 = arith.addf %get3A_164, %get3A_168 : vector<16xf32>
          %swap3A_170 = arith.index_cast %scan3A_78 : i32 to index
          %swap3A_171 = arith.constant 96 : index
          %swap3A_172 = tpu.vector_load %arg7[%swap3A_170, %swap3A_171] {strides = array<i32>} : memref<128x128xf32, #tpu.memory_space<vmem>>, vector<1x16xf32>,
          %swap3A_173 = vector.shape_cast %swap3A_172 : vector<1x16xf32> to vector<16xf32>
          %swap3A_174 = vector.shape_cast %add3A_169 : vector<16xf32> to vector<1x16xf32>
          tpu.vector_store %arg7[%swap3A_170, %swap3A_171], %swap3A_174 {strides = array<i32>} : memref<128x128xf32, #tpu.memory_space<vmem>>, vector<1x16xf32>,
          %get3A_175 = arith.index_cast %scan3A_78 : i32 to index
          %get3A_176 = arith.constant 112 : index
          %get3A_177 = tpu.vector_load %arg7[%get3A_175, %get3A_176] {strides = array<i32>} : memref<128x128xf32, #tpu.memory_space<vmem>>, vector<1x16xf32>,
          %get3A_178 = vector.shape_cast %get3A_177 : vector<1x16xf32> to vector<16xf32>
          %get3A_179 = arith.index_cast %scan3A_78 : i32 to index
          %get3A_180 = arith.constant 112 : index
          %get3A_181 = tpu.vector_load %arg6[%get3A_179, %get3A_180] {strides = array<i32>} : memref<128x128xf32, #tpu.memory_space<vmem>>, vector<1x16xf32>,
          %get3A_182 = vector.shape_cast %get3A_181 : vector<1x16xf32> to vector<16xf32>
          %add3A_183 = arith.addf %get3A_178, %get3A_182 : vector<16xf32>
          %swap3A_184 = arith.index_cast %scan3A_78 : i32 to index
          %swap3A_185 = arith.constant 112 : index
          %swap3A_186 = tpu.vector_load %arg7[%swap3A_184, %swap3A_185] {strides = array<i32>} : memref<128x128xf32, #tpu.memory_space<vmem>>, vector<1x16xf32>,
          %swap3A_187 = vector.shape_cast %swap3A_186 : vector<1x16xf32> to vector<16xf32>
          %swap3A_188 = vector.shape_cast %add3A_183 : vector<16xf32> to vector<1x16xf32>
          tpu.vector_store %arg7[%swap3A_184, %swap3A_185], %swap3A_188 {strides = array<i32>} : memref<128x128xf32, #tpu.memory_space<vmem>>, vector<1x16xf32>,
        }
        %scan3A_69 = arith.constant 128 : i32
        %add3A_70 = arith.constant 80896 : i32
        %add3A_71 = arith.addi %add3A_70, %mul3A_13 : i32
        "tpu.region"() ({
          %run_scoped3A = tpu.sem_alloc : memref<!tpu.dma_semaphore, #tpu.memory_space<semaphore_mem>>
          %dma_start3A = tpu.memref_slice %arg2[%add3A_71] : memref<91008xi32, #tpu.memory_space<hbm>> -> memref<128xi32, #tpu.memory_space<hbm>>
          %dma_start3A_78 = tpu.memref_slice %arg2[%add3A_71] : memref<91008xi32, #tpu.memory_space<hbm>> -> memref<128xi32, #tpu.memory_space<hbm>>
          tpu.enqueue_dma source(%dma_start3A_78 : memref<128xi32, #tpu.memory_space<hbm>>) target(%arg5 : memref<128xi32, #tpu.memory_space<vmem>>) target_semaphore(%run_scoped3A : memref<!tpu.dma_semaphore, #tpu.memory_space<semaphore_mem>>)
          %dma_wait3A = tpu.memref_slice %arg2[%add3A_71] : memref<91008xi32, #tpu.memory_space<hbm>> -> memref<128xi32, #tpu.memory_space<hbm>>
          %dma_wait3A_79 = tpu.memref_slice %arg2[%add3A_71] : memref<91008xi32, #tpu.memory_space<hbm>> -> memref<128xi32, #tpu.memory_space<hbm>>
          tpu.wait_dma2 semaphore(%run_scoped3A : memref<!tpu.dma_semaphore, #tpu.memory_space<semaphore_mem>>) src(%dma_wait3A_79 : memref<128xi32, #tpu.memory_space<hbm>>) dst(%arg5 : memref<128xi32, #tpu.memory_space<vmem>>)
          tpu.yield
        }) : () -> ()
        "tpu.region"() ({
          %run_scoped3A = tpu.sem_alloc : memref<!tpu.dma_semaphore, #tpu.memory_space<semaphore_mem>>
          %dma_start3A = arith.constant 0 : i32
          %dma_start3A_78 = arith.constant 0 : i32
          %dma_start3A_79 = tpu.memref_slice %arg3[%dma_start3A, %dma_start3A_78] : memref<1116x128xf32, #tpu.memory_space<hbm>> -> memref<1116x128xf32, #tpu.memory_space<hbm>>
          tpu.enqueue_indirect_dma source(%dma_start3A_79 : memref<1116x128xf32, #tpu.memory_space<hbm>>) target(%arg6 : memref<128x128xf32, #tpu.memory_space<vmem>>) offsets(%arg5 : memref<128xi32, #tpu.memory_space<vmem>>) semaphore(%run_scoped3A : memref<!tpu.dma_semaphore, #tpu.memory_space<semaphore_mem>>)
          %dma_wait3A = arith.constant 0 : i32
          %dma_wait3A_80 = arith.constant 0 : i32
          %dma_wait3A_81 = tpu.memref_slice %arg3[%dma_wait3A, %dma_wait3A_80] : memref<1116x128xf32, #tpu.memory_space<hbm>> -> memref<1116x128xf32, #tpu.memory_space<hbm>>
          tpu.wait_indirect_dma semaphore(%run_scoped3A : memref<!tpu.dma_semaphore, #tpu.memory_space<semaphore_mem>>) src(%dma_wait3A_81 : memref<1116x128xf32, #tpu.memory_space<hbm>>) dst(%arg6 : memref<128x128xf32, #tpu.memory_space<vmem>>)
          tpu.yield
        }) : () -> ()
        %scan3A_72 = arith.constant 0 : i32
        %scan3A_73 = arith.constant 0 : i32
        %scan3A_74 = arith.constant 128 : i32
        %scan3A_75 = arith.addi %scan3A_73, %scan3A_74 : i32
        %scan3A_76 = arith.constant 1 : i32
        scf.for %scan3A_78 = %scan3A_73 to %scan3A_75 step %scan3A_76  : i32 {
          %get3A = arith.index_cast %scan3A_78 : i32 to index
          %get3A_79 = arith.constant 0 : index
          %get3A_80 = tpu.vector_load %arg7[%get3A, %get3A_79] {strides = array<i32>} : memref<128x128xf32, #tpu.memory_space<vmem>>, vector<1x16xf32>,
          %get3A_81 = vector.shape_cast %get3A_80 : vector<1x16xf32> to vector<16xf32>
          %get3A_82 = arith.index_cast %scan3A_78 : i32 to index
          %get3A_83 = arith.constant 0 : index
          %get3A_84 = tpu.vector_load %arg6[%get3A_82, %get3A_83] {strides = array<i32>} : memref<128x128xf32, #tpu.memory_space<vmem>>, vector<1x16xf32>,
          %get3A_85 = vector.shape_cast %get3A_84 : vector<1x16xf32> to vector<16xf32>
          %add3A_86 = arith.addf %get3A_81, %get3A_85 : vector<16xf32>
          %swap3A = arith.index_cast %scan3A_78 : i32 to index
          %swap3A_87 = arith.constant 0 : index
          %swap3A_88 = tpu.vector_load %arg7[%swap3A, %swap3A_87] {strides = array<i32>} : memref<128x128xf32, #tpu.memory_space<vmem>>, vector<1x16xf32>,
          %swap3A_89 = vector.shape_cast %swap3A_88 : vector<1x16xf32> to vector<16xf32>
          %swap3A_90 = vector.shape_cast %add3A_86 : vector<16xf32> to vector<1x16xf32>
          tpu.vector_store %arg7[%swap3A, %swap3A_87], %swap3A_90 {strides = array<i32>} : memref<128x128xf32, #tpu.memory_space<vmem>>, vector<1x16xf32>,
          %get3A_91 = arith.index_cast %scan3A_78 : i32 to index
          %get3A_92 = arith.constant 16 : index
          %get3A_93 = tpu.vector_load %arg7[%get3A_91, %get3A_92] {strides = array<i32>} : memref<128x128xf32, #tpu.memory_space<vmem>>, vector<1x16xf32>,
          %get3A_94 = vector.shape_cast %get3A_93 : vector<1x16xf32> to vector<16xf32>
          %get3A_95 = arith.index_cast %scan3A_78 : i32 to index
          %get3A_96 = arith.constant 16 : index
          %get3A_97 = tpu.vector_load %arg6[%get3A_95, %get3A_96] {strides = array<i32>} : memref<128x128xf32, #tpu.memory_space<vmem>>, vector<1x16xf32>,
          %get3A_98 = vector.shape_cast %get3A_97 : vector<1x16xf32> to vector<16xf32>
          %add3A_99 = arith.addf %get3A_94, %get3A_98 : vector<16xf32>
          %swap3A_100 = arith.index_cast %scan3A_78 : i32 to index
          %swap3A_101 = arith.constant 16 : index
          %swap3A_102 = tpu.vector_load %arg7[%swap3A_100, %swap3A_101] {strides = array<i32>} : memref<128x128xf32, #tpu.memory_space<vmem>>, vector<1x16xf32>,
          %swap3A_103 = vector.shape_cast %swap3A_102 : vector<1x16xf32> to vector<16xf32>
          %swap3A_104 = vector.shape_cast %add3A_99 : vector<16xf32> to vector<1x16xf32>
          tpu.vector_store %arg7[%swap3A_100, %swap3A_101], %swap3A_104 {strides = array<i32>} : memref<128x128xf32, #tpu.memory_space<vmem>>, vector<1x16xf32>,
          %get3A_105 = arith.index_cast %scan3A_78 : i32 to index
          %get3A_106 = arith.constant 32 : index
          %get3A_107 = tpu.vector_load %arg7[%get3A_105, %get3A_106] {strides = array<i32>} : memref<128x128xf32, #tpu.memory_space<vmem>>, vector<1x16xf32>,
          %get3A_108 = vector.shape_cast %get3A_107 : vector<1x16xf32> to vector<16xf32>
          %get3A_109 = arith.index_cast %scan3A_78 : i32 to index
          %get3A_110 = arith.constant 32 : index
          %get3A_111 = tpu.vector_load %arg6[%get3A_109, %get3A_110] {strides = array<i32>} : memref<128x128xf32, #tpu.memory_space<vmem>>, vector<1x16xf32>,
          %get3A_112 = vector.shape_cast %get3A_111 : vector<1x16xf32> to vector<16xf32>
          %add3A_113 = arith.addf %get3A_108, %get3A_112 : vector<16xf32>
          %swap3A_114 = arith.index_cast %scan3A_78 : i32 to index
          %swap3A_115 = arith.constant 32 : index
          %swap3A_116 = tpu.vector_load %arg7[%swap3A_114, %swap3A_115] {strides = array<i32>} : memref<128x128xf32, #tpu.memory_space<vmem>>, vector<1x16xf32>,
          %swap3A_117 = vector.shape_cast %swap3A_116 : vector<1x16xf32> to vector<16xf32>
          %swap3A_118 = vector.shape_cast %add3A_113 : vector<16xf32> to vector<1x16xf32>
          tpu.vector_store %arg7[%swap3A_114, %swap3A_115], %swap3A_118 {strides = array<i32>} : memref<128x128xf32, #tpu.memory_space<vmem>>, vector<1x16xf32>,
          %get3A_119 = arith.index_cast %scan3A_78 : i32 to index
          %get3A_120 = arith.constant 48 : index
          %get3A_121 = tpu.vector_load %arg7[%get3A_119, %get3A_120] {strides = array<i32>} : memref<128x128xf32, #tpu.memory_space<vmem>>, vector<1x16xf32>,
          %get3A_122 = vector.shape_cast %get3A_121 : vector<1x16xf32> to vector<16xf32>
          %get3A_123 = arith.index_cast %scan3A_78 : i32 to index
          %get3A_124 = arith.constant 48 : index
          %get3A_125 = tpu.vector_load %arg6[%get3A_123, %get3A_124] {strides = array<i32>} : memref<128x128xf32, #tpu.memory_space<vmem>>, vector<1x16xf32>,
          %get3A_126 = vector.shape_cast %get3A_125 : vector<1x16xf32> to vector<16xf32>
          %add3A_127 = arith.addf %get3A_122, %get3A_126 : vector<16xf32>
          %swap3A_128 = arith.index_cast %scan3A_78 : i32 to index
          %swap3A_129 = arith.constant 48 : index
          %swap3A_130 = tpu.vector_load %arg7[%swap3A_128, %swap3A_129] {strides = array<i32>} : memref<128x128xf32, #tpu.memory_space<vmem>>, vector<1x16xf32>,
          %swap3A_131 = vector.shape_cast %swap3A_130 : vector<1x16xf32> to vector<16xf32>
          %swap3A_132 = vector.shape_cast %add3A_127 : vector<16xf32> to vector<1x16xf32>
          tpu.vector_store %arg7[%swap3A_128, %swap3A_129], %swap3A_132 {strides = array<i32>} : memref<128x128xf32, #tpu.memory_space<vmem>>, vector<1x16xf32>,
          %get3A_133 = arith.index_cast %scan3A_78 : i32 to index
          %get3A_134 = arith.constant 64 : index
          %get3A_135 = tpu.vector_load %arg7[%get3A_133, %get3A_134] {strides = array<i32>} : memref<128x128xf32, #tpu.memory_space<vmem>>, vector<1x16xf32>,
          %get3A_136 = vector.shape_cast %get3A_135 : vector<1x16xf32> to vector<16xf32>
          %get3A_137 = arith.index_cast %scan3A_78 : i32 to index
          %get3A_138 = arith.constant 64 : index
          %get3A_139 = tpu.vector_load %arg6[%get3A_137, %get3A_138] {strides = array<i32>} : memref<128x128xf32, #tpu.memory_space<vmem>>, vector<1x16xf32>,
          %get3A_140 = vector.shape_cast %get3A_139 : vector<1x16xf32> to vector<16xf32>
          %add3A_141 = arith.addf %get3A_136, %get3A_140 : vector<16xf32>
          %swap3A_142 = arith.index_cast %scan3A_78 : i32 to index
          %swap3A_143 = arith.constant 64 : index
          %swap3A_144 = tpu.vector_load %arg7[%swap3A_142, %swap3A_143] {strides = array<i32>} : memref<128x128xf32, #tpu.memory_space<vmem>>, vector<1x16xf32>,
          %swap3A_145 = vector.shape_cast %swap3A_144 : vector<1x16xf32> to vector<16xf32>
          %swap3A_146 = vector.shape_cast %add3A_141 : vector<16xf32> to vector<1x16xf32>
          tpu.vector_store %arg7[%swap3A_142, %swap3A_143], %swap3A_146 {strides = array<i32>} : memref<128x128xf32, #tpu.memory_space<vmem>>, vector<1x16xf32>,
          %get3A_147 = arith.index_cast %scan3A_78 : i32 to index
          %get3A_148 = arith.constant 80 : index
          %get3A_149 = tpu.vector_load %arg7[%get3A_147, %get3A_148] {strides = array<i32>} : memref<128x128xf32, #tpu.memory_space<vmem>>, vector<1x16xf32>,
          %get3A_150 = vector.shape_cast %get3A_149 : vector<1x16xf32> to vector<16xf32>
          %get3A_151 = arith.index_cast %scan3A_78 : i32 to index
          %get3A_152 = arith.constant 80 : index
          %get3A_153 = tpu.vector_load %arg6[%get3A_151, %get3A_152] {strides = array<i32>} : memref<128x128xf32, #tpu.memory_space<vmem>>, vector<1x16xf32>,
          %get3A_154 = vector.shape_cast %get3A_153 : vector<1x16xf32> to vector<16xf32>
          %add3A_155 = arith.addf %get3A_150, %get3A_154 : vector<16xf32>
          %swap3A_156 = arith.index_cast %scan3A_78 : i32 to index
          %swap3A_157 = arith.constant 80 : index
          %swap3A_158 = tpu.vector_load %arg7[%swap3A_156, %swap3A_157] {strides = array<i32>} : memref<128x128xf32, #tpu.memory_space<vmem>>, vector<1x16xf32>,
          %swap3A_159 = vector.shape_cast %swap3A_158 : vector<1x16xf32> to vector<16xf32>
          %swap3A_160 = vector.shape_cast %add3A_155 : vector<16xf32> to vector<1x16xf32>
          tpu.vector_store %arg7[%swap3A_156, %swap3A_157], %swap3A_160 {strides = array<i32>} : memref<128x128xf32, #tpu.memory_space<vmem>>, vector<1x16xf32>,
          %get3A_161 = arith.index_cast %scan3A_78 : i32 to index
          %get3A_162 = arith.constant 96 : index
          %get3A_163 = tpu.vector_load %arg7[%get3A_161, %get3A_162] {strides = array<i32>} : memref<128x128xf32, #tpu.memory_space<vmem>>, vector<1x16xf32>,
          %get3A_164 = vector.shape_cast %get3A_163 : vector<1x16xf32> to vector<16xf32>
          %get3A_165 = arith.index_cast %scan3A_78 : i32 to index
          %get3A_166 = arith.constant 96 : index
          %get3A_167 = tpu.vector_load %arg6[%get3A_165, %get3A_166] {strides = array<i32>} : memref<128x128xf32, #tpu.memory_space<vmem>>, vector<1x16xf32>,
          %get3A_168 = vector.shape_cast %get3A_167 : vector<1x16xf32> to vector<16xf32>
          %add3A_169 = arith.addf %get3A_164, %get3A_168 : vector<16xf32>
          %swap3A_170 = arith.index_cast %scan3A_78 : i32 to index
          %swap3A_171 = arith.constant 96 : index
          %swap3A_172 = tpu.vector_load %arg7[%swap3A_170, %swap3A_171] {strides = array<i32>} : memref<128x128xf32, #tpu.memory_space<vmem>>, vector<1x16xf32>,
          %swap3A_173 = vector.shape_cast %swap3A_172 : vector<1x16xf32> to vector<16xf32>
          %swap3A_174 = vector.shape_cast %add3A_169 : vector<16xf32> to vector<1x16xf32>
          tpu.vector_store %arg7[%swap3A_170, %swap3A_171], %swap3A_174 {strides = array<i32>} : memref<128x128xf32, #tpu.memory_space<vmem>>, vector<1x16xf32>,
          %get3A_175 = arith.index_cast %scan3A_78 : i32 to index
          %get3A_176 = arith.constant 112 : index
          %get3A_177 = tpu.vector_load %arg7[%get3A_175, %get3A_176] {strides = array<i32>} : memref<128x128xf32, #tpu.memory_space<vmem>>, vector<1x16xf32>,
          %get3A_178 = vector.shape_cast %get3A_177 : vector<1x16xf32> to vector<16xf32>
          %get3A_179 = arith.index_cast %scan3A_78 : i32 to index
          %get3A_180 = arith.constant 112 : index
          %get3A_181 = tpu.vector_load %arg6[%get3A_179, %get3A_180] {strides = array<i32>} : memref<128x128xf32, #tpu.memory_space<vmem>>, vector<1x16xf32>,
          %get3A_182 = vector.shape_cast %get3A_181 : vector<1x16xf32> to vector<16xf32>
          %add3A_183 = arith.addf %get3A_178, %get3A_182 : vector<16xf32>
          %swap3A_184 = arith.index_cast %scan3A_78 : i32 to index
          %swap3A_185 = arith.constant 112 : index
          %swap3A_186 = tpu.vector_load %arg7[%swap3A_184, %swap3A_185] {strides = array<i32>} : memref<128x128xf32, #tpu.memory_space<vmem>>, vector<1x16xf32>,
          %swap3A_187 = vector.shape_cast %swap3A_186 : vector<1x16xf32> to vector<16xf32>
          %swap3A_188 = vector.shape_cast %add3A_183 : vector<16xf32> to vector<1x16xf32>
          tpu.vector_store %arg7[%swap3A_184, %swap3A_185], %swap3A_188 {strides = array<i32>} : memref<128x128xf32, #tpu.memory_space<vmem>>, vector<1x16xf32>,
        }
        %scan3A_77 = arith.constant 128 : i32
        "tpu.region"() ({
          %run_scoped3A = tpu.sem_alloc : memref<!tpu.dma_semaphore, #tpu.memory_space<semaphore_mem>>
          %dma_start3A = arith.constant 0 : i32
          %dma_start3A_78 = tpu.memref_slice %arg4[%mul3A_13, %dma_start3A] : memref<10112x128xf32, #tpu.memory_space<hbm>> -> memref<128x128xf32, #tpu.memory_space<hbm>>
          %dma_start3A_79 = arith.constant 0 : i32
          %dma_start3A_80 = tpu.memref_slice %arg4[%mul3A_13, %dma_start3A_79] : memref<10112x128xf32, #tpu.memory_space<hbm>> -> memref<128x128xf32, #tpu.memory_space<hbm>>
          tpu.enqueue_dma source(%arg7 : memref<128x128xf32, #tpu.memory_space<vmem>>) target(%dma_start3A_80 : memref<128x128xf32, #tpu.memory_space<hbm>>) target_semaphore(%run_scoped3A : memref<!tpu.dma_semaphore, #tpu.memory_space<semaphore_mem>>)
          %dma_wait3A = arith.constant 0 : i32
          %dma_wait3A_81 = tpu.memref_slice %arg4[%mul3A_13, %dma_wait3A] : memref<10112x128xf32, #tpu.memory_space<hbm>> -> memref<128x128xf32, #tpu.memory_space<hbm>>
          %dma_wait3A_82 = arith.constant 0 : i32
          %dma_wait3A_83 = tpu.memref_slice %arg4[%mul3A_13, %dma_wait3A_82] : memref<10112x128xf32, #tpu.memory_space<hbm>> -> memref<128x128xf32, #tpu.memory_space<hbm>>
          tpu.wait_dma2 semaphore(%run_scoped3A : memref<!tpu.dma_semaphore, #tpu.memory_space<semaphore_mem>>) src(%arg7 : memref<128x128xf32, #tpu.memory_space<vmem>>) dst(%dma_wait3A_83 : memref<128x128xf32, #tpu.memory_space<hbm>>)
          tpu.yield
        }) : () -> ()
      } else {
      }
    }
    %scan3A_5 = arith.constant 3 : i32
    return
  }
}

#map = affine_map<(d0, d1) -> (0, 0)>
#map1 = affine_map<(d0, d1) -> (0)>
#map2 = affine_map<(d0, d1) -> (0, 0, 0)>
module attributes {stable_mosaic.version = 14 : i64} {
  func.func @_edge_aggregate_sc(%arg0: i32, %arg1: i32, %arg2: memref<10000x128xf32, #tpu.memory_space<hbm>>, %arg3: memref<32768x128xf32, #tpu.memory_space<hbm>>, %arg4: memref<320000xi32, #tpu.memory_space<hbm>>, %arg5: memref<320000xi32, #tpu.memory_space<hbm>>, %arg6: memref<320000xi32, #tpu.memory_space<hbm>>, %arg7: memref<2x10000x128xf32, #tpu.memory_space<hbm>>, %arg8: memref<128xi32, #tpu.memory_space<vmem>>, %arg9: memref<128xi32, #tpu.memory_space<vmem>>, %arg10: memref<128xi32, #tpu.memory_space<vmem>>, %arg11: memref<128x128xf32, #tpu.memory_space<vmem>>, %arg12: memref<128x128xf32, #tpu.memory_space<vmem>>, %arg13: memref<128x128xf32, #tpu.memory_space<vmem>>, %arg14: memref<10000x128xf32, #tpu.memory_space<vmem_shared>>) attributes {dimension_semantics = [#tpu.dimension_semantics<core_parallel>, #tpu.dimension_semantics<subcore_parallel>], iteration_bounds = array<i64: 2, 16>, scalar_prefetch = 0 : i64, scratch_operands = 7 : i64, tpu.core_type = #tpu.core_type<sc_vector_subcore>, window_params = [{transform_indices = #map}, {transform_indices = #map}, {transform_indices = #map1}, {transform_indices = #map1}, {transform_indices = #map1}, {transform_indices = #map2}]} {
    %mul3A = arith.constant 2 : i32
    %mul3A_0 = arith.muli %arg1, %mul3A : i32
    %add3A = arith.addi %mul3A_0, %arg0 : i32
    %scan3A = arith.constant 0 : i32
    %scan3A_1 = arith.constant 0 : i32
    %scan3A_2 = arith.constant 128 : i32
    %scan3A_3 = arith.addi %scan3A_1, %scan3A_2 : i32
    %scan3A_4 = arith.constant 1 : i32
    scf.for %scan3A_32 = %scan3A_1 to %scan3A_3 step %scan3A_4  : i32 {
      %broadcast_in_dim3A = arith.constant 0.000000e+00 : f32
      %broadcast_in_dim3A_33 = vector.broadcast %broadcast_in_dim3A : f32 to vector<16xf32>
      %swap3A = arith.index_cast %scan3A_32 : i32 to index
      %swap3A_34 = arith.constant 0 : index
      %swap3A_35 = tpu.vector_load %arg13[%swap3A, %swap3A_34] {strides = array<i32>} : memref<128x128xf32, #tpu.memory_space<vmem>>, vector<1x16xf32>,
      %swap3A_36 = vector.shape_cast %swap3A_35 : vector<1x16xf32> to vector<16xf32>
      %swap3A_37 = vector.shape_cast %broadcast_in_dim3A_33 : vector<16xf32> to vector<1x16xf32>
      tpu.vector_store %arg13[%swap3A, %swap3A_34], %swap3A_37 {strides = array<i32>} : memref<128x128xf32, #tpu.memory_space<vmem>>, vector<1x16xf32>,
      %broadcast_in_dim3A_38 = arith.constant 0.000000e+00 : f32
      %broadcast_in_dim3A_39 = vector.broadcast %broadcast_in_dim3A_38 : f32 to vector<16xf32>
      %swap3A_40 = arith.index_cast %scan3A_32 : i32 to index
      %swap3A_41 = arith.constant 16 : index
      %swap3A_42 = tpu.vector_load %arg13[%swap3A_40, %swap3A_41] {strides = array<i32>} : memref<128x128xf32, #tpu.memory_space<vmem>>, vector<1x16xf32>,
      %swap3A_43 = vector.shape_cast %swap3A_42 : vector<1x16xf32> to vector<16xf32>
      %swap3A_44 = vector.shape_cast %broadcast_in_dim3A_39 : vector<16xf32> to vector<1x16xf32>
      tpu.vector_store %arg13[%swap3A_40, %swap3A_41], %swap3A_44 {strides = array<i32>} : memref<128x128xf32, #tpu.memory_space<vmem>>, vector<1x16xf32>,
      %broadcast_in_dim3A_45 = arith.constant 0.000000e+00 : f32
      %broadcast_in_dim3A_46 = vector.broadcast %broadcast_in_dim3A_45 : f32 to vector<16xf32>
      %swap3A_47 = arith.index_cast %scan3A_32 : i32 to index
      %swap3A_48 = arith.constant 32 : index
      %swap3A_49 = tpu.vector_load %arg13[%swap3A_47, %swap3A_48] {strides = array<i32>} : memref<128x128xf32, #tpu.memory_space<vmem>>, vector<1x16xf32>,
      %swap3A_50 = vector.shape_cast %swap3A_49 : vector<1x16xf32> to vector<16xf32>
      %swap3A_51 = vector.shape_cast %broadcast_in_dim3A_46 : vector<16xf32> to vector<1x16xf32>
      tpu.vector_store %arg13[%swap3A_47, %swap3A_48], %swap3A_51 {strides = array<i32>} : memref<128x128xf32, #tpu.memory_space<vmem>>, vector<1x16xf32>,
      %broadcast_in_dim3A_52 = arith.constant 0.000000e+00 : f32
      %broadcast_in_dim3A_53 = vector.broadcast %broadcast_in_dim3A_52 : f32 to vector<16xf32>
      %swap3A_54 = arith.index_cast %scan3A_32 : i32 to index
      %swap3A_55 = arith.constant 48 : index
      %swap3A_56 = tpu.vector_load %arg13[%swap3A_54, %swap3A_55] {strides = array<i32>} : memref<128x128xf32, #tpu.memory_space<vmem>>, vector<1x16xf32>,
      %swap3A_57 = vector.shape_cast %swap3A_56 : vector<1x16xf32> to vector<16xf32>
      %swap3A_58 = vector.shape_cast %broadcast_in_dim3A_53 : vector<16xf32> to vector<1x16xf32>
      tpu.vector_store %arg13[%swap3A_54, %swap3A_55], %swap3A_58 {strides = array<i32>} : memref<128x128xf32, #tpu.memory_space<vmem>>, vector<1x16xf32>,
      %broadcast_in_dim3A_59 = arith.constant 0.000000e+00 : f32
      %broadcast_in_dim3A_60 = vector.broadcast %broadcast_in_dim3A_59 : f32 to vector<16xf32>
      %swap3A_61 = arith.index_cast %scan3A_32 : i32 to index
      %swap3A_62 = arith.constant 64 : index
      %swap3A_63 = tpu.vector_load %arg13[%swap3A_61, %swap3A_62] {strides = array<i32>} : memref<128x128xf32, #tpu.memory_space<vmem>>, vector<1x16xf32>,
      %swap3A_64 = vector.shape_cast %swap3A_63 : vector<1x16xf32> to vector<16xf32>
      %swap3A_65 = vector.shape_cast %broadcast_in_dim3A_60 : vector<16xf32> to vector<1x16xf32>
      tpu.vector_store %arg13[%swap3A_61, %swap3A_62], %swap3A_65 {strides = array<i32>} : memref<128x128xf32, #tpu.memory_space<vmem>>, vector<1x16xf32>,
      %broadcast_in_dim3A_66 = arith.constant 0.000000e+00 : f32
      %broadcast_in_dim3A_67 = vector.broadcast %broadcast_in_dim3A_66 : f32 to vector<16xf32>
      %swap3A_68 = arith.index_cast %scan3A_32 : i32 to index
      %swap3A_69 = arith.constant 80 : index
      %swap3A_70 = tpu.vector_load %arg13[%swap3A_68, %swap3A_69] {strides = array<i32>} : memref<128x128xf32, #tpu.memory_space<vmem>>, vector<1x16xf32>,
      %swap3A_71 = vector.shape_cast %swap3A_70 : vector<1x16xf32> to vector<16xf32>
      %swap3A_72 = vector.shape_cast %broadcast_in_dim3A_67 : vector<16xf32> to vector<1x16xf32>
      tpu.vector_store %arg13[%swap3A_68, %swap3A_69], %swap3A_72 {strides = array<i32>} : memref<128x128xf32, #tpu.memory_space<vmem>>, vector<1x16xf32>,
      %broadcast_in_dim3A_73 = arith.constant 0.000000e+00 : f32
      %broadcast_in_dim3A_74 = vector.broadcast %broadcast_in_dim3A_73 : f32 to vector<16xf32>
      %swap3A_75 = arith.index_cast %scan3A_32 : i32 to index
      %swap3A_76 = arith.constant 96 : index
      %swap3A_77 = tpu.vector_load %arg13[%swap3A_75, %swap3A_76] {strides = array<i32>} : memref<128x128xf32, #tpu.memory_space<vmem>>, vector<1x16xf32>,
      %swap3A_78 = vector.shape_cast %swap3A_77 : vector<1x16xf32> to vector<16xf32>
      %swap3A_79 = vector.shape_cast %broadcast_in_dim3A_74 : vector<16xf32> to vector<1x16xf32>
      tpu.vector_store %arg13[%swap3A_75, %swap3A_76], %swap3A_79 {strides = array<i32>} : memref<128x128xf32, #tpu.memory_space<vmem>>, vector<1x16xf32>,
      %broadcast_in_dim3A_80 = arith.constant 0.000000e+00 : f32
      %broadcast_in_dim3A_81 = vector.broadcast %broadcast_in_dim3A_80 : f32 to vector<16xf32>
      %swap3A_82 = arith.index_cast %scan3A_32 : i32 to index
      %swap3A_83 = arith.constant 112 : index
      %swap3A_84 = tpu.vector_load %arg13[%swap3A_82, %swap3A_83] {strides = array<i32>} : memref<128x128xf32, #tpu.memory_space<vmem>>, vector<1x16xf32>,
      %swap3A_85 = vector.shape_cast %swap3A_84 : vector<1x16xf32> to vector<16xf32>
      %swap3A_86 = vector.shape_cast %broadcast_in_dim3A_81 : vector<16xf32> to vector<1x16xf32>
      tpu.vector_store %arg13[%swap3A_82, %swap3A_83], %swap3A_86 {strides = array<i32>} : memref<128x128xf32, #tpu.memory_space<vmem>>, vector<1x16xf32>,
    }
    %scan3A_5 = arith.constant 128 : i32
    %scan3A_6 = arith.constant 0 : i32
    %scan3A_7 = arith.constant 0 : i32
    %scan3A_8 = arith.constant 5 : i32
    %scan3A_9 = arith.addi %scan3A_7, %scan3A_8 : i32
    %scan3A_10 = arith.constant 1 : i32
    scf.for %scan3A_32 = %scan3A_7 to %scan3A_9 step %scan3A_10  : i32 {
      %mul3A_33 = arith.constant 16 : i32
      %mul3A_34 = arith.muli %mul3A_33, %scan3A_32 : i32
      %add3A_35 = arith.addi %arg1, %mul3A_34 : i32
      %lt3A = arith.constant 78 : i32
      %lt3A_36 = arith.cmpi slt, %add3A_35, %lt3A : i32
      %convert_element_type3A_37 = arith.extui %lt3A_36 : i1 to i32
      %cond3A_38 = arith.constant 0 : i32
      %cond3A_39 = arith.cmpi ne, %convert_element_type3A_37, %cond3A_38 : i32
      scf.if %cond3A_39 {
        %mul3A_40 = arith.constant 128 : i32
        %mul3A_41 = arith.muli %add3A_35, %mul3A_40 : i32
        "tpu.region"() ({
          %run_scoped3A = tpu.sem_alloc : memref<!tpu.dma_semaphore, #tpu.memory_space<semaphore_mem>>
          %dma_start3A = arith.constant 0 : i32
          %dma_start3A_42 = tpu.memref_slice %arg14[%mul3A_41, %dma_start3A] : memref<10000x128xf32, #tpu.memory_space<vmem_shared>> -> memref<128x128xf32, #tpu.memory_space<vmem_shared>>
          %dma_start3A_43 = arith.constant 0 : i32
          %dma_start3A_44 = tpu.memref_slice %arg14[%mul3A_41, %dma_start3A_43] : memref<10000x128xf32, #tpu.memory_space<vmem_shared>> -> memref<128x128xf32, #tpu.memory_space<vmem_shared>>
          tpu.enqueue_dma source(%arg13 : memref<128x128xf32, #tpu.memory_space<vmem>>) target(%dma_start3A_44 : memref<128x128xf32, #tpu.memory_space<vmem_shared>>) target_semaphore(%run_scoped3A : memref<!tpu.dma_semaphore, #tpu.memory_space<semaphore_mem>>)
          %dma_wait3A = arith.constant 0 : i32
          %dma_wait3A_45 = tpu.memref_slice %arg14[%mul3A_41, %dma_wait3A] : memref<10000x128xf32, #tpu.memory_space<vmem_shared>> -> memref<128x128xf32, #tpu.memory_space<vmem_shared>>
          %dma_wait3A_46 = arith.constant 0 : i32
          %dma_wait3A_47 = tpu.memref_slice %arg14[%mul3A_41, %dma_wait3A_46] : memref<10000x128xf32, #tpu.memory_space<vmem_shared>> -> memref<128x128xf32, #tpu.memory_space<vmem_shared>>
          tpu.wait_dma2 semaphore(%run_scoped3A : memref<!tpu.dma_semaphore, #tpu.memory_space<semaphore_mem>>) src(%arg13 : memref<128x128xf32, #tpu.memory_space<vmem>>) dst(%dma_wait3A_47 : memref<128x128xf32, #tpu.memory_space<vmem_shared>>)
          tpu.yield
        }) : () -> ()
      } else {
      }
    }
    %scan3A_11 = arith.constant 5 : i32
    %eq3A = arith.constant 0 : i32
    %eq3A_12 = arith.cmpi eq, %arg1, %eq3A : i32
    %convert_element_type3A = arith.extui %eq3A_12 : i1 to i32
    %cond3A = arith.constant 0 : i32
    %cond3A_13 = arith.cmpi ne, %convert_element_type3A, %cond3A : i32
    scf.if %cond3A_13 {
      "tpu.region"() ({
        %run_scoped3A = tpu.sem_alloc : memref<!tpu.dma_semaphore, #tpu.memory_space<semaphore_mem>>
        %dma_start3A = arith.constant 0 : i32
        %dma_start3A_32 = arith.constant 0 : i32
        %dma_start3A_33 = tpu.memref_slice %arg13[%dma_start3A, %dma_start3A_32] : memref<128x128xf32, #tpu.memory_space<vmem>> -> memref<16x128xf32, #tpu.memory_space<vmem>>
        %dma_start3A_34 = arith.constant 9984 : i32
        %dma_start3A_35 = arith.constant 0 : i32
        %dma_start3A_36 = tpu.memref_slice %arg14[%dma_start3A_34, %dma_start3A_35] : memref<10000x128xf32, #tpu.memory_space<vmem_shared>> -> memref<16x128xf32, #tpu.memory_space<vmem_shared>>
        %dma_start3A_37 = arith.constant 9984 : i32
        %dma_start3A_38 = arith.constant 0 : i32
        %dma_start3A_39 = tpu.memref_slice %arg14[%dma_start3A_37, %dma_start3A_38] : memref<10000x128xf32, #tpu.memory_space<vmem_shared>> -> memref<16x128xf32, #tpu.memory_space<vmem_shared>>
        %dma_start3A_40 = arith.constant 0 : i32
        %dma_start3A_41 = arith.constant 0 : i32
        %dma_start3A_42 = tpu.memref_slice %arg13[%dma_start3A_40, %dma_start3A_41] : memref<128x128xf32, #tpu.memory_space<vmem>> -> memref<16x128xf32, #tpu.memory_space<vmem>>
        tpu.enqueue_dma source(%dma_start3A_42 : memref<16x128xf32, #tpu.memory_space<vmem>>) target(%dma_start3A_39 : memref<16x128xf32, #tpu.memory_space<vmem_shared>>) target_semaphore(%run_scoped3A : memref<!tpu.dma_semaphore, #tpu.memory_space<semaphore_mem>>)
        %dma_wait3A = arith.constant 0 : i32
        %dma_wait3A_43 = arith.constant 0 : i32
        %dma_wait3A_44 = tpu.memref_slice %arg13[%dma_wait3A, %dma_wait3A_43] : memref<128x128xf32, #tpu.memory_space<vmem>> -> memref<16x128xf32, #tpu.memory_space<vmem>>
        %dma_wait3A_45 = arith.constant 9984 : i32
        %dma_wait3A_46 = arith.constant 0 : i32
        %dma_wait3A_47 = tpu.memref_slice %arg14[%dma_wait3A_45, %dma_wait3A_46] : memref<10000x128xf32, #tpu.memory_space<vmem_shared>> -> memref<16x128xf32, #tpu.memory_space<vmem_shared>>
        %dma_wait3A_48 = arith.constant 9984 : i32
        %dma_wait3A_49 = arith.constant 0 : i32
        %dma_wait3A_50 = tpu.memref_slice %arg14[%dma_wait3A_48, %dma_wait3A_49] : memref<10000x128xf32, #tpu.memory_space<vmem_shared>> -> memref<16x128xf32, #tpu.memory_space<vmem_shared>>
        %dma_wait3A_51 = arith.constant 0 : i32
        %dma_wait3A_52 = arith.constant 0 : i32
        %dma_wait3A_53 = tpu.memref_slice %arg13[%dma_wait3A_51, %dma_wait3A_52] : memref<128x128xf32, #tpu.memory_space<vmem>> -> memref<16x128xf32, #tpu.memory_space<vmem>>
        tpu.wait_dma2 semaphore(%run_scoped3A : memref<!tpu.dma_semaphore, #tpu.memory_space<semaphore_mem>>) src(%dma_wait3A_53 : memref<16x128xf32, #tpu.memory_space<vmem>>) dst(%dma_wait3A_50 : memref<16x128xf32, #tpu.memory_space<vmem_shared>>)
        tpu.yield
      }) : () -> ()
    } else {
    }
    %barrier3A = arith.constant 0 : index
    tpu.barrier barrier_id(%barrier3A)
    %scan3A_14 = arith.constant 0 : i32
    %scan3A_15 = arith.constant 0 : i32
    %scan3A_16 = arith.constant 79 : i32
    %scan3A_17 = arith.addi %scan3A_15, %scan3A_16 : i32
    %scan3A_18 = arith.constant 1 : i32
    scf.for %scan3A_32 = %scan3A_15 to %scan3A_17 step %scan3A_18  : i32 {
      %mul3A_33 = arith.constant 32 : i32
      %mul3A_34 = arith.muli %mul3A_33, %scan3A_32 : i32
      %add3A_35 = arith.addi %add3A, %mul3A_34 : i32
      %lt3A = arith.constant 2500 : i32
      %lt3A_36 = arith.cmpi slt, %add3A_35, %lt3A : i32
      %convert_element_type3A_37 = arith.extui %lt3A_36 : i1 to i32
      %cond3A_38 = arith.constant 0 : i32
      %cond3A_39 = arith.cmpi ne, %convert_element_type3A_37, %cond3A_38 : i32
      scf.if %cond3A_39 {
        %mul3A_40 = arith.constant 128 : i32
        %mul3A_41 = arith.muli %add3A_35, %mul3A_40 : i32
        "tpu.region"() ({
          %run_scoped3A = tpu.sem_alloc : memref<!tpu.dma_semaphore, #tpu.memory_space<semaphore_mem>>
          %dma_start3A = tpu.memref_slice %arg4[%mul3A_41] : memref<320000xi32, #tpu.memory_space<hbm>> -> memref<128xi32, #tpu.memory_space<hbm>>
          %dma_start3A_48 = tpu.memref_slice %arg4[%mul3A_41] : memref<320000xi32, #tpu.memory_space<hbm>> -> memref<128xi32, #tpu.memory_space<hbm>>
          tpu.enqueue_dma source(%dma_start3A_48 : memref<128xi32, #tpu.memory_space<hbm>>) target(%arg8 : memref<128xi32, #tpu.memory_space<vmem>>) target_semaphore(%run_scoped3A : memref<!tpu.dma_semaphore, #tpu.memory_space<semaphore_mem>>)
          %dma_wait3A = tpu.memref_slice %arg4[%mul3A_41] : memref<320000xi32, #tpu.memory_space<hbm>> -> memref<128xi32, #tpu.memory_space<hbm>>
          %dma_wait3A_49 = tpu.memref_slice %arg4[%mul3A_41] : memref<320000xi32, #tpu.memory_space<hbm>> -> memref<128xi32, #tpu.memory_space<hbm>>
          tpu.wait_dma2 semaphore(%run_scoped3A : memref<!tpu.dma_semaphore, #tpu.memory_space<semaphore_mem>>) src(%dma_wait3A_49 : memref<128xi32, #tpu.memory_space<hbm>>) dst(%arg8 : memref<128xi32, #tpu.memory_space<vmem>>)
          tpu.yield
        }) : () -> ()
        "tpu.region"() ({
          %run_scoped3A = tpu.sem_alloc : memref<!tpu.dma_semaphore, #tpu.memory_space<semaphore_mem>>
          %dma_start3A = tpu.memref_slice %arg5[%mul3A_41] : memref<320000xi32, #tpu.memory_space<hbm>> -> memref<128xi32, #tpu.memory_space<hbm>>
          %dma_start3A_48 = tpu.memref_slice %arg5[%mul3A_41] : memref<320000xi32, #tpu.memory_space<hbm>> -> memref<128xi32, #tpu.memory_space<hbm>>
          tpu.enqueue_dma source(%dma_start3A_48 : memref<128xi32, #tpu.memory_space<hbm>>) target(%arg9 : memref<128xi32, #tpu.memory_space<vmem>>) target_semaphore(%run_scoped3A : memref<!tpu.dma_semaphore, #tpu.memory_space<semaphore_mem>>)
          %dma_wait3A = tpu.memref_slice %arg5[%mul3A_41] : memref<320000xi32, #tpu.memory_space<hbm>> -> memref<128xi32, #tpu.memory_space<hbm>>
          %dma_wait3A_49 = tpu.memref_slice %arg5[%mul3A_41] : memref<320000xi32, #tpu.memory_space<hbm>> -> memref<128xi32, #tpu.memory_space<hbm>>
          tpu.wait_dma2 semaphore(%run_scoped3A : memref<!tpu.dma_semaphore, #tpu.memory_space<semaphore_mem>>) src(%dma_wait3A_49 : memref<128xi32, #tpu.memory_space<hbm>>) dst(%arg9 : memref<128xi32, #tpu.memory_space<vmem>>)
          tpu.yield
        }) : () -> ()
        "tpu.region"() ({
          %run_scoped3A = tpu.sem_alloc : memref<!tpu.dma_semaphore, #tpu.memory_space<semaphore_mem>>
          %dma_start3A = tpu.memref_slice %arg6[%mul3A_41] : memref<320000xi32, #tpu.memory_space<hbm>> -> memref<128xi32, #tpu.memory_space<hbm>>
          %dma_start3A_48 = tpu.memref_slice %arg6[%mul3A_41] : memref<320000xi32, #tpu.memory_space<hbm>> -> memref<128xi32, #tpu.memory_space<hbm>>
          tpu.enqueue_dma source(%dma_start3A_48 : memref<128xi32, #tpu.memory_space<hbm>>) target(%arg10 : memref<128xi32, #tpu.memory_space<vmem>>) target_semaphore(%run_scoped3A : memref<!tpu.dma_semaphore, #tpu.memory_space<semaphore_mem>>)
          %dma_wait3A = tpu.memref_slice %arg6[%mul3A_41] : memref<320000xi32, #tpu.memory_space<hbm>> -> memref<128xi32, #tpu.memory_space<hbm>>
          %dma_wait3A_49 = tpu.memref_slice %arg6[%mul3A_41] : memref<320000xi32, #tpu.memory_space<hbm>> -> memref<128xi32, #tpu.memory_space<hbm>>
          tpu.wait_dma2 semaphore(%run_scoped3A : memref<!tpu.dma_semaphore, #tpu.memory_space<semaphore_mem>>) src(%dma_wait3A_49 : memref<128xi32, #tpu.memory_space<hbm>>) dst(%arg10 : memref<128xi32, #tpu.memory_space<vmem>>)
          tpu.yield
        }) : () -> ()
        "tpu.region"() ({
          %run_scoped3A = tpu.sem_alloc : memref<!tpu.dma_semaphore, #tpu.memory_space<semaphore_mem>>
          %dma_start3A = arith.constant 0 : i32
          %dma_start3A_48 = arith.constant 0 : i32
          %dma_start3A_49 = tpu.memref_slice %arg2[%dma_start3A, %dma_start3A_48] : memref<10000x128xf32, #tpu.memory_space<hbm>> -> memref<10000x128xf32, #tpu.memory_space<hbm>>
          tpu.enqueue_indirect_dma source(%dma_start3A_49 : memref<10000x128xf32, #tpu.memory_space<hbm>>) target(%arg11 : memref<128x128xf32, #tpu.memory_space<vmem>>) offsets(%arg8 : memref<128xi32, #tpu.memory_space<vmem>>) semaphore(%run_scoped3A : memref<!tpu.dma_semaphore, #tpu.memory_space<semaphore_mem>>)
          %dma_wait3A = arith.constant 0 : i32
          %dma_wait3A_50 = arith.constant 0 : i32
          %dma_wait3A_51 = tpu.memref_slice %arg2[%dma_wait3A, %dma_wait3A_50] : memref<10000x128xf32, #tpu.memory_space<hbm>> -> memref<10000x128xf32, #tpu.memory_space<hbm>>
          tpu.wait_indirect_dma semaphore(%run_scoped3A : memref<!tpu.dma_semaphore, #tpu.memory_space<semaphore_mem>>) src(%dma_wait3A_51 : memref<10000x128xf32, #tpu.memory_space<hbm>>) dst(%arg11 : memref<128x128xf32, #tpu.memory_space<vmem>>)
          tpu.yield
        }) : () -> ()
        "tpu.region"() ({
          %run_scoped3A = tpu.sem_alloc : memref<!tpu.dma_semaphore, #tpu.memory_space<semaphore_mem>>
          %dma_start3A = arith.constant 0 : i32
          %dma_start3A_48 = arith.constant 0 : i32
          %dma_start3A_49 = tpu.memref_slice %arg3[%dma_start3A, %dma_start3A_48] : memref<32768x128xf32, #tpu.memory_space<hbm>> -> memref<32768x128xf32, #tpu.memory_space<hbm>>
          tpu.enqueue_indirect_dma source(%dma_start3A_49 : memref<32768x128xf32, #tpu.memory_space<hbm>>) target(%arg12 : memref<128x128xf32, #tpu.memory_space<vmem>>) offsets(%arg10 : memref<128xi32, #tpu.memory_space<vmem>>) semaphore(%run_scoped3A : memref<!tpu.dma_semaphore, #tpu.memory_space<semaphore_mem>>)
          %dma_wait3A = arith.constant 0 : i32
          %dma_wait3A_50 = arith.constant 0 : i32
          %dma_wait3A_51 = tpu.memref_slice %arg3[%dma_wait3A, %dma_wait3A_50] : memref<32768x128xf32, #tpu.memory_space<hbm>> -> memref<32768x128xf32, #tpu.memory_space<hbm>>
          tpu.wait_indirect_dma semaphore(%run_scoped3A : memref<!tpu.dma_semaphore, #tpu.memory_space<semaphore_mem>>) src(%dma_wait3A_51 : memref<32768x128xf32, #tpu.memory_space<hbm>>) dst(%arg12 : memref<128x128xf32, #tpu.memory_space<vmem>>)
          tpu.yield
        }) : () -> ()
        %scan3A_42 = arith.constant 0 : i32
        %scan3A_43 = arith.constant 0 : i32
        %scan3A_44 = arith.constant 128 : i32
        %scan3A_45 = arith.addi %scan3A_43, %scan3A_44 : i32
        %scan3A_46 = arith.constant 1 : i32
        scf.for %scan3A_48 = %scan3A_43 to %scan3A_45 step %scan3A_46  : i32 {
          %get3A = arith.index_cast %scan3A_48 : i32 to index
          %get3A_49 = arith.constant 0 : index
          %get3A_50 = tpu.vector_load %arg11[%get3A, %get3A_49] {strides = array<i32>} : memref<128x128xf32, #tpu.memory_space<vmem>>, vector<1x16xf32>,
          %get3A_51 = vector.shape_cast %get3A_50 : vector<1x16xf32> to vector<16xf32>
          %get3A_52 = arith.index_cast %scan3A_48 : i32 to index
          %get3A_53 = arith.constant 0 : index
          %get3A_54 = tpu.vector_load %arg12[%get3A_52, %get3A_53] {strides = array<i32>} : memref<128x128xf32, #tpu.memory_space<vmem>>, vector<1x16xf32>,
          %get3A_55 = vector.shape_cast %get3A_54 : vector<1x16xf32> to vector<16xf32>
          %add3A_56 = arith.addf %get3A_51, %get3A_55 : vector<16xf32>
          %max3A = arith.constant 0.000000e+00 : f32
          %max3A_57 = vector.broadcast %max3A : f32 to vector<16xf32>
          %max3A_58 = arith.maximumf %add3A_56, %max3A_57 : vector<16xf32>
          %swap3A = arith.index_cast %scan3A_48 : i32 to index
          %swap3A_59 = arith.constant 0 : index
          %swap3A_60 = tpu.vector_load %arg12[%swap3A, %swap3A_59] {strides = array<i32>} : memref<128x128xf32, #tpu.memory_space<vmem>>, vector<1x16xf32>,
          %swap3A_61 = vector.shape_cast %swap3A_60 : vector<1x16xf32> to vector<16xf32>
          %swap3A_62 = vector.shape_cast %max3A_58 : vector<16xf32> to vector<1x16xf32>
          tpu.vector_store %arg12[%swap3A, %swap3A_59], %swap3A_62 {strides = array<i32>} : memref<128x128xf32, #tpu.memory_space<vmem>>, vector<1x16xf32>,
          %get3A_63 = arith.index_cast %scan3A_48 : i32 to index
          %get3A_64 = arith.constant 16 : index
          %get3A_65 = tpu.vector_load %arg11[%get3A_63, %get3A_64] {strides = array<i32>} : memref<128x128xf32, #tpu.memory_space<vmem>>, vector<1x16xf32>,
          %get3A_66 = vector.shape_cast %get3A_65 : vector<1x16xf32> to vector<16xf32>
          %get3A_67 = arith.index_cast %scan3A_48 : i32 to index
          %get3A_68 = arith.constant 16 : index
          %get3A_69 = tpu.vector_load %arg12[%get3A_67, %get3A_68] {strides = array<i32>} : memref<128x128xf32, #tpu.memory_space<vmem>>, vector<1x16xf32>,
          %get3A_70 = vector.shape_cast %get3A_69 : vector<1x16xf32> to vector<16xf32>
          %add3A_71 = arith.addf %get3A_66, %get3A_70 : vector<16xf32>
          %max3A_72 = arith.constant 0.000000e+00 : f32
          %max3A_73 = vector.broadcast %max3A_72 : f32 to vector<16xf32>
          %max3A_74 = arith.maximumf %add3A_71, %max3A_73 : vector<16xf32>
          %swap3A_75 = arith.index_cast %scan3A_48 : i32 to index
          %swap3A_76 = arith.constant 16 : index
          %swap3A_77 = tpu.vector_load %arg12[%swap3A_75, %swap3A_76] {strides = array<i32>} : memref<128x128xf32, #tpu.memory_space<vmem>>, vector<1x16xf32>,
          %swap3A_78 = vector.shape_cast %swap3A_77 : vector<1x16xf32> to vector<16xf32>
          %swap3A_79 = vector.shape_cast %max3A_74 : vector<16xf32> to vector<1x16xf32>
          tpu.vector_store %arg12[%swap3A_75, %swap3A_76], %swap3A_79 {strides = array<i32>} : memref<128x128xf32, #tpu.memory_space<vmem>>, vector<1x16xf32>,
          %get3A_80 = arith.index_cast %scan3A_48 : i32 to index
          %get3A_81 = arith.constant 32 : index
          %get3A_82 = tpu.vector_load %arg11[%get3A_80, %get3A_81] {strides = array<i32>} : memref<128x128xf32, #tpu.memory_space<vmem>>, vector<1x16xf32>,
          %get3A_83 = vector.shape_cast %get3A_82 : vector<1x16xf32> to vector<16xf32>
          %get3A_84 = arith.index_cast %scan3A_48 : i32 to index
          %get3A_85 = arith.constant 32 : index
          %get3A_86 = tpu.vector_load %arg12[%get3A_84, %get3A_85] {strides = array<i32>} : memref<128x128xf32, #tpu.memory_space<vmem>>, vector<1x16xf32>,
          %get3A_87 = vector.shape_cast %get3A_86 : vector<1x16xf32> to vector<16xf32>
          %add3A_88 = arith.addf %get3A_83, %get3A_87 : vector<16xf32>
          %max3A_89 = arith.constant 0.000000e+00 : f32
          %max3A_90 = vector.broadcast %max3A_89 : f32 to vector<16xf32>
          %max3A_91 = arith.maximumf %add3A_88, %max3A_90 : vector<16xf32>
          %swap3A_92 = arith.index_cast %scan3A_48 : i32 to index
          %swap3A_93 = arith.constant 32 : index
          %swap3A_94 = tpu.vector_load %arg12[%swap3A_92, %swap3A_93] {strides = array<i32>} : memref<128x128xf32, #tpu.memory_space<vmem>>, vector<1x16xf32>,
          %swap3A_95 = vector.shape_cast %swap3A_94 : vector<1x16xf32> to vector<16xf32>
          %swap3A_96 = vector.shape_cast %max3A_91 : vector<16xf32> to vector<1x16xf32>
          tpu.vector_store %arg12[%swap3A_92, %swap3A_93], %swap3A_96 {strides = array<i32>} : memref<128x128xf32, #tpu.memory_space<vmem>>, vector<1x16xf32>,
          %get3A_97 = arith.index_cast %scan3A_48 : i32 to index
          %get3A_98 = arith.constant 48 : index
          %get3A_99 = tpu.vector_load %arg11[%get3A_97, %get3A_98] {strides = array<i32>} : memref<128x128xf32, #tpu.memory_space<vmem>>, vector<1x16xf32>,
          %get3A_100 = vector.shape_cast %get3A_99 : vector<1x16xf32> to vector<16xf32>
          %get3A_101 = arith.index_cast %scan3A_48 : i32 to index
          %get3A_102 = arith.constant 48 : index
          %get3A_103 = tpu.vector_load %arg12[%get3A_101, %get3A_102] {strides = array<i32>} : memref<128x128xf32, #tpu.memory_space<vmem>>, vector<1x16xf32>,
          %get3A_104 = vector.shape_cast %get3A_103 : vector<1x16xf32> to vector<16xf32>
          %add3A_105 = arith.addf %get3A_100, %get3A_104 : vector<16xf32>
          %max3A_106 = arith.constant 0.000000e+00 : f32
          %max3A_107 = vector.broadcast %max3A_106 : f32 to vector<16xf32>
          %max3A_108 = arith.maximumf %add3A_105, %max3A_107 : vector<16xf32>
          %swap3A_109 = arith.index_cast %scan3A_48 : i32 to index
          %swap3A_110 = arith.constant 48 : index
          %swap3A_111 = tpu.vector_load %arg12[%swap3A_109, %swap3A_110] {strides = array<i32>} : memref<128x128xf32, #tpu.memory_space<vmem>>, vector<1x16xf32>,
          %swap3A_112 = vector.shape_cast %swap3A_111 : vector<1x16xf32> to vector<16xf32>
          %swap3A_113 = vector.shape_cast %max3A_108 : vector<16xf32> to vector<1x16xf32>
          tpu.vector_store %arg12[%swap3A_109, %swap3A_110], %swap3A_113 {strides = array<i32>} : memref<128x128xf32, #tpu.memory_space<vmem>>, vector<1x16xf32>,
          %get3A_114 = arith.index_cast %scan3A_48 : i32 to index
          %get3A_115 = arith.constant 64 : index
          %get3A_116 = tpu.vector_load %arg11[%get3A_114, %get3A_115] {strides = array<i32>} : memref<128x128xf32, #tpu.memory_space<vmem>>, vector<1x16xf32>,
          %get3A_117 = vector.shape_cast %get3A_116 : vector<1x16xf32> to vector<16xf32>
          %get3A_118 = arith.index_cast %scan3A_48 : i32 to index
          %get3A_119 = arith.constant 64 : index
          %get3A_120 = tpu.vector_load %arg12[%get3A_118, %get3A_119] {strides = array<i32>} : memref<128x128xf32, #tpu.memory_space<vmem>>, vector<1x16xf32>,
          %get3A_121 = vector.shape_cast %get3A_120 : vector<1x16xf32> to vector<16xf32>
          %add3A_122 = arith.addf %get3A_117, %get3A_121 : vector<16xf32>
          %max3A_123 = arith.constant 0.000000e+00 : f32
          %max3A_124 = vector.broadcast %max3A_123 : f32 to vector<16xf32>
          %max3A_125 = arith.maximumf %add3A_122, %max3A_124 : vector<16xf32>
          %swap3A_126 = arith.index_cast %scan3A_48 : i32 to index
          %swap3A_127 = arith.constant 64 : index
          %swap3A_128 = tpu.vector_load %arg12[%swap3A_126, %swap3A_127] {strides = array<i32>} : memref<128x128xf32, #tpu.memory_space<vmem>>, vector<1x16xf32>,
          %swap3A_129 = vector.shape_cast %swap3A_128 : vector<1x16xf32> to vector<16xf32>
          %swap3A_130 = vector.shape_cast %max3A_125 : vector<16xf32> to vector<1x16xf32>
          tpu.vector_store %arg12[%swap3A_126, %swap3A_127], %swap3A_130 {strides = array<i32>} : memref<128x128xf32, #tpu.memory_space<vmem>>, vector<1x16xf32>,
          %get3A_131 = arith.index_cast %scan3A_48 : i32 to index
          %get3A_132 = arith.constant 80 : index
          %get3A_133 = tpu.vector_load %arg11[%get3A_131, %get3A_132] {strides = array<i32>} : memref<128x128xf32, #tpu.memory_space<vmem>>, vector<1x16xf32>,
          %get3A_134 = vector.shape_cast %get3A_133 : vector<1x16xf32> to vector<16xf32>
          %get3A_135 = arith.index_cast %scan3A_48 : i32 to index
          %get3A_136 = arith.constant 80 : index
          %get3A_137 = tpu.vector_load %arg12[%get3A_135, %get3A_136] {strides = array<i32>} : memref<128x128xf32, #tpu.memory_space<vmem>>, vector<1x16xf32>,
          %get3A_138 = vector.shape_cast %get3A_137 : vector<1x16xf32> to vector<16xf32>
          %add3A_139 = arith.addf %get3A_134, %get3A_138 : vector<16xf32>
          %max3A_140 = arith.constant 0.000000e+00 : f32
          %max3A_141 = vector.broadcast %max3A_140 : f32 to vector<16xf32>
          %max3A_142 = arith.maximumf %add3A_139, %max3A_141 : vector<16xf32>
          %swap3A_143 = arith.index_cast %scan3A_48 : i32 to index
          %swap3A_144 = arith.constant 80 : index
          %swap3A_145 = tpu.vector_load %arg12[%swap3A_143, %swap3A_144] {strides = array<i32>} : memref<128x128xf32, #tpu.memory_space<vmem>>, vector<1x16xf32>,
          %swap3A_146 = vector.shape_cast %swap3A_145 : vector<1x16xf32> to vector<16xf32>
          %swap3A_147 = vector.shape_cast %max3A_142 : vector<16xf32> to vector<1x16xf32>
          tpu.vector_store %arg12[%swap3A_143, %swap3A_144], %swap3A_147 {strides = array<i32>} : memref<128x128xf32, #tpu.memory_space<vmem>>, vector<1x16xf32>,
          %get3A_148 = arith.index_cast %scan3A_48 : i32 to index
          %get3A_149 = arith.constant 96 : index
          %get3A_150 = tpu.vector_load %arg11[%get3A_148, %get3A_149] {strides = array<i32>} : memref<128x128xf32, #tpu.memory_space<vmem>>, vector<1x16xf32>,
          %get3A_151 = vector.shape_cast %get3A_150 : vector<1x16xf32> to vector<16xf32>
          %get3A_152 = arith.index_cast %scan3A_48 : i32 to index
          %get3A_153 = arith.constant 96 : index
          %get3A_154 = tpu.vector_load %arg12[%get3A_152, %get3A_153] {strides = array<i32>} : memref<128x128xf32, #tpu.memory_space<vmem>>, vector<1x16xf32>,
          %get3A_155 = vector.shape_cast %get3A_154 : vector<1x16xf32> to vector<16xf32>
          %add3A_156 = arith.addf %get3A_151, %get3A_155 : vector<16xf32>
          %max3A_157 = arith.constant 0.000000e+00 : f32
          %max3A_158 = vector.broadcast %max3A_157 : f32 to vector<16xf32>
          %max3A_159 = arith.maximumf %add3A_156, %max3A_158 : vector<16xf32>
          %swap3A_160 = arith.index_cast %scan3A_48 : i32 to index
          %swap3A_161 = arith.constant 96 : index
          %swap3A_162 = tpu.vector_load %arg12[%swap3A_160, %swap3A_161] {strides = array<i32>} : memref<128x128xf32, #tpu.memory_space<vmem>>, vector<1x16xf32>,
          %swap3A_163 = vector.shape_cast %swap3A_162 : vector<1x16xf32> to vector<16xf32>
          %swap3A_164 = vector.shape_cast %max3A_159 : vector<16xf32> to vector<1x16xf32>
          tpu.vector_store %arg12[%swap3A_160, %swap3A_161], %swap3A_164 {strides = array<i32>} : memref<128x128xf32, #tpu.memory_space<vmem>>, vector<1x16xf32>,
          %get3A_165 = arith.index_cast %scan3A_48 : i32 to index
          %get3A_166 = arith.constant 112 : index
          %get3A_167 = tpu.vector_load %arg11[%get3A_165, %get3A_166] {strides = array<i32>} : memref<128x128xf32, #tpu.memory_space<vmem>>, vector<1x16xf32>,
          %get3A_168 = vector.shape_cast %get3A_167 : vector<1x16xf32> to vector<16xf32>
          %get3A_169 = arith.index_cast %scan3A_48 : i32 to index
          %get3A_170 = arith.constant 112 : index
          %get3A_171 = tpu.vector_load %arg12[%get3A_169, %get3A_170] {strides = array<i32>} : memref<128x128xf32, #tpu.memory_space<vmem>>, vector<1x16xf32>,
          %get3A_172 = vector.shape_cast %get3A_171 : vector<1x16xf32> to vector<16xf32>
          %add3A_173 = arith.addf %get3A_168, %get3A_172 : vector<16xf32>
          %max3A_174 = arith.constant 0.000000e+00 : f32
          %max3A_175 = vector.broadcast %max3A_174 : f32 to vector<16xf32>
          %max3A_176 = arith.maximumf %add3A_173, %max3A_175 : vector<16xf32>
          %swap3A_177 = arith.index_cast %scan3A_48 : i32 to index
          %swap3A_178 = arith.constant 112 : index
          %swap3A_179 = tpu.vector_load %arg12[%swap3A_177, %swap3A_178] {strides = array<i32>} : memref<128x128xf32, #tpu.memory_space<vmem>>, vector<1x16xf32>,
          %swap3A_180 = vector.shape_cast %swap3A_179 : vector<1x16xf32> to vector<16xf32>
          %swap3A_181 = vector.shape_cast %max3A_176 : vector<16xf32> to vector<1x16xf32>
          tpu.vector_store %arg12[%swap3A_177, %swap3A_178], %swap3A_181 {strides = array<i32>} : memref<128x128xf32, #tpu.memory_space<vmem>>, vector<1x16xf32>,
        }
        %scan3A_47 = arith.constant 128 : i32
        "tpu.region"() ({
          %run_scoped3A = tpu.sem_alloc : memref<!tpu.dma_semaphore, #tpu.memory_space<semaphore_mem>>
          %dma_start3A = arith.constant 0 : i32
          %dma_start3A_48 = arith.constant 0 : i32
          %dma_start3A_49 = tpu.memref_slice %arg14[%dma_start3A, %dma_start3A_48] : memref<10000x128xf32, #tpu.memory_space<vmem_shared>> -> memref<10000x128xf32, #tpu.memory_space<vmem_shared>>
          tpu.enqueue_indirect_dma source(%arg12 : memref<128x128xf32, #tpu.memory_space<vmem>>) target(%dma_start3A_49 : memref<10000x128xf32, #tpu.memory_space<vmem_shared>>) offsets(%arg9 : memref<128xi32, #tpu.memory_space<vmem>>) semaphore(%run_scoped3A : memref<!tpu.dma_semaphore, #tpu.memory_space<semaphore_mem>>) {add = true}
          %dma_wait3A = arith.constant 0 : i32
          %dma_wait3A_50 = arith.constant 0 : i32
          %dma_wait3A_51 = tpu.memref_slice %arg14[%dma_wait3A, %dma_wait3A_50] : memref<10000x128xf32, #tpu.memory_space<vmem_shared>> -> memref<10000x128xf32, #tpu.memory_space<vmem_shared>>
          tpu.wait_indirect_dma semaphore(%run_scoped3A : memref<!tpu.dma_semaphore, #tpu.memory_space<semaphore_mem>>) src(%arg12 : memref<128x128xf32, #tpu.memory_space<vmem>>) dst(%dma_wait3A_51 : memref<10000x128xf32, #tpu.memory_space<vmem_shared>>)
          tpu.yield
        }) : () -> ()
      } else {
      }
    }
    %scan3A_19 = arith.constant 79 : i32
    %barrier3A_20 = arith.constant 0 : index
    tpu.barrier barrier_id(%barrier3A_20)
    %scan3A_21 = arith.constant 0 : i32
    %scan3A_22 = arith.constant 0 : i32
    %scan3A_23 = arith.constant 5 : i32
    %scan3A_24 = arith.addi %scan3A_22, %scan3A_23 : i32
    %scan3A_25 = arith.constant 1 : i32
    scf.for %scan3A_32 = %scan3A_22 to %scan3A_24 step %scan3A_25  : i32 {
      %mul3A_33 = arith.constant 16 : i32
      %mul3A_34 = arith.muli %mul3A_33, %scan3A_32 : i32
      %add3A_35 = arith.addi %arg1, %mul3A_34 : i32
      %lt3A = arith.constant 78 : i32
      %lt3A_36 = arith.cmpi slt, %add3A_35, %lt3A : i32
      %convert_element_type3A_37 = arith.extui %lt3A_36 : i1 to i32
      %cond3A_38 = arith.constant 0 : i32
      %cond3A_39 = arith.cmpi ne, %convert_element_type3A_37, %cond3A_38 : i32
      scf.if %cond3A_39 {
        %mul3A_40 = arith.constant 128 : i32
        %mul3A_41 = arith.muli %add3A_35, %mul3A_40 : i32
        %mul3A_42 = arith.constant 128 : i32
        %mul3A_43 = arith.muli %add3A_35, %mul3A_42 : i32
        "tpu.region"() ({
          %run_scoped3A = tpu.sem_alloc : memref<!tpu.dma_semaphore, #tpu.memory_space<semaphore_mem>>
          %dma_start3A = arith.constant 0 : i32
          %dma_start3A_44 = tpu.memref_slice %arg7[%arg0, %mul3A_43, %dma_start3A] : memref<2x10000x128xf32, #tpu.memory_space<hbm>> -> memref<1x128x128xf32, #tpu.memory_space<hbm>>
          %dma_start3A_45 = tpu.memref_squeeze %dma_start3A_44 : memref<1x128x128xf32, #tpu.memory_space<hbm>> -> memref<128x128xf32, #tpu.memory_space<hbm>>
          %dma_start3A_46 = arith.constant 0 : i32
          %dma_start3A_47 = tpu.memref_slice %arg14[%mul3A_41, %dma_start3A_46] : memref<10000x128xf32, #tpu.memory_space<vmem_shared>> -> memref<128x128xf32, #tpu.memory_space<vmem_shared>>
          tpu.enqueue_dma source(%dma_start3A_47 : memref<128x128xf32, #tpu.memory_space<vmem_shared>>) target(%dma_start3A_45 : memref<128x128xf32, #tpu.memory_space<hbm>>) target_semaphore(%run_scoped3A : memref<!tpu.dma_semaphore, #tpu.memory_space<semaphore_mem>>)
          %dma_wait3A = arith.constant 0 : i32
          %dma_wait3A_48 = tpu.memref_slice %arg7[%arg0, %mul3A_43, %dma_wait3A] : memref<2x10000x128xf32, #tpu.memory_space<hbm>> -> memref<1x128x128xf32, #tpu.memory_space<hbm>>
          %dma_wait3A_49 = tpu.memref_squeeze %dma_wait3A_48 : memref<1x128x128xf32, #tpu.memory_space<hbm>> -> memref<128x128xf32, #tpu.memory_space<hbm>>
          %dma_wait3A_50 = arith.constant 0 : i32
          %dma_wait3A_51 = tpu.memref_slice %arg14[%mul3A_41, %dma_wait3A_50] : memref<10000x128xf32, #tpu.memory_space<vmem_shared>> -> memref<128x128xf32, #tpu.memory_space<vmem_shared>>
          tpu.wait_dma2 semaphore(%run_scoped3A : memref<!tpu.dma_semaphore, #tpu.memory_space<semaphore_mem>>) src(%dma_wait3A_51 : memref<128x128xf32, #tpu.memory_space<vmem_shared>>) dst(%dma_wait3A_49 : memref<128x128xf32, #tpu.memory_space<hbm>>)
          tpu.yield
        }) : () -> ()
      } else {
      }
    }
    %scan3A_26 = arith.constant 5 : i32
    %eq3A_27 = arith.constant 0 : i32
    %eq3A_28 = arith.cmpi eq, %arg1, %eq3A_27 : i32
    %convert_element_type3A_29 = arith.extui %eq3A_28 : i1 to i32
    %cond3A_30 = arith.constant 0 : i32
    %cond3A_31 = arith.cmpi ne, %convert_element_type3A_29, %cond3A_30 : i32
    scf.if %cond3A_31 {
      "tpu.region"() ({
        %run_scoped3A = tpu.sem_alloc : memref<!tpu.dma_semaphore, #tpu.memory_space<semaphore_mem>>
        %dma_start3A = arith.constant 9984 : i32
        %dma_start3A_32 = arith.constant 0 : i32
        %dma_start3A_33 = tpu.memref_slice %arg7[%arg0, %dma_start3A, %dma_start3A_32] : memref<2x10000x128xf32, #tpu.memory_space<hbm>> -> memref<1x16x128xf32, #tpu.memory_space<hbm>>
        %dma_start3A_34 = tpu.memref_squeeze %dma_start3A_33 : memref<1x16x128xf32, #tpu.memory_space<hbm>> -> memref<16x128xf32, #tpu.memory_space<hbm>>
        %dma_start3A_35 = arith.constant 9984 : i32
        %dma_start3A_36 = arith.constant 0 : i32
        %dma_start3A_37 = tpu.memref_slice %arg14[%dma_start3A_35, %dma_start3A_36] : memref<10000x128xf32, #tpu.memory_space<vmem_shared>> -> memref<16x128xf32, #tpu.memory_space<vmem_shared>>
        tpu.enqueue_dma source(%dma_start3A_37 : memref<16x128xf32, #tpu.memory_space<vmem_shared>>) target(%dma_start3A_34 : memref<16x128xf32, #tpu.memory_space<hbm>>) target_semaphore(%run_scoped3A : memref<!tpu.dma_semaphore, #tpu.memory_space<semaphore_mem>>)
        %dma_wait3A = arith.constant 9984 : i32
        %dma_wait3A_38 = arith.constant 0 : i32
        %dma_wait3A_39 = tpu.memref_slice %arg7[%arg0, %dma_wait3A, %dma_wait3A_38] : memref<2x10000x128xf32, #tpu.memory_space<hbm>> -> memref<1x16x128xf32, #tpu.memory_space<hbm>>
        %dma_wait3A_40 = tpu.memref_squeeze %dma_wait3A_39 : memref<1x16x128xf32, #tpu.memory_space<hbm>> -> memref<16x128xf32, #tpu.memory_space<hbm>>
        %dma_wait3A_41 = arith.constant 9984 : i32
        %dma_wait3A_42 = arith.constant 0 : i32
        %dma_wait3A_43 = tpu.memref_slice %arg14[%dma_wait3A_41, %dma_wait3A_42] : memref<10000x128xf32, #tpu.memory_space<vmem_shared>> -> memref<16x128xf32, #tpu.memory_space<vmem_shared>>
        tpu.wait_dma2 semaphore(%run_scoped3A : memref<!tpu.dma_semaphore, #tpu.memory_space<semaphore_mem>>) src(%dma_wait3A_43 : memref<16x128xf32, #tpu.memory_space<vmem_shared>>) dst(%dma_wait3A_40 : memref<16x128xf32, #tpu.memory_space<hbm>>)
        tpu.yield
      }) : () -> ()
    } else {
    }
    return
  }
}

#map = affine_map<(d0, d1) -> (0, 0)>
#map1 = affine_map<(d0, d1) -> (0)>
#map2 = affine_map<(d0, d1) -> (0, 0, 0)>
module attributes {stable_mosaic.version = 14 : i64} {
  func.func @_edge_aggregate_sc(%arg0: i32, %arg1: i32, %arg2: memref<10000x128xf32, #tpu.memory_space<hbm>>, %arg3: memref<32768x128xf32, #tpu.memory_space<hbm>>, %arg4: memref<320000xi32, #tpu.memory_space<hbm>>, %arg5: memref<320000xi32, #tpu.memory_space<hbm>>, %arg6: memref<320000xi32, #tpu.memory_space<hbm>>, %arg7: memref<2x10000x128xf32, #tpu.memory_space<hbm>>, %arg8: memref<128xi32, #tpu.memory_space<vmem>>, %arg9: memref<128xi32, #tpu.memory_space<vmem>>, %arg10: memref<128xi32, #tpu.memory_space<vmem>>, %arg11: memref<128x128xf32, #tpu.memory_space<vmem>>, %arg12: memref<128x128xf32, #tpu.memory_space<vmem>>, %arg13: memref<128x128xf32, #tpu.memory_space<vmem>>, %arg14: memref<10000x128xf32, #tpu.memory_space<vmem_shared>>) attributes {dimension_semantics = [#tpu.dimension_semantics<core_parallel>, #tpu.dimension_semantics<subcore_parallel>], iteration_bounds = array<i64: 2, 16>, scalar_prefetch = 0 : i64, scratch_operands = 7 : i64, tpu.core_type = #tpu.core_type<sc_vector_subcore>, window_params = [{transform_indices = #map}, {transform_indices = #map}, {transform_indices = #map1}, {transform_indices = #map1}, {transform_indices = #map1}, {transform_indices = #map2}]} {
    %mul3A = arith.constant 2 : i32
    %mul3A_0 = arith.muli %arg1, %mul3A : i32
    %add3A = arith.addi %mul3A_0, %arg0 : i32
    %scan3A = arith.constant 0 : i32
    %scan3A_1 = arith.constant 0 : i32
    %scan3A_2 = arith.constant 128 : i32
    %scan3A_3 = arith.addi %scan3A_1, %scan3A_2 : i32
    %scan3A_4 = arith.constant 1 : i32
    scf.for %scan3A_32 = %scan3A_1 to %scan3A_3 step %scan3A_4  : i32 {
      %broadcast_in_dim3A = arith.constant 0.000000e+00 : f32
      %broadcast_in_dim3A_33 = vector.broadcast %broadcast_in_dim3A : f32 to vector<16xf32>
      %swap3A = arith.index_cast %scan3A_32 : i32 to index
      %swap3A_34 = arith.constant 0 : index
      %swap3A_35 = tpu.vector_load %arg13[%swap3A, %swap3A_34] {strides = array<i32>} : memref<128x128xf32, #tpu.memory_space<vmem>>, vector<1x16xf32>,
      %swap3A_36 = vector.shape_cast %swap3A_35 : vector<1x16xf32> to vector<16xf32>
      %swap3A_37 = vector.shape_cast %broadcast_in_dim3A_33 : vector<16xf32> to vector<1x16xf32>
      tpu.vector_store %arg13[%swap3A, %swap3A_34], %swap3A_37 {strides = array<i32>} : memref<128x128xf32, #tpu.memory_space<vmem>>, vector<1x16xf32>,
      %broadcast_in_dim3A_38 = arith.constant 0.000000e+00 : f32
      %broadcast_in_dim3A_39 = vector.broadcast %broadcast_in_dim3A_38 : f32 to vector<16xf32>
      %swap3A_40 = arith.index_cast %scan3A_32 : i32 to index
      %swap3A_41 = arith.constant 16 : index
      %swap3A_42 = tpu.vector_load %arg13[%swap3A_40, %swap3A_41] {strides = array<i32>} : memref<128x128xf32, #tpu.memory_space<vmem>>, vector<1x16xf32>,
      %swap3A_43 = vector.shape_cast %swap3A_42 : vector<1x16xf32> to vector<16xf32>
      %swap3A_44 = vector.shape_cast %broadcast_in_dim3A_39 : vector<16xf32> to vector<1x16xf32>
      tpu.vector_store %arg13[%swap3A_40, %swap3A_41], %swap3A_44 {strides = array<i32>} : memref<128x128xf32, #tpu.memory_space<vmem>>, vector<1x16xf32>,
      %broadcast_in_dim3A_45 = arith.constant 0.000000e+00 : f32
      %broadcast_in_dim3A_46 = vector.broadcast %broadcast_in_dim3A_45 : f32 to vector<16xf32>
      %swap3A_47 = arith.index_cast %scan3A_32 : i32 to index
      %swap3A_48 = arith.constant 32 : index
      %swap3A_49 = tpu.vector_load %arg13[%swap3A_47, %swap3A_48] {strides = array<i32>} : memref<128x128xf32, #tpu.memory_space<vmem>>, vector<1x16xf32>,
      %swap3A_50 = vector.shape_cast %swap3A_49 : vector<1x16xf32> to vector<16xf32>
      %swap3A_51 = vector.shape_cast %broadcast_in_dim3A_46 : vector<16xf32> to vector<1x16xf32>
      tpu.vector_store %arg13[%swap3A_47, %swap3A_48], %swap3A_51 {strides = array<i32>} : memref<128x128xf32, #tpu.memory_space<vmem>>, vector<1x16xf32>,
      %broadcast_in_dim3A_52 = arith.constant 0.000000e+00 : f32
      %broadcast_in_dim3A_53 = vector.broadcast %broadcast_in_dim3A_52 : f32 to vector<16xf32>
      %swap3A_54 = arith.index_cast %scan3A_32 : i32 to index
      %swap3A_55 = arith.constant 48 : index
      %swap3A_56 = tpu.vector_load %arg13[%swap3A_54, %swap3A_55] {strides = array<i32>} : memref<128x128xf32, #tpu.memory_space<vmem>>, vector<1x16xf32>,
      %swap3A_57 = vector.shape_cast %swap3A_56 : vector<1x16xf32> to vector<16xf32>
      %swap3A_58 = vector.shape_cast %broadcast_in_dim3A_53 : vector<16xf32> to vector<1x16xf32>
      tpu.vector_store %arg13[%swap3A_54, %swap3A_55], %swap3A_58 {strides = array<i32>} : memref<128x128xf32, #tpu.memory_space<vmem>>, vector<1x16xf32>,
      %broadcast_in_dim3A_59 = arith.constant 0.000000e+00 : f32
      %broadcast_in_dim3A_60 = vector.broadcast %broadcast_in_dim3A_59 : f32 to vector<16xf32>
      %swap3A_61 = arith.index_cast %scan3A_32 : i32 to index
      %swap3A_62 = arith.constant 64 : index
      %swap3A_63 = tpu.vector_load %arg13[%swap3A_61, %swap3A_62] {strides = array<i32>} : memref<128x128xf32, #tpu.memory_space<vmem>>, vector<1x16xf32>,
      %swap3A_64 = vector.shape_cast %swap3A_63 : vector<1x16xf32> to vector<16xf32>
      %swap3A_65 = vector.shape_cast %broadcast_in_dim3A_60 : vector<16xf32> to vector<1x16xf32>
      tpu.vector_store %arg13[%swap3A_61, %swap3A_62], %swap3A_65 {strides = array<i32>} : memref<128x128xf32, #tpu.memory_space<vmem>>, vector<1x16xf32>,
      %broadcast_in_dim3A_66 = arith.constant 0.000000e+00 : f32
      %broadcast_in_dim3A_67 = vector.broadcast %broadcast_in_dim3A_66 : f32 to vector<16xf32>
      %swap3A_68 = arith.index_cast %scan3A_32 : i32 to index
      %swap3A_69 = arith.constant 80 : index
      %swap3A_70 = tpu.vector_load %arg13[%swap3A_68, %swap3A_69] {strides = array<i32>} : memref<128x128xf32, #tpu.memory_space<vmem>>, vector<1x16xf32>,
      %swap3A_71 = vector.shape_cast %swap3A_70 : vector<1x16xf32> to vector<16xf32>
      %swap3A_72 = vector.shape_cast %broadcast_in_dim3A_67 : vector<16xf32> to vector<1x16xf32>
      tpu.vector_store %arg13[%swap3A_68, %swap3A_69], %swap3A_72 {strides = array<i32>} : memref<128x128xf32, #tpu.memory_space<vmem>>, vector<1x16xf32>,
      %broadcast_in_dim3A_73 = arith.constant 0.000000e+00 : f32
      %broadcast_in_dim3A_74 = vector.broadcast %broadcast_in_dim3A_73 : f32 to vector<16xf32>
      %swap3A_75 = arith.index_cast %scan3A_32 : i32 to index
      %swap3A_76 = arith.constant 96 : index
      %swap3A_77 = tpu.vector_load %arg13[%swap3A_75, %swap3A_76] {strides = array<i32>} : memref<128x128xf32, #tpu.memory_space<vmem>>, vector<1x16xf32>,
      %swap3A_78 = vector.shape_cast %swap3A_77 : vector<1x16xf32> to vector<16xf32>
      %swap3A_79 = vector.shape_cast %broadcast_in_dim3A_74 : vector<16xf32> to vector<1x16xf32>
      tpu.vector_store %arg13[%swap3A_75, %swap3A_76], %swap3A_79 {strides = array<i32>} : memref<128x128xf32, #tpu.memory_space<vmem>>, vector<1x16xf32>,
      %broadcast_in_dim3A_80 = arith.constant 0.000000e+00 : f32
      %broadcast_in_dim3A_81 = vector.broadcast %broadcast_in_dim3A_80 : f32 to vector<16xf32>
      %swap3A_82 = arith.index_cast %scan3A_32 : i32 to index
      %swap3A_83 = arith.constant 112 : index
      %swap3A_84 = tpu.vector_load %arg13[%swap3A_82, %swap3A_83] {strides = array<i32>} : memref<128x128xf32, #tpu.memory_space<vmem>>, vector<1x16xf32>,
      %swap3A_85 = vector.shape_cast %swap3A_84 : vector<1x16xf32> to vector<16xf32>
      %swap3A_86 = vector.shape_cast %broadcast_in_dim3A_81 : vector<16xf32> to vector<1x16xf32>
      tpu.vector_store %arg13[%swap3A_82, %swap3A_83], %swap3A_86 {strides = array<i32>} : memref<128x128xf32, #tpu.memory_space<vmem>>, vector<1x16xf32>,
    }
    %scan3A_5 = arith.constant 128 : i32
    %scan3A_6 = arith.constant 0 : i32
    %scan3A_7 = arith.constant 0 : i32
    %scan3A_8 = arith.constant 5 : i32
    %scan3A_9 = arith.addi %scan3A_7, %scan3A_8 : i32
    %scan3A_10 = arith.constant 1 : i32
    scf.for %scan3A_32 = %scan3A_7 to %scan3A_9 step %scan3A_10  : i32 {
      %mul3A_33 = arith.constant 16 : i32
      %mul3A_34 = arith.muli %mul3A_33, %scan3A_32 : i32
      %add3A_35 = arith.addi %arg1, %mul3A_34 : i32
      %lt3A = arith.constant 78 : i32
      %lt3A_36 = arith.cmpi slt, %add3A_35, %lt3A : i32
      %convert_element_type3A_37 = arith.extui %lt3A_36 : i1 to i32
      %cond3A_38 = arith.constant 0 : i32
      %cond3A_39 = arith.cmpi ne, %convert_element_type3A_37, %cond3A_38 : i32
      scf.if %cond3A_39 {
        %mul3A_40 = arith.constant 128 : i32
        %mul3A_41 = arith.muli %add3A_35, %mul3A_40 : i32
        "tpu.region"() ({
          %run_scoped3A = tpu.sem_alloc : memref<!tpu.dma_semaphore, #tpu.memory_space<semaphore_mem>>
          %dma_start3A = arith.constant 0 : i32
          %dma_start3A_42 = tpu.memref_slice %arg14[%mul3A_41, %dma_start3A] : memref<10000x128xf32, #tpu.memory_space<vmem_shared>> -> memref<128x128xf32, #tpu.memory_space<vmem_shared>>
          %dma_start3A_43 = arith.constant 0 : i32
          %dma_start3A_44 = tpu.memref_slice %arg14[%mul3A_41, %dma_start3A_43] : memref<10000x128xf32, #tpu.memory_space<vmem_shared>> -> memref<128x128xf32, #tpu.memory_space<vmem_shared>>
          tpu.enqueue_dma source(%arg13 : memref<128x128xf32, #tpu.memory_space<vmem>>) target(%dma_start3A_44 : memref<128x128xf32, #tpu.memory_space<vmem_shared>>) target_semaphore(%run_scoped3A : memref<!tpu.dma_semaphore, #tpu.memory_space<semaphore_mem>>)
          %dma_wait3A = arith.constant 0 : i32
          %dma_wait3A_45 = tpu.memref_slice %arg14[%mul3A_41, %dma_wait3A] : memref<10000x128xf32, #tpu.memory_space<vmem_shared>> -> memref<128x128xf32, #tpu.memory_space<vmem_shared>>
          %dma_wait3A_46 = arith.constant 0 : i32
          %dma_wait3A_47 = tpu.memref_slice %arg14[%mul3A_41, %dma_wait3A_46] : memref<10000x128xf32, #tpu.memory_space<vmem_shared>> -> memref<128x128xf32, #tpu.memory_space<vmem_shared>>
          tpu.wait_dma2 semaphore(%run_scoped3A : memref<!tpu.dma_semaphore, #tpu.memory_space<semaphore_mem>>) src(%arg13 : memref<128x128xf32, #tpu.memory_space<vmem>>) dst(%dma_wait3A_47 : memref<128x128xf32, #tpu.memory_space<vmem_shared>>)
          tpu.yield
        }) : () -> ()
      } else {
      }
    }
    %scan3A_11 = arith.constant 5 : i32
    %eq3A = arith.constant 0 : i32
    %eq3A_12 = arith.cmpi eq, %arg1, %eq3A : i32
    %convert_element_type3A = arith.extui %eq3A_12 : i1 to i32
    %cond3A = arith.constant 0 : i32
    %cond3A_13 = arith.cmpi ne, %convert_element_type3A, %cond3A : i32
    scf.if %cond3A_13 {
      "tpu.region"() ({
        %run_scoped3A = tpu.sem_alloc : memref<!tpu.dma_semaphore, #tpu.memory_space<semaphore_mem>>
        %dma_start3A = arith.constant 0 : i32
        %dma_start3A_32 = arith.constant 0 : i32
        %dma_start3A_33 = tpu.memref_slice %arg13[%dma_start3A, %dma_start3A_32] : memref<128x128xf32, #tpu.memory_space<vmem>> -> memref<16x128xf32, #tpu.memory_space<vmem>>
        %dma_start3A_34 = arith.constant 9984 : i32
        %dma_start3A_35 = arith.constant 0 : i32
        %dma_start3A_36 = tpu.memref_slice %arg14[%dma_start3A_34, %dma_start3A_35] : memref<10000x128xf32, #tpu.memory_space<vmem_shared>> -> memref<16x128xf32, #tpu.memory_space<vmem_shared>>
        %dma_start3A_37 = arith.constant 9984 : i32
        %dma_start3A_38 = arith.constant 0 : i32
        %dma_start3A_39 = tpu.memref_slice %arg14[%dma_start3A_37, %dma_start3A_38] : memref<10000x128xf32, #tpu.memory_space<vmem_shared>> -> memref<16x128xf32, #tpu.memory_space<vmem_shared>>
        %dma_start3A_40 = arith.constant 0 : i32
        %dma_start3A_41 = arith.constant 0 : i32
        %dma_start3A_42 = tpu.memref_slice %arg13[%dma_start3A_40, %dma_start3A_41] : memref<128x128xf32, #tpu.memory_space<vmem>> -> memref<16x128xf32, #tpu.memory_space<vmem>>
        tpu.enqueue_dma source(%dma_start3A_42 : memref<16x128xf32, #tpu.memory_space<vmem>>) target(%dma_start3A_39 : memref<16x128xf32, #tpu.memory_space<vmem_shared>>) target_semaphore(%run_scoped3A : memref<!tpu.dma_semaphore, #tpu.memory_space<semaphore_mem>>)
        %dma_wait3A = arith.constant 0 : i32
        %dma_wait3A_43 = arith.constant 0 : i32
        %dma_wait3A_44 = tpu.memref_slice %arg13[%dma_wait3A, %dma_wait3A_43] : memref<128x128xf32, #tpu.memory_space<vmem>> -> memref<16x128xf32, #tpu.memory_space<vmem>>
        %dma_wait3A_45 = arith.constant 9984 : i32
        %dma_wait3A_46 = arith.constant 0 : i32
        %dma_wait3A_47 = tpu.memref_slice %arg14[%dma_wait3A_45, %dma_wait3A_46] : memref<10000x128xf32, #tpu.memory_space<vmem_shared>> -> memref<16x128xf32, #tpu.memory_space<vmem_shared>>
        %dma_wait3A_48 = arith.constant 9984 : i32
        %dma_wait3A_49 = arith.constant 0 : i32
        %dma_wait3A_50 = tpu.memref_slice %arg14[%dma_wait3A_48, %dma_wait3A_49] : memref<10000x128xf32, #tpu.memory_space<vmem_shared>> -> memref<16x128xf32, #tpu.memory_space<vmem_shared>>
        %dma_wait3A_51 = arith.constant 0 : i32
        %dma_wait3A_52 = arith.constant 0 : i32
        %dma_wait3A_53 = tpu.memref_slice %arg13[%dma_wait3A_51, %dma_wait3A_52] : memref<128x128xf32, #tpu.memory_space<vmem>> -> memref<16x128xf32, #tpu.memory_space<vmem>>
        tpu.wait_dma2 semaphore(%run_scoped3A : memref<!tpu.dma_semaphore, #tpu.memory_space<semaphore_mem>>) src(%dma_wait3A_53 : memref<16x128xf32, #tpu.memory_space<vmem>>) dst(%dma_wait3A_50 : memref<16x128xf32, #tpu.memory_space<vmem_shared>>)
        tpu.yield
      }) : () -> ()
    } else {
    }
    %barrier3A = arith.constant 0 : index
    tpu.barrier barrier_id(%barrier3A)
    %scan3A_14 = arith.constant 0 : i32
    %scan3A_15 = arith.constant 0 : i32
    %scan3A_16 = arith.constant 79 : i32
    %scan3A_17 = arith.addi %scan3A_15, %scan3A_16 : i32
    %scan3A_18 = arith.constant 1 : i32
    scf.for %scan3A_32 = %scan3A_15 to %scan3A_17 step %scan3A_18  : i32 {
      %mul3A_33 = arith.constant 32 : i32
      %mul3A_34 = arith.muli %mul3A_33, %scan3A_32 : i32
      %add3A_35 = arith.addi %add3A, %mul3A_34 : i32
      %lt3A = arith.constant 2500 : i32
      %lt3A_36 = arith.cmpi slt, %add3A_35, %lt3A : i32
      %convert_element_type3A_37 = arith.extui %lt3A_36 : i1 to i32
      %cond3A_38 = arith.constant 0 : i32
      %cond3A_39 = arith.cmpi ne, %convert_element_type3A_37, %cond3A_38 : i32
      scf.if %cond3A_39 {
        %mul3A_40 = arith.constant 128 : i32
        %mul3A_41 = arith.muli %add3A_35, %mul3A_40 : i32
        "tpu.region"() ({
          %run_scoped3A = tpu.sem_alloc : memref<!tpu.dma_semaphore, #tpu.memory_space<semaphore_mem>>
          %dma_start3A = tpu.memref_slice %arg4[%mul3A_41] : memref<320000xi32, #tpu.memory_space<hbm>> -> memref<128xi32, #tpu.memory_space<hbm>>
          %dma_start3A_48 = tpu.memref_slice %arg4[%mul3A_41] : memref<320000xi32, #tpu.memory_space<hbm>> -> memref<128xi32, #tpu.memory_space<hbm>>
          tpu.enqueue_dma source(%dma_start3A_48 : memref<128xi32, #tpu.memory_space<hbm>>) target(%arg8 : memref<128xi32, #tpu.memory_space<vmem>>) target_semaphore(%run_scoped3A : memref<!tpu.dma_semaphore, #tpu.memory_space<semaphore_mem>>)
          %dma_wait3A = tpu.memref_slice %arg4[%mul3A_41] : memref<320000xi32, #tpu.memory_space<hbm>> -> memref<128xi32, #tpu.memory_space<hbm>>
          %dma_wait3A_49 = tpu.memref_slice %arg4[%mul3A_41] : memref<320000xi32, #tpu.memory_space<hbm>> -> memref<128xi32, #tpu.memory_space<hbm>>
          tpu.wait_dma2 semaphore(%run_scoped3A : memref<!tpu.dma_semaphore, #tpu.memory_space<semaphore_mem>>) src(%dma_wait3A_49 : memref<128xi32, #tpu.memory_space<hbm>>) dst(%arg8 : memref<128xi32, #tpu.memory_space<vmem>>)
          tpu.yield
        }) : () -> ()
        "tpu.region"() ({
          %run_scoped3A = tpu.sem_alloc : memref<!tpu.dma_semaphore, #tpu.memory_space<semaphore_mem>>
          %dma_start3A = tpu.memref_slice %arg5[%mul3A_41] : memref<320000xi32, #tpu.memory_space<hbm>> -> memref<128xi32, #tpu.memory_space<hbm>>
          %dma_start3A_48 = tpu.memref_slice %arg5[%mul3A_41] : memref<320000xi32, #tpu.memory_space<hbm>> -> memref<128xi32, #tpu.memory_space<hbm>>
          tpu.enqueue_dma source(%dma_start3A_48 : memref<128xi32, #tpu.memory_space<hbm>>) target(%arg9 : memref<128xi32, #tpu.memory_space<vmem>>) target_semaphore(%run_scoped3A : memref<!tpu.dma_semaphore, #tpu.memory_space<semaphore_mem>>)
          %dma_wait3A = tpu.memref_slice %arg5[%mul3A_41] : memref<320000xi32, #tpu.memory_space<hbm>> -> memref<128xi32, #tpu.memory_space<hbm>>
          %dma_wait3A_49 = tpu.memref_slice %arg5[%mul3A_41] : memref<320000xi32, #tpu.memory_space<hbm>> -> memref<128xi32, #tpu.memory_space<hbm>>
          tpu.wait_dma2 semaphore(%run_scoped3A : memref<!tpu.dma_semaphore, #tpu.memory_space<semaphore_mem>>) src(%dma_wait3A_49 : memref<128xi32, #tpu.memory_space<hbm>>) dst(%arg9 : memref<128xi32, #tpu.memory_space<vmem>>)
          tpu.yield
        }) : () -> ()
        "tpu.region"() ({
          %run_scoped3A = tpu.sem_alloc : memref<!tpu.dma_semaphore, #tpu.memory_space<semaphore_mem>>
          %dma_start3A = tpu.memref_slice %arg6[%mul3A_41] : memref<320000xi32, #tpu.memory_space<hbm>> -> memref<128xi32, #tpu.memory_space<hbm>>
          %dma_start3A_48 = tpu.memref_slice %arg6[%mul3A_41] : memref<320000xi32, #tpu.memory_space<hbm>> -> memref<128xi32, #tpu.memory_space<hbm>>
          tpu.enqueue_dma source(%dma_start3A_48 : memref<128xi32, #tpu.memory_space<hbm>>) target(%arg10 : memref<128xi32, #tpu.memory_space<vmem>>) target_semaphore(%run_scoped3A : memref<!tpu.dma_semaphore, #tpu.memory_space<semaphore_mem>>)
          %dma_wait3A = tpu.memref_slice %arg6[%mul3A_41] : memref<320000xi32, #tpu.memory_space<hbm>> -> memref<128xi32, #tpu.memory_space<hbm>>
          %dma_wait3A_49 = tpu.memref_slice %arg6[%mul3A_41] : memref<320000xi32, #tpu.memory_space<hbm>> -> memref<128xi32, #tpu.memory_space<hbm>>
          tpu.wait_dma2 semaphore(%run_scoped3A : memref<!tpu.dma_semaphore, #tpu.memory_space<semaphore_mem>>) src(%dma_wait3A_49 : memref<128xi32, #tpu.memory_space<hbm>>) dst(%arg10 : memref<128xi32, #tpu.memory_space<vmem>>)
          tpu.yield
        }) : () -> ()
        "tpu.region"() ({
          %run_scoped3A = tpu.sem_alloc : memref<!tpu.dma_semaphore, #tpu.memory_space<semaphore_mem>>
          %dma_start3A = arith.constant 0 : i32
          %dma_start3A_48 = arith.constant 0 : i32
          %dma_start3A_49 = tpu.memref_slice %arg2[%dma_start3A, %dma_start3A_48] : memref<10000x128xf32, #tpu.memory_space<hbm>> -> memref<10000x128xf32, #tpu.memory_space<hbm>>
          tpu.enqueue_indirect_dma source(%dma_start3A_49 : memref<10000x128xf32, #tpu.memory_space<hbm>>) target(%arg11 : memref<128x128xf32, #tpu.memory_space<vmem>>) offsets(%arg8 : memref<128xi32, #tpu.memory_space<vmem>>) semaphore(%run_scoped3A : memref<!tpu.dma_semaphore, #tpu.memory_space<semaphore_mem>>)
          %dma_wait3A = arith.constant 0 : i32
          %dma_wait3A_50 = arith.constant 0 : i32
          %dma_wait3A_51 = tpu.memref_slice %arg2[%dma_wait3A, %dma_wait3A_50] : memref<10000x128xf32, #tpu.memory_space<hbm>> -> memref<10000x128xf32, #tpu.memory_space<hbm>>
          tpu.wait_indirect_dma semaphore(%run_scoped3A : memref<!tpu.dma_semaphore, #tpu.memory_space<semaphore_mem>>) src(%dma_wait3A_51 : memref<10000x128xf32, #tpu.memory_space<hbm>>) dst(%arg11 : memref<128x128xf32, #tpu.memory_space<vmem>>)
          tpu.yield
        }) : () -> ()
        "tpu.region"() ({
          %run_scoped3A = tpu.sem_alloc : memref<!tpu.dma_semaphore, #tpu.memory_space<semaphore_mem>>
          %dma_start3A = arith.constant 0 : i32
          %dma_start3A_48 = arith.constant 0 : i32
          %dma_start3A_49 = tpu.memref_slice %arg3[%dma_start3A, %dma_start3A_48] : memref<32768x128xf32, #tpu.memory_space<hbm>> -> memref<32768x128xf32, #tpu.memory_space<hbm>>
          tpu.enqueue_indirect_dma source(%dma_start3A_49 : memref<32768x128xf32, #tpu.memory_space<hbm>>) target(%arg12 : memref<128x128xf32, #tpu.memory_space<vmem>>) offsets(%arg10 : memref<128xi32, #tpu.memory_space<vmem>>) semaphore(%run_scoped3A : memref<!tpu.dma_semaphore, #tpu.memory_space<semaphore_mem>>)
          %dma_wait3A = arith.constant 0 : i32
          %dma_wait3A_50 = arith.constant 0 : i32
          %dma_wait3A_51 = tpu.memref_slice %arg3[%dma_wait3A, %dma_wait3A_50] : memref<32768x128xf32, #tpu.memory_space<hbm>> -> memref<32768x128xf32, #tpu.memory_space<hbm>>
          tpu.wait_indirect_dma semaphore(%run_scoped3A : memref<!tpu.dma_semaphore, #tpu.memory_space<semaphore_mem>>) src(%dma_wait3A_51 : memref<32768x128xf32, #tpu.memory_space<hbm>>) dst(%arg12 : memref<128x128xf32, #tpu.memory_space<vmem>>)
          tpu.yield
        }) : () -> ()
        %scan3A_42 = arith.constant 0 : i32
        %scan3A_43 = arith.constant 0 : i32
        %scan3A_44 = arith.constant 128 : i32
        %scan3A_45 = arith.addi %scan3A_43, %scan3A_44 : i32
        %scan3A_46 = arith.constant 1 : i32
        scf.for %scan3A_48 = %scan3A_43 to %scan3A_45 step %scan3A_46  : i32 {
          %get3A = arith.index_cast %scan3A_48 : i32 to index
          %get3A_49 = arith.constant 0 : index
          %get3A_50 = tpu.vector_load %arg11[%get3A, %get3A_49] {strides = array<i32>} : memref<128x128xf32, #tpu.memory_space<vmem>>, vector<1x16xf32>,
          %get3A_51 = vector.shape_cast %get3A_50 : vector<1x16xf32> to vector<16xf32>
          %get3A_52 = arith.index_cast %scan3A_48 : i32 to index
          %get3A_53 = arith.constant 0 : index
          %get3A_54 = tpu.vector_load %arg12[%get3A_52, %get3A_53] {strides = array<i32>} : memref<128x128xf32, #tpu.memory_space<vmem>>, vector<1x16xf32>,
          %get3A_55 = vector.shape_cast %get3A_54 : vector<1x16xf32> to vector<16xf32>
          %add3A_56 = arith.addf %get3A_51, %get3A_55 : vector<16xf32>
          %max3A = arith.constant 0.000000e+00 : f32
          %max3A_57 = vector.broadcast %max3A : f32 to vector<16xf32>
          %max3A_58 = arith.maximumf %add3A_56, %max3A_57 : vector<16xf32>
          %swap3A = arith.index_cast %scan3A_48 : i32 to index
          %swap3A_59 = arith.constant 0 : index
          %swap3A_60 = tpu.vector_load %arg12[%swap3A, %swap3A_59] {strides = array<i32>} : memref<128x128xf32, #tpu.memory_space<vmem>>, vector<1x16xf32>,
          %swap3A_61 = vector.shape_cast %swap3A_60 : vector<1x16xf32> to vector<16xf32>
          %swap3A_62 = vector.shape_cast %max3A_58 : vector<16xf32> to vector<1x16xf32>
          tpu.vector_store %arg12[%swap3A, %swap3A_59], %swap3A_62 {strides = array<i32>} : memref<128x128xf32, #tpu.memory_space<vmem>>, vector<1x16xf32>,
          %get3A_63 = arith.index_cast %scan3A_48 : i32 to index
          %get3A_64 = arith.constant 16 : index
          %get3A_65 = tpu.vector_load %arg11[%get3A_63, %get3A_64] {strides = array<i32>} : memref<128x128xf32, #tpu.memory_space<vmem>>, vector<1x16xf32>,
          %get3A_66 = vector.shape_cast %get3A_65 : vector<1x16xf32> to vector<16xf32>
          %get3A_67 = arith.index_cast %scan3A_48 : i32 to index
          %get3A_68 = arith.constant 16 : index
          %get3A_69 = tpu.vector_load %arg12[%get3A_67, %get3A_68] {strides = array<i32>} : memref<128x128xf32, #tpu.memory_space<vmem>>, vector<1x16xf32>,
          %get3A_70 = vector.shape_cast %get3A_69 : vector<1x16xf32> to vector<16xf32>
          %add3A_71 = arith.addf %get3A_66, %get3A_70 : vector<16xf32>
          %max3A_72 = arith.constant 0.000000e+00 : f32
          %max3A_73 = vector.broadcast %max3A_72 : f32 to vector<16xf32>
          %max3A_74 = arith.maximumf %add3A_71, %max3A_73 : vector<16xf32>
          %swap3A_75 = arith.index_cast %scan3A_48 : i32 to index
          %swap3A_76 = arith.constant 16 : index
          %swap3A_77 = tpu.vector_load %arg12[%swap3A_75, %swap3A_76] {strides = array<i32>} : memref<128x128xf32, #tpu.memory_space<vmem>>, vector<1x16xf32>,
          %swap3A_78 = vector.shape_cast %swap3A_77 : vector<1x16xf32> to vector<16xf32>
          %swap3A_79 = vector.shape_cast %max3A_74 : vector<16xf32> to vector<1x16xf32>
          tpu.vector_store %arg12[%swap3A_75, %swap3A_76], %swap3A_79 {strides = array<i32>} : memref<128x128xf32, #tpu.memory_space<vmem>>, vector<1x16xf32>,
          %get3A_80 = arith.index_cast %scan3A_48 : i32 to index
          %get3A_81 = arith.constant 32 : index
          %get3A_82 = tpu.vector_load %arg11[%get3A_80, %get3A_81] {strides = array<i32>} : memref<128x128xf32, #tpu.memory_space<vmem>>, vector<1x16xf32>,
          %get3A_83 = vector.shape_cast %get3A_82 : vector<1x16xf32> to vector<16xf32>
          %get3A_84 = arith.index_cast %scan3A_48 : i32 to index
          %get3A_85 = arith.constant 32 : index
          %get3A_86 = tpu.vector_load %arg12[%get3A_84, %get3A_85] {strides = array<i32>} : memref<128x128xf32, #tpu.memory_space<vmem>>, vector<1x16xf32>,
          %get3A_87 = vector.shape_cast %get3A_86 : vector<1x16xf32> to vector<16xf32>
          %add3A_88 = arith.addf %get3A_83, %get3A_87 : vector<16xf32>
          %max3A_89 = arith.constant 0.000000e+00 : f32
          %max3A_90 = vector.broadcast %max3A_89 : f32 to vector<16xf32>
          %max3A_91 = arith.maximumf %add3A_88, %max3A_90 : vector<16xf32>
          %swap3A_92 = arith.index_cast %scan3A_48 : i32 to index
          %swap3A_93 = arith.constant 32 : index
          %swap3A_94 = tpu.vector_load %arg12[%swap3A_92, %swap3A_93] {strides = array<i32>} : memref<128x128xf32, #tpu.memory_space<vmem>>, vector<1x16xf32>,
          %swap3A_95 = vector.shape_cast %swap3A_94 : vector<1x16xf32> to vector<16xf32>
          %swap3A_96 = vector.shape_cast %max3A_91 : vector<16xf32> to vector<1x16xf32>
          tpu.vector_store %arg12[%swap3A_92, %swap3A_93], %swap3A_96 {strides = array<i32>} : memref<128x128xf32, #tpu.memory_space<vmem>>, vector<1x16xf32>,
          %get3A_97 = arith.index_cast %scan3A_48 : i32 to index
          %get3A_98 = arith.constant 48 : index
          %get3A_99 = tpu.vector_load %arg11[%get3A_97, %get3A_98] {strides = array<i32>} : memref<128x128xf32, #tpu.memory_space<vmem>>, vector<1x16xf32>,
          %get3A_100 = vector.shape_cast %get3A_99 : vector<1x16xf32> to vector<16xf32>
          %get3A_101 = arith.index_cast %scan3A_48 : i32 to index
          %get3A_102 = arith.constant 48 : index
          %get3A_103 = tpu.vector_load %arg12[%get3A_101, %get3A_102] {strides = array<i32>} : memref<128x128xf32, #tpu.memory_space<vmem>>, vector<1x16xf32>,
          %get3A_104 = vector.shape_cast %get3A_103 : vector<1x16xf32> to vector<16xf32>
          %add3A_105 = arith.addf %get3A_100, %get3A_104 : vector<16xf32>
          %max3A_106 = arith.constant 0.000000e+00 : f32
          %max3A_107 = vector.broadcast %max3A_106 : f32 to vector<16xf32>
          %max3A_108 = arith.maximumf %add3A_105, %max3A_107 : vector<16xf32>
          %swap3A_109 = arith.index_cast %scan3A_48 : i32 to index
          %swap3A_110 = arith.constant 48 : index
          %swap3A_111 = tpu.vector_load %arg12[%swap3A_109, %swap3A_110] {strides = array<i32>} : memref<128x128xf32, #tpu.memory_space<vmem>>, vector<1x16xf32>,
          %swap3A_112 = vector.shape_cast %swap3A_111 : vector<1x16xf32> to vector<16xf32>
          %swap3A_113 = vector.shape_cast %max3A_108 : vector<16xf32> to vector<1x16xf32>
          tpu.vector_store %arg12[%swap3A_109, %swap3A_110], %swap3A_113 {strides = array<i32>} : memref<128x128xf32, #tpu.memory_space<vmem>>, vector<1x16xf32>,
          %get3A_114 = arith.index_cast %scan3A_48 : i32 to index
          %get3A_115 = arith.constant 64 : index
          %get3A_116 = tpu.vector_load %arg11[%get3A_114, %get3A_115] {strides = array<i32>} : memref<128x128xf32, #tpu.memory_space<vmem>>, vector<1x16xf32>,
          %get3A_117 = vector.shape_cast %get3A_116 : vector<1x16xf32> to vector<16xf32>
          %get3A_118 = arith.index_cast %scan3A_48 : i32 to index
          %get3A_119 = arith.constant 64 : index
          %get3A_120 = tpu.vector_load %arg12[%get3A_118, %get3A_119] {strides = array<i32>} : memref<128x128xf32, #tpu.memory_space<vmem>>, vector<1x16xf32>,
          %get3A_121 = vector.shape_cast %get3A_120 : vector<1x16xf32> to vector<16xf32>
          %add3A_122 = arith.addf %get3A_117, %get3A_121 : vector<16xf32>
          %max3A_123 = arith.constant 0.000000e+00 : f32
          %max3A_124 = vector.broadcast %max3A_123 : f32 to vector<16xf32>
          %max3A_125 = arith.maximumf %add3A_122, %max3A_124 : vector<16xf32>
          %swap3A_126 = arith.index_cast %scan3A_48 : i32 to index
          %swap3A_127 = arith.constant 64 : index
          %swap3A_128 = tpu.vector_load %arg12[%swap3A_126, %swap3A_127] {strides = array<i32>} : memref<128x128xf32, #tpu.memory_space<vmem>>, vector<1x16xf32>,
          %swap3A_129 = vector.shape_cast %swap3A_128 : vector<1x16xf32> to vector<16xf32>
          %swap3A_130 = vector.shape_cast %max3A_125 : vector<16xf32> to vector<1x16xf32>
          tpu.vector_store %arg12[%swap3A_126, %swap3A_127], %swap3A_130 {strides = array<i32>} : memref<128x128xf32, #tpu.memory_space<vmem>>, vector<1x16xf32>,
          %get3A_131 = arith.index_cast %scan3A_48 : i32 to index
          %get3A_132 = arith.constant 80 : index
          %get3A_133 = tpu.vector_load %arg11[%get3A_131, %get3A_132] {strides = array<i32>} : memref<128x128xf32, #tpu.memory_space<vmem>>, vector<1x16xf32>,
          %get3A_134 = vector.shape_cast %get3A_133 : vector<1x16xf32> to vector<16xf32>
          %get3A_135 = arith.index_cast %scan3A_48 : i32 to index
          %get3A_136 = arith.constant 80 : index
          %get3A_137 = tpu.vector_load %arg12[%get3A_135, %get3A_136] {strides = array<i32>} : memref<128x128xf32, #tpu.memory_space<vmem>>, vector<1x16xf32>,
          %get3A_138 = vector.shape_cast %get3A_137 : vector<1x16xf32> to vector<16xf32>
          %add3A_139 = arith.addf %get3A_134, %get3A_138 : vector<16xf32>
          %max3A_140 = arith.constant 0.000000e+00 : f32
          %max3A_141 = vector.broadcast %max3A_140 : f32 to vector<16xf32>
          %max3A_142 = arith.maximumf %add3A_139, %max3A_141 : vector<16xf32>
          %swap3A_143 = arith.index_cast %scan3A_48 : i32 to index
          %swap3A_144 = arith.constant 80 : index
          %swap3A_145 = tpu.vector_load %arg12[%swap3A_143, %swap3A_144] {strides = array<i32>} : memref<128x128xf32, #tpu.memory_space<vmem>>, vector<1x16xf32>,
          %swap3A_146 = vector.shape_cast %swap3A_145 : vector<1x16xf32> to vector<16xf32>
          %swap3A_147 = vector.shape_cast %max3A_142 : vector<16xf32> to vector<1x16xf32>
          tpu.vector_store %arg12[%swap3A_143, %swap3A_144], %swap3A_147 {strides = array<i32>} : memref<128x128xf32, #tpu.memory_space<vmem>>, vector<1x16xf32>,
          %get3A_148 = arith.index_cast %scan3A_48 : i32 to index
          %get3A_149 = arith.constant 96 : index
          %get3A_150 = tpu.vector_load %arg11[%get3A_148, %get3A_149] {strides = array<i32>} : memref<128x128xf32, #tpu.memory_space<vmem>>, vector<1x16xf32>,
          %get3A_151 = vector.shape_cast %get3A_150 : vector<1x16xf32> to vector<16xf32>
          %get3A_152 = arith.index_cast %scan3A_48 : i32 to index
          %get3A_153 = arith.constant 96 : index
          %get3A_154 = tpu.vector_load %arg12[%get3A_152, %get3A_153] {strides = array<i32>} : memref<128x128xf32, #tpu.memory_space<vmem>>, vector<1x16xf32>,
          %get3A_155 = vector.shape_cast %get3A_154 : vector<1x16xf32> to vector<16xf32>
          %add3A_156 = arith.addf %get3A_151, %get3A_155 : vector<16xf32>
          %max3A_157 = arith.constant 0.000000e+00 : f32
          %max3A_158 = vector.broadcast %max3A_157 : f32 to vector<16xf32>
          %max3A_159 = arith.maximumf %add3A_156, %max3A_158 : vector<16xf32>
          %swap3A_160 = arith.index_cast %scan3A_48 : i32 to index
          %swap3A_161 = arith.constant 96 : index
          %swap3A_162 = tpu.vector_load %arg12[%swap3A_160, %swap3A_161] {strides = array<i32>} : memref<128x128xf32, #tpu.memory_space<vmem>>, vector<1x16xf32>,
          %swap3A_163 = vector.shape_cast %swap3A_162 : vector<1x16xf32> to vector<16xf32>
          %swap3A_164 = vector.shape_cast %max3A_159 : vector<16xf32> to vector<1x16xf32>
          tpu.vector_store %arg12[%swap3A_160, %swap3A_161], %swap3A_164 {strides = array<i32>} : memref<128x128xf32, #tpu.memory_space<vmem>>, vector<1x16xf32>,
          %get3A_165 = arith.index_cast %scan3A_48 : i32 to index
          %get3A_166 = arith.constant 112 : index
          %get3A_167 = tpu.vector_load %arg11[%get3A_165, %get3A_166] {strides = array<i32>} : memref<128x128xf32, #tpu.memory_space<vmem>>, vector<1x16xf32>,
          %get3A_168 = vector.shape_cast %get3A_167 : vector<1x16xf32> to vector<16xf32>
          %get3A_169 = arith.index_cast %scan3A_48 : i32 to index
          %get3A_170 = arith.constant 112 : index
          %get3A_171 = tpu.vector_load %arg12[%get3A_169, %get3A_170] {strides = array<i32>} : memref<128x128xf32, #tpu.memory_space<vmem>>, vector<1x16xf32>,
          %get3A_172 = vector.shape_cast %get3A_171 : vector<1x16xf32> to vector<16xf32>
          %add3A_173 = arith.addf %get3A_168, %get3A_172 : vector<16xf32>
          %max3A_174 = arith.constant 0.000000e+00 : f32
          %max3A_175 = vector.broadcast %max3A_174 : f32 to vector<16xf32>
          %max3A_176 = arith.maximumf %add3A_173, %max3A_175 : vector<16xf32>
          %swap3A_177 = arith.index_cast %scan3A_48 : i32 to index
          %swap3A_178 = arith.constant 112 : index
          %swap3A_179 = tpu.vector_load %arg12[%swap3A_177, %swap3A_178] {strides = array<i32>} : memref<128x128xf32, #tpu.memory_space<vmem>>, vector<1x16xf32>,
          %swap3A_180 = vector.shape_cast %swap3A_179 : vector<1x16xf32> to vector<16xf32>
          %swap3A_181 = vector.shape_cast %max3A_176 : vector<16xf32> to vector<1x16xf32>
          tpu.vector_store %arg12[%swap3A_177, %swap3A_178], %swap3A_181 {strides = array<i32>} : memref<128x128xf32, #tpu.memory_space<vmem>>, vector<1x16xf32>,
        }
        %scan3A_47 = arith.constant 128 : i32
        "tpu.region"() ({
          %run_scoped3A = tpu.sem_alloc : memref<!tpu.dma_semaphore, #tpu.memory_space<semaphore_mem>>
          %dma_start3A = arith.constant 0 : i32
          %dma_start3A_48 = arith.constant 0 : i32
          %dma_start3A_49 = tpu.memref_slice %arg14[%dma_start3A, %dma_start3A_48] : memref<10000x128xf32, #tpu.memory_space<vmem_shared>> -> memref<10000x128xf32, #tpu.memory_space<vmem_shared>>
          tpu.enqueue_indirect_dma source(%arg12 : memref<128x128xf32, #tpu.memory_space<vmem>>) target(%dma_start3A_49 : memref<10000x128xf32, #tpu.memory_space<vmem_shared>>) offsets(%arg9 : memref<128xi32, #tpu.memory_space<vmem>>) semaphore(%run_scoped3A : memref<!tpu.dma_semaphore, #tpu.memory_space<semaphore_mem>>) {add = true}
          %dma_wait3A = arith.constant 0 : i32
          %dma_wait3A_50 = arith.constant 0 : i32
          %dma_wait3A_51 = tpu.memref_slice %arg14[%dma_wait3A, %dma_wait3A_50] : memref<10000x128xf32, #tpu.memory_space<vmem_shared>> -> memref<10000x128xf32, #tpu.memory_space<vmem_shared>>
          tpu.wait_indirect_dma semaphore(%run_scoped3A : memref<!tpu.dma_semaphore, #tpu.memory_space<semaphore_mem>>) src(%arg12 : memref<128x128xf32, #tpu.memory_space<vmem>>) dst(%dma_wait3A_51 : memref<10000x128xf32, #tpu.memory_space<vmem_shared>>)
          tpu.yield
        }) : () -> ()
      } else {
      }
    }
    %scan3A_19 = arith.constant 79 : i32
    %barrier3A_20 = arith.constant 0 : index
    tpu.barrier barrier_id(%barrier3A_20)
    %scan3A_21 = arith.constant 0 : i32
    %scan3A_22 = arith.constant 0 : i32
    %scan3A_23 = arith.constant 5 : i32
    %scan3A_24 = arith.addi %scan3A_22, %scan3A_23 : i32
    %scan3A_25 = arith.constant 1 : i32
    scf.for %scan3A_32 = %scan3A_22 to %scan3A_24 step %scan3A_25  : i32 {
      %mul3A_33 = arith.constant 16 : i32
      %mul3A_34 = arith.muli %mul3A_33, %scan3A_32 : i32
      %add3A_35 = arith.addi %arg1, %mul3A_34 : i32
      %lt3A = arith.constant 78 : i32
      %lt3A_36 = arith.cmpi slt, %add3A_35, %lt3A : i32
      %convert_element_type3A_37 = arith.extui %lt3A_36 : i1 to i32
      %cond3A_38 = arith.constant 0 : i32
      %cond3A_39 = arith.cmpi ne, %convert_element_type3A_37, %cond3A_38 : i32
      scf.if %cond3A_39 {
        %mul3A_40 = arith.constant 128 : i32
        %mul3A_41 = arith.muli %add3A_35, %mul3A_40 : i32
        %mul3A_42 = arith.constant 128 : i32
        %mul3A_43 = arith.muli %add3A_35, %mul3A_42 : i32
        "tpu.region"() ({
          %run_scoped3A = tpu.sem_alloc : memref<!tpu.dma_semaphore, #tpu.memory_space<semaphore_mem>>
          %dma_start3A = arith.constant 0 : i32
          %dma_start3A_44 = tpu.memref_slice %arg7[%arg0, %mul3A_43, %dma_start3A] : memref<2x10000x128xf32, #tpu.memory_space<hbm>> -> memref<1x128x128xf32, #tpu.memory_space<hbm>>
          %dma_start3A_45 = tpu.memref_squeeze %dma_start3A_44 : memref<1x128x128xf32, #tpu.memory_space<hbm>> -> memref<128x128xf32, #tpu.memory_space<hbm>>
          %dma_start3A_46 = arith.constant 0 : i32
          %dma_start3A_47 = tpu.memref_slice %arg14[%mul3A_41, %dma_start3A_46] : memref<10000x128xf32, #tpu.memory_space<vmem_shared>> -> memref<128x128xf32, #tpu.memory_space<vmem_shared>>
          tpu.enqueue_dma source(%dma_start3A_47 : memref<128x128xf32, #tpu.memory_space<vmem_shared>>) target(%dma_start3A_45 : memref<128x128xf32, #tpu.memory_space<hbm>>) target_semaphore(%run_scoped3A : memref<!tpu.dma_semaphore, #tpu.memory_space<semaphore_mem>>)
          %dma_wait3A = arith.constant 0 : i32
          %dma_wait3A_48 = tpu.memref_slice %arg7[%arg0, %mul3A_43, %dma_wait3A] : memref<2x10000x128xf32, #tpu.memory_space<hbm>> -> memref<1x128x128xf32, #tpu.memory_space<hbm>>
          %dma_wait3A_49 = tpu.memref_squeeze %dma_wait3A_48 : memref<1x128x128xf32, #tpu.memory_space<hbm>> -> memref<128x128xf32, #tpu.memory_space<hbm>>
          %dma_wait3A_50 = arith.constant 0 : i32
          %dma_wait3A_51 = tpu.memref_slice %arg14[%mul3A_41, %dma_wait3A_50] : memref<10000x128xf32, #tpu.memory_space<vmem_shared>> -> memref<128x128xf32, #tpu.memory_space<vmem_shared>>
          tpu.wait_dma2 semaphore(%run_scoped3A : memref<!tpu.dma_semaphore, #tpu.memory_space<semaphore_mem>>) src(%dma_wait3A_51 : memref<128x128xf32, #tpu.memory_space<vmem_shared>>) dst(%dma_wait3A_49 : memref<128x128xf32, #tpu.memory_space<hbm>>)
          tpu.yield
        }) : () -> ()
      } else {
      }
    }
    %scan3A_26 = arith.constant 5 : i32
    %eq3A_27 = arith.constant 0 : i32
    %eq3A_28 = arith.cmpi eq, %arg1, %eq3A_27 : i32
    %convert_element_type3A_29 = arith.extui %eq3A_28 : i1 to i32
    %cond3A_30 = arith.constant 0 : i32
    %cond3A_31 = arith.cmpi ne, %convert_element_type3A_29, %cond3A_30 : i32
    scf.if %cond3A_31 {
      "tpu.region"() ({
        %run_scoped3A = tpu.sem_alloc : memref<!tpu.dma_semaphore, #tpu.memory_space<semaphore_mem>>
        %dma_start3A = arith.constant 9984 : i32
        %dma_start3A_32 = arith.constant 0 : i32
        %dma_start3A_33 = tpu.memref_slice %arg7[%arg0, %dma_start3A, %dma_start3A_32] : memref<2x10000x128xf32, #tpu.memory_space<hbm>> -> memref<1x16x128xf32, #tpu.memory_space<hbm>>
        %dma_start3A_34 = tpu.memref_squeeze %dma_start3A_33 : memref<1x16x128xf32, #tpu.memory_space<hbm>> -> memref<16x128xf32, #tpu.memory_space<hbm>>
        %dma_start3A_35 = arith.constant 9984 : i32
        %dma_start3A_36 = arith.constant 0 : i32
        %dma_start3A_37 = tpu.memref_slice %arg14[%dma_start3A_35, %dma_start3A_36] : memref<10000x128xf32, #tpu.memory_space<vmem_shared>> -> memref<16x128xf32, #tpu.memory_space<vmem_shared>>
        tpu.enqueue_dma source(%dma_start3A_37 : memref<16x128xf32, #tpu.memory_space<vmem_shared>>) target(%dma_start3A_34 : memref<16x128xf32, #tpu.memory_space<hbm>>) target_semaphore(%run_scoped3A : memref<!tpu.dma_semaphore, #tpu.memory_space<semaphore_mem>>)
        %dma_wait3A = arith.constant 9984 : i32
        %dma_wait3A_38 = arith.constant 0 : i32
        %dma_wait3A_39 = tpu.memref_slice %arg7[%arg0, %dma_wait3A, %dma_wait3A_38] : memref<2x10000x128xf32, #tpu.memory_space<hbm>> -> memref<1x16x128xf32, #tpu.memory_space<hbm>>
        %dma_wait3A_40 = tpu.memref_squeeze %dma_wait3A_39 : memref<1x16x128xf32, #tpu.memory_space<hbm>> -> memref<16x128xf32, #tpu.memory_space<hbm>>
        %dma_wait3A_41 = arith.constant 9984 : i32
        %dma_wait3A_42 = arith.constant 0 : i32
        %dma_wait3A_43 = tpu.memref_slice %arg14[%dma_wait3A_41, %dma_wait3A_42] : memref<10000x128xf32, #tpu.memory_space<vmem_shared>> -> memref<16x128xf32, #tpu.memory_space<vmem_shared>>
        tpu.wait_dma2 semaphore(%run_scoped3A : memref<!tpu.dma_semaphore, #tpu.memory_space<semaphore_mem>>) src(%dma_wait3A_43 : memref<16x128xf32, #tpu.memory_space<vmem_shared>>) dst(%dma_wait3A_40 : memref<16x128xf32, #tpu.memory_space<hbm>>)
        tpu.yield
      }) : () -> ()
    } else {
    }
    return
  }
}

#map = affine_map<(d0, d1) -> (0, 0)>
#map1 = affine_map<(d0, d1) -> (0)>
#map2 = affine_map<(d0, d1) -> (0, 0, 0)>
module attributes {stable_mosaic.version = 14 : i64} {
  func.func @_edge_aggregate_sc(%arg0: i32, %arg1: i32, %arg2: memref<10000x128xf32, #tpu.memory_space<hbm>>, %arg3: memref<32768x128xf32, #tpu.memory_space<hbm>>, %arg4: memref<320000xi32, #tpu.memory_space<hbm>>, %arg5: memref<320000xi32, #tpu.memory_space<hbm>>, %arg6: memref<320000xi32, #tpu.memory_space<hbm>>, %arg7: memref<2x10000x128xf32, #tpu.memory_space<hbm>>, %arg8: memref<128xi32, #tpu.memory_space<vmem>>, %arg9: memref<128xi32, #tpu.memory_space<vmem>>, %arg10: memref<128xi32, #tpu.memory_space<vmem>>, %arg11: memref<128x128xf32, #tpu.memory_space<vmem>>, %arg12: memref<128x128xf32, #tpu.memory_space<vmem>>, %arg13: memref<128x128xf32, #tpu.memory_space<vmem>>, %arg14: memref<10000x128xf32, #tpu.memory_space<vmem_shared>>) attributes {dimension_semantics = [#tpu.dimension_semantics<core_parallel>, #tpu.dimension_semantics<subcore_parallel>], iteration_bounds = array<i64: 2, 16>, scalar_prefetch = 0 : i64, scratch_operands = 7 : i64, tpu.core_type = #tpu.core_type<sc_vector_subcore>, window_params = [{transform_indices = #map}, {transform_indices = #map}, {transform_indices = #map1}, {transform_indices = #map1}, {transform_indices = #map1}, {transform_indices = #map2}]} {
    %mul3A = arith.constant 2 : i32
    %mul3A_0 = arith.muli %arg1, %mul3A : i32
    %add3A = arith.addi %mul3A_0, %arg0 : i32
    %scan3A = arith.constant 0 : i32
    %scan3A_1 = arith.constant 0 : i32
    %scan3A_2 = arith.constant 128 : i32
    %scan3A_3 = arith.addi %scan3A_1, %scan3A_2 : i32
    %scan3A_4 = arith.constant 1 : i32
    scf.for %scan3A_32 = %scan3A_1 to %scan3A_3 step %scan3A_4  : i32 {
      %broadcast_in_dim3A = arith.constant 0.000000e+00 : f32
      %broadcast_in_dim3A_33 = vector.broadcast %broadcast_in_dim3A : f32 to vector<16xf32>
      %swap3A = arith.index_cast %scan3A_32 : i32 to index
      %swap3A_34 = arith.constant 0 : index
      %swap3A_35 = tpu.vector_load %arg13[%swap3A, %swap3A_34] {strides = array<i32>} : memref<128x128xf32, #tpu.memory_space<vmem>>, vector<1x16xf32>,
      %swap3A_36 = vector.shape_cast %swap3A_35 : vector<1x16xf32> to vector<16xf32>
      %swap3A_37 = vector.shape_cast %broadcast_in_dim3A_33 : vector<16xf32> to vector<1x16xf32>
      tpu.vector_store %arg13[%swap3A, %swap3A_34], %swap3A_37 {strides = array<i32>} : memref<128x128xf32, #tpu.memory_space<vmem>>, vector<1x16xf32>,
      %broadcast_in_dim3A_38 = arith.constant 0.000000e+00 : f32
      %broadcast_in_dim3A_39 = vector.broadcast %broadcast_in_dim3A_38 : f32 to vector<16xf32>
      %swap3A_40 = arith.index_cast %scan3A_32 : i32 to index
      %swap3A_41 = arith.constant 16 : index
      %swap3A_42 = tpu.vector_load %arg13[%swap3A_40, %swap3A_41] {strides = array<i32>} : memref<128x128xf32, #tpu.memory_space<vmem>>, vector<1x16xf32>,
      %swap3A_43 = vector.shape_cast %swap3A_42 : vector<1x16xf32> to vector<16xf32>
      %swap3A_44 = vector.shape_cast %broadcast_in_dim3A_39 : vector<16xf32> to vector<1x16xf32>
      tpu.vector_store %arg13[%swap3A_40, %swap3A_41], %swap3A_44 {strides = array<i32>} : memref<128x128xf32, #tpu.memory_space<vmem>>, vector<1x16xf32>,
      %broadcast_in_dim3A_45 = arith.constant 0.000000e+00 : f32
      %broadcast_in_dim3A_46 = vector.broadcast %broadcast_in_dim3A_45 : f32 to vector<16xf32>
      %swap3A_47 = arith.index_cast %scan3A_32 : i32 to index
      %swap3A_48 = arith.constant 32 : index
      %swap3A_49 = tpu.vector_load %arg13[%swap3A_47, %swap3A_48] {strides = array<i32>} : memref<128x128xf32, #tpu.memory_space<vmem>>, vector<1x16xf32>,
      %swap3A_50 = vector.shape_cast %swap3A_49 : vector<1x16xf32> to vector<16xf32>
      %swap3A_51 = vector.shape_cast %broadcast_in_dim3A_46 : vector<16xf32> to vector<1x16xf32>
      tpu.vector_store %arg13[%swap3A_47, %swap3A_48], %swap3A_51 {strides = array<i32>} : memref<128x128xf32, #tpu.memory_space<vmem>>, vector<1x16xf32>,
      %broadcast_in_dim3A_52 = arith.constant 0.000000e+00 : f32
      %broadcast_in_dim3A_53 = vector.broadcast %broadcast_in_dim3A_52 : f32 to vector<16xf32>
      %swap3A_54 = arith.index_cast %scan3A_32 : i32 to index
      %swap3A_55 = arith.constant 48 : index
      %swap3A_56 = tpu.vector_load %arg13[%swap3A_54, %swap3A_55] {strides = array<i32>} : memref<128x128xf32, #tpu.memory_space<vmem>>, vector<1x16xf32>,
      %swap3A_57 = vector.shape_cast %swap3A_56 : vector<1x16xf32> to vector<16xf32>
      %swap3A_58 = vector.shape_cast %broadcast_in_dim3A_53 : vector<16xf32> to vector<1x16xf32>
      tpu.vector_store %arg13[%swap3A_54, %swap3A_55], %swap3A_58 {strides = array<i32>} : memref<128x128xf32, #tpu.memory_space<vmem>>, vector<1x16xf32>,
      %broadcast_in_dim3A_59 = arith.constant 0.000000e+00 : f32
      %broadcast_in_dim3A_60 = vector.broadcast %broadcast_in_dim3A_59 : f32 to vector<16xf32>
      %swap3A_61 = arith.index_cast %scan3A_32 : i32 to index
      %swap3A_62 = arith.constant 64 : index
      %swap3A_63 = tpu.vector_load %arg13[%swap3A_61, %swap3A_62] {strides = array<i32>} : memref<128x128xf32, #tpu.memory_space<vmem>>, vector<1x16xf32>,
      %swap3A_64 = vector.shape_cast %swap3A_63 : vector<1x16xf32> to vector<16xf32>
      %swap3A_65 = vector.shape_cast %broadcast_in_dim3A_60 : vector<16xf32> to vector<1x16xf32>
      tpu.vector_store %arg13[%swap3A_61, %swap3A_62], %swap3A_65 {strides = array<i32>} : memref<128x128xf32, #tpu.memory_space<vmem>>, vector<1x16xf32>,
      %broadcast_in_dim3A_66 = arith.constant 0.000000e+00 : f32
      %broadcast_in_dim3A_67 = vector.broadcast %broadcast_in_dim3A_66 : f32 to vector<16xf32>
      %swap3A_68 = arith.index_cast %scan3A_32 : i32 to index
      %swap3A_69 = arith.constant 80 : index
      %swap3A_70 = tpu.vector_load %arg13[%swap3A_68, %swap3A_69] {strides = array<i32>} : memref<128x128xf32, #tpu.memory_space<vmem>>, vector<1x16xf32>,
      %swap3A_71 = vector.shape_cast %swap3A_70 : vector<1x16xf32> to vector<16xf32>
      %swap3A_72 = vector.shape_cast %broadcast_in_dim3A_67 : vector<16xf32> to vector<1x16xf32>
      tpu.vector_store %arg13[%swap3A_68, %swap3A_69], %swap3A_72 {strides = array<i32>} : memref<128x128xf32, #tpu.memory_space<vmem>>, vector<1x16xf32>,
      %broadcast_in_dim3A_73 = arith.constant 0.000000e+00 : f32
      %broadcast_in_dim3A_74 = vector.broadcast %broadcast_in_dim3A_73 : f32 to vector<16xf32>
      %swap3A_75 = arith.index_cast %scan3A_32 : i32 to index
      %swap3A_76 = arith.constant 96 : index
      %swap3A_77 = tpu.vector_load %arg13[%swap3A_75, %swap3A_76] {strides = array<i32>} : memref<128x128xf32, #tpu.memory_space<vmem>>, vector<1x16xf32>,
      %swap3A_78 = vector.shape_cast %swap3A_77 : vector<1x16xf32> to vector<16xf32>
      %swap3A_79 = vector.shape_cast %broadcast_in_dim3A_74 : vector<16xf32> to vector<1x16xf32>
      tpu.vector_store %arg13[%swap3A_75, %swap3A_76], %swap3A_79 {strides = array<i32>} : memref<128x128xf32, #tpu.memory_space<vmem>>, vector<1x16xf32>,
      %broadcast_in_dim3A_80 = arith.constant 0.000000e+00 : f32
      %broadcast_in_dim3A_81 = vector.broadcast %broadcast_in_dim3A_80 : f32 to vector<16xf32>
      %swap3A_82 = arith.index_cast %scan3A_32 : i32 to index
      %swap3A_83 = arith.constant 112 : index
      %swap3A_84 = tpu.vector_load %arg13[%swap3A_82, %swap3A_83] {strides = array<i32>} : memref<128x128xf32, #tpu.memory_space<vmem>>, vector<1x16xf32>,
      %swap3A_85 = vector.shape_cast %swap3A_84 : vector<1x16xf32> to vector<16xf32>
      %swap3A_86 = vector.shape_cast %broadcast_in_dim3A_81 : vector<16xf32> to vector<1x16xf32>
      tpu.vector_store %arg13[%swap3A_82, %swap3A_83], %swap3A_86 {strides = array<i32>} : memref<128x128xf32, #tpu.memory_space<vmem>>, vector<1x16xf32>,
    }
    %scan3A_5 = arith.constant 128 : i32
    %scan3A_6 = arith.constant 0 : i32
    %scan3A_7 = arith.constant 0 : i32
    %scan3A_8 = arith.constant 5 : i32
    %scan3A_9 = arith.addi %scan3A_7, %scan3A_8 : i32
    %scan3A_10 = arith.constant 1 : i32
    scf.for %scan3A_32 = %scan3A_7 to %scan3A_9 step %scan3A_10  : i32 {
      %mul3A_33 = arith.constant 16 : i32
      %mul3A_34 = arith.muli %mul3A_33, %scan3A_32 : i32
      %add3A_35 = arith.addi %arg1, %mul3A_34 : i32
      %lt3A = arith.constant 78 : i32
      %lt3A_36 = arith.cmpi slt, %add3A_35, %lt3A : i32
      %convert_element_type3A_37 = arith.extui %lt3A_36 : i1 to i32
      %cond3A_38 = arith.constant 0 : i32
      %cond3A_39 = arith.cmpi ne, %convert_element_type3A_37, %cond3A_38 : i32
      scf.if %cond3A_39 {
        %mul3A_40 = arith.constant 128 : i32
        %mul3A_41 = arith.muli %add3A_35, %mul3A_40 : i32
        "tpu.region"() ({
          %run_scoped3A = tpu.sem_alloc : memref<!tpu.dma_semaphore, #tpu.memory_space<semaphore_mem>>
          %dma_start3A = arith.constant 0 : i32
          %dma_start3A_42 = tpu.memref_slice %arg14[%mul3A_41, %dma_start3A] : memref<10000x128xf32, #tpu.memory_space<vmem_shared>> -> memref<128x128xf32, #tpu.memory_space<vmem_shared>>
          %dma_start3A_43 = arith.constant 0 : i32
          %dma_start3A_44 = tpu.memref_slice %arg14[%mul3A_41, %dma_start3A_43] : memref<10000x128xf32, #tpu.memory_space<vmem_shared>> -> memref<128x128xf32, #tpu.memory_space<vmem_shared>>
          tpu.enqueue_dma source(%arg13 : memref<128x128xf32, #tpu.memory_space<vmem>>) target(%dma_start3A_44 : memref<128x128xf32, #tpu.memory_space<vmem_shared>>) target_semaphore(%run_scoped3A : memref<!tpu.dma_semaphore, #tpu.memory_space<semaphore_mem>>)
          %dma_wait3A = arith.constant 0 : i32
          %dma_wait3A_45 = tpu.memref_slice %arg14[%mul3A_41, %dma_wait3A] : memref<10000x128xf32, #tpu.memory_space<vmem_shared>> -> memref<128x128xf32, #tpu.memory_space<vmem_shared>>
          %dma_wait3A_46 = arith.constant 0 : i32
          %dma_wait3A_47 = tpu.memref_slice %arg14[%mul3A_41, %dma_wait3A_46] : memref<10000x128xf32, #tpu.memory_space<vmem_shared>> -> memref<128x128xf32, #tpu.memory_space<vmem_shared>>
          tpu.wait_dma2 semaphore(%run_scoped3A : memref<!tpu.dma_semaphore, #tpu.memory_space<semaphore_mem>>) src(%arg13 : memref<128x128xf32, #tpu.memory_space<vmem>>) dst(%dma_wait3A_47 : memref<128x128xf32, #tpu.memory_space<vmem_shared>>)
          tpu.yield
        }) : () -> ()
      } else {
      }
    }
    %scan3A_11 = arith.constant 5 : i32
    %eq3A = arith.constant 0 : i32
    %eq3A_12 = arith.cmpi eq, %arg1, %eq3A : i32
    %convert_element_type3A = arith.extui %eq3A_12 : i1 to i32
    %cond3A = arith.constant 0 : i32
    %cond3A_13 = arith.cmpi ne, %convert_element_type3A, %cond3A : i32
    scf.if %cond3A_13 {
      "tpu.region"() ({
        %run_scoped3A = tpu.sem_alloc : memref<!tpu.dma_semaphore, #tpu.memory_space<semaphore_mem>>
        %dma_start3A = arith.constant 0 : i32
        %dma_start3A_32 = arith.constant 0 : i32
        %dma_start3A_33 = tpu.memref_slice %arg13[%dma_start3A, %dma_start3A_32] : memref<128x128xf32, #tpu.memory_space<vmem>> -> memref<16x128xf32, #tpu.memory_space<vmem>>
        %dma_start3A_34 = arith.constant 9984 : i32
        %dma_start3A_35 = arith.constant 0 : i32
        %dma_start3A_36 = tpu.memref_slice %arg14[%dma_start3A_34, %dma_start3A_35] : memref<10000x128xf32, #tpu.memory_space<vmem_shared>> -> memref<16x128xf32, #tpu.memory_space<vmem_shared>>
        %dma_start3A_37 = arith.constant 9984 : i32
        %dma_start3A_38 = arith.constant 0 : i32
        %dma_start3A_39 = tpu.memref_slice %arg14[%dma_start3A_37, %dma_start3A_38] : memref<10000x128xf32, #tpu.memory_space<vmem_shared>> -> memref<16x128xf32, #tpu.memory_space<vmem_shared>>
        %dma_start3A_40 = arith.constant 0 : i32
        %dma_start3A_41 = arith.constant 0 : i32
        %dma_start3A_42 = tpu.memref_slice %arg13[%dma_start3A_40, %dma_start3A_41] : memref<128x128xf32, #tpu.memory_space<vmem>> -> memref<16x128xf32, #tpu.memory_space<vmem>>
        tpu.enqueue_dma source(%dma_start3A_42 : memref<16x128xf32, #tpu.memory_space<vmem>>) target(%dma_start3A_39 : memref<16x128xf32, #tpu.memory_space<vmem_shared>>) target_semaphore(%run_scoped3A : memref<!tpu.dma_semaphore, #tpu.memory_space<semaphore_mem>>)
        %dma_wait3A = arith.constant 0 : i32
        %dma_wait3A_43 = arith.constant 0 : i32
        %dma_wait3A_44 = tpu.memref_slice %arg13[%dma_wait3A, %dma_wait3A_43] : memref<128x128xf32, #tpu.memory_space<vmem>> -> memref<16x128xf32, #tpu.memory_space<vmem>>
        %dma_wait3A_45 = arith.constant 9984 : i32
        %dma_wait3A_46 = arith.constant 0 : i32
        %dma_wait3A_47 = tpu.memref_slice %arg14[%dma_wait3A_45, %dma_wait3A_46] : memref<10000x128xf32, #tpu.memory_space<vmem_shared>> -> memref<16x128xf32, #tpu.memory_space<vmem_shared>>
        %dma_wait3A_48 = arith.constant 9984 : i32
        %dma_wait3A_49 = arith.constant 0 : i32
        %dma_wait3A_50 = tpu.memref_slice %arg14[%dma_wait3A_48, %dma_wait3A_49] : memref<10000x128xf32, #tpu.memory_space<vmem_shared>> -> memref<16x128xf32, #tpu.memory_space<vmem_shared>>
        %dma_wait3A_51 = arith.constant 0 : i32
        %dma_wait3A_52 = arith.constant 0 : i32
        %dma_wait3A_53 = tpu.memref_slice %arg13[%dma_wait3A_51, %dma_wait3A_52] : memref<128x128xf32, #tpu.memory_space<vmem>> -> memref<16x128xf32, #tpu.memory_space<vmem>>
        tpu.wait_dma2 semaphore(%run_scoped3A : memref<!tpu.dma_semaphore, #tpu.memory_space<semaphore_mem>>) src(%dma_wait3A_53 : memref<16x128xf32, #tpu.memory_space<vmem>>) dst(%dma_wait3A_50 : memref<16x128xf32, #tpu.memory_space<vmem_shared>>)
        tpu.yield
      }) : () -> ()
    } else {
    }
    %barrier3A = arith.constant 0 : index
    tpu.barrier barrier_id(%barrier3A)
    %scan3A_14 = arith.constant 0 : i32
    %scan3A_15 = arith.constant 0 : i32
    %scan3A_16 = arith.constant 79 : i32
    %scan3A_17 = arith.addi %scan3A_15, %scan3A_16 : i32
    %scan3A_18 = arith.constant 1 : i32
    scf.for %scan3A_32 = %scan3A_15 to %scan3A_17 step %scan3A_18  : i32 {
      %mul3A_33 = arith.constant 32 : i32
      %mul3A_34 = arith.muli %mul3A_33, %scan3A_32 : i32
      %add3A_35 = arith.addi %add3A, %mul3A_34 : i32
      %lt3A = arith.constant 2500 : i32
      %lt3A_36 = arith.cmpi slt, %add3A_35, %lt3A : i32
      %convert_element_type3A_37 = arith.extui %lt3A_36 : i1 to i32
      %cond3A_38 = arith.constant 0 : i32
      %cond3A_39 = arith.cmpi ne, %convert_element_type3A_37, %cond3A_38 : i32
      scf.if %cond3A_39 {
        %mul3A_40 = arith.constant 128 : i32
        %mul3A_41 = arith.muli %add3A_35, %mul3A_40 : i32
        "tpu.region"() ({
          %run_scoped3A = tpu.sem_alloc : memref<!tpu.dma_semaphore, #tpu.memory_space<semaphore_mem>>
          %dma_start3A = tpu.memref_slice %arg4[%mul3A_41] : memref<320000xi32, #tpu.memory_space<hbm>> -> memref<128xi32, #tpu.memory_space<hbm>>
          %dma_start3A_48 = tpu.memref_slice %arg4[%mul3A_41] : memref<320000xi32, #tpu.memory_space<hbm>> -> memref<128xi32, #tpu.memory_space<hbm>>
          tpu.enqueue_dma source(%dma_start3A_48 : memref<128xi32, #tpu.memory_space<hbm>>) target(%arg8 : memref<128xi32, #tpu.memory_space<vmem>>) target_semaphore(%run_scoped3A : memref<!tpu.dma_semaphore, #tpu.memory_space<semaphore_mem>>)
          %dma_wait3A = tpu.memref_slice %arg4[%mul3A_41] : memref<320000xi32, #tpu.memory_space<hbm>> -> memref<128xi32, #tpu.memory_space<hbm>>
          %dma_wait3A_49 = tpu.memref_slice %arg4[%mul3A_41] : memref<320000xi32, #tpu.memory_space<hbm>> -> memref<128xi32, #tpu.memory_space<hbm>>
          tpu.wait_dma2 semaphore(%run_scoped3A : memref<!tpu.dma_semaphore, #tpu.memory_space<semaphore_mem>>) src(%dma_wait3A_49 : memref<128xi32, #tpu.memory_space<hbm>>) dst(%arg8 : memref<128xi32, #tpu.memory_space<vmem>>)
          tpu.yield
        }) : () -> ()
        "tpu.region"() ({
          %run_scoped3A = tpu.sem_alloc : memref<!tpu.dma_semaphore, #tpu.memory_space<semaphore_mem>>
          %dma_start3A = tpu.memref_slice %arg5[%mul3A_41] : memref<320000xi32, #tpu.memory_space<hbm>> -> memref<128xi32, #tpu.memory_space<hbm>>
          %dma_start3A_48 = tpu.memref_slice %arg5[%mul3A_41] : memref<320000xi32, #tpu.memory_space<hbm>> -> memref<128xi32, #tpu.memory_space<hbm>>
          tpu.enqueue_dma source(%dma_start3A_48 : memref<128xi32, #tpu.memory_space<hbm>>) target(%arg9 : memref<128xi32, #tpu.memory_space<vmem>>) target_semaphore(%run_scoped3A : memref<!tpu.dma_semaphore, #tpu.memory_space<semaphore_mem>>)
          %dma_wait3A = tpu.memref_slice %arg5[%mul3A_41] : memref<320000xi32, #tpu.memory_space<hbm>> -> memref<128xi32, #tpu.memory_space<hbm>>
          %dma_wait3A_49 = tpu.memref_slice %arg5[%mul3A_41] : memref<320000xi32, #tpu.memory_space<hbm>> -> memref<128xi32, #tpu.memory_space<hbm>>
          tpu.wait_dma2 semaphore(%run_scoped3A : memref<!tpu.dma_semaphore, #tpu.memory_space<semaphore_mem>>) src(%dma_wait3A_49 : memref<128xi32, #tpu.memory_space<hbm>>) dst(%arg9 : memref<128xi32, #tpu.memory_space<vmem>>)
          tpu.yield
        }) : () -> ()
        "tpu.region"() ({
          %run_scoped3A = tpu.sem_alloc : memref<!tpu.dma_semaphore, #tpu.memory_space<semaphore_mem>>
          %dma_start3A = tpu.memref_slice %arg6[%mul3A_41] : memref<320000xi32, #tpu.memory_space<hbm>> -> memref<128xi32, #tpu.memory_space<hbm>>
          %dma_start3A_48 = tpu.memref_slice %arg6[%mul3A_41] : memref<320000xi32, #tpu.memory_space<hbm>> -> memref<128xi32, #tpu.memory_space<hbm>>
          tpu.enqueue_dma source(%dma_start3A_48 : memref<128xi32, #tpu.memory_space<hbm>>) target(%arg10 : memref<128xi32, #tpu.memory_space<vmem>>) target_semaphore(%run_scoped3A : memref<!tpu.dma_semaphore, #tpu.memory_space<semaphore_mem>>)
          %dma_wait3A = tpu.memref_slice %arg6[%mul3A_41] : memref<320000xi32, #tpu.memory_space<hbm>> -> memref<128xi32, #tpu.memory_space<hbm>>
          %dma_wait3A_49 = tpu.memref_slice %arg6[%mul3A_41] : memref<320000xi32, #tpu.memory_space<hbm>> -> memref<128xi32, #tpu.memory_space<hbm>>
          tpu.wait_dma2 semaphore(%run_scoped3A : memref<!tpu.dma_semaphore, #tpu.memory_space<semaphore_mem>>) src(%dma_wait3A_49 : memref<128xi32, #tpu.memory_space<hbm>>) dst(%arg10 : memref<128xi32, #tpu.memory_space<vmem>>)
          tpu.yield
        }) : () -> ()
        "tpu.region"() ({
          %run_scoped3A = tpu.sem_alloc : memref<!tpu.dma_semaphore, #tpu.memory_space<semaphore_mem>>
          %dma_start3A = arith.constant 0 : i32
          %dma_start3A_48 = arith.constant 0 : i32
          %dma_start3A_49 = tpu.memref_slice %arg2[%dma_start3A, %dma_start3A_48] : memref<10000x128xf32, #tpu.memory_space<hbm>> -> memref<10000x128xf32, #tpu.memory_space<hbm>>
          tpu.enqueue_indirect_dma source(%dma_start3A_49 : memref<10000x128xf32, #tpu.memory_space<hbm>>) target(%arg11 : memref<128x128xf32, #tpu.memory_space<vmem>>) offsets(%arg8 : memref<128xi32, #tpu.memory_space<vmem>>) semaphore(%run_scoped3A : memref<!tpu.dma_semaphore, #tpu.memory_space<semaphore_mem>>)
          %dma_wait3A = arith.constant 0 : i32
          %dma_wait3A_50 = arith.constant 0 : i32
          %dma_wait3A_51 = tpu.memref_slice %arg2[%dma_wait3A, %dma_wait3A_50] : memref<10000x128xf32, #tpu.memory_space<hbm>> -> memref<10000x128xf32, #tpu.memory_space<hbm>>
          tpu.wait_indirect_dma semaphore(%run_scoped3A : memref<!tpu.dma_semaphore, #tpu.memory_space<semaphore_mem>>) src(%dma_wait3A_51 : memref<10000x128xf32, #tpu.memory_space<hbm>>) dst(%arg11 : memref<128x128xf32, #tpu.memory_space<vmem>>)
          tpu.yield
        }) : () -> ()
        "tpu.region"() ({
          %run_scoped3A = tpu.sem_alloc : memref<!tpu.dma_semaphore, #tpu.memory_space<semaphore_mem>>
          %dma_start3A = arith.constant 0 : i32
          %dma_start3A_48 = arith.constant 0 : i32
          %dma_start3A_49 = tpu.memref_slice %arg3[%dma_start3A, %dma_start3A_48] : memref<32768x128xf32, #tpu.memory_space<hbm>> -> memref<32768x128xf32, #tpu.memory_space<hbm>>
          tpu.enqueue_indirect_dma source(%dma_start3A_49 : memref<32768x128xf32, #tpu.memory_space<hbm>>) target(%arg12 : memref<128x128xf32, #tpu.memory_space<vmem>>) offsets(%arg10 : memref<128xi32, #tpu.memory_space<vmem>>) semaphore(%run_scoped3A : memref<!tpu.dma_semaphore, #tpu.memory_space<semaphore_mem>>)
          %dma_wait3A = arith.constant 0 : i32
          %dma_wait3A_50 = arith.constant 0 : i32
          %dma_wait3A_51 = tpu.memref_slice %arg3[%dma_wait3A, %dma_wait3A_50] : memref<32768x128xf32, #tpu.memory_space<hbm>> -> memref<32768x128xf32, #tpu.memory_space<hbm>>
          tpu.wait_indirect_dma semaphore(%run_scoped3A : memref<!tpu.dma_semaphore, #tpu.memory_space<semaphore_mem>>) src(%dma_wait3A_51 : memref<32768x128xf32, #tpu.memory_space<hbm>>) dst(%arg12 : memref<128x128xf32, #tpu.memory_space<vmem>>)
          tpu.yield
        }) : () -> ()
        %scan3A_42 = arith.constant 0 : i32
        %scan3A_43 = arith.constant 0 : i32
        %scan3A_44 = arith.constant 128 : i32
        %scan3A_45 = arith.addi %scan3A_43, %scan3A_44 : i32
        %scan3A_46 = arith.constant 1 : i32
        scf.for %scan3A_48 = %scan3A_43 to %scan3A_45 step %scan3A_46  : i32 {
          %get3A = arith.index_cast %scan3A_48 : i32 to index
          %get3A_49 = arith.constant 0 : index
          %get3A_50 = tpu.vector_load %arg11[%get3A, %get3A_49] {strides = array<i32>} : memref<128x128xf32, #tpu.memory_space<vmem>>, vector<1x16xf32>,
          %get3A_51 = vector.shape_cast %get3A_50 : vector<1x16xf32> to vector<16xf32>
          %get3A_52 = arith.index_cast %scan3A_48 : i32 to index
          %get3A_53 = arith.constant 0 : index
          %get3A_54 = tpu.vector_load %arg12[%get3A_52, %get3A_53] {strides = array<i32>} : memref<128x128xf32, #tpu.memory_space<vmem>>, vector<1x16xf32>,
          %get3A_55 = vector.shape_cast %get3A_54 : vector<1x16xf32> to vector<16xf32>
          %add3A_56 = arith.addf %get3A_51, %get3A_55 : vector<16xf32>
          %max3A = arith.constant 0.000000e+00 : f32
          %max3A_57 = vector.broadcast %max3A : f32 to vector<16xf32>
          %max3A_58 = arith.maximumf %add3A_56, %max3A_57 : vector<16xf32>
          %swap3A = arith.index_cast %scan3A_48 : i32 to index
          %swap3A_59 = arith.constant 0 : index
          %swap3A_60 = tpu.vector_load %arg12[%swap3A, %swap3A_59] {strides = array<i32>} : memref<128x128xf32, #tpu.memory_space<vmem>>, vector<1x16xf32>,
          %swap3A_61 = vector.shape_cast %swap3A_60 : vector<1x16xf32> to vector<16xf32>
          %swap3A_62 = vector.shape_cast %max3A_58 : vector<16xf32> to vector<1x16xf32>
          tpu.vector_store %arg12[%swap3A, %swap3A_59], %swap3A_62 {strides = array<i32>} : memref<128x128xf32, #tpu.memory_space<vmem>>, vector<1x16xf32>,
          %get3A_63 = arith.index_cast %scan3A_48 : i32 to index
          %get3A_64 = arith.constant 16 : index
          %get3A_65 = tpu.vector_load %arg11[%get3A_63, %get3A_64] {strides = array<i32>} : memref<128x128xf32, #tpu.memory_space<vmem>>, vector<1x16xf32>,
          %get3A_66 = vector.shape_cast %get3A_65 : vector<1x16xf32> to vector<16xf32>
          %get3A_67 = arith.index_cast %scan3A_48 : i32 to index
          %get3A_68 = arith.constant 16 : index
          %get3A_69 = tpu.vector_load %arg12[%get3A_67, %get3A_68] {strides = array<i32>} : memref<128x128xf32, #tpu.memory_space<vmem>>, vector<1x16xf32>,
          %get3A_70 = vector.shape_cast %get3A_69 : vector<1x16xf32> to vector<16xf32>
          %add3A_71 = arith.addf %get3A_66, %get3A_70 : vector<16xf32>
          %max3A_72 = arith.constant 0.000000e+00 : f32
          %max3A_73 = vector.broadcast %max3A_72 : f32 to vector<16xf32>
          %max3A_74 = arith.maximumf %add3A_71, %max3A_73 : vector<16xf32>
          %swap3A_75 = arith.index_cast %scan3A_48 : i32 to index
          %swap3A_76 = arith.constant 16 : index
          %swap3A_77 = tpu.vector_load %arg12[%swap3A_75, %swap3A_76] {strides = array<i32>} : memref<128x128xf32, #tpu.memory_space<vmem>>, vector<1x16xf32>,
          %swap3A_78 = vector.shape_cast %swap3A_77 : vector<1x16xf32> to vector<16xf32>
          %swap3A_79 = vector.shape_cast %max3A_74 : vector<16xf32> to vector<1x16xf32>
          tpu.vector_store %arg12[%swap3A_75, %swap3A_76], %swap3A_79 {strides = array<i32>} : memref<128x128xf32, #tpu.memory_space<vmem>>, vector<1x16xf32>,
          %get3A_80 = arith.index_cast %scan3A_48 : i32 to index
          %get3A_81 = arith.constant 32 : index
          %get3A_82 = tpu.vector_load %arg11[%get3A_80, %get3A_81] {strides = array<i32>} : memref<128x128xf32, #tpu.memory_space<vmem>>, vector<1x16xf32>,
          %get3A_83 = vector.shape_cast %get3A_82 : vector<1x16xf32> to vector<16xf32>
          %get3A_84 = arith.index_cast %scan3A_48 : i32 to index
          %get3A_85 = arith.constant 32 : index
          %get3A_86 = tpu.vector_load %arg12[%get3A_84, %get3A_85] {strides = array<i32>} : memref<128x128xf32, #tpu.memory_space<vmem>>, vector<1x16xf32>,
          %get3A_87 = vector.shape_cast %get3A_86 : vector<1x16xf32> to vector<16xf32>
          %add3A_88 = arith.addf %get3A_83, %get3A_87 : vector<16xf32>
          %max3A_89 = arith.constant 0.000000e+00 : f32
          %max3A_90 = vector.broadcast %max3A_89 : f32 to vector<16xf32>
          %max3A_91 = arith.maximumf %add3A_88, %max3A_90 : vector<16xf32>
          %swap3A_92 = arith.index_cast %scan3A_48 : i32 to index
          %swap3A_93 = arith.constant 32 : index
          %swap3A_94 = tpu.vector_load %arg12[%swap3A_92, %swap3A_93] {strides = array<i32>} : memref<128x128xf32, #tpu.memory_space<vmem>>, vector<1x16xf32>,
          %swap3A_95 = vector.shape_cast %swap3A_94 : vector<1x16xf32> to vector<16xf32>
          %swap3A_96 = vector.shape_cast %max3A_91 : vector<16xf32> to vector<1x16xf32>
          tpu.vector_store %arg12[%swap3A_92, %swap3A_93], %swap3A_96 {strides = array<i32>} : memref<128x128xf32, #tpu.memory_space<vmem>>, vector<1x16xf32>,
          %get3A_97 = arith.index_cast %scan3A_48 : i32 to index
          %get3A_98 = arith.constant 48 : index
          %get3A_99 = tpu.vector_load %arg11[%get3A_97, %get3A_98] {strides = array<i32>} : memref<128x128xf32, #tpu.memory_space<vmem>>, vector<1x16xf32>,
          %get3A_100 = vector.shape_cast %get3A_99 : vector<1x16xf32> to vector<16xf32>
          %get3A_101 = arith.index_cast %scan3A_48 : i32 to index
          %get3A_102 = arith.constant 48 : index
          %get3A_103 = tpu.vector_load %arg12[%get3A_101, %get3A_102] {strides = array<i32>} : memref<128x128xf32, #tpu.memory_space<vmem>>, vector<1x16xf32>,
          %get3A_104 = vector.shape_cast %get3A_103 : vector<1x16xf32> to vector<16xf32>
          %add3A_105 = arith.addf %get3A_100, %get3A_104 : vector<16xf32>
          %max3A_106 = arith.constant 0.000000e+00 : f32
          %max3A_107 = vector.broadcast %max3A_106 : f32 to vector<16xf32>
          %max3A_108 = arith.maximumf %add3A_105, %max3A_107 : vector<16xf32>
          %swap3A_109 = arith.index_cast %scan3A_48 : i32 to index
          %swap3A_110 = arith.constant 48 : index
          %swap3A_111 = tpu.vector_load %arg12[%swap3A_109, %swap3A_110] {strides = array<i32>} : memref<128x128xf32, #tpu.memory_space<vmem>>, vector<1x16xf32>,
          %swap3A_112 = vector.shape_cast %swap3A_111 : vector<1x16xf32> to vector<16xf32>
          %swap3A_113 = vector.shape_cast %max3A_108 : vector<16xf32> to vector<1x16xf32>
          tpu.vector_store %arg12[%swap3A_109, %swap3A_110], %swap3A_113 {strides = array<i32>} : memref<128x128xf32, #tpu.memory_space<vmem>>, vector<1x16xf32>,
          %get3A_114 = arith.index_cast %scan3A_48 : i32 to index
          %get3A_115 = arith.constant 64 : index
          %get3A_116 = tpu.vector_load %arg11[%get3A_114, %get3A_115] {strides = array<i32>} : memref<128x128xf32, #tpu.memory_space<vmem>>, vector<1x16xf32>,
          %get3A_117 = vector.shape_cast %get3A_116 : vector<1x16xf32> to vector<16xf32>
          %get3A_118 = arith.index_cast %scan3A_48 : i32 to index
          %get3A_119 = arith.constant 64 : index
          %get3A_120 = tpu.vector_load %arg12[%get3A_118, %get3A_119] {strides = array<i32>} : memref<128x128xf32, #tpu.memory_space<vmem>>, vector<1x16xf32>,
          %get3A_121 = vector.shape_cast %get3A_120 : vector<1x16xf32> to vector<16xf32>
          %add3A_122 = arith.addf %get3A_117, %get3A_121 : vector<16xf32>
          %max3A_123 = arith.constant 0.000000e+00 : f32
          %max3A_124 = vector.broadcast %max3A_123 : f32 to vector<16xf32>
          %max3A_125 = arith.maximumf %add3A_122, %max3A_124 : vector<16xf32>
          %swap3A_126 = arith.index_cast %scan3A_48 : i32 to index
          %swap3A_127 = arith.constant 64 : index
          %swap3A_128 = tpu.vector_load %arg12[%swap3A_126, %swap3A_127] {strides = array<i32>} : memref<128x128xf32, #tpu.memory_space<vmem>>, vector<1x16xf32>,
          %swap3A_129 = vector.shape_cast %swap3A_128 : vector<1x16xf32> to vector<16xf32>
          %swap3A_130 = vector.shape_cast %max3A_125 : vector<16xf32> to vector<1x16xf32>
          tpu.vector_store %arg12[%swap3A_126, %swap3A_127], %swap3A_130 {strides = array<i32>} : memref<128x128xf32, #tpu.memory_space<vmem>>, vector<1x16xf32>,
          %get3A_131 = arith.index_cast %scan3A_48 : i32 to index
          %get3A_132 = arith.constant 80 : index
          %get3A_133 = tpu.vector_load %arg11[%get3A_131, %get3A_132] {strides = array<i32>} : memref<128x128xf32, #tpu.memory_space<vmem>>, vector<1x16xf32>,
          %get3A_134 = vector.shape_cast %get3A_133 : vector<1x16xf32> to vector<16xf32>
          %get3A_135 = arith.index_cast %scan3A_48 : i32 to index
          %get3A_136 = arith.constant 80 : index
          %get3A_137 = tpu.vector_load %arg12[%get3A_135, %get3A_136] {strides = array<i32>} : memref<128x128xf32, #tpu.memory_space<vmem>>, vector<1x16xf32>,
          %get3A_138 = vector.shape_cast %get3A_137 : vector<1x16xf32> to vector<16xf32>
          %add3A_139 = arith.addf %get3A_134, %get3A_138 : vector<16xf32>
          %max3A_140 = arith.constant 0.000000e+00 : f32
          %max3A_141 = vector.broadcast %max3A_140 : f32 to vector<16xf32>
          %max3A_142 = arith.maximumf %add3A_139, %max3A_141 : vector<16xf32>
          %swap3A_143 = arith.index_cast %scan3A_48 : i32 to index
          %swap3A_144 = arith.constant 80 : index
          %swap3A_145 = tpu.vector_load %arg12[%swap3A_143, %swap3A_144] {strides = array<i32>} : memref<128x128xf32, #tpu.memory_space<vmem>>, vector<1x16xf32>,
          %swap3A_146 = vector.shape_cast %swap3A_145 : vector<1x16xf32> to vector<16xf32>
          %swap3A_147 = vector.shape_cast %max3A_142 : vector<16xf32> to vector<1x16xf32>
          tpu.vector_store %arg12[%swap3A_143, %swap3A_144], %swap3A_147 {strides = array<i32>} : memref<128x128xf32, #tpu.memory_space<vmem>>, vector<1x16xf32>,
          %get3A_148 = arith.index_cast %scan3A_48 : i32 to index
          %get3A_149 = arith.constant 96 : index
          %get3A_150 = tpu.vector_load %arg11[%get3A_148, %get3A_149] {strides = array<i32>} : memref<128x128xf32, #tpu.memory_space<vmem>>, vector<1x16xf32>,
          %get3A_151 = vector.shape_cast %get3A_150 : vector<1x16xf32> to vector<16xf32>
          %get3A_152 = arith.index_cast %scan3A_48 : i32 to index
          %get3A_153 = arith.constant 96 : index
          %get3A_154 = tpu.vector_load %arg12[%get3A_152, %get3A_153] {strides = array<i32>} : memref<128x128xf32, #tpu.memory_space<vmem>>, vector<1x16xf32>,
          %get3A_155 = vector.shape_cast %get3A_154 : vector<1x16xf32> to vector<16xf32>
          %add3A_156 = arith.addf %get3A_151, %get3A_155 : vector<16xf32>
          %max3A_157 = arith.constant 0.000000e+00 : f32
          %max3A_158 = vector.broadcast %max3A_157 : f32 to vector<16xf32>
          %max3A_159 = arith.maximumf %add3A_156, %max3A_158 : vector<16xf32>
          %swap3A_160 = arith.index_cast %scan3A_48 : i32 to index
          %swap3A_161 = arith.constant 96 : index
          %swap3A_162 = tpu.vector_load %arg12[%swap3A_160, %swap3A_161] {strides = array<i32>} : memref<128x128xf32, #tpu.memory_space<vmem>>, vector<1x16xf32>,
          %swap3A_163 = vector.shape_cast %swap3A_162 : vector<1x16xf32> to vector<16xf32>
          %swap3A_164 = vector.shape_cast %max3A_159 : vector<16xf32> to vector<1x16xf32>
          tpu.vector_store %arg12[%swap3A_160, %swap3A_161], %swap3A_164 {strides = array<i32>} : memref<128x128xf32, #tpu.memory_space<vmem>>, vector<1x16xf32>,
          %get3A_165 = arith.index_cast %scan3A_48 : i32 to index
          %get3A_166 = arith.constant 112 : index
          %get3A_167 = tpu.vector_load %arg11[%get3A_165, %get3A_166] {strides = array<i32>} : memref<128x128xf32, #tpu.memory_space<vmem>>, vector<1x16xf32>,
          %get3A_168 = vector.shape_cast %get3A_167 : vector<1x16xf32> to vector<16xf32>
          %get3A_169 = arith.index_cast %scan3A_48 : i32 to index
          %get3A_170 = arith.constant 112 : index
          %get3A_171 = tpu.vector_load %arg12[%get3A_169, %get3A_170] {strides = array<i32>} : memref<128x128xf32, #tpu.memory_space<vmem>>, vector<1x16xf32>,
          %get3A_172 = vector.shape_cast %get3A_171 : vector<1x16xf32> to vector<16xf32>
          %add3A_173 = arith.addf %get3A_168, %get3A_172 : vector<16xf32>
          %max3A_174 = arith.constant 0.000000e+00 : f32
          %max3A_175 = vector.broadcast %max3A_174 : f32 to vector<16xf32>
          %max3A_176 = arith.maximumf %add3A_173, %max3A_175 : vector<16xf32>
          %swap3A_177 = arith.index_cast %scan3A_48 : i32 to index
          %swap3A_178 = arith.constant 112 : index
          %swap3A_179 = tpu.vector_load %arg12[%swap3A_177, %swap3A_178] {strides = array<i32>} : memref<128x128xf32, #tpu.memory_space<vmem>>, vector<1x16xf32>,
          %swap3A_180 = vector.shape_cast %swap3A_179 : vector<1x16xf32> to vector<16xf32>
          %swap3A_181 = vector.shape_cast %max3A_176 : vector<16xf32> to vector<1x16xf32>
          tpu.vector_store %arg12[%swap3A_177, %swap3A_178], %swap3A_181 {strides = array<i32>} : memref<128x128xf32, #tpu.memory_space<vmem>>, vector<1x16xf32>,
        }
        %scan3A_47 = arith.constant 128 : i32
        "tpu.region"() ({
          %run_scoped3A = tpu.sem_alloc : memref<!tpu.dma_semaphore, #tpu.memory_space<semaphore_mem>>
          %dma_start3A = arith.constant 0 : i32
          %dma_start3A_48 = arith.constant 0 : i32
          %dma_start3A_49 = tpu.memref_slice %arg14[%dma_start3A, %dma_start3A_48] : memref<10000x128xf32, #tpu.memory_space<vmem_shared>> -> memref<10000x128xf32, #tpu.memory_space<vmem_shared>>
          tpu.enqueue_indirect_dma source(%arg12 : memref<128x128xf32, #tpu.memory_space<vmem>>) target(%dma_start3A_49 : memref<10000x128xf32, #tpu.memory_space<vmem_shared>>) offsets(%arg9 : memref<128xi32, #tpu.memory_space<vmem>>) semaphore(%run_scoped3A : memref<!tpu.dma_semaphore, #tpu.memory_space<semaphore_mem>>) {add = true}
          %dma_wait3A = arith.constant 0 : i32
          %dma_wait3A_50 = arith.constant 0 : i32
          %dma_wait3A_51 = tpu.memref_slice %arg14[%dma_wait3A, %dma_wait3A_50] : memref<10000x128xf32, #tpu.memory_space<vmem_shared>> -> memref<10000x128xf32, #tpu.memory_space<vmem_shared>>
          tpu.wait_indirect_dma semaphore(%run_scoped3A : memref<!tpu.dma_semaphore, #tpu.memory_space<semaphore_mem>>) src(%arg12 : memref<128x128xf32, #tpu.memory_space<vmem>>) dst(%dma_wait3A_51 : memref<10000x128xf32, #tpu.memory_space<vmem_shared>>)
          tpu.yield
        }) : () -> ()
      } else {
      }
    }
    %scan3A_19 = arith.constant 79 : i32
    %barrier3A_20 = arith.constant 0 : index
    tpu.barrier barrier_id(%barrier3A_20)
    %scan3A_21 = arith.constant 0 : i32
    %scan3A_22 = arith.constant 0 : i32
    %scan3A_23 = arith.constant 5 : i32
    %scan3A_24 = arith.addi %scan3A_22, %scan3A_23 : i32
    %scan3A_25 = arith.constant 1 : i32
    scf.for %scan3A_32 = %scan3A_22 to %scan3A_24 step %scan3A_25  : i32 {
      %mul3A_33 = arith.constant 16 : i32
      %mul3A_34 = arith.muli %mul3A_33, %scan3A_32 : i32
      %add3A_35 = arith.addi %arg1, %mul3A_34 : i32
      %lt3A = arith.constant 78 : i32
      %lt3A_36 = arith.cmpi slt, %add3A_35, %lt3A : i32
      %convert_element_type3A_37 = arith.extui %lt3A_36 : i1 to i32
      %cond3A_38 = arith.constant 0 : i32
      %cond3A_39 = arith.cmpi ne, %convert_element_type3A_37, %cond3A_38 : i32
      scf.if %cond3A_39 {
        %mul3A_40 = arith.constant 128 : i32
        %mul3A_41 = arith.muli %add3A_35, %mul3A_40 : i32
        %mul3A_42 = arith.constant 128 : i32
        %mul3A_43 = arith.muli %add3A_35, %mul3A_42 : i32
        "tpu.region"() ({
          %run_scoped3A = tpu.sem_alloc : memref<!tpu.dma_semaphore, #tpu.memory_space<semaphore_mem>>
          %dma_start3A = arith.constant 0 : i32
          %dma_start3A_44 = tpu.memref_slice %arg7[%arg0, %mul3A_43, %dma_start3A] : memref<2x10000x128xf32, #tpu.memory_space<hbm>> -> memref<1x128x128xf32, #tpu.memory_space<hbm>>
          %dma_start3A_45 = tpu.memref_squeeze %dma_start3A_44 : memref<1x128x128xf32, #tpu.memory_space<hbm>> -> memref<128x128xf32, #tpu.memory_space<hbm>>
          %dma_start3A_46 = arith.constant 0 : i32
          %dma_start3A_47 = tpu.memref_slice %arg14[%mul3A_41, %dma_start3A_46] : memref<10000x128xf32, #tpu.memory_space<vmem_shared>> -> memref<128x128xf32, #tpu.memory_space<vmem_shared>>
          tpu.enqueue_dma source(%dma_start3A_47 : memref<128x128xf32, #tpu.memory_space<vmem_shared>>) target(%dma_start3A_45 : memref<128x128xf32, #tpu.memory_space<hbm>>) target_semaphore(%run_scoped3A : memref<!tpu.dma_semaphore, #tpu.memory_space<semaphore_mem>>)
          %dma_wait3A = arith.constant 0 : i32
          %dma_wait3A_48 = tpu.memref_slice %arg7[%arg0, %mul3A_43, %dma_wait3A] : memref<2x10000x128xf32, #tpu.memory_space<hbm>> -> memref<1x128x128xf32, #tpu.memory_space<hbm>>
          %dma_wait3A_49 = tpu.memref_squeeze %dma_wait3A_48 : memref<1x128x128xf32, #tpu.memory_space<hbm>> -> memref<128x128xf32, #tpu.memory_space<hbm>>
          %dma_wait3A_50 = arith.constant 0 : i32
          %dma_wait3A_51 = tpu.memref_slice %arg14[%mul3A_41, %dma_wait3A_50] : memref<10000x128xf32, #tpu.memory_space<vmem_shared>> -> memref<128x128xf32, #tpu.memory_space<vmem_shared>>
          tpu.wait_dma2 semaphore(%run_scoped3A : memref<!tpu.dma_semaphore, #tpu.memory_space<semaphore_mem>>) src(%dma_wait3A_51 : memref<128x128xf32, #tpu.memory_space<vmem_shared>>) dst(%dma_wait3A_49 : memref<128x128xf32, #tpu.memory_space<hbm>>)
          tpu.yield
        }) : () -> ()
      } else {
      }
    }
    %scan3A_26 = arith.constant 5 : i32
    %eq3A_27 = arith.constant 0 : i32
    %eq3A_28 = arith.cmpi eq, %arg1, %eq3A_27 : i32
    %convert_element_type3A_29 = arith.extui %eq3A_28 : i1 to i32
    %cond3A_30 = arith.constant 0 : i32
    %cond3A_31 = arith.cmpi ne, %convert_element_type3A_29, %cond3A_30 : i32
    scf.if %cond3A_31 {
      "tpu.region"() ({
        %run_scoped3A = tpu.sem_alloc : memref<!tpu.dma_semaphore, #tpu.memory_space<semaphore_mem>>
        %dma_start3A = arith.constant 9984 : i32
        %dma_start3A_32 = arith.constant 0 : i32
        %dma_start3A_33 = tpu.memref_slice %arg7[%arg0, %dma_start3A, %dma_start3A_32] : memref<2x10000x128xf32, #tpu.memory_space<hbm>> -> memref<1x16x128xf32, #tpu.memory_space<hbm>>
        %dma_start3A_34 = tpu.memref_squeeze %dma_start3A_33 : memref<1x16x128xf32, #tpu.memory_space<hbm>> -> memref<16x128xf32, #tpu.memory_space<hbm>>
        %dma_start3A_35 = arith.constant 9984 : i32
        %dma_start3A_36 = arith.constant 0 : i32
        %dma_start3A_37 = tpu.memref_slice %arg14[%dma_start3A_35, %dma_start3A_36] : memref<10000x128xf32, #tpu.memory_space<vmem_shared>> -> memref<16x128xf32, #tpu.memory_space<vmem_shared>>
        tpu.enqueue_dma source(%dma_start3A_37 : memref<16x128xf32, #tpu.memory_space<vmem_shared>>) target(%dma_start3A_34 : memref<16x128xf32, #tpu.memory_space<hbm>>) target_semaphore(%run_scoped3A : memref<!tpu.dma_semaphore, #tpu.memory_space<semaphore_mem>>)
        %dma_wait3A = arith.constant 9984 : i32
        %dma_wait3A_38 = arith.constant 0 : i32
        %dma_wait3A_39 = tpu.memref_slice %arg7[%arg0, %dma_wait3A, %dma_wait3A_38] : memref<2x10000x128xf32, #tpu.memory_space<hbm>> -> memref<1x16x128xf32, #tpu.memory_space<hbm>>
        %dma_wait3A_40 = tpu.memref_squeeze %dma_wait3A_39 : memref<1x16x128xf32, #tpu.memory_space<hbm>> -> memref<16x128xf32, #tpu.memory_space<hbm>>
        %dma_wait3A_41 = arith.constant 9984 : i32
        %dma_wait3A_42 = arith.constant 0 : i32
        %dma_wait3A_43 = tpu.memref_slice %arg14[%dma_wait3A_41, %dma_wait3A_42] : memref<10000x128xf32, #tpu.memory_space<vmem_shared>> -> memref<16x128xf32, #tpu.memory_space<vmem_shared>>
        tpu.wait_dma2 semaphore(%run_scoped3A : memref<!tpu.dma_semaphore, #tpu.memory_space<semaphore_mem>>) src(%dma_wait3A_43 : memref<16x128xf32, #tpu.memory_space<vmem_shared>>) dst(%dma_wait3A_40 : memref<16x128xf32, #tpu.memory_space<hbm>>)
        tpu.yield
      }) : () -> ()
    } else {
    }
    return
  }
}

#map = affine_map<(d0, d1) -> (0, 0)>
#map1 = affine_map<(d0, d1) -> (0)>
#map2 = affine_map<(d0, d1) -> (0, 0, 0)>
module attributes {stable_mosaic.version = 14 : i64} {
  func.func @_edge_aggregate_sc(%arg0: i32, %arg1: i32, %arg2: memref<10000x128xf32, #tpu.memory_space<hbm>>, %arg3: memref<32768x128xf32, #tpu.memory_space<hbm>>, %arg4: memref<320000xi32, #tpu.memory_space<hbm>>, %arg5: memref<320000xi32, #tpu.memory_space<hbm>>, %arg6: memref<320000xi32, #tpu.memory_space<hbm>>, %arg7: memref<2x10000x128xf32, #tpu.memory_space<hbm>>, %arg8: memref<128xi32, #tpu.memory_space<vmem>>, %arg9: memref<128xi32, #tpu.memory_space<vmem>>, %arg10: memref<128xi32, #tpu.memory_space<vmem>>, %arg11: memref<128x128xf32, #tpu.memory_space<vmem>>, %arg12: memref<128x128xf32, #tpu.memory_space<vmem>>, %arg13: memref<128x128xf32, #tpu.memory_space<vmem>>, %arg14: memref<10000x128xf32, #tpu.memory_space<vmem_shared>>) attributes {dimension_semantics = [#tpu.dimension_semantics<core_parallel>, #tpu.dimension_semantics<subcore_parallel>], iteration_bounds = array<i64: 2, 16>, scalar_prefetch = 0 : i64, scratch_operands = 7 : i64, tpu.core_type = #tpu.core_type<sc_vector_subcore>, window_params = [{transform_indices = #map}, {transform_indices = #map}, {transform_indices = #map1}, {transform_indices = #map1}, {transform_indices = #map1}, {transform_indices = #map2}]} {
    %mul3A = arith.constant 2 : i32
    %mul3A_0 = arith.muli %arg1, %mul3A : i32
    %add3A = arith.addi %mul3A_0, %arg0 : i32
    %scan3A = arith.constant 0 : i32
    %scan3A_1 = arith.constant 0 : i32
    %scan3A_2 = arith.constant 128 : i32
    %scan3A_3 = arith.addi %scan3A_1, %scan3A_2 : i32
    %scan3A_4 = arith.constant 1 : i32
    scf.for %scan3A_32 = %scan3A_1 to %scan3A_3 step %scan3A_4  : i32 {
      %broadcast_in_dim3A = arith.constant 0.000000e+00 : f32
      %broadcast_in_dim3A_33 = vector.broadcast %broadcast_in_dim3A : f32 to vector<16xf32>
      %swap3A = arith.index_cast %scan3A_32 : i32 to index
      %swap3A_34 = arith.constant 0 : index
      %swap3A_35 = tpu.vector_load %arg13[%swap3A, %swap3A_34] {strides = array<i32>} : memref<128x128xf32, #tpu.memory_space<vmem>>, vector<1x16xf32>,
      %swap3A_36 = vector.shape_cast %swap3A_35 : vector<1x16xf32> to vector<16xf32>
      %swap3A_37 = vector.shape_cast %broadcast_in_dim3A_33 : vector<16xf32> to vector<1x16xf32>
      tpu.vector_store %arg13[%swap3A, %swap3A_34], %swap3A_37 {strides = array<i32>} : memref<128x128xf32, #tpu.memory_space<vmem>>, vector<1x16xf32>,
      %broadcast_in_dim3A_38 = arith.constant 0.000000e+00 : f32
      %broadcast_in_dim3A_39 = vector.broadcast %broadcast_in_dim3A_38 : f32 to vector<16xf32>
      %swap3A_40 = arith.index_cast %scan3A_32 : i32 to index
      %swap3A_41 = arith.constant 16 : index
      %swap3A_42 = tpu.vector_load %arg13[%swap3A_40, %swap3A_41] {strides = array<i32>} : memref<128x128xf32, #tpu.memory_space<vmem>>, vector<1x16xf32>,
      %swap3A_43 = vector.shape_cast %swap3A_42 : vector<1x16xf32> to vector<16xf32>
      %swap3A_44 = vector.shape_cast %broadcast_in_dim3A_39 : vector<16xf32> to vector<1x16xf32>
      tpu.vector_store %arg13[%swap3A_40, %swap3A_41], %swap3A_44 {strides = array<i32>} : memref<128x128xf32, #tpu.memory_space<vmem>>, vector<1x16xf32>,
      %broadcast_in_dim3A_45 = arith.constant 0.000000e+00 : f32
      %broadcast_in_dim3A_46 = vector.broadcast %broadcast_in_dim3A_45 : f32 to vector<16xf32>
      %swap3A_47 = arith.index_cast %scan3A_32 : i32 to index
      %swap3A_48 = arith.constant 32 : index
      %swap3A_49 = tpu.vector_load %arg13[%swap3A_47, %swap3A_48] {strides = array<i32>} : memref<128x128xf32, #tpu.memory_space<vmem>>, vector<1x16xf32>,
      %swap3A_50 = vector.shape_cast %swap3A_49 : vector<1x16xf32> to vector<16xf32>
      %swap3A_51 = vector.shape_cast %broadcast_in_dim3A_46 : vector<16xf32> to vector<1x16xf32>
      tpu.vector_store %arg13[%swap3A_47, %swap3A_48], %swap3A_51 {strides = array<i32>} : memref<128x128xf32, #tpu.memory_space<vmem>>, vector<1x16xf32>,
      %broadcast_in_dim3A_52 = arith.constant 0.000000e+00 : f32
      %broadcast_in_dim3A_53 = vector.broadcast %broadcast_in_dim3A_52 : f32 to vector<16xf32>
      %swap3A_54 = arith.index_cast %scan3A_32 : i32 to index
      %swap3A_55 = arith.constant 48 : index
      %swap3A_56 = tpu.vector_load %arg13[%swap3A_54, %swap3A_55] {strides = array<i32>} : memref<128x128xf32, #tpu.memory_space<vmem>>, vector<1x16xf32>,
      %swap3A_57 = vector.shape_cast %swap3A_56 : vector<1x16xf32> to vector<16xf32>
      %swap3A_58 = vector.shape_cast %broadcast_in_dim3A_53 : vector<16xf32> to vector<1x16xf32>
      tpu.vector_store %arg13[%swap3A_54, %swap3A_55], %swap3A_58 {strides = array<i32>} : memref<128x128xf32, #tpu.memory_space<vmem>>, vector<1x16xf32>,
      %broadcast_in_dim3A_59 = arith.constant 0.000000e+00 : f32
      %broadcast_in_dim3A_60 = vector.broadcast %broadcast_in_dim3A_59 : f32 to vector<16xf32>
      %swap3A_61 = arith.index_cast %scan3A_32 : i32 to index
      %swap3A_62 = arith.constant 64 : index
      %swap3A_63 = tpu.vector_load %arg13[%swap3A_61, %swap3A_62] {strides = array<i32>} : memref<128x128xf32, #tpu.memory_space<vmem>>, vector<1x16xf32>,
      %swap3A_64 = vector.shape_cast %swap3A_63 : vector<1x16xf32> to vector<16xf32>
      %swap3A_65 = vector.shape_cast %broadcast_in_dim3A_60 : vector<16xf32> to vector<1x16xf32>
      tpu.vector_store %arg13[%swap3A_61, %swap3A_62], %swap3A_65 {strides = array<i32>} : memref<128x128xf32, #tpu.memory_space<vmem>>, vector<1x16xf32>,
      %broadcast_in_dim3A_66 = arith.constant 0.000000e+00 : f32
      %broadcast_in_dim3A_67 = vector.broadcast %broadcast_in_dim3A_66 : f32 to vector<16xf32>
      %swap3A_68 = arith.index_cast %scan3A_32 : i32 to index
      %swap3A_69 = arith.constant 80 : index
      %swap3A_70 = tpu.vector_load %arg13[%swap3A_68, %swap3A_69] {strides = array<i32>} : memref<128x128xf32, #tpu.memory_space<vmem>>, vector<1x16xf32>,
      %swap3A_71 = vector.shape_cast %swap3A_70 : vector<1x16xf32> to vector<16xf32>
      %swap3A_72 = vector.shape_cast %broadcast_in_dim3A_67 : vector<16xf32> to vector<1x16xf32>
      tpu.vector_store %arg13[%swap3A_68, %swap3A_69], %swap3A_72 {strides = array<i32>} : memref<128x128xf32, #tpu.memory_space<vmem>>, vector<1x16xf32>,
      %broadcast_in_dim3A_73 = arith.constant 0.000000e+00 : f32
      %broadcast_in_dim3A_74 = vector.broadcast %broadcast_in_dim3A_73 : f32 to vector<16xf32>
      %swap3A_75 = arith.index_cast %scan3A_32 : i32 to index
      %swap3A_76 = arith.constant 96 : index
      %swap3A_77 = tpu.vector_load %arg13[%swap3A_75, %swap3A_76] {strides = array<i32>} : memref<128x128xf32, #tpu.memory_space<vmem>>, vector<1x16xf32>,
      %swap3A_78 = vector.shape_cast %swap3A_77 : vector<1x16xf32> to vector<16xf32>
      %swap3A_79 = vector.shape_cast %broadcast_in_dim3A_74 : vector<16xf32> to vector<1x16xf32>
      tpu.vector_store %arg13[%swap3A_75, %swap3A_76], %swap3A_79 {strides = array<i32>} : memref<128x128xf32, #tpu.memory_space<vmem>>, vector<1x16xf32>,
      %broadcast_in_dim3A_80 = arith.constant 0.000000e+00 : f32
      %broadcast_in_dim3A_81 = vector.broadcast %broadcast_in_dim3A_80 : f32 to vector<16xf32>
      %swap3A_82 = arith.index_cast %scan3A_32 : i32 to index
      %swap3A_83 = arith.constant 112 : index
      %swap3A_84 = tpu.vector_load %arg13[%swap3A_82, %swap3A_83] {strides = array<i32>} : memref<128x128xf32, #tpu.memory_space<vmem>>, vector<1x16xf32>,
      %swap3A_85 = vector.shape_cast %swap3A_84 : vector<1x16xf32> to vector<16xf32>
      %swap3A_86 = vector.shape_cast %broadcast_in_dim3A_81 : vector<16xf32> to vector<1x16xf32>
      tpu.vector_store %arg13[%swap3A_82, %swap3A_83], %swap3A_86 {strides = array<i32>} : memref<128x128xf32, #tpu.memory_space<vmem>>, vector<1x16xf32>,
    }
    %scan3A_5 = arith.constant 128 : i32
    %scan3A_6 = arith.constant 0 : i32
    %scan3A_7 = arith.constant 0 : i32
    %scan3A_8 = arith.constant 5 : i32
    %scan3A_9 = arith.addi %scan3A_7, %scan3A_8 : i32
    %scan3A_10 = arith.constant 1 : i32
    scf.for %scan3A_32 = %scan3A_7 to %scan3A_9 step %scan3A_10  : i32 {
      %mul3A_33 = arith.constant 16 : i32
      %mul3A_34 = arith.muli %mul3A_33, %scan3A_32 : i32
      %add3A_35 = arith.addi %arg1, %mul3A_34 : i32
      %lt3A = arith.constant 78 : i32
      %lt3A_36 = arith.cmpi slt, %add3A_35, %lt3A : i32
      %convert_element_type3A_37 = arith.extui %lt3A_36 : i1 to i32
      %cond3A_38 = arith.constant 0 : i32
      %cond3A_39 = arith.cmpi ne, %convert_element_type3A_37, %cond3A_38 : i32
      scf.if %cond3A_39 {
        %mul3A_40 = arith.constant 128 : i32
        %mul3A_41 = arith.muli %add3A_35, %mul3A_40 : i32
        "tpu.region"() ({
          %run_scoped3A = tpu.sem_alloc : memref<!tpu.dma_semaphore, #tpu.memory_space<semaphore_mem>>
          %dma_start3A = arith.constant 0 : i32
          %dma_start3A_42 = tpu.memref_slice %arg14[%mul3A_41, %dma_start3A] : memref<10000x128xf32, #tpu.memory_space<vmem_shared>> -> memref<128x128xf32, #tpu.memory_space<vmem_shared>>
          %dma_start3A_43 = arith.constant 0 : i32
          %dma_start3A_44 = tpu.memref_slice %arg14[%mul3A_41, %dma_start3A_43] : memref<10000x128xf32, #tpu.memory_space<vmem_shared>> -> memref<128x128xf32, #tpu.memory_space<vmem_shared>>
          tpu.enqueue_dma source(%arg13 : memref<128x128xf32, #tpu.memory_space<vmem>>) target(%dma_start3A_44 : memref<128x128xf32, #tpu.memory_space<vmem_shared>>) target_semaphore(%run_scoped3A : memref<!tpu.dma_semaphore, #tpu.memory_space<semaphore_mem>>)
          %dma_wait3A = arith.constant 0 : i32
          %dma_wait3A_45 = tpu.memref_slice %arg14[%mul3A_41, %dma_wait3A] : memref<10000x128xf32, #tpu.memory_space<vmem_shared>> -> memref<128x128xf32, #tpu.memory_space<vmem_shared>>
          %dma_wait3A_46 = arith.constant 0 : i32
          %dma_wait3A_47 = tpu.memref_slice %arg14[%mul3A_41, %dma_wait3A_46] : memref<10000x128xf32, #tpu.memory_space<vmem_shared>> -> memref<128x128xf32, #tpu.memory_space<vmem_shared>>
          tpu.wait_dma2 semaphore(%run_scoped3A : memref<!tpu.dma_semaphore, #tpu.memory_space<semaphore_mem>>) src(%arg13 : memref<128x128xf32, #tpu.memory_space<vmem>>) dst(%dma_wait3A_47 : memref<128x128xf32, #tpu.memory_space<vmem_shared>>)
          tpu.yield
        }) : () -> ()
      } else {
      }
    }
    %scan3A_11 = arith.constant 5 : i32
    %eq3A = arith.constant 0 : i32
    %eq3A_12 = arith.cmpi eq, %arg1, %eq3A : i32
    %convert_element_type3A = arith.extui %eq3A_12 : i1 to i32
    %cond3A = arith.constant 0 : i32
    %cond3A_13 = arith.cmpi ne, %convert_element_type3A, %cond3A : i32
    scf.if %cond3A_13 {
      "tpu.region"() ({
        %run_scoped3A = tpu.sem_alloc : memref<!tpu.dma_semaphore, #tpu.memory_space<semaphore_mem>>
        %dma_start3A = arith.constant 0 : i32
        %dma_start3A_32 = arith.constant 0 : i32
        %dma_start3A_33 = tpu.memref_slice %arg13[%dma_start3A, %dma_start3A_32] : memref<128x128xf32, #tpu.memory_space<vmem>> -> memref<16x128xf32, #tpu.memory_space<vmem>>
        %dma_start3A_34 = arith.constant 9984 : i32
        %dma_start3A_35 = arith.constant 0 : i32
        %dma_start3A_36 = tpu.memref_slice %arg14[%dma_start3A_34, %dma_start3A_35] : memref<10000x128xf32, #tpu.memory_space<vmem_shared>> -> memref<16x128xf32, #tpu.memory_space<vmem_shared>>
        %dma_start3A_37 = arith.constant 9984 : i32
        %dma_start3A_38 = arith.constant 0 : i32
        %dma_start3A_39 = tpu.memref_slice %arg14[%dma_start3A_37, %dma_start3A_38] : memref<10000x128xf32, #tpu.memory_space<vmem_shared>> -> memref<16x128xf32, #tpu.memory_space<vmem_shared>>
        %dma_start3A_40 = arith.constant 0 : i32
        %dma_start3A_41 = arith.constant 0 : i32
        %dma_start3A_42 = tpu.memref_slice %arg13[%dma_start3A_40, %dma_start3A_41] : memref<128x128xf32, #tpu.memory_space<vmem>> -> memref<16x128xf32, #tpu.memory_space<vmem>>
        tpu.enqueue_dma source(%dma_start3A_42 : memref<16x128xf32, #tpu.memory_space<vmem>>) target(%dma_start3A_39 : memref<16x128xf32, #tpu.memory_space<vmem_shared>>) target_semaphore(%run_scoped3A : memref<!tpu.dma_semaphore, #tpu.memory_space<semaphore_mem>>)
        %dma_wait3A = arith.constant 0 : i32
        %dma_wait3A_43 = arith.constant 0 : i32
        %dma_wait3A_44 = tpu.memref_slice %arg13[%dma_wait3A, %dma_wait3A_43] : memref<128x128xf32, #tpu.memory_space<vmem>> -> memref<16x128xf32, #tpu.memory_space<vmem>>
        %dma_wait3A_45 = arith.constant 9984 : i32
        %dma_wait3A_46 = arith.constant 0 : i32
        %dma_wait3A_47 = tpu.memref_slice %arg14[%dma_wait3A_45, %dma_wait3A_46] : memref<10000x128xf32, #tpu.memory_space<vmem_shared>> -> memref<16x128xf32, #tpu.memory_space<vmem_shared>>
        %dma_wait3A_48 = arith.constant 9984 : i32
        %dma_wait3A_49 = arith.constant 0 : i32
        %dma_wait3A_50 = tpu.memref_slice %arg14[%dma_wait3A_48, %dma_wait3A_49] : memref<10000x128xf32, #tpu.memory_space<vmem_shared>> -> memref<16x128xf32, #tpu.memory_space<vmem_shared>>
        %dma_wait3A_51 = arith.constant 0 : i32
        %dma_wait3A_52 = arith.constant 0 : i32
        %dma_wait3A_53 = tpu.memref_slice %arg13[%dma_wait3A_51, %dma_wait3A_52] : memref<128x128xf32, #tpu.memory_space<vmem>> -> memref<16x128xf32, #tpu.memory_space<vmem>>
        tpu.wait_dma2 semaphore(%run_scoped3A : memref<!tpu.dma_semaphore, #tpu.memory_space<semaphore_mem>>) src(%dma_wait3A_53 : memref<16x128xf32, #tpu.memory_space<vmem>>) dst(%dma_wait3A_50 : memref<16x128xf32, #tpu.memory_space<vmem_shared>>)
        tpu.yield
      }) : () -> ()
    } else {
    }
    %barrier3A = arith.constant 0 : index
    tpu.barrier barrier_id(%barrier3A)
    %scan3A_14 = arith.constant 0 : i32
    %scan3A_15 = arith.constant 0 : i32
    %scan3A_16 = arith.constant 79 : i32
    %scan3A_17 = arith.addi %scan3A_15, %scan3A_16 : i32
    %scan3A_18 = arith.constant 1 : i32
    scf.for %scan3A_32 = %scan3A_15 to %scan3A_17 step %scan3A_18  : i32 {
      %mul3A_33 = arith.constant 32 : i32
      %mul3A_34 = arith.muli %mul3A_33, %scan3A_32 : i32
      %add3A_35 = arith.addi %add3A, %mul3A_34 : i32
      %lt3A = arith.constant 2500 : i32
      %lt3A_36 = arith.cmpi slt, %add3A_35, %lt3A : i32
      %convert_element_type3A_37 = arith.extui %lt3A_36 : i1 to i32
      %cond3A_38 = arith.constant 0 : i32
      %cond3A_39 = arith.cmpi ne, %convert_element_type3A_37, %cond3A_38 : i32
      scf.if %cond3A_39 {
        %mul3A_40 = arith.constant 128 : i32
        %mul3A_41 = arith.muli %add3A_35, %mul3A_40 : i32
        "tpu.region"() ({
          %run_scoped3A = tpu.sem_alloc : memref<!tpu.dma_semaphore, #tpu.memory_space<semaphore_mem>>
          %dma_start3A = tpu.memref_slice %arg4[%mul3A_41] : memref<320000xi32, #tpu.memory_space<hbm>> -> memref<128xi32, #tpu.memory_space<hbm>>
          %dma_start3A_48 = tpu.memref_slice %arg4[%mul3A_41] : memref<320000xi32, #tpu.memory_space<hbm>> -> memref<128xi32, #tpu.memory_space<hbm>>
          tpu.enqueue_dma source(%dma_start3A_48 : memref<128xi32, #tpu.memory_space<hbm>>) target(%arg8 : memref<128xi32, #tpu.memory_space<vmem>>) target_semaphore(%run_scoped3A : memref<!tpu.dma_semaphore, #tpu.memory_space<semaphore_mem>>)
          %dma_wait3A = tpu.memref_slice %arg4[%mul3A_41] : memref<320000xi32, #tpu.memory_space<hbm>> -> memref<128xi32, #tpu.memory_space<hbm>>
          %dma_wait3A_49 = tpu.memref_slice %arg4[%mul3A_41] : memref<320000xi32, #tpu.memory_space<hbm>> -> memref<128xi32, #tpu.memory_space<hbm>>
          tpu.wait_dma2 semaphore(%run_scoped3A : memref<!tpu.dma_semaphore, #tpu.memory_space<semaphore_mem>>) src(%dma_wait3A_49 : memref<128xi32, #tpu.memory_space<hbm>>) dst(%arg8 : memref<128xi32, #tpu.memory_space<vmem>>)
          tpu.yield
        }) : () -> ()
        "tpu.region"() ({
          %run_scoped3A = tpu.sem_alloc : memref<!tpu.dma_semaphore, #tpu.memory_space<semaphore_mem>>
          %dma_start3A = tpu.memref_slice %arg5[%mul3A_41] : memref<320000xi32, #tpu.memory_space<hbm>> -> memref<128xi32, #tpu.memory_space<hbm>>
          %dma_start3A_48 = tpu.memref_slice %arg5[%mul3A_41] : memref<320000xi32, #tpu.memory_space<hbm>> -> memref<128xi32, #tpu.memory_space<hbm>>
          tpu.enqueue_dma source(%dma_start3A_48 : memref<128xi32, #tpu.memory_space<hbm>>) target(%arg9 : memref<128xi32, #tpu.memory_space<vmem>>) target_semaphore(%run_scoped3A : memref<!tpu.dma_semaphore, #tpu.memory_space<semaphore_mem>>)
          %dma_wait3A = tpu.memref_slice %arg5[%mul3A_41] : memref<320000xi32, #tpu.memory_space<hbm>> -> memref<128xi32, #tpu.memory_space<hbm>>
          %dma_wait3A_49 = tpu.memref_slice %arg5[%mul3A_41] : memref<320000xi32, #tpu.memory_space<hbm>> -> memref<128xi32, #tpu.memory_space<hbm>>
          tpu.wait_dma2 semaphore(%run_scoped3A : memref<!tpu.dma_semaphore, #tpu.memory_space<semaphore_mem>>) src(%dma_wait3A_49 : memref<128xi32, #tpu.memory_space<hbm>>) dst(%arg9 : memref<128xi32, #tpu.memory_space<vmem>>)
          tpu.yield
        }) : () -> ()
        "tpu.region"() ({
          %run_scoped3A = tpu.sem_alloc : memref<!tpu.dma_semaphore, #tpu.memory_space<semaphore_mem>>
          %dma_start3A = tpu.memref_slice %arg6[%mul3A_41] : memref<320000xi32, #tpu.memory_space<hbm>> -> memref<128xi32, #tpu.memory_space<hbm>>
          %dma_start3A_48 = tpu.memref_slice %arg6[%mul3A_41] : memref<320000xi32, #tpu.memory_space<hbm>> -> memref<128xi32, #tpu.memory_space<hbm>>
          tpu.enqueue_dma source(%dma_start3A_48 : memref<128xi32, #tpu.memory_space<hbm>>) target(%arg10 : memref<128xi32, #tpu.memory_space<vmem>>) target_semaphore(%run_scoped3A : memref<!tpu.dma_semaphore, #tpu.memory_space<semaphore_mem>>)
          %dma_wait3A = tpu.memref_slice %arg6[%mul3A_41] : memref<320000xi32, #tpu.memory_space<hbm>> -> memref<128xi32, #tpu.memory_space<hbm>>
          %dma_wait3A_49 = tpu.memref_slice %arg6[%mul3A_41] : memref<320000xi32, #tpu.memory_space<hbm>> -> memref<128xi32, #tpu.memory_space<hbm>>
          tpu.wait_dma2 semaphore(%run_scoped3A : memref<!tpu.dma_semaphore, #tpu.memory_space<semaphore_mem>>) src(%dma_wait3A_49 : memref<128xi32, #tpu.memory_space<hbm>>) dst(%arg10 : memref<128xi32, #tpu.memory_space<vmem>>)
          tpu.yield
        }) : () -> ()
        "tpu.region"() ({
          %run_scoped3A = tpu.sem_alloc : memref<!tpu.dma_semaphore, #tpu.memory_space<semaphore_mem>>
          %dma_start3A = arith.constant 0 : i32
          %dma_start3A_48 = arith.constant 0 : i32
          %dma_start3A_49 = tpu.memref_slice %arg2[%dma_start3A, %dma_start3A_48] : memref<10000x128xf32, #tpu.memory_space<hbm>> -> memref<10000x128xf32, #tpu.memory_space<hbm>>
          tpu.enqueue_indirect_dma source(%dma_start3A_49 : memref<10000x128xf32, #tpu.memory_space<hbm>>) target(%arg11 : memref<128x128xf32, #tpu.memory_space<vmem>>) offsets(%arg8 : memref<128xi32, #tpu.memory_space<vmem>>) semaphore(%run_scoped3A : memref<!tpu.dma_semaphore, #tpu.memory_space<semaphore_mem>>)
          %dma_wait3A = arith.constant 0 : i32
          %dma_wait3A_50 = arith.constant 0 : i32
          %dma_wait3A_51 = tpu.memref_slice %arg2[%dma_wait3A, %dma_wait3A_50] : memref<10000x128xf32, #tpu.memory_space<hbm>> -> memref<10000x128xf32, #tpu.memory_space<hbm>>
          tpu.wait_indirect_dma semaphore(%run_scoped3A : memref<!tpu.dma_semaphore, #tpu.memory_space<semaphore_mem>>) src(%dma_wait3A_51 : memref<10000x128xf32, #tpu.memory_space<hbm>>) dst(%arg11 : memref<128x128xf32, #tpu.memory_space<vmem>>)
          tpu.yield
        }) : () -> ()
        "tpu.region"() ({
          %run_scoped3A = tpu.sem_alloc : memref<!tpu.dma_semaphore, #tpu.memory_space<semaphore_mem>>
          %dma_start3A = arith.constant 0 : i32
          %dma_start3A_48 = arith.constant 0 : i32
          %dma_start3A_49 = tpu.memref_slice %arg3[%dma_start3A, %dma_start3A_48] : memref<32768x128xf32, #tpu.memory_space<hbm>> -> memref<32768x128xf32, #tpu.memory_space<hbm>>
          tpu.enqueue_indirect_dma source(%dma_start3A_49 : memref<32768x128xf32, #tpu.memory_space<hbm>>) target(%arg12 : memref<128x128xf32, #tpu.memory_space<vmem>>) offsets(%arg10 : memref<128xi32, #tpu.memory_space<vmem>>) semaphore(%run_scoped3A : memref<!tpu.dma_semaphore, #tpu.memory_space<semaphore_mem>>)
          %dma_wait3A = arith.constant 0 : i32
          %dma_wait3A_50 = arith.constant 0 : i32
          %dma_wait3A_51 = tpu.memref_slice %arg3[%dma_wait3A, %dma_wait3A_50] : memref<32768x128xf32, #tpu.memory_space<hbm>> -> memref<32768x128xf32, #tpu.memory_space<hbm>>
          tpu.wait_indirect_dma semaphore(%run_scoped3A : memref<!tpu.dma_semaphore, #tpu.memory_space<semaphore_mem>>) src(%dma_wait3A_51 : memref<32768x128xf32, #tpu.memory_space<hbm>>) dst(%arg12 : memref<128x128xf32, #tpu.memory_space<vmem>>)
          tpu.yield
        }) : () -> ()
        %scan3A_42 = arith.constant 0 : i32
        %scan3A_43 = arith.constant 0 : i32
        %scan3A_44 = arith.constant 128 : i32
        %scan3A_45 = arith.addi %scan3A_43, %scan3A_44 : i32
        %scan3A_46 = arith.constant 1 : i32
        scf.for %scan3A_48 = %scan3A_43 to %scan3A_45 step %scan3A_46  : i32 {
          %get3A = arith.index_cast %scan3A_48 : i32 to index
          %get3A_49 = arith.constant 0 : index
          %get3A_50 = tpu.vector_load %arg11[%get3A, %get3A_49] {strides = array<i32>} : memref<128x128xf32, #tpu.memory_space<vmem>>, vector<1x16xf32>,
          %get3A_51 = vector.shape_cast %get3A_50 : vector<1x16xf32> to vector<16xf32>
          %get3A_52 = arith.index_cast %scan3A_48 : i32 to index
          %get3A_53 = arith.constant 0 : index
          %get3A_54 = tpu.vector_load %arg12[%get3A_52, %get3A_53] {strides = array<i32>} : memref<128x128xf32, #tpu.memory_space<vmem>>, vector<1x16xf32>,
          %get3A_55 = vector.shape_cast %get3A_54 : vector<1x16xf32> to vector<16xf32>
          %add3A_56 = arith.addf %get3A_51, %get3A_55 : vector<16xf32>
          %max3A = arith.constant 0.000000e+00 : f32
          %max3A_57 = vector.broadcast %max3A : f32 to vector<16xf32>
          %max3A_58 = arith.maximumf %add3A_56, %max3A_57 : vector<16xf32>
          %swap3A = arith.index_cast %scan3A_48 : i32 to index
          %swap3A_59 = arith.constant 0 : index
          %swap3A_60 = tpu.vector_load %arg12[%swap3A, %swap3A_59] {strides = array<i32>} : memref<128x128xf32, #tpu.memory_space<vmem>>, vector<1x16xf32>,
          %swap3A_61 = vector.shape_cast %swap3A_60 : vector<1x16xf32> to vector<16xf32>
          %swap3A_62 = vector.shape_cast %max3A_58 : vector<16xf32> to vector<1x16xf32>
          tpu.vector_store %arg12[%swap3A, %swap3A_59], %swap3A_62 {strides = array<i32>} : memref<128x128xf32, #tpu.memory_space<vmem>>, vector<1x16xf32>,
          %get3A_63 = arith.index_cast %scan3A_48 : i32 to index
          %get3A_64 = arith.constant 16 : index
          %get3A_65 = tpu.vector_load %arg11[%get3A_63, %get3A_64] {strides = array<i32>} : memref<128x128xf32, #tpu.memory_space<vmem>>, vector<1x16xf32>,
          %get3A_66 = vector.shape_cast %get3A_65 : vector<1x16xf32> to vector<16xf32>
          %get3A_67 = arith.index_cast %scan3A_48 : i32 to index
          %get3A_68 = arith.constant 16 : index
          %get3A_69 = tpu.vector_load %arg12[%get3A_67, %get3A_68] {strides = array<i32>} : memref<128x128xf32, #tpu.memory_space<vmem>>, vector<1x16xf32>,
          %get3A_70 = vector.shape_cast %get3A_69 : vector<1x16xf32> to vector<16xf32>
          %add3A_71 = arith.addf %get3A_66, %get3A_70 : vector<16xf32>
          %max3A_72 = arith.constant 0.000000e+00 : f32
          %max3A_73 = vector.broadcast %max3A_72 : f32 to vector<16xf32>
          %max3A_74 = arith.maximumf %add3A_71, %max3A_73 : vector<16xf32>
          %swap3A_75 = arith.index_cast %scan3A_48 : i32 to index
          %swap3A_76 = arith.constant 16 : index
          %swap3A_77 = tpu.vector_load %arg12[%swap3A_75, %swap3A_76] {strides = array<i32>} : memref<128x128xf32, #tpu.memory_space<vmem>>, vector<1x16xf32>,
          %swap3A_78 = vector.shape_cast %swap3A_77 : vector<1x16xf32> to vector<16xf32>
          %swap3A_79 = vector.shape_cast %max3A_74 : vector<16xf32> to vector<1x16xf32>
          tpu.vector_store %arg12[%swap3A_75, %swap3A_76], %swap3A_79 {strides = array<i32>} : memref<128x128xf32, #tpu.memory_space<vmem>>, vector<1x16xf32>,
          %get3A_80 = arith.index_cast %scan3A_48 : i32 to index
          %get3A_81 = arith.constant 32 : index
          %get3A_82 = tpu.vector_load %arg11[%get3A_80, %get3A_81] {strides = array<i32>} : memref<128x128xf32, #tpu.memory_space<vmem>>, vector<1x16xf32>,
          %get3A_83 = vector.shape_cast %get3A_82 : vector<1x16xf32> to vector<16xf32>
          %get3A_84 = arith.index_cast %scan3A_48 : i32 to index
          %get3A_85 = arith.constant 32 : index
          %get3A_86 = tpu.vector_load %arg12[%get3A_84, %get3A_85] {strides = array<i32>} : memref<128x128xf32, #tpu.memory_space<vmem>>, vector<1x16xf32>,
          %get3A_87 = vector.shape_cast %get3A_86 : vector<1x16xf32> to vector<16xf32>
          %add3A_88 = arith.addf %get3A_83, %get3A_87 : vector<16xf32>
          %max3A_89 = arith.constant 0.000000e+00 : f32
          %max3A_90 = vector.broadcast %max3A_89 : f32 to vector<16xf32>
          %max3A_91 = arith.maximumf %add3A_88, %max3A_90 : vector<16xf32>
          %swap3A_92 = arith.index_cast %scan3A_48 : i32 to index
          %swap3A_93 = arith.constant 32 : index
          %swap3A_94 = tpu.vector_load %arg12[%swap3A_92, %swap3A_93] {strides = array<i32>} : memref<128x128xf32, #tpu.memory_space<vmem>>, vector<1x16xf32>,
          %swap3A_95 = vector.shape_cast %swap3A_94 : vector<1x16xf32> to vector<16xf32>
          %swap3A_96 = vector.shape_cast %max3A_91 : vector<16xf32> to vector<1x16xf32>
          tpu.vector_store %arg12[%swap3A_92, %swap3A_93], %swap3A_96 {strides = array<i32>} : memref<128x128xf32, #tpu.memory_space<vmem>>, vector<1x16xf32>,
          %get3A_97 = arith.index_cast %scan3A_48 : i32 to index
          %get3A_98 = arith.constant 48 : index
          %get3A_99 = tpu.vector_load %arg11[%get3A_97, %get3A_98] {strides = array<i32>} : memref<128x128xf32, #tpu.memory_space<vmem>>, vector<1x16xf32>,
          %get3A_100 = vector.shape_cast %get3A_99 : vector<1x16xf32> to vector<16xf32>
          %get3A_101 = arith.index_cast %scan3A_48 : i32 to index
          %get3A_102 = arith.constant 48 : index
          %get3A_103 = tpu.vector_load %arg12[%get3A_101, %get3A_102] {strides = array<i32>} : memref<128x128xf32, #tpu.memory_space<vmem>>, vector<1x16xf32>,
          %get3A_104 = vector.shape_cast %get3A_103 : vector<1x16xf32> to vector<16xf32>
          %add3A_105 = arith.addf %get3A_100, %get3A_104 : vector<16xf32>
          %max3A_106 = arith.constant 0.000000e+00 : f32
          %max3A_107 = vector.broadcast %max3A_106 : f32 to vector<16xf32>
          %max3A_108 = arith.maximumf %add3A_105, %max3A_107 : vector<16xf32>
          %swap3A_109 = arith.index_cast %scan3A_48 : i32 to index
          %swap3A_110 = arith.constant 48 : index
          %swap3A_111 = tpu.vector_load %arg12[%swap3A_109, %swap3A_110] {strides = array<i32>} : memref<128x128xf32, #tpu.memory_space<vmem>>, vector<1x16xf32>,
          %swap3A_112 = vector.shape_cast %swap3A_111 : vector<1x16xf32> to vector<16xf32>
          %swap3A_113 = vector.shape_cast %max3A_108 : vector<16xf32> to vector<1x16xf32>
          tpu.vector_store %arg12[%swap3A_109, %swap3A_110], %swap3A_113 {strides = array<i32>} : memref<128x128xf32, #tpu.memory_space<vmem>>, vector<1x16xf32>,
          %get3A_114 = arith.index_cast %scan3A_48 : i32 to index
          %get3A_115 = arith.constant 64 : index
          %get3A_116 = tpu.vector_load %arg11[%get3A_114, %get3A_115] {strides = array<i32>} : memref<128x128xf32, #tpu.memory_space<vmem>>, vector<1x16xf32>,
          %get3A_117 = vector.shape_cast %get3A_116 : vector<1x16xf32> to vector<16xf32>
          %get3A_118 = arith.index_cast %scan3A_48 : i32 to index
          %get3A_119 = arith.constant 64 : index
          %get3A_120 = tpu.vector_load %arg12[%get3A_118, %get3A_119] {strides = array<i32>} : memref<128x128xf32, #tpu.memory_space<vmem>>, vector<1x16xf32>,
          %get3A_121 = vector.shape_cast %get3A_120 : vector<1x16xf32> to vector<16xf32>
          %add3A_122 = arith.addf %get3A_117, %get3A_121 : vector<16xf32>
          %max3A_123 = arith.constant 0.000000e+00 : f32
          %max3A_124 = vector.broadcast %max3A_123 : f32 to vector<16xf32>
          %max3A_125 = arith.maximumf %add3A_122, %max3A_124 : vector<16xf32>
          %swap3A_126 = arith.index_cast %scan3A_48 : i32 to index
          %swap3A_127 = arith.constant 64 : index
          %swap3A_128 = tpu.vector_load %arg12[%swap3A_126, %swap3A_127] {strides = array<i32>} : memref<128x128xf32, #tpu.memory_space<vmem>>, vector<1x16xf32>,
          %swap3A_129 = vector.shape_cast %swap3A_128 : vector<1x16xf32> to vector<16xf32>
          %swap3A_130 = vector.shape_cast %max3A_125 : vector<16xf32> to vector<1x16xf32>
          tpu.vector_store %arg12[%swap3A_126, %swap3A_127], %swap3A_130 {strides = array<i32>} : memref<128x128xf32, #tpu.memory_space<vmem>>, vector<1x16xf32>,
          %get3A_131 = arith.index_cast %scan3A_48 : i32 to index
          %get3A_132 = arith.constant 80 : index
          %get3A_133 = tpu.vector_load %arg11[%get3A_131, %get3A_132] {strides = array<i32>} : memref<128x128xf32, #tpu.memory_space<vmem>>, vector<1x16xf32>,
          %get3A_134 = vector.shape_cast %get3A_133 : vector<1x16xf32> to vector<16xf32>
          %get3A_135 = arith.index_cast %scan3A_48 : i32 to index
          %get3A_136 = arith.constant 80 : index
          %get3A_137 = tpu.vector_load %arg12[%get3A_135, %get3A_136] {strides = array<i32>} : memref<128x128xf32, #tpu.memory_space<vmem>>, vector<1x16xf32>,
          %get3A_138 = vector.shape_cast %get3A_137 : vector<1x16xf32> to vector<16xf32>
          %add3A_139 = arith.addf %get3A_134, %get3A_138 : vector<16xf32>
          %max3A_140 = arith.constant 0.000000e+00 : f32
          %max3A_141 = vector.broadcast %max3A_140 : f32 to vector<16xf32>
          %max3A_142 = arith.maximumf %add3A_139, %max3A_141 : vector<16xf32>
          %swap3A_143 = arith.index_cast %scan3A_48 : i32 to index
          %swap3A_144 = arith.constant 80 : index
          %swap3A_145 = tpu.vector_load %arg12[%swap3A_143, %swap3A_144] {strides = array<i32>} : memref<128x128xf32, #tpu.memory_space<vmem>>, vector<1x16xf32>,
          %swap3A_146 = vector.shape_cast %swap3A_145 : vector<1x16xf32> to vector<16xf32>
          %swap3A_147 = vector.shape_cast %max3A_142 : vector<16xf32> to vector<1x16xf32>
          tpu.vector_store %arg12[%swap3A_143, %swap3A_144], %swap3A_147 {strides = array<i32>} : memref<128x128xf32, #tpu.memory_space<vmem>>, vector<1x16xf32>,
          %get3A_148 = arith.index_cast %scan3A_48 : i32 to index
          %get3A_149 = arith.constant 96 : index
          %get3A_150 = tpu.vector_load %arg11[%get3A_148, %get3A_149] {strides = array<i32>} : memref<128x128xf32, #tpu.memory_space<vmem>>, vector<1x16xf32>,
          %get3A_151 = vector.shape_cast %get3A_150 : vector<1x16xf32> to vector<16xf32>
          %get3A_152 = arith.index_cast %scan3A_48 : i32 to index
          %get3A_153 = arith.constant 96 : index
          %get3A_154 = tpu.vector_load %arg12[%get3A_152, %get3A_153] {strides = array<i32>} : memref<128x128xf32, #tpu.memory_space<vmem>>, vector<1x16xf32>,
          %get3A_155 = vector.shape_cast %get3A_154 : vector<1x16xf32> to vector<16xf32>
          %add3A_156 = arith.addf %get3A_151, %get3A_155 : vector<16xf32>
          %max3A_157 = arith.constant 0.000000e+00 : f32
          %max3A_158 = vector.broadcast %max3A_157 : f32 to vector<16xf32>
          %max3A_159 = arith.maximumf %add3A_156, %max3A_158 : vector<16xf32>
          %swap3A_160 = arith.index_cast %scan3A_48 : i32 to index
          %swap3A_161 = arith.constant 96 : index
          %swap3A_162 = tpu.vector_load %arg12[%swap3A_160, %swap3A_161] {strides = array<i32>} : memref<128x128xf32, #tpu.memory_space<vmem>>, vector<1x16xf32>,
          %swap3A_163 = vector.shape_cast %swap3A_162 : vector<1x16xf32> to vector<16xf32>
          %swap3A_164 = vector.shape_cast %max3A_159 : vector<16xf32> to vector<1x16xf32>
          tpu.vector_store %arg12[%swap3A_160, %swap3A_161], %swap3A_164 {strides = array<i32>} : memref<128x128xf32, #tpu.memory_space<vmem>>, vector<1x16xf32>,
          %get3A_165 = arith.index_cast %scan3A_48 : i32 to index
          %get3A_166 = arith.constant 112 : index
          %get3A_167 = tpu.vector_load %arg11[%get3A_165, %get3A_166] {strides = array<i32>} : memref<128x128xf32, #tpu.memory_space<vmem>>, vector<1x16xf32>,
          %get3A_168 = vector.shape_cast %get3A_167 : vector<1x16xf32> to vector<16xf32>
          %get3A_169 = arith.index_cast %scan3A_48 : i32 to index
          %get3A_170 = arith.constant 112 : index
          %get3A_171 = tpu.vector_load %arg12[%get3A_169, %get3A_170] {strides = array<i32>} : memref<128x128xf32, #tpu.memory_space<vmem>>, vector<1x16xf32>,
          %get3A_172 = vector.shape_cast %get3A_171 : vector<1x16xf32> to vector<16xf32>
          %add3A_173 = arith.addf %get3A_168, %get3A_172 : vector<16xf32>
          %max3A_174 = arith.constant 0.000000e+00 : f32
          %max3A_175 = vector.broadcast %max3A_174 : f32 to vector<16xf32>
          %max3A_176 = arith.maximumf %add3A_173, %max3A_175 : vector<16xf32>
          %swap3A_177 = arith.index_cast %scan3A_48 : i32 to index
          %swap3A_178 = arith.constant 112 : index
          %swap3A_179 = tpu.vector_load %arg12[%swap3A_177, %swap3A_178] {strides = array<i32>} : memref<128x128xf32, #tpu.memory_space<vmem>>, vector<1x16xf32>,
          %swap3A_180 = vector.shape_cast %swap3A_179 : vector<1x16xf32> to vector<16xf32>
          %swap3A_181 = vector.shape_cast %max3A_176 : vector<16xf32> to vector<1x16xf32>
          tpu.vector_store %arg12[%swap3A_177, %swap3A_178], %swap3A_181 {strides = array<i32>} : memref<128x128xf32, #tpu.memory_space<vmem>>, vector<1x16xf32>,
        }
        %scan3A_47 = arith.constant 128 : i32
        "tpu.region"() ({
          %run_scoped3A = tpu.sem_alloc : memref<!tpu.dma_semaphore, #tpu.memory_space<semaphore_mem>>
          %dma_start3A = arith.constant 0 : i32
          %dma_start3A_48 = arith.constant 0 : i32
          %dma_start3A_49 = tpu.memref_slice %arg14[%dma_start3A, %dma_start3A_48] : memref<10000x128xf32, #tpu.memory_space<vmem_shared>> -> memref<10000x128xf32, #tpu.memory_space<vmem_shared>>
          tpu.enqueue_indirect_dma source(%arg12 : memref<128x128xf32, #tpu.memory_space<vmem>>) target(%dma_start3A_49 : memref<10000x128xf32, #tpu.memory_space<vmem_shared>>) offsets(%arg9 : memref<128xi32, #tpu.memory_space<vmem>>) semaphore(%run_scoped3A : memref<!tpu.dma_semaphore, #tpu.memory_space<semaphore_mem>>) {add = true}
          %dma_wait3A = arith.constant 0 : i32
          %dma_wait3A_50 = arith.constant 0 : i32
          %dma_wait3A_51 = tpu.memref_slice %arg14[%dma_wait3A, %dma_wait3A_50] : memref<10000x128xf32, #tpu.memory_space<vmem_shared>> -> memref<10000x128xf32, #tpu.memory_space<vmem_shared>>
          tpu.wait_indirect_dma semaphore(%run_scoped3A : memref<!tpu.dma_semaphore, #tpu.memory_space<semaphore_mem>>) src(%arg12 : memref<128x128xf32, #tpu.memory_space<vmem>>) dst(%dma_wait3A_51 : memref<10000x128xf32, #tpu.memory_space<vmem_shared>>)
          tpu.yield
        }) : () -> ()
      } else {
      }
    }
    %scan3A_19 = arith.constant 79 : i32
    %barrier3A_20 = arith.constant 0 : index
    tpu.barrier barrier_id(%barrier3A_20)
    %scan3A_21 = arith.constant 0 : i32
    %scan3A_22 = arith.constant 0 : i32
    %scan3A_23 = arith.constant 5 : i32
    %scan3A_24 = arith.addi %scan3A_22, %scan3A_23 : i32
    %scan3A_25 = arith.constant 1 : i32
    scf.for %scan3A_32 = %scan3A_22 to %scan3A_24 step %scan3A_25  : i32 {
      %mul3A_33 = arith.constant 16 : i32
      %mul3A_34 = arith.muli %mul3A_33, %scan3A_32 : i32
      %add3A_35 = arith.addi %arg1, %mul3A_34 : i32
      %lt3A = arith.constant 78 : i32
      %lt3A_36 = arith.cmpi slt, %add3A_35, %lt3A : i32
      %convert_element_type3A_37 = arith.extui %lt3A_36 : i1 to i32
      %cond3A_38 = arith.constant 0 : i32
      %cond3A_39 = arith.cmpi ne, %convert_element_type3A_37, %cond3A_38 : i32
      scf.if %cond3A_39 {
        %mul3A_40 = arith.constant 128 : i32
        %mul3A_41 = arith.muli %add3A_35, %mul3A_40 : i32
        %mul3A_42 = arith.constant 128 : i32
        %mul3A_43 = arith.muli %add3A_35, %mul3A_42 : i32
        "tpu.region"() ({
          %run_scoped3A = tpu.sem_alloc : memref<!tpu.dma_semaphore, #tpu.memory_space<semaphore_mem>>
          %dma_start3A = arith.constant 0 : i32
          %dma_start3A_44 = tpu.memref_slice %arg7[%arg0, %mul3A_43, %dma_start3A] : memref<2x10000x128xf32, #tpu.memory_space<hbm>> -> memref<1x128x128xf32, #tpu.memory_space<hbm>>
          %dma_start3A_45 = tpu.memref_squeeze %dma_start3A_44 : memref<1x128x128xf32, #tpu.memory_space<hbm>> -> memref<128x128xf32, #tpu.memory_space<hbm>>
          %dma_start3A_46 = arith.constant 0 : i32
          %dma_start3A_47 = tpu.memref_slice %arg14[%mul3A_41, %dma_start3A_46] : memref<10000x128xf32, #tpu.memory_space<vmem_shared>> -> memref<128x128xf32, #tpu.memory_space<vmem_shared>>
          tpu.enqueue_dma source(%dma_start3A_47 : memref<128x128xf32, #tpu.memory_space<vmem_shared>>) target(%dma_start3A_45 : memref<128x128xf32, #tpu.memory_space<hbm>>) target_semaphore(%run_scoped3A : memref<!tpu.dma_semaphore, #tpu.memory_space<semaphore_mem>>)
          %dma_wait3A = arith.constant 0 : i32
          %dma_wait3A_48 = tpu.memref_slice %arg7[%arg0, %mul3A_43, %dma_wait3A] : memref<2x10000x128xf32, #tpu.memory_space<hbm>> -> memref<1x128x128xf32, #tpu.memory_space<hbm>>
          %dma_wait3A_49 = tpu.memref_squeeze %dma_wait3A_48 : memref<1x128x128xf32, #tpu.memory_space<hbm>> -> memref<128x128xf32, #tpu.memory_space<hbm>>
          %dma_wait3A_50 = arith.constant 0 : i32
          %dma_wait3A_51 = tpu.memref_slice %arg14[%mul3A_41, %dma_wait3A_50] : memref<10000x128xf32, #tpu.memory_space<vmem_shared>> -> memref<128x128xf32, #tpu.memory_space<vmem_shared>>
          tpu.wait_dma2 semaphore(%run_scoped3A : memref<!tpu.dma_semaphore, #tpu.memory_space<semaphore_mem>>) src(%dma_wait3A_51 : memref<128x128xf32, #tpu.memory_space<vmem_shared>>) dst(%dma_wait3A_49 : memref<128x128xf32, #tpu.memory_space<hbm>>)
          tpu.yield
        }) : () -> ()
      } else {
      }
    }
    %scan3A_26 = arith.constant 5 : i32
    %eq3A_27 = arith.constant 0 : i32
    %eq3A_28 = arith.cmpi eq, %arg1, %eq3A_27 : i32
    %convert_element_type3A_29 = arith.extui %eq3A_28 : i1 to i32
    %cond3A_30 = arith.constant 0 : i32
    %cond3A_31 = arith.cmpi ne, %convert_element_type3A_29, %cond3A_30 : i32
    scf.if %cond3A_31 {
      "tpu.region"() ({
        %run_scoped3A = tpu.sem_alloc : memref<!tpu.dma_semaphore, #tpu.memory_space<semaphore_mem>>
        %dma_start3A = arith.constant 9984 : i32
        %dma_start3A_32 = arith.constant 0 : i32
        %dma_start3A_33 = tpu.memref_slice %arg7[%arg0, %dma_start3A, %dma_start3A_32] : memref<2x10000x128xf32, #tpu.memory_space<hbm>> -> memref<1x16x128xf32, #tpu.memory_space<hbm>>
        %dma_start3A_34 = tpu.memref_squeeze %dma_start3A_33 : memref<1x16x128xf32, #tpu.memory_space<hbm>> -> memref<16x128xf32, #tpu.memory_space<hbm>>
        %dma_start3A_35 = arith.constant 9984 : i32
        %dma_start3A_36 = arith.constant 0 : i32
        %dma_start3A_37 = tpu.memref_slice %arg14[%dma_start3A_35, %dma_start3A_36] : memref<10000x128xf32, #tpu.memory_space<vmem_shared>> -> memref<16x128xf32, #tpu.memory_space<vmem_shared>>
        tpu.enqueue_dma source(%dma_start3A_37 : memref<16x128xf32, #tpu.memory_space<vmem_shared>>) target(%dma_start3A_34 : memref<16x128xf32, #tpu.memory_space<hbm>>) target_semaphore(%run_scoped3A : memref<!tpu.dma_semaphore, #tpu.memory_space<semaphore_mem>>)
        %dma_wait3A = arith.constant 9984 : i32
        %dma_wait3A_38 = arith.constant 0 : i32
        %dma_wait3A_39 = tpu.memref_slice %arg7[%arg0, %dma_wait3A, %dma_wait3A_38] : memref<2x10000x128xf32, #tpu.memory_space<hbm>> -> memref<1x16x128xf32, #tpu.memory_space<hbm>>
        %dma_wait3A_40 = tpu.memref_squeeze %dma_wait3A_39 : memref<1x16x128xf32, #tpu.memory_space<hbm>> -> memref<16x128xf32, #tpu.memory_space<hbm>>
        %dma_wait3A_41 = arith.constant 9984 : i32
        %dma_wait3A_42 = arith.constant 0 : i32
        %dma_wait3A_43 = tpu.memref_slice %arg14[%dma_wait3A_41, %dma_wait3A_42] : memref<10000x128xf32, #tpu.memory_space<vmem_shared>> -> memref<16x128xf32, #tpu.memory_space<vmem_shared>>
        tpu.wait_dma2 semaphore(%run_scoped3A : memref<!tpu.dma_semaphore, #tpu.memory_space<semaphore_mem>>) src(%dma_wait3A_43 : memref<16x128xf32, #tpu.memory_space<vmem_shared>>) dst(%dma_wait3A_40 : memref<16x128xf32, #tpu.memory_space<hbm>>)
        tpu.yield
      }) : () -> ()
    } else {
    }
    return
  }
}

module attributes {stable_mosaic.version = 14 : i64} {
  func.func @_ctab_body(%arg0: i32, %arg1: i32, %arg2: memref<1x3x32x128xf32, #tpu.memory_space<vmem>>, %arg3: memref<1x1024x128xf32, #tpu.memory_space<vmem>>) attributes {dimension_semantics = [#tpu.dimension_semantics<arbitrary>, #tpu.dimension_semantics<arbitrary>], iteration_bounds = array<i64: 5, 32>, scalar_prefetch = 0 : i64, scratch_operands = 0 : i64, tpu.core_type = #tpu.core_type<tc>, window_params = [{transform_indices = @transform_0, window_bounds = array<i64: 1, 3, 32, 128>}, {transform_indices = @transform_1, window_bounds = array<i64: 1, 1024, 128>}]} {
    %get3A = arith.constant 0 : index
    %get3A_0 = arith.constant 1 : index
    %get3A_1 = arith.constant 0 : index
    %get3A_2 = arith.constant 0 : index
    %get3A_3 = vector.load %arg2[%get3A, %get3A_0, %get3A_1, %get3A_2] : memref<1x3x32x128xf32, #tpu.memory_space<vmem>>, vector<1x1x32x128xf32>
    %get3A_4 = vector.shape_cast %get3A_3 : vector<1x1x32x128xf32> to vector<32x128xf32>
    %get3A_5 = arith.constant 0 : index
    %get3A_6 = arith.constant 2 : index
    %get3A_7 = arith.constant 0 : index
    %get3A_8 = arith.constant 0 : index
    %get3A_9 = vector.load %arg2[%get3A_5, %get3A_6, %get3A_7, %get3A_8] : memref<1x3x32x128xf32, #tpu.memory_space<vmem>>, vector<1x1x32x128xf32>
    %get3A_10 = vector.shape_cast %get3A_9 : vector<1x1x32x128xf32> to vector<32x128xf32>
    %get3A_11 = arith.constant 0 : index
    %get3A_12 = arith.constant 0 : index
    %get3A_13 = arith.index_cast %arg1 : i32 to index
    %get3A_14 = arith.constant 0 : index
    %get3A_15 = vector.load %arg2[%get3A_11, %get3A_12, %get3A_13, %get3A_14] : memref<1x3x32x128xf32, #tpu.memory_space<vmem>>, vector<1x1x1x128xf32>
    %get3A_16 = vector.shape_cast %get3A_15 : vector<1x1x1x128xf32> to vector<1x128xf32>
    %broadcast_in_dim3A = vector.shape_cast %get3A_4 : vector<32x128xf32> to vector<32x1x128xf32>
    %broadcast_in_dim3A_17 = vector.shape_cast %get3A_10 : vector<32x128xf32> to vector<1x32x128xf32>
    %add3A = vector.broadcast %broadcast_in_dim3A : vector<32x1x128xf32> to vector<32x32x128xf32>
    %add3A_18 = vector.broadcast %broadcast_in_dim3A_17 : vector<1x32x128xf32> to vector<32x32x128xf32>
    %add3A_19 = arith.addf %add3A, %add3A_18 : vector<32x32x128xf32>
    %reshape3A = vector.shape_cast %add3A_19 : vector<32x32x128xf32> to vector<1024x128xf32>
    %add3A_20 = vector.broadcast %get3A_16 : vector<1x128xf32> to vector<1024x128xf32>
    %add3A_21 = arith.addf %reshape3A, %add3A_20 : vector<1024x128xf32>
    %swap3A = arith.constant 0 : index
    %swap3A_22 = arith.constant 0 : index
    %swap3A_23 = arith.constant 0 : index
    %swap3A_24 = vector.load %arg3[%swap3A, %swap3A_22, %swap3A_23] : memref<1x1024x128xf32, #tpu.memory_space<vmem>>, vector<1x1024x128xf32>
    %swap3A_25 = vector.shape_cast %swap3A_24 : vector<1x1024x128xf32> to vector<1024x128xf32>
    %swap3A_26 = vector.shape_cast %add3A_21 : vector<1024x128xf32> to vector<1x1024x128xf32>
    tpu.vector_store %arg3[%swap3A, %swap3A_22, %swap3A_23], %swap3A_26 {strides = array<i32>} : memref<1x1024x128xf32, #tpu.memory_space<vmem>>, vector<1x1024x128xf32>,
    return
  }
  func.func @transform_0(%arg0: i32, %arg1: i32) -> (i32, i32, i32, i32) {
    %c0_i32 = arith.constant 0 : i32
    %c0_i32_0 = arith.constant 0 : i32
    %c0_i32_1 = arith.constant 0 : i32
    %c0_i32_2 = arith.constant 0 : i32
    return %arg0, %c0_i32, %c0_i32_0, %c0_i32_1 : i32, i32, i32, i32
  }
  func.func @transform_1(%arg0: i32, %arg1: i32) -> (i32, i32, i32) {
    %c0_i32 = arith.constant 0 : i32
    %c0_i32_0 = arith.constant 0 : i32
    return %arg0, %arg1, %c0_i32 : i32, i32, i32
  }
}

module attributes {stable_mosaic.version = 14 : i64} {
  func.func @_mlp1_body(%arg0: i32, %arg1: memref<1x1xf32, #tpu.memory_space<smem>>, %arg2: memref<1000x128xf32, #tpu.memory_space<vmem>>, %arg3: memref<2x1000x128xf32, #tpu.memory_space<vmem>>, %arg4: memref<128x128xf32, #tpu.memory_space<vmem>>, %arg5: memref<1x128xf32, #tpu.memory_space<vmem>>, %arg6: memref<1000x128xf32, #tpu.memory_space<vmem>>, %arg7: memref<1x128xf32, #tpu.memory_space<vmem>>) attributes {dimension_semantics = [#tpu.dimension_semantics<arbitrary>], iteration_bounds = array<i64: 10>, scalar_prefetch = 0 : i64, scratch_operands = 0 : i64, tpu.core_type = #tpu.core_type<tc>, window_params = [{transform_indices = @transform_0, window_bounds = array<i64: 1, 1>}, {transform_indices = @transform_1, window_bounds = array<i64: 1000, 128>}, {transform_indices = @transform_2, window_bounds = array<i64: 2, 1000, 128>}, {pipeline_mode = #tpu.pipeline_mode<synchronous>, transform_indices = @transform_3, window_bounds = array<i64: 128, 128>}, {pipeline_mode = #tpu.pipeline_mode<synchronous>, transform_indices = @transform_4, window_bounds = array<i64: 1, 128>}, {transform_indices = @transform_5, window_bounds = array<i64: 1000, 128>}, {pipeline_mode = #tpu.pipeline_mode<synchronous>, transform_indices = @transform_6, window_bounds = array<i64: 1, 128>}]} {
    %get3A = arith.constant 0 : index
    %get3A_0 = arith.constant 0 : index
    %get3A_1 = memref.load %arg1[%get3A, %get3A_0] : memref<1x1xf32, #tpu.memory_space<smem>>
    %get3A_2 = arith.constant 0 : index
    %get3A_3 = arith.constant 0 : index
    %get3A_4 = vector.load %arg2[%get3A_2, %get3A_3] : memref<1000x128xf32, #tpu.memory_space<vmem>>, vector<1000x128xf32>
    %mul3A = vector.broadcast %get3A_1 : f32 to vector<1000x128xf32>
    %mul3A_5 = arith.mulf %mul3A, %get3A_4 : vector<1000x128xf32>
    %get3A_6 = arith.constant 0 : index
    %get3A_7 = arith.constant 0 : index
    %get3A_8 = arith.constant 0 : index
    %get3A_9 = vector.load %arg3[%get3A_6, %get3A_7, %get3A_8] : memref<2x1000x128xf32, #tpu.memory_space<vmem>>, vector<1x1000x128xf32>
    %get3A_10 = vector.shape_cast %get3A_9 : vector<1x1000x128xf32> to vector<1000x128xf32>
    %add3A = arith.addf %mul3A_5, %get3A_10 : vector<1000x128xf32>
    %get3A_11 = arith.constant 1 : index
    %get3A_12 = arith.constant 0 : index
    %get3A_13 = arith.constant 0 : index
    %get3A_14 = vector.load %arg3[%get3A_11, %get3A_12, %get3A_13] : memref<2x1000x128xf32, #tpu.memory_space<vmem>>, vector<1x1000x128xf32>
    %get3A_15 = vector.shape_cast %get3A_14 : vector<1x1000x128xf32> to vector<1000x128xf32>
    %add3A_16 = arith.addf %add3A, %get3A_15 : vector<1000x128xf32>
    %get3A_17 = arith.constant 0 : index
    %get3A_18 = arith.constant 0 : index
    %get3A_19 = vector.load %arg4[%get3A_17, %get3A_18] : memref<128x128xf32, #tpu.memory_space<vmem>>, vector<128x128xf32>
    %dot_general3A = arith.constant dense<0.000000e+00> : vector<1000x128xf32>
    %dot_general3A_20 = tpu.matmul %add3A_16, %get3A_19, %dot_general3A {dimension_numbers = #tpu.dot_dimension_numbers<[1], [0], [0], [1], [0, 0, 1, 1], [], []>, transpose_lhs_hint = false} : vector<1000x128xf32>, vector<128x128xf32>, vector<1000x128xf32> -> vector<1000x128xf32>
    %get3A_21 = arith.constant 0 : index
    %get3A_22 = arith.constant 0 : index
    %get3A_23 = vector.load %arg5[%get3A_21, %get3A_22] : memref<1x128xf32, #tpu.memory_space<vmem>>, vector<1x128xf32>
    %add3A_24 = vector.broadcast %get3A_23 : vector<1x128xf32> to vector<1000x128xf32>
    %add3A_25 = arith.addf %dot_general3A_20, %add3A_24 : vector<1000x128xf32>
    %swap3A = arith.constant 0 : index
    %swap3A_26 = arith.constant 0 : index
    %swap3A_27 = vector.load %arg6[%swap3A, %swap3A_26] : memref<1000x128xf32, #tpu.memory_space<vmem>>, vector<1000x128xf32>
    tpu.vector_store %arg6[%swap3A, %swap3A_26], %add3A_25 {strides = array<i32>} : memref<1000x128xf32, #tpu.memory_space<vmem>>, vector<1000x128xf32>,
    %eq3A = arith.constant 0 : i32
    %eq3A_28 = arith.cmpi eq, %arg0, %eq3A : i32
    %convert_element_type3A = arith.extui %eq3A_28 : i1 to i32
    %cond3A = arith.constant 0 : i32
    %cond3A_29 = arith.cmpi ne, %convert_element_type3A, %cond3A : i32
    scf.if %cond3A_29 {
      %broadcast_in_dim3A_38 = arith.constant 0.000000e+00 : f32
      %broadcast_in_dim3A_39 = vector.broadcast %broadcast_in_dim3A_38 : f32 to vector<1x128xf32>
      %swap3A_40 = arith.constant 0 : index
      %swap3A_41 = arith.constant 0 : index
      %swap3A_42 = vector.load %arg7[%swap3A_40, %swap3A_41] : memref<1x128xf32, #tpu.memory_space<vmem>>, vector<1x128xf32>
      tpu.vector_store %arg7[%swap3A_40, %swap3A_41], %broadcast_in_dim3A_39 {strides = array<i32>} : memref<1x128xf32, #tpu.memory_space<vmem>>, vector<1x128xf32>,
    } else {
    }
    %get3A_30 = arith.constant 0 : index
    %get3A_31 = arith.constant 0 : index
    %get3A_32 = vector.load %arg7[%get3A_30, %get3A_31] : memref<1x128xf32, #tpu.memory_space<vmem>>, vector<1x128xf32>
    %reduce_sum3A = arith.constant dense<0.000000e+00> : vector<128xf32>
    %reduce_sum3A_33 = vector.multi_reduction <add>, %add3A_25, %reduce_sum3A [0] : vector<1000x128xf32> to vector<128xf32>
    %broadcast_in_dim3A = vector.shape_cast %reduce_sum3A_33 : vector<128xf32> to vector<1x128xf32>
    %add3A_34 = arith.addf %get3A_32, %broadcast_in_dim3A : vector<1x128xf32>
    %swap3A_35 = arith.constant 0 : index
    %swap3A_36 = arith.constant 0 : index
    %swap3A_37 = vector.load %arg7[%swap3A_35, %swap3A_36] : memref<1x128xf32, #tpu.memory_space<vmem>>, vector<1x128xf32>
    tpu.vector_store %arg7[%swap3A_35, %swap3A_36], %add3A_34 {strides = array<i32>} : memref<1x128xf32, #tpu.memory_space<vmem>>, vector<1x128xf32>,
    return
  }
  func.func @transform_0(%arg0: i32) -> (i32, i32) {
    %c0_i32 = arith.constant 0 : i32
    %c0_i32_0 = arith.constant 0 : i32
    %c0_i32_1 = arith.constant 0 : i32
    return %c0_i32, %c0_i32_0 : i32, i32
  }
  func.func @transform_1(%arg0: i32) -> (i32, i32) {
    %c0_i32 = arith.constant 0 : i32
    %c0_i32_0 = arith.constant 0 : i32
    return %arg0, %c0_i32 : i32, i32
  }
  func.func @transform_2(%arg0: i32) -> (i32, i32, i32) {
    %c0_i32 = arith.constant 0 : i32
    %c0_i32_0 = arith.constant 0 : i32
    %c0_i32_1 = arith.constant 0 : i32
    return %c0_i32, %arg0, %c0_i32_0 : i32, i32, i32
  }
  func.func @transform_3(%arg0: i32) -> (i32, i32) {
    %c0_i32 = arith.constant 0 : i32
    %c0_i32_0 = arith.constant 0 : i32
    %c0_i32_1 = arith.constant 0 : i32
    return %c0_i32, %c0_i32_0 : i32, i32
  }
  func.func @transform_4(%arg0: i32) -> (i32, i32) {
    %c0_i32 = arith.constant 0 : i32
    %c0_i32_0 = arith.constant 0 : i32
    %c0_i32_1 = arith.constant 0 : i32
    return %c0_i32, %c0_i32_0 : i32, i32
  }
  func.func @transform_5(%arg0: i32) -> (i32, i32) {
    %c0_i32 = arith.constant 0 : i32
    %c0_i32_0 = arith.constant 0 : i32
    return %arg0, %c0_i32 : i32, i32
  }
  func.func @transform_6(%arg0: i32) -> (i32, i32) {
    %c0_i32 = arith.constant 0 : i32
    %c0_i32_0 = arith.constant 0 : i32
    %c0_i32_1 = arith.constant 0 : i32
    return %c0_i32, %c0_i32_0 : i32, i32
  }
}

module attributes {stable_mosaic.version = 14 : i64} {
  func.func @_var_body(%arg0: i32, %arg1: memref<1000x128xf32, #tpu.memory_space<vmem>>, %arg2: memref<1x128xf32, #tpu.memory_space<vmem>>, %arg3: memref<1x128xf32, #tpu.memory_space<vmem>>) attributes {dimension_semantics = [#tpu.dimension_semantics<arbitrary>], iteration_bounds = array<i64: 10>, scalar_prefetch = 0 : i64, scratch_operands = 0 : i64, tpu.core_type = #tpu.core_type<tc>, window_params = [{transform_indices = @transform_0, window_bounds = array<i64: 1000, 128>}, {pipeline_mode = #tpu.pipeline_mode<synchronous>, transform_indices = @transform_1, window_bounds = array<i64: 1, 128>}, {pipeline_mode = #tpu.pipeline_mode<synchronous>, transform_indices = @transform_2, window_bounds = array<i64: 1, 128>}]} {
    %get3A = arith.constant 0 : index
    %get3A_0 = arith.constant 0 : index
    %get3A_1 = vector.load %arg1[%get3A, %get3A_0] : memref<1000x128xf32, #tpu.memory_space<vmem>>, vector<1000x128xf32>
    %get3A_2 = arith.constant 0 : index
    %get3A_3 = arith.constant 0 : index
    %get3A_4 = vector.load %arg2[%get3A_2, %get3A_3] : memref<1x128xf32, #tpu.memory_space<vmem>>, vector<1x128xf32>
    %mul3A = arith.constant 9.99999974E-5 : f32
    %mul3A_5 = vector.broadcast %mul3A : f32 to vector<1x128xf32>
    %mul3A_6 = arith.mulf %get3A_4, %mul3A_5 : vector<1x128xf32>
    %sub3A = vector.broadcast %mul3A_6 : vector<1x128xf32> to vector<1000x128xf32>
    %sub3A_7 = arith.subf %get3A_1, %sub3A : vector<1000x128xf32>
    %eq3A = arith.constant 0 : i32
    %eq3A_8 = arith.cmpi eq, %arg0, %eq3A : i32
    %convert_element_type3A = arith.extui %eq3A_8 : i1 to i32
    %cond3A = arith.constant 0 : i32
    %cond3A_9 = arith.cmpi ne, %convert_element_type3A, %cond3A : i32
    scf.if %cond3A_9 {
      %broadcast_in_dim3A_17 = arith.constant 0.000000e+00 : f32
      %broadcast_in_dim3A_18 = vector.broadcast %broadcast_in_dim3A_17 : f32 to vector<1x128xf32>
      %swap3A_19 = arith.constant 0 : index
      %swap3A_20 = arith.constant 0 : index
      %swap3A_21 = vector.load %arg3[%swap3A_19, %swap3A_20] : memref<1x128xf32, #tpu.memory_space<vmem>>, vector<1x128xf32>
      tpu.vector_store %arg3[%swap3A_19, %swap3A_20], %broadcast_in_dim3A_18 {strides = array<i32>} : memref<1x128xf32, #tpu.memory_space<vmem>>, vector<1x128xf32>,
    } else {
    }
    %get3A_10 = arith.constant 0 : index
    %get3A_11 = arith.constant 0 : index
    %get3A_12 = vector.load %arg3[%get3A_10, %get3A_11] : memref<1x128xf32, #tpu.memory_space<vmem>>, vector<1x128xf32>
    %mul3A_13 = arith.mulf %sub3A_7, %sub3A_7 : vector<1000x128xf32>
    %reduce_sum3A = arith.constant dense<0.000000e+00> : vector<128xf32>
    %reduce_sum3A_14 = vector.multi_reduction <add>, %mul3A_13, %reduce_sum3A [0] : vector<1000x128xf32> to vector<128xf32>
    %broadcast_in_dim3A = vector.shape_cast %reduce_sum3A_14 : vector<128xf32> to vector<1x128xf32>
    %add3A = arith.addf %get3A_12, %broadcast_in_dim3A : vector<1x128xf32>
    %swap3A = arith.constant 0 : index
    %swap3A_15 = arith.constant 0 : index
    %swap3A_16 = vector.load %arg3[%swap3A, %swap3A_15] : memref<1x128xf32, #tpu.memory_space<vmem>>, vector<1x128xf32>
    tpu.vector_store %arg3[%swap3A, %swap3A_15], %add3A {strides = array<i32>} : memref<1x128xf32, #tpu.memory_space<vmem>>, vector<1x128xf32>,
    return
  }
  func.func @transform_0(%arg0: i32) -> (i32, i32) {
    %c0_i32 = arith.constant 0 : i32
    %c0_i32_0 = arith.constant 0 : i32
    return %arg0, %c0_i32 : i32, i32
  }
  func.func @transform_1(%arg0: i32) -> (i32, i32) {
    %c0_i32 = arith.constant 0 : i32
    %c0_i32_0 = arith.constant 0 : i32
    %c0_i32_1 = arith.constant 0 : i32
    return %c0_i32, %c0_i32_0 : i32, i32
  }
  func.func @transform_2(%arg0: i32) -> (i32, i32) {
    %c0_i32 = arith.constant 0 : i32
    %c0_i32_0 = arith.constant 0 : i32
    %c0_i32_1 = arith.constant 0 : i32
    return %c0_i32, %c0_i32_0 : i32, i32
  }
}

module attributes {stable_mosaic.version = 14 : i64} {
  func.func @_mlp2_body(%arg0: i32, %arg1: memref<1000x128xf32, #tpu.memory_space<vmem>>, %arg2: memref<1x128xf32, #tpu.memory_space<vmem>>, %arg3: memref<1x128xf32, #tpu.memory_space<vmem>>, %arg4: memref<1x128xf32, #tpu.memory_space<vmem>>, %arg5: memref<1x128xf32, #tpu.memory_space<vmem>>, %arg6: memref<128x128xf32, #tpu.memory_space<vmem>>, %arg7: memref<1x128xf32, #tpu.memory_space<vmem>>, %arg8: memref<1000x128xf32, #tpu.memory_space<vmem>>) attributes {dimension_semantics = [#tpu.dimension_semantics<arbitrary>], iteration_bounds = array<i64: 10>, scalar_prefetch = 0 : i64, scratch_operands = 0 : i64, tpu.core_type = #tpu.core_type<tc>, window_params = [{transform_indices = @transform_0, window_bounds = array<i64: 1000, 128>}, {pipeline_mode = #tpu.pipeline_mode<synchronous>, transform_indices = @transform_1, window_bounds = array<i64: 1, 128>}, {pipeline_mode = #tpu.pipeline_mode<synchronous>, transform_indices = @transform_2, window_bounds = array<i64: 1, 128>}, {pipeline_mode = #tpu.pipeline_mode<synchronous>, transform_indices = @transform_3, window_bounds = array<i64: 1, 128>}, {pipeline_mode = #tpu.pipeline_mode<synchronous>, transform_indices = @transform_4, window_bounds = array<i64: 1, 128>}, {pipeline_mode = #tpu.pipeline_mode<synchronous>, transform_indices = @transform_5, window_bounds = array<i64: 128, 128>}, {pipeline_mode = #tpu.pipeline_mode<synchronous>, transform_indices = @transform_6, window_bounds = array<i64: 1, 128>}, {transform_indices = @transform_7, window_bounds = array<i64: 1000, 128>}]} {
    %get3A = arith.constant 0 : index
    %get3A_0 = arith.constant 0 : index
    %get3A_1 = vector.load %arg2[%get3A, %get3A_0] : memref<1x128xf32, #tpu.memory_space<vmem>>, vector<1x128xf32>
    %mul3A = arith.constant 9.99999974E-5 : f32
    %mul3A_2 = vector.broadcast %mul3A : f32 to vector<1x128xf32>
    %mul3A_3 = arith.mulf %get3A_1, %mul3A_2 : vector<1x128xf32>
    %get3A_4 = arith.constant 0 : index
    %get3A_5 = arith.constant 0 : index
    %get3A_6 = vector.load %arg3[%get3A_4, %get3A_5] : memref<1x128xf32, #tpu.memory_space<vmem>>, vector<1x128xf32>
    %mul3A_7 = arith.constant 9.99999974E-5 : f32
    %mul3A_8 = vector.broadcast %mul3A_7 : f32 to vector<1x128xf32>
    %mul3A_9 = arith.mulf %get3A_6, %mul3A_8 : vector<1x128xf32>
    %add3A = arith.constant 9.99999974E-6 : f32
    %add3A_10 = vector.broadcast %add3A : f32 to vector<1x128xf32>
    %add3A_11 = arith.addf %mul3A_9, %add3A_10 : vector<1x128xf32>
    %rsqrt3A = math.rsqrt %add3A_11 : vector<1x128xf32>
    %get3A_12 = arith.constant 0 : index
    %get3A_13 = arith.constant 0 : index
    %get3A_14 = vector.load %arg4[%get3A_12, %get3A_13] : memref<1x128xf32, #tpu.memory_space<vmem>>, vector<1x128xf32>
    %mul3A_15 = arith.mulf %rsqrt3A, %get3A_14 : vector<1x128xf32>
    %get3A_16 = arith.constant 0 : index
    %get3A_17 = arith.constant 0 : index
    %get3A_18 = vector.load %arg1[%get3A_16, %get3A_17] : memref<1000x128xf32, #tpu.memory_space<vmem>>, vector<1000x128xf32>
    %sub3A = vector.broadcast %mul3A_3 : vector<1x128xf32> to vector<1000x128xf32>
    %sub3A_19 = arith.subf %get3A_18, %sub3A : vector<1000x128xf32>
    %mul3A_20 = vector.broadcast %mul3A_15 : vector<1x128xf32> to vector<1000x128xf32>
    %mul3A_21 = arith.mulf %sub3A_19, %mul3A_20 : vector<1000x128xf32>
    %get3A_22 = arith.constant 0 : index
    %get3A_23 = arith.constant 0 : index
    %get3A_24 = vector.load %arg5[%get3A_22, %get3A_23] : memref<1x128xf32, #tpu.memory_space<vmem>>, vector<1x128xf32>
    %add3A_25 = vector.broadcast %get3A_24 : vector<1x128xf32> to vector<1000x128xf32>
    %add3A_26 = arith.addf %mul3A_21, %add3A_25 : vector<1000x128xf32>
    %max3A = arith.constant 0.000000e+00 : f32
    %max3A_27 = vector.broadcast %max3A : f32 to vector<1000x128xf32>
    %max3A_28 = arith.maximumf %add3A_26, %max3A_27 : vector<1000x128xf32>
    %get3A_29 = arith.constant 0 : index
    %get3A_30 = arith.constant 0 : index
    %get3A_31 = vector.load %arg6[%get3A_29, %get3A_30] : memref<128x128xf32, #tpu.memory_space<vmem>>, vector<128x128xf32>
    %dot_general3A = arith.constant dense<0.000000e+00> : vector<1000x128xf32>
    %dot_general3A_32 = tpu.matmul %max3A_28, %get3A_31, %dot_general3A {dimension_numbers = #tpu.dot_dimension_numbers<[1], [0], [0], [1], [0, 0, 1, 1], [], []>, transpose_lhs_hint = false} : vector<1000x128xf32>, vector<128x128xf32>, vector<1000x128xf32> -> vector<1000x128xf32>
    %get3A_33 = arith.constant 0 : index
    %get3A_34 = arith.constant 0 : index
    %get3A_35 = vector.load %arg7[%get3A_33, %get3A_34] : memref<1x128xf32, #tpu.memory_space<vmem>>, vector<1x128xf32>
    %add3A_36 = vector.broadcast %get3A_35 : vector<1x128xf32> to vector<1000x128xf32>
    %add3A_37 = arith.addf %dot_general3A_32, %add3A_36 : vector<1000x128xf32>
    %max3A_38 = arith.constant 0.000000e+00 : f32
    %max3A_39 = vector.broadcast %max3A_38 : f32 to vector<1000x128xf32>
    %max3A_40 = arith.maximumf %add3A_37, %max3A_39 : vector<1000x128xf32>
    %swap3A = arith.constant 0 : index
    %swap3A_41 = arith.constant 0 : index
    %swap3A_42 = vector.load %arg8[%swap3A, %swap3A_41] : memref<1000x128xf32, #tpu.memory_space<vmem>>, vector<1000x128xf32>
    tpu.vector_store %arg8[%swap3A, %swap3A_41], %max3A_40 {strides = array<i32>} : memref<1000x128xf32, #tpu.memory_space<vmem>>, vector<1000x128xf32>,
    return
  }
  func.func @transform_0(%arg0: i32) -> (i32, i32) {
    %c0_i32 = arith.constant 0 : i32
    %c0_i32_0 = arith.constant 0 : i32
    return %arg0, %c0_i32 : i32, i32
  }
  func.func @transform_1(%arg0: i32) -> (i32, i32) {
    %c0_i32 = arith.constant 0 : i32
    %c0_i32_0 = arith.constant 0 : i32
    %c0_i32_1 = arith.constant 0 : i32
    return %c0_i32, %c0_i32_0 : i32, i32
  }
  func.func @transform_2(%arg0: i32) -> (i32, i32) {
    %c0_i32 = arith.constant 0 : i32
    %c0_i32_0 = arith.constant 0 : i32
    %c0_i32_1 = arith.constant 0 : i32
    return %c0_i32, %c0_i32_0 : i32, i32
  }
  func.func @transform_3(%arg0: i32) -> (i32, i32) {
    %c0_i32 = arith.constant 0 : i32
    %c0_i32_0 = arith.constant 0 : i32
    %c0_i32_1 = arith.constant 0 : i32
    return %c0_i32, %c0_i32_0 : i32, i32
  }
  func.func @transform_4(%arg0: i32) -> (i32, i32) {
    %c0_i32 = arith.constant 0 : i32
    %c0_i32_0 = arith.constant 0 : i32
    %c0_i32_1 = arith.constant 0 : i32
    return %c0_i32, %c0_i32_0 : i32, i32
  }
  func.func @transform_5(%arg0: i32) -> (i32, i32) {
    %c0_i32 = arith.constant 0 : i32
    %c0_i32_0 = arith.constant 0 : i32
    %c0_i32_1 = arith.constant 0 : i32
    return %c0_i32, %c0_i32_0 : i32, i32
  }
  func.func @transform_6(%arg0: i32) -> (i32, i32) {
    %c0_i32 = arith.constant 0 : i32
    %c0_i32_0 = arith.constant 0 : i32
    %c0_i32_1 = arith.constant 0 : i32
    return %c0_i32, %c0_i32_0 : i32, i32
  }
  func.func @transform_7(%arg0: i32) -> (i32, i32) {
    %c0_i32 = arith.constant 0 : i32
    %c0_i32_0 = arith.constant 0 : i32
    return %arg0, %c0_i32 : i32, i32
  }
}

module attributes {stable_mosaic.version = 14 : i64} {
  func.func @_mlp2_body(%arg0: i32, %arg1: memref<1000x128xf32, #tpu.memory_space<vmem>>, %arg2: memref<1x128xf32, #tpu.memory_space<vmem>>, %arg3: memref<1x128xf32, #tpu.memory_space<vmem>>, %arg4: memref<1x128xf32, #tpu.memory_space<vmem>>, %arg5: memref<1x128xf32, #tpu.memory_space<vmem>>, %arg6: memref<128x128xf32, #tpu.memory_space<vmem>>, %arg7: memref<1x128xf32, #tpu.memory_space<vmem>>, %arg8: memref<1000x128xf32, #tpu.memory_space<vmem>>) attributes {dimension_semantics = [#tpu.dimension_semantics<arbitrary>], iteration_bounds = array<i64: 10>, scalar_prefetch = 0 : i64, scratch_operands = 0 : i64, tpu.core_type = #tpu.core_type<tc>, window_params = [{transform_indices = @transform_0, window_bounds = array<i64: 1000, 128>}, {pipeline_mode = #tpu.pipeline_mode<synchronous>, transform_indices = @transform_1, window_bounds = array<i64: 1, 128>}, {pipeline_mode = #tpu.pipeline_mode<synchronous>, transform_indices = @transform_2, window_bounds = array<i64: 1, 128>}, {pipeline_mode = #tpu.pipeline_mode<synchronous>, transform_indices = @transform_3, window_bounds = array<i64: 1, 128>}, {pipeline_mode = #tpu.pipeline_mode<synchronous>, transform_indices = @transform_4, window_bounds = array<i64: 1, 128>}, {pipeline_mode = #tpu.pipeline_mode<synchronous>, transform_indices = @transform_5, window_bounds = array<i64: 128, 128>}, {pipeline_mode = #tpu.pipeline_mode<synchronous>, transform_indices = @transform_6, window_bounds = array<i64: 1, 128>}, {transform_indices = @transform_7, window_bounds = array<i64: 1000, 128>}]} {
    %get3A = arith.constant 0 : index
    %get3A_0 = arith.constant 0 : index
    %get3A_1 = vector.load %arg2[%get3A, %get3A_0] : memref<1x128xf32, #tpu.memory_space<vmem>>, vector<1x128xf32>
    %mul3A = arith.constant 9.99999974E-5 : f32
    %mul3A_2 = vector.broadcast %mul3A : f32 to vector<1x128xf32>
    %mul3A_3 = arith.mulf %get3A_1, %mul3A_2 : vector<1x128xf32>
    %get3A_4 = arith.constant 0 : index
    %get3A_5 = arith.constant 0 : index
    %get3A_6 = vector.load %arg3[%get3A_4, %get3A_5] : memref<1x128xf32, #tpu.memory_space<vmem>>, vector<1x128xf32>
    %mul3A_7 = arith.constant 9.99999974E-5 : f32
    %mul3A_8 = vector.broadcast %mul3A_7 : f32 to vector<1x128xf32>
    %mul3A_9 = arith.mulf %get3A_6, %mul3A_8 : vector<1x128xf32>
    %add3A = arith.constant 9.99999974E-6 : f32
    %add3A_10 = vector.broadcast %add3A : f32 to vector<1x128xf32>
    %add3A_11 = arith.addf %mul3A_9, %add3A_10 : vector<1x128xf32>
    %rsqrt3A = math.rsqrt %add3A_11 : vector<1x128xf32>
    %get3A_12 = arith.constant 0 : index
    %get3A_13 = arith.constant 0 : index
    %get3A_14 = vector.load %arg4[%get3A_12, %get3A_13] : memref<1x128xf32, #tpu.memory_space<vmem>>, vector<1x128xf32>
    %mul3A_15 = arith.mulf %rsqrt3A, %get3A_14 : vector<1x128xf32>
    %get3A_16 = arith.constant 0 : index
    %get3A_17 = arith.constant 0 : index
    %get3A_18 = vector.load %arg1[%get3A_16, %get3A_17] : memref<1000x128xf32, #tpu.memory_space<vmem>>, vector<1000x128xf32>
    %sub3A = vector.broadcast %mul3A_3 : vector<1x128xf32> to vector<1000x128xf32>
    %sub3A_19 = arith.subf %get3A_18, %sub3A : vector<1000x128xf32>
    %mul3A_20 = vector.broadcast %mul3A_15 : vector<1x128xf32> to vector<1000x128xf32>
    %mul3A_21 = arith.mulf %sub3A_19, %mul3A_20 : vector<1000x128xf32>
    %get3A_22 = arith.constant 0 : index
    %get3A_23 = arith.constant 0 : index
    %get3A_24 = vector.load %arg5[%get3A_22, %get3A_23] : memref<1x128xf32, #tpu.memory_space<vmem>>, vector<1x128xf32>
    %add3A_25 = vector.broadcast %get3A_24 : vector<1x128xf32> to vector<1000x128xf32>
    %add3A_26 = arith.addf %mul3A_21, %add3A_25 : vector<1000x128xf32>
    %max3A = arith.constant 0.000000e+00 : f32
    %max3A_27 = vector.broadcast %max3A : f32 to vector<1000x128xf32>
    %max3A_28 = arith.maximumf %add3A_26, %max3A_27 : vector<1000x128xf32>
    %get3A_29 = arith.constant 0 : index
    %get3A_30 = arith.constant 0 : index
    %get3A_31 = vector.load %arg6[%get3A_29, %get3A_30] : memref<128x128xf32, #tpu.memory_space<vmem>>, vector<128x128xf32>
    %dot_general3A = arith.constant dense<0.000000e+00> : vector<1000x128xf32>
    %dot_general3A_32 = tpu.matmul %max3A_28, %get3A_31, %dot_general3A {dimension_numbers = #tpu.dot_dimension_numbers<[1], [0], [0], [1], [0, 0, 1, 1], [], []>, transpose_lhs_hint = false} : vector<1000x128xf32>, vector<128x128xf32>, vector<1000x128xf32> -> vector<1000x128xf32>
    %get3A_33 = arith.constant 0 : index
    %get3A_34 = arith.constant 0 : index
    %get3A_35 = vector.load %arg7[%get3A_33, %get3A_34] : memref<1x128xf32, #tpu.memory_space<vmem>>, vector<1x128xf32>
    %add3A_36 = vector.broadcast %get3A_35 : vector<1x128xf32> to vector<1000x128xf32>
    %add3A_37 = arith.addf %dot_general3A_32, %add3A_36 : vector<1000x128xf32>
    %swap3A = arith.constant 0 : index
    %swap3A_38 = arith.constant 0 : index
    %swap3A_39 = vector.load %arg8[%swap3A, %swap3A_38] : memref<1000x128xf32, #tpu.memory_space<vmem>>, vector<1000x128xf32>
    tpu.vector_store %arg8[%swap3A, %swap3A_38], %add3A_37 {strides = array<i32>} : memref<1000x128xf32, #tpu.memory_space<vmem>>, vector<1000x128xf32>,
    return
  }
  func.func @transform_0(%arg0: i32) -> (i32, i32) {
    %c0_i32 = arith.constant 0 : i32
    %c0_i32_0 = arith.constant 0 : i32
    return %arg0, %c0_i32 : i32, i32
  }
  func.func @transform_1(%arg0: i32) -> (i32, i32) {
    %c0_i32 = arith.constant 0 : i32
    %c0_i32_0 = arith.constant 0 : i32
    %c0_i32_1 = arith.constant 0 : i32
    return %c0_i32, %c0_i32_0 : i32, i32
  }
  func.func @transform_2(%arg0: i32) -> (i32, i32) {
    %c0_i32 = arith.constant 0 : i32
    %c0_i32_0 = arith.constant 0 : i32
    %c0_i32_1 = arith.constant 0 : i32
    return %c0_i32, %c0_i32_0 : i32, i32
  }
  func.func @transform_3(%arg0: i32) -> (i32, i32) {
    %c0_i32 = arith.constant 0 : i32
    %c0_i32_0 = arith.constant 0 : i32
    %c0_i32_1 = arith.constant 0 : i32
    return %c0_i32, %c0_i32_0 : i32, i32
  }
  func.func @transform_4(%arg0: i32) -> (i32, i32) {
    %c0_i32 = arith.constant 0 : i32
    %c0_i32_0 = arith.constant 0 : i32
    %c0_i32_1 = arith.constant 0 : i32
    return %c0_i32, %c0_i32_0 : i32, i32
  }
  func.func @transform_5(%arg0: i32) -> (i32, i32) {
    %c0_i32 = arith.constant 0 : i32
    %c0_i32_0 = arith.constant 0 : i32
    %c0_i32_1 = arith.constant 0 : i32
    return %c0_i32, %c0_i32_0 : i32, i32
  }
  func.func @transform_6(%arg0: i32) -> (i32, i32) {
    %c0_i32 = arith.constant 0 : i32
    %c0_i32_0 = arith.constant 0 : i32
    %c0_i32_1 = arith.constant 0 : i32
    return %c0_i32, %c0_i32_0 : i32, i32
  }
  func.func @transform_7(%arg0: i32) -> (i32, i32) {
    %c0_i32 = arith.constant 0 : i32
    %c0_i32_0 = arith.constant 0 : i32
    return %arg0, %c0_i32 : i32, i32
  }
}

</mosaic_0001>

<sc_bundles>
// kernel: kernel.24.cloned.1.call-start
scs
__scs_entry_jumppad:
0x0: {  	(pc) =	sbr.rel $0x88, $3  }
0x1: {  	(tag) =	ssettag $0x0;
	lr =	simm.s32 $0x1  }
0x2: {  	[smem:$0x3F95] =	sst lr;
	_ =	strace $0xD0000000  }
0x3: {  	_ = 	snop  }
0x4: {  	_ = 	snop  }
0x5: {  	_ = 	snop  }
0x6: {  	_ = 	snop  }
0x7: {  	_ = 	snop  }
__scs_overlays_trampoline_lowered:
0x8: {  	[smem:$0x3FA4] =	sst s0  }
0x9: {  	[smem:$0x3FA5] =	sst s1  }
0xa: {  	[smem:$0x3FA6] =	sst s2  }
0xb: {  	[smem:$0x3FA7] =	sst s3  }
0xc: {  	[smem:$0x3FA8] =	sst s4  }
0xd: {  	[smem:$0x3FA9] =	sst s5  }
0xe: {  	[smem:$0x3FAA] =	sst s6  }
0xf: {  	[smem:$0x3FAB] =	sst s7  }
0x10: {  	[smem:$0x3FAC] =	sst s8  }
0x11: {  	[smem:$0x3FAD] =	sst s9;
	s0 =	simm.s32 @!p0 $0x0  }
0x12: {  	s1 =	sld [smem:$0x3F93];
	s0 =	simm.s32 @p0 $0x1  }
0x13: {  	[smem:$0x3FAE] =	sst s0;
	s0 =	simm.s32 @!p1 $0x0  }
0x14: {  	s2 =	sld [smem:$0x3F92];
	s0 =	simm.s32 @p1 $0x1  }
0x15: {  	[smem:$0x3FAF] =	sst s0;
	s0 =	simm.s32 @!p2 $0x0  }
0x16: {  	s3 =	sld [smem:$0x3FDB];
	s0 =	simm.s32 @p2 $0x1  }
0x17: {  	s4 =	simm.s32 $0x1BF5;
	[smem:$0x3FB1] =	sst s0  }
0x18: {  	s0 =	sld [smem:$0x3F94];
	_ =	swait.ge [sflag:s4], $0x0  }
0x19: {  	s7 =	sld [smem:$0x3F95]  }
0x1a: {  	s8 =	sadd.s32 $0xFFFFE003, lr  }
0x1b: {  	s9 =	sadd.s32 $0xFFFFFEF7, lr;
	s5 =	simm.s32 $0xFFFFFFFF;
	p2 =	slt.u32 s8, $0xFFFFF086  }
0x1c: {  	p1 =	slt.u32 s9, $0xF7A;
	s5 =	simm.s32 @!p2 $0x0  }
0x1d: {  	s5 =	simm.s32 @p1 $0x1;
	p0 =	seq.s32 s7, s2  }
0x1e: {  	s7 =	smul.u32 @!p0 $0xF7A, s2;
	p2 =	seq.s32 @!p0 s5, $0x0  }
0x1f: {  	s9 =	smul.u32 $0xF7A, s1;
	s8 =	simm.s32 @!p0 $0x1BF5;
	p2 =	por !p2, p0  }
0x20: {  	[sflag:s8] =	ssyncset.s32 @!p0 $0xFFFFF086;
	s6 =	sadd.s32 @!p0 s3, s7;
	s7 =	simm.s32 @!p0 $0x108  }
0x21: {  	s3 =	sadd.s32 s3, s9;
	s6 =	sadd.s32 @!p0 $0x88, s6;
	s7 =	simm.s32 @p2 $0x1082  }
0x22: {  	[simem:s7], [sflag:s8] =	dma.local @!p0 [hbm:s6], $0xF7A  }
0x23: {  	s9 =	sor.u32 $0xD0000000, s2;
	s6 =	simm.s32 $0x108;
	_ =	swait.ge @!p0 [sflag:s8], $0x0  }
0x24: {  	s3 =	sadd.s32 $0x88, s3;
	s6 =	simm.s32 @!p1 $0x1082;
	[sflag:s4] =	ssyncset.s32 $0xFFFFF086  }
0x25: {  	[simem:s6], [sflag:s4] =	dma.local [hbm:s3], $0xF7A  }
0x26: {  	[smem:$0x3F95] =	sst s1;
	(tag) =	ssettag s2;
	_ =	strace s9  }
0x27: {  	s1 =	sld [smem:$0x3FA5]  }
0x28: {  	s2 =	sld [smem:$0x3FA6]  }
0x29: {  	s4 =	sld [smem:$0x3FA8]  }
0x2a: {  	p0 =	seq.s32 s5, $0x0;
	s5 =	sld [smem:$0x3FA9]  }
0x2b: {  	s6 =	sld [smem:$0x3FAA]  }
0x2c: {  	s7 =	sld [smem:$0x3FAB]  }
0x2d: {  	s3 =	simm.s32 $0x108;
	s8 =	sld [smem:$0x3FAC]  }
0x2e: {  	s3 =	simm.s32 @!p0 $0x1082;
	s9 =	sld [smem:$0x3FAD]  }
0x2f: {  	lr =	sadd.s32 s0, s3;
	s0 =	sld [smem:$0x3FA4]  }
0x30: {  	s3 =	sld [smem:$0x3FA7]  }
0x31: {  	[smem:$0x3FB0] =	sst s10  }
0x32: {  	s10 =	sld [smem:$0x3FAE];
	_ =	sdelay $0x3  }
0x33: {  	p0 =	seq.s32 s10, $0x1;
	s10 =	sld [smem:$0x3FB0];
	_ =	sdelay $0x3  }
0x34: {  	[smem:$0x3FB0] =	sst s10  }
0x35: {  	s10 =	sld [smem:$0x3FAF];
	_ =	sdelay $0x3  }
0x36: {  	p1 =	seq.s32 s10, $0x1;
	s10 =	sld [smem:$0x3FB0];
	_ =	sdelay $0x3  }
0x37: {  	[smem:$0x3FB0] =	sst s10  }
0x38: {  	s10 =	sld [smem:$0x3FB1]  }
0x39: {  	_ = 	snop;
	(pc) =	sbr.ind lr, $3  }
0x3a: {  	_ = 	snop  }
0x3b: {  	_ = 	snop  }
0x3c: {  	p2 =	seq.s32 s10, $0x1;
	s10 =	sld [smem:$0x3FB0]  }
0x3d: {  	_ =	shalt  }
0x3e: {  	_ =	shalt  }
0x3f: {  	_ =	shalt  }
0x40: {  	_ =	shalt  }
0x41: {  	_ =	shalt  }
0x42: {  	_ =	shalt  }
0x43: {  	_ =	shalt  }
0x44: {  	_ =	shalt  }
0x45: {  	_ =	shalt  }
0x46: {  	_ =	shalt  }
0x47: {  	_ =	shalt  }
0x48: {  	_ =	shalt  }
0x49: {  	_ =	shalt  }
0x4a: {  	_ =	shalt  }
0x4b: {  	_ =	shalt  }
0x4c: {  	_ =	shalt  }
0x4d: {  	_ =	shalt  }
0x4e: {  	_ =	shalt  }
0x4f: {  	_ =	shalt  }
0x50: {  	_ =	shalt  }
0x51: {  	_ =	shalt  }
0x52: {  	_ =	shalt  }
0x53: {  	_ =	shalt  }
0x54: {  	_ =	shalt  }
0x55: {  	_ =	shalt  }
0x56: {  	_ =	shalt  }
0x57: {  	_ =	shalt  }
0x58: {  	_ =	shalt  }
0x59: {  	_ =	shalt  }
0x5a: {  	_ =	shalt  }
0x5b: {  	_ =	shalt  }
0x5c: {  	_ =	shalt  }
0x5d: {  	_ =	shalt  }
0x5e: {  	_ =	shalt  }
0x5f: {  	_ =	shalt  }
0x60: {  	_ =	shalt  }
0x61: {  	_ =	shalt  }
0x62: {  	_ =	shalt  }
0x63: {  	_ =	shalt  }
0x64: {  	_ =	shalt  }
0x65: {  	_ =	shalt  }
0x66: {  	_ =	shalt  }
0x67: {  	_ =	shalt  }
0x68: {  	_ =	shalt  }
0x69: {  	_ =	shalt  }
0x6a: {  	_ =	shalt  }
0x6b: {  	_ =	shalt  }
0x6c: {  	_ =	shalt  }
0x6d: {  	_ =	shalt  }
0x6e: {  	_ =	shalt  }
0x6f: {  	_ =	shalt  }
0x70: {  	_ =	shalt  }
0x71: {  	_ =	shalt  }
0x72: {  	_ =	shalt  }
0x73: {  	_ =	shalt  }
0x74: {  	_ =	shalt  }
0x75: {  	_ =	shalt  }
0x76: {  	_ =	shalt  }
0x77: {  	_ =	shalt  }
0x78: {  	_ =	shalt  }
0x79: {  	_ =	shalt  }
0x7a: {  	_ =	shalt  }
0x7b: {  	_ =	shalt  }
0x7c: {  	_ =	shalt  }
0x7d: {  	_ =	shalt  }
0x7e: {  	_ =	shalt  }
0x7f: {  	_ =	shalt  }
0x80: {  	_ =	shalt  }
0x81: {  	_ =	shalt  }
0x82: {  	_ =	shalt  }
0x83: {  	_ =	shalt  }
0x84: {  	_ =	shalt  }
0x85: {  	_ =	shalt  }
0x86: {  	_ =	shalt  }
0x87: {  	_ =	shalt  }
.Lfunc_end0:
.L_simem_size_0:
called_computation_lowered:
.L_overlay_start_0:
0x88: {  	s2 =	sld [smem:$0x3FD9]  }
0x89: {  	s3 =	sld [smem:$0x3FFE];
	_ =	sdelay $0x1  }
0x8a: {  	s1 =	srdreg.scid  }
0x8b: {  	s0 =	sand.u32 $0x1, s1  }
0x8c: {  	s17 =	sshll.u32 s0, $0xA;
	s2 =	sadd.s32 s3, s2  }
0x8d: {  	s2 =	sadd.s32 s2, s17  }
0x8e: {  	[smem:$0x3FBC] =	sst s2  }
0x8f: {  	_ = 	snop  }
0x90: {  	s2 =	sld [smem:$0x3FD0];
	(tm) =	ssettm $0x1  }
0x91: {  	s18 =	sld [smem:$0x3FFB];
	_ =	sdelay $0x3  }
0x92: {  	_ =	strace s18  }
0x93: {  	s3 =	sld [smem:$0x3FFC];
	_ =	sdelay $0x3  }
0x94: {  	_ =	strace s3  }
0x95: {  	s3 =	sld [smem:$0x3FFD];
	_ =	sdelay $0x3  }
0x96: {  	_ =	strace s3  }
0x97: {  	_ =	strace $0x8FFFFFFF  }
0x98: {  	s19 =	sld [smem:$0x3FDB];
	_ =	sdelay $0x1  }
0x99: {  	s4 =	simm.s32 $_scs_section_size  }
0x9a: {  	s5 =	simm.s32 $_size__tile_overlayer_lowered;
	s6 =	simm.s32 $_tile_overlayer_lowered  }
0x9b: {  	s22 =	simm.s32 $0x1BFF;
	s21 =	sshll.u32 s6, $0x1;
	s3 =	sadd.s32 s4, s19  }
0x9c: {  	s7 =	simm.s32 $0x0;
	s20 =	sshll.u32 s5, $0x1;
	s5 =	sadd.s32 s21, s3  }
0x9d: {  	[timem:s7], [sflag:s22] =	dma.local [hbm:s5], s20  }
0x9e: {  	_ =	swait.ge [sflag:s22], s20  }
0x9f: {  	s4 =	ssub.s32 $0x0, s20;
	[sflag:s22] =	ssyncset.done $0x0  }
0xa0: {  	[sflag:s22] =	ssyncadd.s32 s4;
	_ =	sdelay $0x1  }
0xa1: {  	s23 =	simm.s32 $0x1B8B  }
0xa2: {  	_ =	swait.ge [sflag:s23], $0x1  }
0xa3: {  	[sflag:s23] =	ssyncset.done $0x0  }
0xa4: {  	s25 =	simm.s32 $0x1B8E;
	s24 =	sld [smem:$0x3FFE];
	[sflag:s23] =	ssyncadd.s32 $0xFFFFFFFF  }
0xa5: {  	s26 =	simm.s32 $execute0_lowered;
	[smem:$0x3FD2] =	sst s25  }
0xa6: {  	s5 =	sshll.u32 s26, $0x1;
	_ =	strace $0x80000046;
	[dreg:$0x1] =	wrdreg $0xFFFFFFFF  }
0xa7: {  	s28 =	simm.s32 $_size_execute0_lowered;
	s3 =	sadd.s32 s3, s5;
	[dreg:$0x0] =	wrdreg $0x0  }
0xa8: {  	s5 =	sshll.u32 s28, $0x1;
	[dreg:$0x2] =	wrdreg s3  }
0xa9: {  	[dreg:$0x3] =	wrdreg s5  }
0xaa: {  	[dreg:$0x4] =	wrdreg $0xC0  }
0xab: {  	_ =	task [dreg:s7], $0x5FFFF  }
0xac: {  	[dreg:$0x1] =	wrdreg $0xFFFFFFFF  }
0xad: {  	[dreg:$0x0] =	wrdreg $0x60  }
0xae: {  	[dreg:$0x2] =	wrdreg s24  }
0xaf: {  	[dreg:$0x3] =	wrdreg s2  }
0xb0: {  	[dreg:$0x4] =	wrdreg $0x9  }
0xb1: {  	_ =	task.clear_ibuf [dreg:s7], $0x5FFFF;
	_ =	strace $0x90000046  }
0xb2: {  	s29 =	simm.s32 $0x9;
	_ =	strace $0x80000048  }
0xb3: {  	_ =	swait.ge [sflag:s29], $0x1  }
0xb4: {  	[sflag:s29] =	ssyncadd.s32 $0xFFFFFFFF  }
0xb5: {  	_ =	strace $0x90000048  }
0xb6: {  	_ =	sfence  }
0xb7: {  	s30 =	sld [smem:$0x0];
	_ =	sdelay $0x2  }
0xb8: {  	s31 =	sshll.u32 s1, $0xD;
	s1 =	sshrl.u32 s1, $0x2  }
0xb9: {  	s3 =	sand.u32 $0x4000, s31;
	s1 =	sadd.s32 s1, s30  }
0xba: {  	s0 =	sor.u32 s3, s0;
	s1 =	sshll.u32 s1, $0x11  }
0xbb: {  	s0 =	sor.u32 s1, s0  }
0xbc: {  	s0 =	sadd.s32 $0x8F2B, s0  }
0xbd: {  	[sflag:s0] =	ssyncadd.remote.s32 $0x1  }
0xbe: {  	_ =	sfence.sel $0xFFFF  }
0xbf: {  	[dreg:$0x0] =	wrdreg $0xFFFFFFFF;
	(pc) =	sbr.abs _section_cstart, $3  }
0xc0: {  	[dreg:$0x1] =	wrdreg $0xFFFFFFFF  }
0xc1: {  	_ =	task.clear_ibuf [dreg:s7], $0x2FFFF;
	_ =	strace $0x9FFFFFFF  }
0xc2: {  	(tm) =	ssettm $0x7FFFFFFF  }
0xc3: {  	_ =	shalt  }
tec
execute0_lowered:
.L_overlay_start_1:
0x0: {  	(tag) =	ssettag $0x1  }
0x1: {  	s6 =	rddreg [dreg:$0x0]  }
0x2: {  	s1 =	rddreg [dreg:$0x1]  }
0x3: {  	s0 =	rddreg [dreg:$0x2];
	s2 =	simm.s32 $0x0  }
0x4: {  	s3 =	srdreg.scid;
	s9 =	simm.s32 $0x2;
	s10 =	simm.s32 $0x80  }
.Ltmp0:
0x5: {  	s11 =	simm.s32 $0x4080;
	s4 =	sand.u32 $0x1, s3;
	(pc) =	sbr.rel .LBB2_1-.Ltmp0, $4  }
0x6: {  	s12 =	simm.s32 $0x1;
	s13 =	simm.s32 $0x0;
	s7 =	ssub.s32 $0x2, s4  }
0x7: {  	[smem:$0x7FF] =	sst s2;
	s5 =	sadd.s32 $0x5E00, s6;
	s8 =	sshrl.u32 s7, $0x1  }
0x8: {  	s3 =	stileid.u32;
	s6 =	sadd.s32 $0x8C00, s6;
	s8 =	ssub.s32 s7, s8  }
0x9: {  	_ =	strace $0x80000047;
	s7 =	sshll.u32 s3, $0x1;
	s8 =	smax.u32 s8, $0x1  }
.LBB2_21:
0xa: {  	s13 =	sadd.s32 $0x1, s13  }
0xb: {  	p0 =	sne.s32 s13, s8  }
.Ltmp1:
0xc: {  	_ = 	snop;
	(pc) =	sbr.rel @!p0 .LBB2_22-.Ltmp1, $1  }
0xd: {  	_ =	sdelay $0x3  }
.LBB2_1:
.Ltmp2:
0xe: {  	(pc) =	sbr.rel .LBB2_2-.Ltmp2, $2  }
0xf: {  	_ =	sdelay $0x2  }
0x10: {  	s14 =	simm.s32 $0x0  }
.LBB2_20:
0x11: {  	s14 =	sadd.s32 $0x1, s14  }
0x12: {  	p0 =	sne.s32 s14, $0x3  }
.Ltmp3:
0x13: {  	_ = 	snop;
	(pc) =	sbr.rel @!p0 .LBB2_21-.Ltmp3, $1  }
0x14: {  	_ =	sdelay $0x3  }
.LBB2_2:
0x15: {  	s15 =	sshll.u32 s14, $0x5  }
0x16: {  	s15 =	sor.u32 s15, s7  }
0x17: {  	s15 =	sor.u32 s4, s15  }
0x18: {  	p0 =	sgt.u32 s15, $0x4E  }
.Ltmp4:
0x19: {  	_ = 	snop;
	(pc) =	sbr.rel @p0 .LBB2_20-.Ltmp4, $1  }
0x1a: {  	_ =	sdelay $0x3  }
0x1b: {  	s16 =	sshll.u32 s15, $0x4  }
0x1c: {  	s17 =	simm.s32 $0x0;
	s16 =	sadd.s32 s5, s16  }
0x1d: {  	[tilespmem:s17], [sflag:$0x2] =	stream.linear.gather [hbm4b:s16+s17], $0x80, $0x38;
	[tilespmem:$0x8080] =	vst v63  }
0x1e: {  	_ =	swait.ge [sflag:s9], $0x80  }
0x1f: {  	[sflag:s9] =	ssyncset.done $0x0  }
0x20: {  	s31 =	sshll.u32 s15, $0x7;
	[sflag:s9] =	ssyncadd.s32 $0xFFFFFF80  }
0x21: {  	[tilespmem:s11], [sflag:$0x2] =	stream.indirect.gather [hbm4b:s1+s10], $0x80, s17, s10, $0xb8;
	[tilespmem:$0x8080] =	vst v63  }
0x22: {  	s16 =	sshrl.u32 s31, $0x3;
	_ =	swait.ge [sflag:s9], $0x4000  }
0x23: {  	s16 =	sadd.s32 s5, s16;
	[sflag:s9] =	ssyncset.done $0x0  }
0x24: {  	s18 =	sadd.s32 $0x4F0, s16;
	[sflag:s9] =	ssyncadd.s32 $0xFFFFC000  }
0x25: {  	[tilespmem:s17], [sflag:$0x2] =	stream.linear.gather [hbm4b:s18+s17], $0x80, $0x38;
	[tilespmem:$0x8080] =	vst v63  }
0x26: {  	_ =	swait.ge [sflag:s9], $0x80  }
0x27: {  	[sflag:s9] =	ssyncset.done $0x0  }
0x28: {  	[sflag:s9] =	ssyncadd.s32 $0xFFFFFF80  }
0x29: {  	[tilespmem:s10], [sflag:$0x2] =	stream.indirect.gather [hbm4b:s1+s10], $0x80, s17, s10, $0xb8;
	[tilespmem:$0x8080] =	vst v63  }
0x2a: {  	_ =	swait.ge [sflag:s9], $0x4000  }
0x2b: {  	[sflag:s9] =	ssyncset.done $0x0  }
0x2c: {  	s17 =	simm.s32 $0x0;
	[sflag:s9] =	ssyncadd.s32 $0xFFFFC000  }
0x2d: {  	v7 =	vld [tilespmem:s17+$0x80]  }
0x2e: {  	v11 =	vld [tilespmem:s17+$0x90]  }
0x2f: {  	v5 =	vld [tilespmem:s17+$0xA0]  }
0x30: {  	v4 =	vld [tilespmem:s17+$0xB0]  }
0x31: {  	v3 =	vld [tilespmem:s17+$0xC0]  }
0x32: {  	v2 =	vld [tilespmem:s17+$0xD0]  }
0x33: {  	v1 =	vld [tilespmem:s17+$0xE0]  }
0x34: {  	v0 =	vld [tilespmem:s17+$0xF0]  }
0x35: {  	v12 =	vld [tilespmem:s17+$0x4080]  }
0x36: {  	v13 =	vld [tilespmem:s17+$0x4090]  }
0x37: {  	v10 =	vld [tilespmem:s17+$0x40A0]  }
0x38: {  	v9 =	vld [tilespmem:s17+$0x40B0]  }
0x39: {  	v8 =	vld [tilespmem:s17+$0x40C0]  }
0x3a: {  	v6 =	vld [tilespmem:s17+$0x40D0];
	v12 =	vadd.f32 v7, v12  }
0x3b: {  	s18 =	simm.s32 $0x200;
	v11 =	vadd.f32 v11, v13;
	v7 =	vld [tilespmem:s17+$0x40E0]  }
.LBB2_4:
0x3c: {  	s19 =	sshra.s32 s18, $0x2;
	p0 =	sne.s32 s18, $0xFE00;
	[tilespmem:s17+$0x4080] =	vst v12;
	v5 =	vadd.f32 v5, v10;
	v10 =	vld [tilespmem:s17+$0x40F0]  }
0x3d: {  	v12 =	vld [tilespmem:s19+$0x80];
	[tilespmem:s17+$0x4090] =	vst v11;
	v4 =	vadd.f32 v4, v9  }
0x3e: {  	v11 =	vld [tilespmem:s19+$0x90];
	[tilespmem:s17+$0x40A0] =	vst v5;
	v3 =	vadd.f32 v3, v8  }
0x3f: {  	v5 =	vld [tilespmem:s19+$0xA0];
	[tilespmem:s17+$0x40B0] =	vst v4;
	v2 =	vadd.f32 v2, v6  }
0x40: {  	v4 =	vld [tilespmem:s19+$0xB0];
	[tilespmem:s17+$0x40C0] =	vst v3;
	v1 =	vadd.f32 v1, v7  }
0x41: {  	v3 =	vld [tilespmem:s19+$0xC0];
	[tilespmem:s17+$0x40D0] =	vst v2;
	v0 =	vadd.f32 v0, v10  }
0x42: {  	v2 =	vld [tilespmem:s19+$0xD0];
	[tilespmem:s17+$0x40E0] =	vst v1  }
0x43: {  	v1 =	vld [tilespmem:s19+$0xE0];
	[tilespmem:s17+$0x40F0] =	vst v0;
	s17 =	smov.u32 s19  }
0x44: {  	v0 =	vld [tilespmem:s17+$0xF0]  }
0x45: {  	v6 =	vld [tilespmem:s17+$0x4080]  }
0x46: {  	v7 =	vld [tilespmem:s17+$0x4090]  }
.Ltmp5:
0x47: {  	v10 =	vld [tilespmem:s17+$0x40A0];
	(pc) =	sbr.rel @p0 .LBB2_4-.Ltmp5, $4  }
0x48: {  	v9 =	vld [tilespmem:s17+$0x40B0]  }
0x49: {  	v8 =	vld [tilespmem:s17+$0x40C0]  }
0x4a: {  	v12 =	vadd.f32 v12, v6;
	v6 =	vld [tilespmem:s17+$0x40D0]  }
0x4b: {  	s18 =	sadd.s32 $0x200, s18;
	v11 =	vadd.f32 v11, v7;
	v7 =	vld [tilespmem:s17+$0x40E0]  }
0x4c: {  	[tilespmem:s17+$0x4080] =	vst v12;
	v5 =	vadd.f32 v5, v10;
	v10 =	vld [tilespmem:s17+$0x40F0]  }
0x4d: {  	[tilespmem:s17+$0x4090] =	vst v11;
	v4 =	vadd.f32 v4, v9  }
0x4e: {  	[tilespmem:s17+$0x40A0] =	vst v5;
	v3 =	vadd.f32 v3, v8  }
0x4f: {  	[tilespmem:s17+$0x40B0] =	vst v4;
	v2 =	vadd.f32 v2, v6  }
0x50: {  	[tilespmem:s17+$0x40C0] =	vst v3;
	v1 =	vadd.f32 v1, v7  }
0x51: {  	[tilespmem:s17+$0x40D0] =	vst v2;
	v0 =	vadd.f32 v0, v10  }
0x52: {  	[tilespmem:s17+$0x40E0] =	vst v1  }
0x53: {  	s31 =	sadd.s32 $0x9E0, s16;
	s18 =	simm.s32 $0x0;
	[tilespmem:s17+$0x40F0] =	vst v0  }
0x54: {  	[tilespmem:s18], [sflag:$0x2] =	stream.linear.gather [hbm4b:s31+s18], $0x80, $0x38;
	[tilespmem:$0x8080] =	vst v63  }
0x55: {  	_ =	swait.ge [sflag:s9], $0x80  }
0x56: {  	[sflag:s9] =	ssyncset.done $0x0  }
0x57: {  	[sflag:s9] =	ssyncadd.s32 $0xFFFFFF80  }
0x58: {  	[tilespmem:s10], [sflag:$0x2] =	stream.indirect.gather [hbm4b:s1+s10], $0x80, s18, s10, $0xb8;
	[tilespmem:$0x8080] =	vst v63  }
0x59: {  	_ =	swait.ge [sflag:s9], $0x4000  }
0x5a: {  	[sflag:s9] =	ssyncset.done $0x0  }
0x5b: {  	s17 =	simm.s32 $0x0;
	[sflag:s9] =	ssyncadd.s32 $0xFFFFC000  }
0x5c: {  	v7 =	vld [tilespmem:s17+$0x80]  }
0x5d: {  	v11 =	vld [tilespmem:s17+$0x90]  }
0x5e: {  	v5 =	vld [tilespmem:s17+$0xA0]  }
0x5f: {  	v4 =	vld [tilespmem:s17+$0xB0]  }
0x60: {  	v3 =	vld [tilespmem:s17+$0xC0]  }
0x61: {  	v2 =	vld [tilespmem:s17+$0xD0]  }
0x62: {  	v1 =	vld [tilespmem:s17+$0xE0]  }
0x63: {  	v0 =	vld [tilespmem:s17+$0xF0]  }
0x64: {  	v12 =	vld [tilespmem:s17+$0x4080]  }
0x65: {  	v13 =	vld [tilespmem:s17+$0x4090]  }
0x66: {  	v10 =	vld [tilespmem:s17+$0x40A0]  }
0x67: {  	v9 =	vld [tilespmem:s17+$0x40B0]  }
0x68: {  	v8 =	vld [tilespmem:s17+$0x40C0]  }
0x69: {  	v6 =	vld [tilespmem:s17+$0x40D0];
	v12 =	vadd.f32 v7, v12  }
0x6a: {  	s18 =	simm.s32 $0x200;
	v11 =	vadd.f32 v11, v13;
	v7 =	vld [tilespmem:s17+$0x40E0]  }
.LBB2_6:
0x6b: {  	s19 =	sshra.s32 s18, $0x2;
	p0 =	sne.s32 s18, $0xFE00;
	[tilespmem:s17+$0x4080] =	vst v12;
	v5 =	vadd.f32 v5, v10;
	v10 =	vld [tilespmem:s17+$0x40F0]  }
0x6c: {  	v12 =	vld [tilespmem:s19+$0x80];
	[tilespmem:s17+$0x4090] =	vst v11;
	v4 =	vadd.f32 v4, v9  }
0x6d: {  	v11 =	vld [tilespmem:s19+$0x90];
	[tilespmem:s17+$0x40A0] =	vst v5;
	v3 =	vadd.f32 v3, v8  }
0x6e: {  	v5 =	vld [tilespmem:s19+$0xA0];
	[tilespmem:s17+$0x40B0] =	vst v4;
	v2 =	vadd.f32 v2, v6  }
0x6f: {  	v4 =	vld [tilespmem:s19+$0xB0];
	[tilespmem:s17+$0x40C0] =	vst v3;
	v1 =	vadd.f32 v1, v7  }
0x70: {  	v3 =	vld [tilespmem:s19+$0xC0];
	[tilespmem:s17+$0x40D0] =	vst v2;
	v0 =	vadd.f32 v0, v10  }
0x71: {  	v2 =	vld [tilespmem:s19+$0xD0];
	[tilespmem:s17+$0x40E0] =	vst v1  }
0x72: {  	v1 =	vld [tilespmem:s19+$0xE0];
	[tilespmem:s17+$0x40F0] =	vst v0;
	s17 =	smov.u32 s19  }
0x73: {  	v0 =	vld [tilespmem:s17+$0xF0]  }
0x74: {  	v6 =	vld [tilespmem:s17+$0x4080]  }
0x75: {  	v7 =	vld [tilespmem:s17+$0x4090]  }
.Ltmp6:
0x76: {  	v10 =	vld [tilespmem:s17+$0x40A0];
	(pc) =	sbr.rel @p0 .LBB2_6-.Ltmp6, $4  }
0x77: {  	v9 =	vld [tilespmem:s17+$0x40B0]  }
0x78: {  	v8 =	vld [tilespmem:s17+$0x40C0]  }
0x79: {  	v12 =	vadd.f32 v12, v6;
	v6 =	vld [tilespmem:s17+$0x40D0]  }
0x7a: {  	s18 =	sadd.s32 $0x200, s18;
	v11 =	vadd.f32 v11, v7;
	v7 =	vld [tilespmem:s17+$0x40E0]  }
0x7b: {  	[tilespmem:s17+$0x4080] =	vst v12;
	v5 =	vadd.f32 v5, v10;
	v10 =	vld [tilespmem:s17+$0x40F0]  }
0x7c: {  	[tilespmem:s17+$0x4090] =	vst v11;
	v4 =	vadd.f32 v4, v9  }
0x7d: {  	[tilespmem:s17+$0x40A0] =	vst v5;
	v3 =	vadd.f32 v3, v8  }
0x7e: {  	[tilespmem:s17+$0x40B0] =	vst v4;
	v2 =	vadd.f32 v2, v6  }
0x7f: {  	[tilespmem:s17+$0x40C0] =	vst v3;
	v1 =	vadd.f32 v1, v7  }
0x80: {  	[tilespmem:s17+$0x40D0] =	vst v2;
	v0 =	vadd.f32 v0, v10  }
0x81: {  	[tilespmem:s17+$0x40E0] =	vst v1  }
0x82: {  	s31 =	sadd.s32 $0xED0, s16;
	s18 =	simm.s32 $0x0;
	[tilespmem:s17+$0x40F0] =	vst v0  }
0x83: {  	[tilespmem:s18], [sflag:$0x2] =	stream.linear.gather [hbm4b:s31+s18], $0x80, $0x38;
	[tilespmem:$0x8080] =	vst v63  }
0x84: {  	_ =	swait.ge [sflag:s9], $0x80  }
0x85: {  	[sflag:s9] =	ssyncset.done $0x0  }
0x86: {  	[sflag:s9] =	ssyncadd.s32 $0xFFFFFF80  }
0x87: {  	[tilespmem:s10], [sflag:$0x2] =	stream.indirect.gather [hbm4b:s1+s10], $0x80, s18, s10, $0xb8;
	[tilespmem:$0x8080] =	vst v63  }
0x88: {  	_ =	swait.ge [sflag:s9], $0x4000  }
0x89: {  	[sflag:s9] =	ssyncset.done $0x0  }
0x8a: {  	s17 =	simm.s32 $0x0;
	[sflag:s9] =	ssyncadd.s32 $0xFFFFC000  }
0x8b: {  	v7 =	vld [tilespmem:s17+$0x80]  }
0x8c: {  	v11 =	vld [tilespmem:s17+$0x90]  }
0x8d: {  	v5 =	vld [tilespmem:s17+$0xA0]  }
0x8e: {  	v4 =	vld [tilespmem:s17+$0xB0]  }
0x8f: {  	v3 =	vld [tilespmem:s17+$0xC0]  }
0x90: {  	v2 =	vld [tilespmem:s17+$0xD0]  }
0x91: {  	v1 =	vld [tilespmem:s17+$0xE0]  }
0x92: {  	v0 =	vld [tilespmem:s17+$0xF0]  }
0x93: {  	v12 =	vld [tilespmem:s17+$0x4080]  }
0x94: {  	v13 =	vld [tilespmem:s17+$0x4090]  }
0x95: {  	v10 =	vld [tilespmem:s17+$0x40A0]  }
0x96: {  	v9 =	vld [tilespmem:s17+$0x40B0]  }
0x97: {  	v8 =	vld [tilespmem:s17+$0x40C0]  }
0x98: {  	v6 =	vld [tilespmem:s17+$0x40D0];
	v12 =	vadd.f32 v7, v12  }
0x99: {  	s18 =	simm.s32 $0x200;
	v11 =	vadd.f32 v11, v13;
	v7 =	vld [tilespmem:s17+$0x40E0]  }
.LBB2_8:
0x9a: {  	s19 =	sshra.s32 s18, $0x2;
	p0 =	sne.s32 s18, $0xFE00;
	[tilespmem:s17+$0x4080] =	vst v12;
	v5 =	vadd.f32 v5, v10;
	v10 =	vld [tilespmem:s17+$0x40F0]  }
0x9b: {  	v12 =	vld [tilespmem:s19+$0x80];
	[tilespmem:s17+$0x4090] =	vst v11;
	v4 =	vadd.f32 v4, v9  }
0x9c: {  	v11 =	vld [tilespmem:s19+$0x90];
	[tilespmem:s17+$0x40A0] =	vst v5;
	v3 =	vadd.f32 v3, v8  }
0x9d: {  	v5 =	vld [tilespmem:s19+$0xA0];
	[tilespmem:s17+$0x40B0] =	vst v4;
	v2 =	vadd.f32 v2, v6  }
0x9e: {  	v4 =	vld [tilespmem:s19+$0xB0];
	[tilespmem:s17+$0x40C0] =	vst v3;
	v1 =	vadd.f32 v1, v7  }
0x9f: {  	v3 =	vld [tilespmem:s19+$0xC0];
	[tilespmem:s17+$0x40D0] =	vst v2;
	v0 =	vadd.f32 v0, v10  }
0xa0: {  	v2 =	vld [tilespmem:s19+$0xD0];
	[tilespmem:s17+$0x40E0] =	vst v1  }
0xa1: {  	v1 =	vld [tilespmem:s19+$0xE0];
	[tilespmem:s17+$0x40F0] =	vst v0;
	s17 =	smov.u32 s19  }
0xa2: {  	v0 =	vld [tilespmem:s17+$0xF0]  }
0xa3: {  	v6 =	vld [tilespmem:s17+$0x4080]  }
0xa4: {  	v7 =	vld [tilespmem:s17+$0x4090]  }
.Ltmp7:
0xa5: {  	v10 =	vld [tilespmem:s17+$0x40A0];
	(pc) =	sbr.rel @p0 .LBB2_8-.Ltmp7, $4  }
0xa6: {  	v9 =	vld [tilespmem:s17+$0x40B0]  }
0xa7: {  	v8 =	vld [tilespmem:s17+$0x40C0]  }
0xa8: {  	v12 =	vadd.f32 v12, v6;
	v6 =	vld [tilespmem:s17+$0x40D0]  }
0xa9: {  	s18 =	sadd.s32 $0x200, s18;
	v11 =	vadd.f32 v11, v7;
	v7 =	vld [tilespmem:s17+$0x40E0]  }
0xaa: {  	[tilespmem:s17+$0x4080] =	vst v12;
	v5 =	vadd.f32 v5, v10;
	v10 =	vld [tilespmem:s17+$0x40F0]  }
0xab: {  	[tilespmem:s17+$0x4090] =	vst v11;
	v4 =	vadd.f32 v4, v9  }
0xac: {  	[tilespmem:s17+$0x40A0] =	vst v5;
	v3 =	vadd.f32 v3, v8  }
0xad: {  	[tilespmem:s17+$0x40B0] =	vst v4;
	v2 =	vadd.f32 v2, v6  }
0xae: {  	[tilespmem:s17+$0x40C0] =	vst v3;
	v1 =	vadd.f32 v1, v7  }
0xaf: {  	[tilespmem:s17+$0x40D0] =	vst v2;
	v0 =	vadd.f32 v0, v10  }
0xb0: {  	[tilespmem:s17+$0x40E0] =	vst v1  }
0xb1: {  	s31 =	sadd.s32 $0x13C0, s16;
	s18 =	simm.s32 $0x0;
	[tilespmem:s17+$0x40F0] =	vst v0  }
0xb2: {  	[tilespmem:s18], [sflag:$0x2] =	stream.linear.gather [hbm4b:s31+s18], $0x80, $0x38;
	[tilespmem:$0x8080] =	vst v63  }
0xb3: {  	_ =	swait.ge [sflag:s9], $0x80  }
0xb4: {  	[sflag:s9] =	ssyncset.done $0x0  }
0xb5: {  	[sflag:s9] =	ssyncadd.s32 $0xFFFFFF80  }
0xb6: {  	[tilespmem:s10], [sflag:$0x2] =	stream.indirect.gather [hbm4b:s1+s10], $0x80, s18, s10, $0xb8;
	[tilespmem:$0x8080] =	vst v63  }
0xb7: {  	_ =	swait.ge [sflag:s9], $0x4000  }
0xb8: {  	[sflag:s9] =	ssyncset.done $0x0  }
0xb9: {  	s17 =	simm.s32 $0x0;
	[sflag:s9] =	ssyncadd.s32 $0xFFFFC000  }
0xba: {  	v7 =	vld [tilespmem:s17+$0x80]  }
0xbb: {  	v11 =	vld [tilespmem:s17+$0x90]  }
0xbc: {  	v5 =	vld [tilespmem:s17+$0xA0]  }
0xbd: {  	v4 =	vld [tilespmem:s17+$0xB0]  }
0xbe: {  	v3 =	vld [tilespmem:s17+$0xC0]  }
0xbf: {  	v2 =	vld [tilespmem:s17+$0xD0]  }
0xc0: {  	v1 =	vld [tilespmem:s17+$0xE0]  }
0xc1: {  	v0 =	vld [tilespmem:s17+$0xF0]  }
0xc2: {  	v12 =	vld [tilespmem:s17+$0x4080]  }
0xc3: {  	v13 =	vld [tilespmem:s17+$0x4090]  }
0xc4: {  	v10 =	vld [tilespmem:s17+$0x40A0]  }
0xc5: {  	v9 =	vld [tilespmem:s17+$0x40B0]  }
0xc6: {  	v8 =	vld [tilespmem:s17+$0x40C0]  }
0xc7: {  	v6 =	vld [tilespmem:s17+$0x40D0];
	v12 =	vadd.f32 v7, v12  }
0xc8: {  	s18 =	simm.s32 $0x200;
	v11 =	vadd.f32 v11, v13;
	v7 =	vld [tilespmem:s17+$0x40E0]  }
.LBB2_10:
0xc9: {  	s19 =	sshra.s32 s18, $0x2;
	p0 =	sne.s32 s18, $0xFE00;
	[tilespmem:s17+$0x4080] =	vst v12;
	v5 =	vadd.f32 v5, v10;
	v10 =	vld [tilespmem:s17+$0x40F0]  }
0xca: {  	v12 =	vld [tilespmem:s19+$0x80];
	[tilespmem:s17+$0x4090] =	vst v11;
	v4 =	vadd.f32 v4, v9  }
0xcb: {  	v11 =	vld [tilespmem:s19+$0x90];
	[tilespmem:s17+$0x40A0] =	vst v5;
	v3 =	vadd.f32 v3, v8  }
0xcc: {  	v5 =	vld [tilespmem:s19+$0xA0];
	[tilespmem:s17+$0x40B0] =	vst v4;
	v2 =	vadd.f32 v2, v6  }
0xcd: {  	v4 =	vld [tilespmem:s19+$0xB0];
	[tilespmem:s17+$0x40C0] =	vst v3;
	v1 =	vadd.f32 v1, v7  }
0xce: {  	v3 =	vld [tilespmem:s19+$0xC0];
	[tilespmem:s17+$0x40D0] =	vst v2;
	v0 =	vadd.f32 v0, v10  }
0xcf: {  	v2 =	vld [tilespmem:s19+$0xD0];
	[tilespmem:s17+$0x40E0] =	vst v1  }
0xd0: {  	v1 =	vld [tilespmem:s19+$0xE0];
	[tilespmem:s17+$0x40F0] =	vst v0;
	s17 =	smov.u32 s19  }
0xd1: {  	v0 =	vld [tilespmem:s17+$0xF0]  }
0xd2: {  	v6 =	vld [tilespmem:s17+$0x4080]  }
0xd3: {  	v7 =	vld [tilespmem:s17+$0x4090]  }
.Ltmp8:
0xd4: {  	v10 =	vld [tilespmem:s17+$0x40A0];
	(pc) =	sbr.rel @p0 .LBB2_10-.Ltmp8, $4  }
0xd5: {  	v9 =	vld [tilespmem:s17+$0x40B0]  }
0xd6: {  	v8 =	vld [tilespmem:s17+$0x40C0]  }
0xd7: {  	v12 =	vadd.f32 v12, v6;
	v6 =	vld [tilespmem:s17+$0x40D0]  }
0xd8: {  	s18 =	sadd.s32 $0x200, s18;
	v11 =	vadd.f32 v11, v7;
	v7 =	vld [tilespmem:s17+$0x40E0]  }
0xd9: {  	[tilespmem:s17+$0x4080] =	vst v12;
	v5 =	vadd.f32 v5, v10;
	v10 =	vld [tilespmem:s17+$0x40F0]  }
0xda: {  	[tilespmem:s17+$0x4090] =	vst v11;
	v4 =	vadd.f32 v4, v9  }
0xdb: {  	[tilespmem:s17+$0x40A0] =	vst v5;
	v3 =	vadd.f32 v3, v8  }
0xdc: {  	[tilespmem:s17+$0x40B0] =	vst v4;
	v2 =	vadd.f32 v2, v6  }
0xdd: {  	[tilespmem:s17+$0x40C0] =	vst v3;
	v1 =	vadd.f32 v1, v7  }
0xde: {  	[tilespmem:s17+$0x40D0] =	vst v2;
	v0 =	vadd.f32 v0, v10  }
0xdf: {  	[tilespmem:s17+$0x40E0] =	vst v1  }
0xe0: {  	s31 =	sadd.s32 $0x18B0, s16;
	s18 =	simm.s32 $0x0;
	[tilespmem:s17+$0x40F0] =	vst v0  }
0xe1: {  	[tilespmem:s18], [sflag:$0x2] =	stream.linear.gather [hbm4b:s31+s18], $0x80, $0x38;
	[tilespmem:$0x8080] =	vst v63  }
0xe2: {  	_ =	swait.ge [sflag:s9], $0x80  }
0xe3: {  	[sflag:s9] =	ssyncset.done $0x0  }
0xe4: {  	[sflag:s9] =	ssyncadd.s32 $0xFFFFFF80  }
0xe5: {  	[tilespmem:s10], [sflag:$0x2] =	stream.indirect.gather [hbm4b:s1+s10], $0x80, s18, s10, $0xb8;
	[tilespmem:$0x8080] =	vst v63  }
0xe6: {  	_ =	swait.ge [sflag:s9], $0x4000  }
0xe7: {  	[sflag:s9] =	ssyncset.done $0x0  }
0xe8: {  	s17 =	simm.s32 $0x0;
	[sflag:s9] =	ssyncadd.s32 $0xFFFFC000  }
0xe9: {  	v7 =	vld [tilespmem:s17+$0x80]  }
0xea: {  	v11 =	vld [tilespmem:s17+$0x90]  }
0xeb: {  	v5 =	vld [tilespmem:s17+$0xA0]  }
0xec: {  	v4 =	vld [tilespmem:s17+$0xB0]  }
0xed: {  	v3 =	vld [tilespmem:s17+$0xC0]  }
0xee: {  	v2 =	vld [tilespmem:s17+$0xD0]  }
0xef: {  	v1 =	vld [tilespmem:s17+$0xE0]  }
0xf0: {  	v0 =	vld [tilespmem:s17+$0xF0]  }
0xf1: {  	v12 =	vld [tilespmem:s17+$0x4080]  }
0xf2: {  	v13 =	vld [tilespmem:s17+$0x4090]  }
0xf3: {  	v10 =	vld [tilespmem:s17+$0x40A0]  }
0xf4: {  	v9 =	vld [tilespmem:s17+$0x40B0]  }
0xf5: {  	v8 =	vld [tilespmem:s17+$0x40C0]  }
0xf6: {  	v6 =	vld [tilespmem:s17+$0x40D0];
	v12 =	vadd.f32 v7, v12  }
0xf7: {  	s18 =	simm.s32 $0x200;
	v11 =	vadd.f32 v11, v13;
	v7 =	vld [tilespmem:s17+$0x40E0]  }
.LBB2_12:
0xf8: {  	s19 =	sshra.s32 s18, $0x2;
	p0 =	sne.s32 s18, $0xFE00;
	[tilespmem:s17+$0x4080] =	vst v12;
	v5 =	vadd.f32 v5, v10;
	v10 =	vld [tilespmem:s17+$0x40F0]  }
0xf9: {  	v12 =	vld [tilespmem:s19+$0x80];
	[tilespmem:s17+$0x4090] =	vst v11;
	v4 =	vadd.f32 v4, v9  }
0xfa: {  	v11 =	vld [tilespmem:s19+$0x90];
	[tilespmem:s17+$0x40A0] =	vst v5;
	v3 =	vadd.f32 v3, v8  }
0xfb: {  	v5 =	vld [tilespmem:s19+$0xA0];
	[tilespmem:s17+$0x40B0] =	vst v4;
	v2 =	vadd.f32 v2, v6  }
0xfc: {  	v4 =	vld [tilespmem:s19+$0xB0];
	[tilespmem:s17+$0x40C0] =	vst v3;
	v1 =	vadd.f32 v1, v7  }
0xfd: {  	v3 =	vld [tilespmem:s19+$0xC0];
	[tilespmem:s17+$0x40D0] =	vst v2;
	v0 =	vadd.f32 v0, v10  }
0xfe: {  	v2 =	vld [tilespmem:s19+$0xD0];
	[tilespmem:s17+$0x40E0] =	vst v1  }
0xff: {  	v1 =	vld [tilespmem:s19+$0xE0];
	[tilespmem:s17+$0x40F0] =	vst v0;
	s17 =	smov.u32 s19  }
0x100: {  	v0 =	vld [tilespmem:s17+$0xF0]  }
0x101: {  	v6 =	vld [tilespmem:s17+$0x4080]  }
0x102: {  	v7 =	vld [tilespmem:s17+$0x4090]  }
.Ltmp9:
0x103: {  	v10 =	vld [tilespmem:s17+$0x40A0];
	(pc) =	sbr.rel @p0 .LBB2_12-.Ltmp9, $4  }
0x104: {  	v9 =	vld [tilespmem:s17+$0x40B0]  }
0x105: {  	v8 =	vld [tilespmem:s17+$0x40C0]  }
0x106: {  	v12 =	vadd.f32 v12, v6;
	v6 =	vld [tilespmem:s17+$0x40D0]  }
0x107: {  	s18 =	sadd.s32 $0x200, s18;
	v11 =	vadd.f32 v11, v7;
	v7 =	vld [tilespmem:s17+$0x40E0]  }
0x108: {  	[tilespmem:s17+$0x4080] =	vst v12;
	v5 =	vadd.f32 v5, v10;
	v10 =	vld [tilespmem:s17+$0x40F0]  }
0x109: {  	[tilespmem:s17+$0x4090] =	vst v11;
	v4 =	vadd.f32 v4, v9  }
0x10a: {  	[tilespmem:s17+$0x40A0] =	vst v5;
	v3 =	vadd.f32 v3, v8  }
0x10b: {  	[tilespmem:s17+$0x40B0] =	vst v4;
	v2 =	vadd.f32 v2, v6  }
0x10c: {  	[tilespmem:s17+$0x40C0] =	vst v3;
	v1 =	vadd.f32 v1, v7  }
0x10d: {  	[tilespmem:s17+$0x40D0] =	vst v2;
	v0 =	vadd.f32 v0, v10  }
0x10e: {  	[tilespmem:s17+$0x40E0] =	vst v1  }
0x10f: {  	s31 =	sadd.s32 $0x1DA0, s16;
	s18 =	simm.s32 $0x0;
	[tilespmem:s17+$0x40F0] =	vst v0  }
0x110: {  	[tilespmem:s18], [sflag:$0x2] =	stream.linear.gather [hbm4b:s31+s18], $0x80, $0x38;
	[tilespmem:$0x8080] =	vst v63  }
0x111: {  	_ =	swait.ge [sflag:s9], $0x80  }
0x112: {  	[sflag:s9] =	ssyncset.done $0x0  }
0x113: {  	[sflag:s9] =	ssyncadd.s32 $0xFFFFFF80  }
0x114: {  	[tilespmem:s10], [sflag:$0x2] =	stream.indirect.gather [hbm4b:s1+s10], $0x80, s18, s10, $0xb8;
	[tilespmem:$0x8080] =	vst v63  }
0x115: {  	_ =	swait.ge [sflag:s9], $0x4000  }
0x116: {  	[sflag:s9] =	ssyncset.done $0x0  }
0x117: {  	s17 =	simm.s32 $0x0;
	[sflag:s9] =	ssyncadd.s32 $0xFFFFC000  }
0x118: {  	v7 =	vld [tilespmem:s17+$0x80]  }
0x119: {  	v11 =	vld [tilespmem:s17+$0x90]  }
0x11a: {  	v5 =	vld [tilespmem:s17+$0xA0]  }
0x11b: {  	v4 =	vld [tilespmem:s17+$0xB0]  }
0x11c: {  	v3 =	vld [tilespmem:s17+$0xC0]  }
0x11d: {  	v2 =	vld [tilespmem:s17+$0xD0]  }
0x11e: {  	v1 =	vld [tilespmem:s17+$0xE0]  }
0x11f: {  	v0 =	vld [tilespmem:s17+$0xF0]  }
0x120: {  	v12 =	vld [tilespmem:s17+$0x4080]  }
0x121: {  	v13 =	vld [tilespmem:s17+$0x4090]  }
0x122: {  	v10 =	vld [tilespmem:s17+$0x40A0]  }
0x123: {  	v9 =	vld [tilespmem:s17+$0x40B0]  }
0x124: {  	v8 =	vld [tilespmem:s17+$0x40C0]  }
0x125: {  	v6 =	vld [tilespmem:s17+$0x40D0];
	v12 =	vadd.f32 v7, v12  }
0x126: {  	s18 =	simm.s32 $0x200;
	v11 =	vadd.f32 v11, v13;
	v7 =	vld [tilespmem:s17+$0x40E0]  }
.LBB2_14:
0x127: {  	s19 =	sshra.s32 s18, $0x2;
	p0 =	sne.s32 s18, $0xFE00;
	[tilespmem:s17+$0x4080] =	vst v12;
	v5 =	vadd.f32 v5, v10;
	v10 =	vld [tilespmem:s17+$0x40F0]  }
0x128: {  	v12 =	vld [tilespmem:s19+$0x80];
	[tilespmem:s17+$0x4090] =	vst v11;
	v4 =	vadd.f32 v4, v9  }
0x129: {  	v11 =	vld [tilespmem:s19+$0x90];
	[tilespmem:s17+$0x40A0] =	vst v5;
	v3 =	vadd.f32 v3, v8  }
0x12a: {  	v5 =	vld [tilespmem:s19+$0xA0];
	[tilespmem:s17+$0x40B0] =	vst v4;
	v2 =	vadd.f32 v2, v6  }
0x12b: {  	v4 =	vld [tilespmem:s19+$0xB0];
	[tilespmem:s17+$0x40C0] =	vst v3;
	v1 =	vadd.f32 v1, v7  }
0x12c: {  	v3 =	vld [tilespmem:s19+$0xC0];
	[tilespmem:s17+$0x40D0] =	vst v2;
	v0 =	vadd.f32 v0, v10  }
0x12d: {  	v2 =	vld [tilespmem:s19+$0xD0];
	[tilespmem:s17+$0x40E0] =	vst v1  }
0x12e: {  	v1 =	vld [tilespmem:s19+$0xE0];
	[tilespmem:s17+$0x40F0] =	vst v0;
	s17 =	smov.u32 s19  }
0x12f: {  	v0 =	vld [tilespmem:s17+$0xF0]  }
0x130: {  	v6 =	vld [tilespmem:s17+$0x4080]  }
0x131: {  	v7 =	vld [tilespmem:s17+$0x4090]  }
.Ltmp10:
0x132: {  	v10 =	vld [tilespmem:s17+$0x40A0];
	(pc) =	sbr.rel @p0 .LBB2_14-.Ltmp10, $4  }
0x133: {  	v9 =	vld [tilespmem:s17+$0x40B0]  }
0x134: {  	v8 =	vld [tilespmem:s17+$0x40C0]  }
0x135: {  	v12 =	vadd.f32 v12, v6;
	v6 =	vld [tilespmem:s17+$0x40D0]  }
0x136: {  	s18 =	sadd.s32 $0x200, s18;
	v11 =	vadd.f32 v11, v7;
	v7 =	vld [tilespmem:s17+$0x40E0]  }
0x137: {  	[tilespmem:s17+$0x4080] =	vst v12;
	v5 =	vadd.f32 v5, v10;
	v10 =	vld [tilespmem:s17+$0x40F0]  }
0x138: {  	[tilespmem:s17+$0x4090] =	vst v11;
	v4 =	vadd.f32 v4, v9  }
0x139: {  	[tilespmem:s17+$0x40A0] =	vst v5;
	v3 =	vadd.f32 v3, v8  }
0x13a: {  	[tilespmem:s17+$0x40B0] =	vst v4;
	v2 =	vadd.f32 v2, v6  }
0x13b: {  	[tilespmem:s17+$0x40C0] =	vst v3;
	v1 =	vadd.f32 v1, v7  }
0x13c: {  	[tilespmem:s17+$0x40D0] =	vst v2;
	v0 =	vadd.f32 v0, v10  }
0x13d: {  	[tilespmem:s17+$0x40E0] =	vst v1  }
0x13e: {  	s31 =	sadd.s32 $0x2290, s16;
	s18 =	simm.s32 $0x0;
	[tilespmem:s17+$0x40F0] =	vst v0  }
0x13f: {  	[tilespmem:s18], [sflag:$0x2] =	stream.linear.gather [hbm4b:s31+s18], $0x80, $0x38;
	[tilespmem:$0x8080] =	vst v63  }
0x140: {  	_ =	swait.ge [sflag:s9], $0x80  }
0x141: {  	[sflag:s9] =	ssyncset.done $0x0  }
0x142: {  	[sflag:s9] =	ssyncadd.s32 $0xFFFFFF80  }
0x143: {  	[tilespmem:s10], [sflag:$0x2] =	stream.indirect.gather [hbm4b:s1+s10], $0x80, s18, s10, $0xb8;
	[tilespmem:$0x8080] =	vst v63  }
0x144: {  	_ =	swait.ge [sflag:s9], $0x4000  }
0x145: {  	[sflag:s9] =	ssyncset.done $0x0  }
0x146: {  	s17 =	simm.s32 $0x0;
	[sflag:s9] =	ssyncadd.s32 $0xFFFFC000  }
0x147: {  	v7 =	vld [tilespmem:s17+$0x80]  }
0x148: {  	v11 =	vld [tilespmem:s17+$0x90]  }
0x149: {  	v5 =	vld [tilespmem:s17+$0xA0]  }
0x14a: {  	v4 =	vld [tilespmem:s17+$0xB0]  }
0x14b: {  	v3 =	vld [tilespmem:s17+$0xC0]  }
0x14c: {  	v2 =	vld [tilespmem:s17+$0xD0]  }
0x14d: {  	v1 =	vld [tilespmem:s17+$0xE0]  }
0x14e: {  	v0 =	vld [tilespmem:s17+$0xF0]  }
0x14f: {  	v12 =	vld [tilespmem:s17+$0x4080]  }
0x150: {  	v13 =	vld [tilespmem:s17+$0x4090]  }
0x151: {  	v10 =	vld [tilespmem:s17+$0x40A0]  }
0x152: {  	v9 =	vld [tilespmem:s17+$0x40B0]  }
0x153: {  	v8 =	vld [tilespmem:s17+$0x40C0]  }
0x154: {  	v6 =	vld [tilespmem:s17+$0x40D0];
	v12 =	vadd.f32 v7, v12  }
0x155: {  	s18 =	simm.s32 $0x200;
	v11 =	vadd.f32 v11, v13;
	v7 =	vld [tilespmem:s17+$0x40E0]  }
.LBB2_16:
0x156: {  	s19 =	sshra.s32 s18, $0x2;
	p0 =	sne.s32 s18, $0xFE00;
	[tilespmem:s17+$0x4080] =	vst v12;
	v5 =	vadd.f32 v5, v10;
	v10 =	vld [tilespmem:s17+$0x40F0]  }
0x157: {  	v12 =	vld [tilespmem:s19+$0x80];
	[tilespmem:s17+$0x4090] =	vst v11;
	v4 =	vadd.f32 v4, v9  }
0x158: {  	v11 =	vld [tilespmem:s19+$0x90];
	[tilespmem:s17+$0x40A0] =	vst v5;
	v3 =	vadd.f32 v3, v8  }
0x159: {  	v5 =	vld [tilespmem:s19+$0xA0];
	[tilespmem:s17+$0x40B0] =	vst v4;
	v2 =	vadd.f32 v2, v6  }
0x15a: {  	v4 =	vld [tilespmem:s19+$0xB0];
	[tilespmem:s17+$0x40C0] =	vst v3;
	v1 =	vadd.f32 v1, v7  }
0x15b: {  	v3 =	vld [tilespmem:s19+$0xC0];
	[tilespmem:s17+$0x40D0] =	vst v2;
	v0 =	vadd.f32 v0, v10  }
0x15c: {  	v2 =	vld [tilespmem:s19+$0xD0];
	[tilespmem:s17+$0x40E0] =	vst v1  }
0x15d: {  	v1 =	vld [tilespmem:s19+$0xE0];
	[tilespmem:s17+$0x40F0] =	vst v0;
	s17 =	smov.u32 s19  }
0x15e: {  	v0 =	vld [tilespmem:s17+$0xF0]  }
0x15f: {  	v6 =	vld [tilespmem:s17+$0x4080]  }
0x160: {  	v7 =	vld [tilespmem:s17+$0x4090]  }
.Ltmp11:
0x161: {  	v10 =	vld [tilespmem:s17+$0x40A0];
	(pc) =	sbr.rel @p0 .LBB2_16-.Ltmp11, $4  }
0x162: {  	v9 =	vld [tilespmem:s17+$0x40B0]  }
0x163: {  	v8 =	vld [tilespmem:s17+$0x40C0]  }
0x164: {  	v12 =	vadd.f32 v12, v6;
	v6 =	vld [tilespmem:s17+$0x40D0]  }
0x165: {  	s18 =	sadd.s32 $0x200, s18;
	v11 =	vadd.f32 v11, v7;
	v7 =	vld [tilespmem:s17+$0x40E0]  }
0x166: {  	[tilespmem:s17+$0x4080] =	vst v12;
	v5 =	vadd.f32 v5, v10;
	v10 =	vld [tilespmem:s17+$0x40F0]  }
0x167: {  	[tilespmem:s17+$0x4090] =	vst v11;
	v4 =	vadd.f32 v4, v9  }
0x168: {  	[tilespmem:s17+$0x40A0] =	vst v5;
	v3 =	vadd.f32 v3, v8  }
0x169: {  	[tilespmem:s17+$0x40B0] =	vst v4;
	v2 =	vadd.f32 v2, v6  }
0x16a: {  	[tilespmem:s17+$0x40C0] =	vst v3;
	v1 =	vadd.f32 v1, v7  }
0x16b: {  	[tilespmem:s17+$0x40D0] =	vst v2;
	v0 =	vadd.f32 v0, v10  }
0x16c: {  	[tilespmem:s17+$0x40E0] =	vst v1  }
0x16d: {  	s16 =	sadd.s32 $0x2780, s16;
	s31 =	simm.s32 $0x0;
	[tilespmem:s17+$0x40F0] =	vst v0  }
0x16e: {  	[tilespmem:s31], [sflag:$0x2] =	stream.linear.gather [hbm4b:s16+s31], $0x80, $0x38;
	[tilespmem:$0x8080] =	vst v63  }
0x16f: {  	_ =	swait.ge [sflag:s9], $0x80  }
0x170: {  	[sflag:s9] =	ssyncset.done $0x0  }
0x171: {  	[sflag:s9] =	ssyncadd.s32 $0xFFFFFF80  }
0x172: {  	[tilespmem:s10], [sflag:$0x2] =	stream.indirect.gather [hbm4b:s1+s10], $0x80, s31, s10, $0xb8;
	[tilespmem:$0x8080] =	vst v63  }
0x173: {  	_ =	swait.ge [sflag:s9], $0x4000  }
0x174: {  	[sflag:s9] =	ssyncset.done $0x0  }
0x175: {  	s16 =	simm.s32 $0x0;
	[sflag:s9] =	ssyncadd.s32 $0xFFFFC000  }
0x176: {  	v7 =	vld [tilespmem:s16+$0x80]  }
0x177: {  	v11 =	vld [tilespmem:s16+$0x90]  }
0x178: {  	v5 =	vld [tilespmem:s16+$0xA0]  }
0x179: {  	v4 =	vld [tilespmem:s16+$0xB0]  }
0x17a: {  	v3 =	vld [tilespmem:s16+$0xC0]  }
0x17b: {  	v2 =	vld [tilespmem:s16+$0xD0]  }
0x17c: {  	v1 =	vld [tilespmem:s16+$0xE0]  }
0x17d: {  	v0 =	vld [tilespmem:s16+$0xF0]  }
0x17e: {  	v12 =	vld [tilespmem:s16+$0x4080]  }
0x17f: {  	v13 =	vld [tilespmem:s16+$0x4090]  }
0x180: {  	v10 =	vld [tilespmem:s16+$0x40A0]  }
0x181: {  	v9 =	vld [tilespmem:s16+$0x40B0]  }
0x182: {  	v8 =	vld [tilespmem:s16+$0x40C0]  }
0x183: {  	v6 =	vld [tilespmem:s16+$0x40D0];
	v12 =	vadd.f32 v7, v12  }
0x184: {  	s17 =	simm.s32 $0x200;
	v11 =	vadd.f32 v11, v13;
	v7 =	vld [tilespmem:s16+$0x40E0]  }
.LBB2_18:
0x185: {  	s18 =	sshra.s32 s17, $0x2;
	p0 =	sne.s32 s17, $0xFE00;
	[tilespmem:s16+$0x4080] =	vst v12;
	v5 =	vadd.f32 v5, v10;
	v10 =	vld [tilespmem:s16+$0x40F0]  }
0x186: {  	v12 =	vld [tilespmem:s18+$0x80];
	[tilespmem:s16+$0x4090] =	vst v11;
	v4 =	vadd.f32 v4, v9  }
0x187: {  	v11 =	vld [tilespmem:s18+$0x90];
	[tilespmem:s16+$0x40A0] =	vst v5;
	v3 =	vadd.f32 v3, v8  }
0x188: {  	v5 =	vld [tilespmem:s18+$0xA0];
	[tilespmem:s16+$0x40B0] =	vst v4;
	v2 =	vadd.f32 v2, v6  }
0x189: {  	v4 =	vld [tilespmem:s18+$0xB0];
	[tilespmem:s16+$0x40C0] =	vst v3;
	v1 =	vadd.f32 v1, v7  }
0x18a: {  	v3 =	vld [tilespmem:s18+$0xC0];
	[tilespmem:s16+$0x40D0] =	vst v2;
	v0 =	vadd.f32 v0, v10  }
0x18b: {  	v2 =	vld [tilespmem:s18+$0xD0];
	[tilespmem:s16+$0x40E0] =	vst v1  }
0x18c: {  	v1 =	vld [tilespmem:s18+$0xE0];
	[tilespmem:s16+$0x40F0] =	vst v0;
	s16 =	smov.u32 s18  }
0x18d: {  	v0 =	vld [tilespmem:s16+$0xF0]  }
0x18e: {  	v6 =	vld [tilespmem:s16+$0x4080]  }
0x18f: {  	v7 =	vld [tilespmem:s16+$0x4090]  }
.Ltmp12:
0x190: {  	v10 =	vld [tilespmem:s16+$0x40A0];
	(pc) =	sbr.rel @p0 .LBB2_18-.Ltmp12, $4  }
0x191: {  	v9 =	vld [tilespmem:s16+$0x40B0]  }
0x192: {  	v8 =	vld [tilespmem:s16+$0x40C0]  }
0x193: {  	v12 =	vadd.f32 v12, v6;
	v6 =	vld [tilespmem:s16+$0x40D0]  }
0x194: {  	s17 =	sadd.s32 $0x200, s17;
	v11 =	vadd.f32 v11, v7;
	v7 =	vld [tilespmem:s16+$0x40E0]  }
0x195: {  	[tilespmem:s16+$0x4080] =	vst v12;
	v5 =	vadd.f32 v5, v10;
	v63 =	vld [tilespmem:s16+$0x40F0]  }
0x196: {  	[tilespmem:s16+$0x4090] =	vst v11;
	v4 =	vadd.f32 v4, v9  }
0x197: {  	[tilespmem:s16+$0x40A0] =	vst v5;
	v3 =	vadd.f32 v3, v8  }
0x198: {  	[tilespmem:s16+$0x40B0] =	vst v4;
	v2 =	vadd.f32 v2, v6  }
0x199: {  	[tilespmem:s16+$0x40C0] =	vst v3;
	v1 =	vadd.f32 v1, v7  }
0x19a: {  	[tilespmem:s16+$0x40D0] =	vst v2;
	v0 =	vadd.f32 v0, v63  }
0x19b: {  	s15 =	sshll.u32 s15, $0xB;
	[tilespmem:s16+$0x40E0] =	vst v1  }
.Ltmp13:
0x19c: {  	s15 =	sadd.s32 s6, s15;
	[tilespmem:s16+$0x40F0] =	vst v0;
	(pc) =	sbr.rel .LBB2_20-.Ltmp13, $4  }
0x19d: {  	[hbm4b:s15+s2] =	stream.linear.scatter [tilespmem:s11], [sflag:$0x1], $0x4000, $0x38;
	[tilespmem:$0x8080] =	vst v63  }
0x19e: {  	_ =	swait.ge [sflag:s12], $0x4000  }
0x19f: {  	[sflag:s12] =	ssyncset.done $0x0  }
0x1a0: {  	[sflag:s12] =	ssyncadd.s32 $0xFFFFC000  }
.LBB2_22:
0x1a1: {  	_ =	sfence.sel $0x180000  }
0x1a2: {  	[bflag:$0x0] =	sbarrier.arrive $0xFFFF  }
0x1a3: {  	p0 =	sne.s32 s3, $0x0;
	_ =	strace $0x90000047  }
0x1a4: {  	s0 =	sadd.s32 @!p0 $0x100000, s0;
	[bflag:$0x2] =	sbarrier.arrive $0xFFFF  }
0x1a5: {  	[sflag:s0] =	ssyncadd.tile.s32 @!p0 $0x1;
	_ =	shalt  }
.Lfunc_end2:
_tile_overlayer_lowered:
.L_overlay_start_2:
0x1a6: {  	(tag) =	ssettag $0x2  }
0x1a7: {  	s0 =	rddreg [dreg:$0x0];
	s2 =	stileid.u32  }
0x1a8: {  	s1 =	rddreg [dreg:$0x1];
	p0 =	sne.s32 s2, $0x0  }
0x1a9: {  	s3 =	rddreg [dreg:$0x2];
	[bflag:$0x3] =	sbarrier.arrive $0xFFFF;
	s2 =	simm.s32 @!p0 $0x1C01  }
0x1aa: {  	[timem:s3], [sflag:s2] =	dma.local @!p0 [hbm:s0], s1  }
0x1ab: {  	s0 =	simm.s32 @!p0 $0x1  }
0x1ac: {  	_ =	swait.ge @!p0 [sflag:s0], s1  }
0x1ad: {  	s1 =	ssub.s32 @!p0 $0x0, s1;
	[sflag:s0] =	ssyncset.done @!p0 $0x0  }
0x1ae: {  	[sflag:s0] =	ssyncadd.s32 @!p0 s1  }
0x1af: {  	[bflag:$0x3] =	sbarrier.arrive $0xFFFF  }
0x1b0: {  	_ =	shalt  }

// kernel: kernel.27.cloned.1.call-start
scs
__scs_entry_jumppad:
0x0: {  	(pc) =	sbr.rel $0x88, $3  }
0x1: {  	(tag) =	ssettag $0x0;
	lr =	simm.s32 $0x1  }
0x2: {  	[smem:$0x3F95] =	sst lr;
	_ =	strace $0xD0000000  }
0x3: {  	_ = 	snop  }
0x4: {  	_ = 	snop  }
0x5: {  	_ = 	snop  }
0x6: {  	_ = 	snop  }
0x7: {  	_ = 	snop  }
__scs_overlays_trampoline_lowered:
0x8: {  	[smem:$0x3FA4] =	sst s0  }
0x9: {  	[smem:$0x3FA5] =	sst s1  }
0xa: {  	[smem:$0x3FA6] =	sst s2  }
0xb: {  	[smem:$0x3FA7] =	sst s3  }
0xc: {  	[smem:$0x3FA8] =	sst s4  }
0xd: {  	[smem:$0x3FA9] =	sst s5  }
0xe: {  	[smem:$0x3FAA] =	sst s6  }
0xf: {  	[smem:$0x3FAB] =	sst s7  }
0x10: {  	[smem:$0x3FAC] =	sst s8  }
0x11: {  	[smem:$0x3FAD] =	sst s9;
	s0 =	simm.s32 @!p0 $0x0  }
0x12: {  	s1 =	sld [smem:$0x3F93];
	s0 =	simm.s32 @p0 $0x1  }
0x13: {  	[smem:$0x3FAE] =	sst s0;
	s0 =	simm.s32 @!p1 $0x0  }
0x14: {  	s2 =	sld [smem:$0x3F92];
	s0 =	simm.s32 @p1 $0x1  }
0x15: {  	[smem:$0x3FAF] =	sst s0;
	s0 =	simm.s32 @!p2 $0x0  }
0x16: {  	s3 =	sld [smem:$0x3FDB];
	s0 =	simm.s32 @p2 $0x1  }
0x17: {  	s4 =	simm.s32 $0x1BF5;
	[smem:$0x3FB1] =	sst s0  }
0x18: {  	s0 =	sld [smem:$0x3F94];
	_ =	swait.ge [sflag:s4], $0x0  }
0x19: {  	s7 =	sld [smem:$0x3F95]  }
0x1a: {  	s8 =	sadd.s32 $0xFFFFE003, lr  }
0x1b: {  	s9 =	sadd.s32 $0xFFFFFEF7, lr;
	s5 =	simm.s32 $0xFFFFFFFF;
	p2 =	slt.u32 s8, $0xFFFFF086  }
0x1c: {  	p1 =	slt.u32 s9, $0xF7A;
	s5 =	simm.s32 @!p2 $0x0  }
0x1d: {  	s5 =	simm.s32 @p1 $0x1;
	p0 =	seq.s32 s7, s2  }
0x1e: {  	s7 =	smul.u32 @!p0 $0xF7A, s2;
	p2 =	seq.s32 @!p0 s5, $0x0  }
0x1f: {  	s9 =	smul.u32 $0xF7A, s1;
	s8 =	simm.s32 @!p0 $0x1BF5;
	p2 =	por !p2, p0  }
0x20: {  	[sflag:s8] =	ssyncset.s32 @!p0 $0xFFFFF086;
	s6 =	sadd.s32 @!p0 s3, s7;
	s7 =	simm.s32 @!p0 $0x108  }
0x21: {  	s3 =	sadd.s32 s3, s9;
	s6 =	sadd.s32 @!p0 $0x88, s6;
	s7 =	simm.s32 @p2 $0x1082  }
0x22: {  	[simem:s7], [sflag:s8] =	dma.local @!p0 [hbm:s6], $0xF7A  }
0x23: {  	s9 =	sor.u32 $0xD0000000, s2;
	s6 =	simm.s32 $0x108;
	_ =	swait.ge @!p0 [sflag:s8], $0x0  }
0x24: {  	s3 =	sadd.s32 $0x88, s3;
	s6 =	simm.s32 @!p1 $0x1082;
	[sflag:s4] =	ssyncset.s32 $0xFFFFF086  }
0x25: {  	[simem:s6], [sflag:s4] =	dma.local [hbm:s3], $0xF7A  }
0x26: {  	[smem:$0x3F95] =	sst s1;
	(tag) =	ssettag s2;
	_ =	strace s9  }
0x27: {  	s1 =	sld [smem:$0x3FA5]  }
0x28: {  	s2 =	sld [smem:$0x3FA6]  }
0x29: {  	s4 =	sld [smem:$0x3FA8]  }
0x2a: {  	p0 =	seq.s32 s5, $0x0;
	s5 =	sld [smem:$0x3FA9]  }
0x2b: {  	s6 =	sld [smem:$0x3FAA]  }
0x2c: {  	s7 =	sld [smem:$0x3FAB]  }
0x2d: {  	s3 =	simm.s32 $0x108;
	s8 =	sld [smem:$0x3FAC]  }
0x2e: {  	s3 =	simm.s32 @!p0 $0x1082;
	s9 =	sld [smem:$0x3FAD]  }
0x2f: {  	lr =	sadd.s32 s0, s3;
	s0 =	sld [smem:$0x3FA4]  }
0x30: {  	s3 =	sld [smem:$0x3FA7]  }
0x31: {  	[smem:$0x3FB0] =	sst s10  }
0x32: {  	s10 =	sld [smem:$0x3FAE];
	_ =	sdelay $0x3  }
0x33: {  	p0 =	seq.s32 s10, $0x1;
	s10 =	sld [smem:$0x3FB0];
	_ =	sdelay $0x3  }
0x34: {  	[smem:$0x3FB0] =	sst s10  }
0x35: {  	s10 =	sld [smem:$0x3FAF];
	_ =	sdelay $0x3  }
0x36: {  	p1 =	seq.s32 s10, $0x1;
	s10 =	sld [smem:$0x3FB0];
	_ =	sdelay $0x3  }
0x37: {  	[smem:$0x3FB0] =	sst s10  }
0x38: {  	s10 =	sld [smem:$0x3FB1]  }
0x39: {  	_ = 	snop;
	(pc) =	sbr.ind lr, $3  }
0x3a: {  	_ = 	snop  }
0x3b: {  	_ = 	snop  }
0x3c: {  	p2 =	seq.s32 s10, $0x1;
	s10 =	sld [smem:$0x3FB0]  }
0x3d: {  	_ =	shalt  }
0x3e: {  	_ =	shalt  }
0x3f: {  	_ =	shalt  }
0x40: {  	_ =	shalt  }
0x41: {  	_ =	shalt  }
0x42: {  	_ =	shalt  }
0x43: {  	_ =	shalt  }
0x44: {  	_ =	shalt  }
0x45: {  	_ =	shalt  }
0x46: {  	_ =	shalt  }
0x47: {  	_ =	shalt  }
0x48: {  	_ =	shalt  }
0x49: {  	_ =	shalt  }
0x4a: {  	_ =	shalt  }
0x4b: {  	_ =	shalt  }
0x4c: {  	_ =	shalt  }
0x4d: {  	_ =	shalt  }
0x4e: {  	_ =	shalt  }
0x4f: {  	_ =	shalt  }
0x50: {  	_ =	shalt  }
0x51: {  	_ =	shalt  }
0x52: {  	_ =	shalt  }
0x53: {  	_ =	shalt  }
0x54: {  	_ =	shalt  }
0x55: {  	_ =	shalt  }
0x56: {  	_ =	shalt  }
0x57: {  	_ =	shalt  }
0x58: {  	_ =	shalt  }
0x59: {  	_ =	shalt  }
0x5a: {  	_ =	shalt  }
0x5b: {  	_ =	shalt  }
0x5c: {  	_ =	shalt  }
0x5d: {  	_ =	shalt  }
0x5e: {  	_ =	shalt  }
0x5f: {  	_ =	shalt  }
0x60: {  	_ =	shalt  }
0x61: {  	_ =	shalt  }
0x62: {  	_ =	shalt  }
0x63: {  	_ =	shalt  }
0x64: {  	_ =	shalt  }
0x65: {  	_ =	shalt  }
0x66: {  	_ =	shalt  }
0x67: {  	_ =	shalt  }
0x68: {  	_ =	shalt  }
0x69: {  	_ =	shalt  }
0x6a: {  	_ =	shalt  }
0x6b: {  	_ =	shalt  }
0x6c: {  	_ =	shalt  }
0x6d: {  	_ =	shalt  }
0x6e: {  	_ =	shalt  }
0x6f: {  	_ =	shalt  }
0x70: {  	_ =	shalt  }
0x71: {  	_ =	shalt  }
0x72: {  	_ =	shalt  }
0x73: {  	_ =	shalt  }
0x74: {  	_ =	shalt  }
0x75: {  	_ =	shalt  }
0x76: {  	_ =	shalt  }
0x77: {  	_ =	shalt  }
0x78: {  	_ =	shalt  }
0x79: {  	_ =	shalt  }
0x7a: {  	_ =	shalt  }
0x7b: {  	_ =	shalt  }
0x7c: {  	_ =	shalt  }
0x7d: {  	_ =	shalt  }
0x7e: {  	_ =	shalt  }
0x7f: {  	_ =	shalt  }
0x80: {  	_ =	shalt  }
0x81: {  	_ =	shalt  }
0x82: {  	_ =	shalt  }
0x83: {  	_ =	shalt  }
0x84: {  	_ =	shalt  }
0x85: {  	_ =	shalt  }
0x86: {  	_ =	shalt  }
0x87: {  	_ =	shalt  }
.Lfunc_end0:
.L_simem_size_0:
called_computation.1_lowered:
.L_overlay_start_0:
0x88: {  	s2 =	sld [smem:$0x3FD9]  }
0x89: {  	s3 =	sld [smem:$0x3FFE];
	_ =	sdelay $0x1  }
0x8a: {  	s1 =	srdreg.scid  }
0x8b: {  	s0 =	sand.u32 $0x1, s1  }
0x8c: {  	s17 =	sshll.u32 s0, $0xA;
	s2 =	sadd.s32 s3, s2  }
0x8d: {  	s2 =	sadd.s32 s2, s17  }
0x8e: {  	[smem:$0x3FBC] =	sst s2  }
0x8f: {  	_ = 	snop  }
0x90: {  	s2 =	sld [smem:$0x3FD0];
	(tm) =	ssettm $0x1  }
0x91: {  	s18 =	sld [smem:$0x3FFB];
	_ =	sdelay $0x3  }
0x92: {  	_ =	strace s18  }
0x93: {  	s3 =	sld [smem:$0x3FFC];
	_ =	sdelay $0x3  }
0x94: {  	_ =	strace s3  }
0x95: {  	s3 =	sld [smem:$0x3FFD];
	_ =	sdelay $0x3  }
0x96: {  	_ =	strace s3  }
0x97: {  	_ =	strace $0x8FFFFFFF  }
0x98: {  	s19 =	sld [smem:$0x3FDB];
	_ =	sdelay $0x1  }
0x99: {  	s4 =	simm.s32 $_scs_section_size  }
0x9a: {  	s5 =	simm.s32 $_size__tile_overlayer_lowered;
	s6 =	simm.s32 $_tile_overlayer_lowered  }
0x9b: {  	s22 =	simm.s32 $0x1BFF;
	s21 =	sshll.u32 s6, $0x1;
	s3 =	sadd.s32 s4, s19  }
0x9c: {  	s7 =	simm.s32 $0x0;
	s20 =	sshll.u32 s5, $0x1;
	s5 =	sadd.s32 s21, s3  }
0x9d: {  	[timem:s7], [sflag:s22] =	dma.local [hbm:s5], s20  }
0x9e: {  	_ =	swait.ge [sflag:s22], s20  }
0x9f: {  	s4 =	ssub.s32 $0x0, s20;
	[sflag:s22] =	ssyncset.done $0x0  }
0xa0: {  	[sflag:s22] =	ssyncadd.s32 s4;
	_ =	sdelay $0x1  }
0xa1: {  	s23 =	simm.s32 $0x1B8B  }
0xa2: {  	_ =	swait.ge [sflag:s23], $0x1  }
0xa3: {  	[sflag:s23] =	ssyncset.done $0x0  }
0xa4: {  	s25 =	simm.s32 $0x1B8E;
	s24 =	sld [smem:$0x3FFE];
	[sflag:s23] =	ssyncadd.s32 $0xFFFFFFFF  }
0xa5: {  	s26 =	simm.s32 $execute0_lowered;
	[smem:$0x3FD2] =	sst s25  }
0xa6: {  	s5 =	sshll.u32 s26, $0x1;
	_ =	strace $0x80000049;
	[dreg:$0x1] =	wrdreg $0xFFFFFFFF  }
0xa7: {  	s28 =	simm.s32 $_size_execute0_lowered;
	s3 =	sadd.s32 s3, s5;
	[dreg:$0x0] =	wrdreg $0x0  }
0xa8: {  	s5 =	sshll.u32 s28, $0x1;
	[dreg:$0x2] =	wrdreg s3  }
0xa9: {  	[dreg:$0x3] =	wrdreg s5  }
0xaa: {  	[dreg:$0x4] =	wrdreg $0xC0  }
0xab: {  	_ =	task [dreg:s7], $0x5FFFF  }
0xac: {  	[dreg:$0x1] =	wrdreg $0xFFFFFFFF  }
0xad: {  	[dreg:$0x0] =	wrdreg $0x60  }
0xae: {  	[dreg:$0x2] =	wrdreg s2  }
0xaf: {  	[dreg:$0x3] =	wrdreg s24  }
0xb0: {  	[dreg:$0x4] =	wrdreg $0xC1800  }
0xb1: {  	[dreg:$0x5] =	wrdreg $0x9  }
0xb2: {  	_ =	task.clear_ibuf [dreg:s7], $0x6FFFF;
	_ =	strace $0x90000049  }
0xb3: {  	s29 =	simm.s32 $0x9;
	_ =	strace $0x8000004B  }
0xb4: {  	_ =	swait.ge [sflag:s29], $0x1  }
0xb5: {  	[sflag:s29] =	ssyncadd.s32 $0xFFFFFFFF  }
0xb6: {  	_ =	strace $0x9000004B  }
0xb7: {  	_ =	sfence  }
0xb8: {  	s30 =	sld [smem:$0x0];
	_ =	sdelay $0x2  }
0xb9: {  	s31 =	sshll.u32 s1, $0xD;
	s1 =	sshrl.u32 s1, $0x2  }
0xba: {  	s3 =	sand.u32 $0x4000, s31;
	s1 =	sadd.s32 s1, s30  }
0xbb: {  	s0 =	sor.u32 s3, s0;
	s1 =	sshll.u32 s1, $0x11  }
0xbc: {  	s0 =	sor.u32 s1, s0  }
0xbd: {  	s0 =	sadd.s32 $0x8F2B, s0  }
0xbe: {  	[sflag:s0] =	ssyncadd.remote.s32 $0x1  }
0xbf: {  	_ =	sfence.sel $0xFFFF  }
0xc0: {  	[dreg:$0x0] =	wrdreg $0xFFFFFFFF;
	(pc) =	sbr.abs _section_cstart, $3  }
0xc1: {  	[dreg:$0x1] =	wrdreg $0xFFFFFFFF  }
0xc2: {  	_ =	task.clear_ibuf [dreg:s7], $0x2FFFF;
	_ =	strace $0x9FFFFFFF  }
0xc3: {  	(tm) =	ssettm $0x7FFFFFFF  }
tec
execute0_lowered:
.L_overlay_start_1:
0x0: {  	(tag) =	ssettag $0x1  }
0x1: {  	s1 =	rddreg [dreg:$0x0]  }
0x2: {  	s0 =	rddreg [dreg:$0x1]  }
0x3: {  	s2 =	rddreg [dreg:$0x2]  }
0x4: {  	s3 =	simm.s32 $0x0;
	s6 =	srdreg.scid;
	s26 =	stileid.u32  }
0x5: {  	s28 =	simm.s32 $0x80;
	s29 =	simm.s32 $0x100;
	s30 =	simm.s32 $0x180  }
0x6: {  	s31 =	simm.s32 $0x4180;
	[smem:$0x7FF] =	sst s3;
	s4 =	sadd.s32 $0x2CDE00, s0  }
0x7: {  	s5 =	sadd.s32 $0x2BA200, s0;
	s6 =	sand.u32 $0x1, s6;
	s7 =	sadd.s32 $0x2B0400, s0  }
0x8: {  	s9 =	sadd.s32 $0x2C4000, s0;
	s0 =	sadd.s32 $0x5E00, s0;
	s25 =	sshll.u32 s26, $0xE  }
0x9: {  	s24 =	sor.u32 $0x40, s26;
	_ =	strace $0x8000004A;
	s8 =	smul.u32 $0x138800, s6  }
0xa: {  	s10 =	ssub.s32 $0x2, s6;
	s14 =	sadd.s32 s25, s2;
	s18 =	sor.u32 $0x40000, s25  }
0xb: {  	s19 =	sor.u32 $0x80000, s25;
	s20 =	sor.u32 $0xC0000, s25;
	s21 =	sshll.u32 s24, $0xE  }
0xc: {  	p0 =	sgt.u32 s24, $0x4D;
	s24 =	simm.s32 $0x8180;
	s11 =	sshrl.u32 s10, $0x1  }
0xd: {  	s15 =	sadd.s32 s18, s2;
	s16 =	sadd.s32 s19, s2;
	s17 =	sadd.s32 s20, s2  }
0xe: {  	p1 =	sne.s32 @!p0 s26, $0x0;
	s12 =	sshrl.u32 s8, $0x3;
	s13 =	ssub.s32 s10, s11  }
0xf: {  	s10 =	sshll.u32 s26, $0x1;
	s11 =	sadd.s32 $0x138000, s2;
	s22 =	sadd.s32 s8, s18  }
0x10: {  	s23 =	sadd.s32 s8, s19;
	s18 =	sadd.s32 s21, s2;
	p1 =	por p1, p0  }
0x11: {  	s26 =	simm.s32 $0x2;
	s12 =	sadd.s32 s0, s12;
	s13 =	smax.u32 s13, $0x1  }
0x12: {  	s22 =	sshrl.u32 s22, $0x3;
	s12 =	sadd.s32 $0x27000, s12;
	[dreg:$0x5] =	wrdreg s13  }
.Ltmp0:
0x13: {  	s23 =	sshrl.u32 s23, $0x3;
	[dreg:$0x4] =	wrdreg s12;
	(pc) =	sbr.rel .LBB2_1-.Ltmp0, $4  }
0x14: {  	s12 =	sadd.s32 s8, s25;
	s25 =	sadd.s32 s8, s20;
	s8 =	sadd.s32 s8, s21  }
0x15: {  	s20 =	sadd.s32 s0, s22;
	s21 =	sadd.s32 s0, s23;
	s12 =	sshrl.u32 s12, $0x3  }
0x16: {  	s25 =	sshrl.u32 s25, $0x3;
	s8 =	sshrl.u32 s8, $0x3;
	s19 =	sadd.s32 s0, s12  }
0x17: {  	v0 =	vimm.f32 $0.0e+00;
	s22 =	sadd.s32 s0, s25;
	s23 =	sadd.s32 s0, s8;
	s25 =	simm.s32 $0x1  }
.LBB2_9:
0x18: {  	s0 =	stileid.u32  }
0x19: {  	s0 =	sshll.u32 s0, $0x6  }
0x1a: {  	[bflag:$0x0] =	sbarrier.arrive $0xFFFF;
	s8 =	sshrl.u32 s14, $0x3;
	s0 =	sor.u32 $0x1C01, s0  }
0x1b: {  	[hbm:s19], [sflag:s0] =	dma.local [spmem:s8], $0x800  }
0x1c: {  	_ =	swait.ge [sflag:s25], $0x800  }
0x1d: {  	[sflag:s25] =	ssyncset.done $0x0  }
0x1e: {  	s12 =	sshrl.u32 s15, $0x3;
	[sflag:s25] =	ssyncadd.s32 $0xFFFFF800  }
0x1f: {  	[hbm:s20], [sflag:s0] =	dma.local [spmem:s12], $0x800  }
0x20: {  	_ =	swait.ge [sflag:s25], $0x800  }
0x21: {  	[sflag:s25] =	ssyncset.done $0x0  }
0x22: {  	s13 =	sshrl.u32 s16, $0x3;
	[sflag:s25] =	ssyncadd.s32 $0xFFFFF800  }
0x23: {  	[hbm:s21], [sflag:s0] =	dma.local [spmem:s13], $0x800  }
0x24: {  	_ =	swait.ge [sflag:s25], $0x800  }
0x25: {  	[sflag:s25] =	ssyncset.done $0x0  }
0x26: {  	s12 =	sshrl.u32 s17, $0x3;
	[sflag:s25] =	ssyncadd.s32 $0xFFFFF800  }
0x27: {  	[hbm:s22], [sflag:s0] =	dma.local [spmem:s12], $0x800  }
0x28: {  	_ =	swait.ge [sflag:s25], $0x800  }
0x29: {  	[sflag:s25] =	ssyncset.done $0x0  }
0x2a: {  	s8 =	sshrl.u32 @!p0 s18, $0x3;
	[sflag:s25] =	ssyncadd.s32 $0xFFFFF800  }
0x2b: {  	[hbm:s23], [sflag:s0] =	dma.local @!p0 [spmem:s8], $0x800  }
0x2c: {  	s0 =	simm.s32 @!p0 $0x1  }
0x2d: {  	_ =	swait.ge @!p0 [sflag:s0], $0x800  }
0x2e: {  	s8 =	simm.s32 @!p1 $0x1C01;
	[sflag:s0] =	ssyncset.done @!p0 $0x0  }
0x2f: {  	s12 =	rddreg [dreg:$0x4];
	[sflag:s0] =	ssyncadd.s32 @!p0 $0xFFFFF800;
	s0 =	sshrl.u32 @!p1 s11, $0x3  }
0x30: {  	[hbm:s12], [sflag:s8] =	dma.local @!p1 [spmem:s0], $0x100  }
0x31: {  	s0 =	simm.s32 @!p1 $0x1  }
0x32: {  	_ =	swait.ge @!p1 [sflag:s0], $0x100  }
0x33: {  	s3 =	sadd.s32 $0x1, s3;
	s13 =	rddreg [dreg:$0x5]  }
0x34: {  	p2 =	sne.s32 s3, s13  }
.Ltmp1:
0x35: {  	_ = 	snop;
	(pc) =	sbr.rel @!p2 .LBB2_10-.Ltmp1, $3  }
0x36: {  	_ =	sdelay $0x1  }
0x37: {  	[sflag:s0] =	ssyncset.done @!p1 $0x0  }
0x38: {  	[sflag:s0] =	ssyncadd.s32 @!p1 $0xFFFFFF00  }
.LBB2_1:
0x39: {  	s0 =	simm.s32 $0x0;
	s8 =	simm.s32 $0x200  }
.LBB2_2:
0x3a: {  	p2 =	sne.s32 s8, $0xFE00;
	[tilespmem:s0+$0x81F0] =	vst v0  }
0x3b: {  	[tilespmem:s0+$0x8180] =	vst v0  }
0x3c: {  	[tilespmem:s0+$0x8190] =	vst v0  }
.Ltmp2:
0x3d: {  	[tilespmem:s0+$0x81A0] =	vst v0;
	(pc) =	sbr.rel @p2 .LBB2_2-.Ltmp2, $4  }
0x3e: {  	[tilespmem:s0+$0x81B0] =	vst v0  }
0x3f: {  	[tilespmem:s0+$0x81C0] =	vst v0  }
0x40: {  	[tilespmem:s0+$0x81D0] =	vst v0  }
0x41: {  	[tilespmem:s0+$0x81E0] =	vst v0;
	s0 =	sshra.s32 s8, $0x2;
	s8 =	sadd.s32 $0x200, s8  }
0x42: {  	[tilespmem:s0+$0x81F0] =	vst v0  }
0x43: {  	[tilespmem:s0+$0x8180] =	vst v0  }
0x44: {  	[tilespmem:s0+$0x8190] =	vst v0  }
0x45: {  	[tilespmem:s0+$0x81A0] =	vst v0  }
0x46: {  	[tilespmem:s0+$0x81B0] =	vst v0  }
0x47: {  	[tilespmem:s0+$0x81C0] =	vst v0  }
0x48: {  	[tilespmem:s0+$0x81D0] =	vst v0  }
0x49: {  	[tilespmem:s0+$0x81E0] =	vst v0  }
0x4a: {  	[spmem:s14] =	stream.linear.scatter [tilespmem:s24], [sflag:$0x1], $0x4000, $0x38;
	[tilespmem:$0x1FA00] =	vst v63  }
0x4b: {  	_ =	swait.ge [sflag:s25], $0x4000  }
0x4c: {  	[sflag:s25] =	ssyncset.done $0x0  }
0x4d: {  	[sflag:s25] =	ssyncadd.s32 $0xFFFFC000  }
0x4e: {  	[spmem:s15] =	stream.linear.scatter [tilespmem:s24], [sflag:$0x1], $0x4000, $0x38;
	[tilespmem:$0x1FA00] =	vst v63  }
0x4f: {  	_ =	swait.ge [sflag:s25], $0x4000  }
0x50: {  	[sflag:s25] =	ssyncset.done $0x0  }
0x51: {  	[sflag:s25] =	ssyncadd.s32 $0xFFFFC000  }
0x52: {  	[spmem:s16] =	stream.linear.scatter [tilespmem:s24], [sflag:$0x1], $0x4000, $0x38;
	[tilespmem:$0x1FA00] =	vst v63  }
0x53: {  	_ =	swait.ge [sflag:s25], $0x4000  }
0x54: {  	[sflag:s25] =	ssyncset.done $0x0  }
0x55: {  	[sflag:s25] =	ssyncadd.s32 $0xFFFFC000  }
0x56: {  	[spmem:s17] =	stream.linear.scatter [tilespmem:s24], [sflag:$0x1], $0x4000, $0x38;
	[tilespmem:$0x1FA00] =	vst v63  }
0x57: {  	_ =	swait.ge [sflag:s25], $0x4000  }
0x58: {  	[sflag:s25] =	ssyncset.done $0x0  }
0x59: {  	s0 =	simm.s32 @!p0 $0x8180;
	[sflag:s25] =	ssyncadd.s32 $0xFFFFC000  }
0x5a: {  	[spmem:s18] =	stream.linear.scatter @!p0 [tilespmem:s0], [sflag:$0x1], $0x4000, $0x38;
	[tilespmem:$0x1FA00] =	vst v63  }
0x5b: {  	s0 =	simm.s32 @!p0 $0x1  }
0x5c: {  	_ =	swait.ge @!p0 [sflag:s0], $0x4000  }
0x5d: {  	[sflag:s0] =	ssyncset.done @!p0 $0x0  }
0x5e: {  	[sflag:s0] =	ssyncadd.s32 @!p0 $0xFFFFC000;
	s0 =	simm.s32 @!p1 $0x8180  }
0x5f: {  	[spmem:s11] =	stream.linear.scatter @!p1 [tilespmem:s0], [sflag:$0x1], $0x800, $0x38;
	[tilespmem:$0x1FA00] =	vst v63  }
0x60: {  	s0 =	simm.s32 @!p1 $0x1  }
.Ltmp3:
0x61: {  	_ =	swait.ge @!p1 [sflag:s0], $0x800;
	(pc) =	sbr.rel .LBB2_4-.Ltmp3, $4  }
0x62: {  	[sflag:s0] =	ssyncset.done @!p1 $0x0  }
0x63: {  	[sflag:s0] =	ssyncadd.s32 @!p1 $0xFFFFF800  }
0x64: {  	[bflag:$0x0] =	sbarrier.arrive $0xFFFF  }
0x65: {  	s0 =	simm.s32 $0x0  }
.LBB2_8:
0x66: {  	s0 =	sadd.s32 $0x1, s0  }
0x67: {  	p2 =	sne.s32 s0, $0x4F  }
.Ltmp4:
0x68: {  	_ = 	snop;
	(pc) =	sbr.rel @!p2 .LBB2_9-.Ltmp4, $1  }
0x69: {  	_ =	sdelay $0x3  }
.LBB2_4:
0x6a: {  	s8 =	sshll.u32 s0, $0x5  }
0x6b: {  	s8 =	sor.u32 s10, s8  }
0x6c: {  	p2 =	sgt.u32 s8, $0x9C3  }
.Ltmp5:
0x6d: {  	_ = 	snop;
	(pc) =	sbr.rel @p2 .LBB2_8-.Ltmp5, $1  }
0x6e: {  	_ =	sdelay $0x3  }
0x6f: {  	s8 =	sor.u32 s6, s8  }
0x70: {  	s8 =	sshll.u32 s8, $0x4  }
0x71: {  	s13 =	simm.s32 $0x0;
	s12 =	sadd.s32 s5, s8  }
0x72: {  	[tilespmem:s13], [sflag:$0x2] =	stream.linear.gather [hbm4b:s12+s13], $0x80, $0x38;
	[tilespmem:$0x1FA00] =	vst v63  }
0x73: {  	_ =	swait.ge [sflag:s26], $0x80  }
0x74: {  	[sflag:s26] =	ssyncset.done $0x0  }
0x75: {  	s12 =	sadd.s32 s7, s8;
	[sflag:s26] =	ssyncadd.s32 $0xFFFFFF80  }
0x76: {  	[tilespmem:s28], [sflag:$0x2] =	stream.linear.gather [hbm4b:s12+s13], $0x80, $0x38;
	[tilespmem:$0x1FA00] =	vst v63  }
0x77: {  	_ =	swait.ge [sflag:s26], $0x80  }
0x78: {  	[sflag:s26] =	ssyncset.done $0x0  }
0x79: {  	s8 =	sadd.s32 s9, s8;
	[sflag:s26] =	ssyncadd.s32 $0xFFFFFF80  }
0x7a: {  	[tilespmem:s29], [sflag:$0x2] =	stream.linear.gather [hbm4b:s8+s13], $0x80, $0x38;
	[tilespmem:$0x1FA00] =	vst v63  }
0x7b: {  	_ =	swait.ge [sflag:s26], $0x80  }
0x7c: {  	[sflag:s26] =	ssyncset.done $0x0  }
0x7d: {  	[sflag:s26] =	ssyncadd.s32 $0xFFFFFF80  }
0x7e: {  	[tilespmem:s30], [sflag:$0x2] =	stream.indirect.gather [hbm4b:s1+s28], $0x80, s13, s28, $0xb8;
	[tilespmem:$0x1FA00] =	vst v63  }
0x7f: {  	_ =	swait.ge [sflag:s26], $0x4000  }
0x80: {  	[sflag:s26] =	ssyncset.done $0x0  }
0x81: {  	[sflag:s26] =	ssyncadd.s32 $0xFFFFC000  }
0x82: {  	[tilespmem:s31], [sflag:$0x2] =	stream.indirect.gather [hbm4b:s4+s28], $0x80, s29, s28, $0xb8;
	[tilespmem:$0x1FA00] =	vst v63  }
0x83: {  	_ =	swait.ge [sflag:s26], $0x4000  }
0x84: {  	[sflag:s26] =	ssyncset.done $0x0  }
0x85: {  	s8 =	simm.s32 $0x0;
	[sflag:s26] =	ssyncadd.s32 $0xFFFFC000  }
0x86: {  	v7 =	vld [tilespmem:s8+$0x180]  }
0x87: {  	v12 =	vld [tilespmem:s8+$0x190]  }
0x88: {  	v6 =	vld [tilespmem:s8+$0x1A0]  }
0x89: {  	v5 =	vld [tilespmem:s8+$0x1B0]  }
0x8a: {  	v4 =	vld [tilespmem:s8+$0x1C0]  }
0x8b: {  	v3 =	vld [tilespmem:s8+$0x1D0]  }
0x8c: {  	v2 =	vld [tilespmem:s8+$0x1E0]  }
0x8d: {  	v1 =	vld [tilespmem:s8+$0x1F0]  }
0x8e: {  	v13 =	vld [tilespmem:s8+$0x4180]  }
0x8f: {  	v14 =	vld [tilespmem:s8+$0x4190]  }
0x90: {  	v11 =	vld [tilespmem:s8+$0x41A0]  }
0x91: {  	v10 =	vld [tilespmem:s8+$0x41B0]  }
0x92: {  	v9 =	vld [tilespmem:s8+$0x41C0]  }
0x93: {  	v8 =	vld [tilespmem:s8+$0x41D0];
	v13 =	vadd.f32 v13, v7  }
0x94: {  	s12 =	simm.s32 $0x200;
	v12 =	vadd.f32 v14, v12;
	v7 =	vld [tilespmem:s8+$0x41E0]  }
.LBB2_6:
0x95: {  	s13 =	sshra.s32 s12, $0x2;
	p2 =	sne.s32 s12, $0xFE00;
	v13 =	vmax.f32 v13, $0.0e+00;
	v6 =	vadd.f32 v11, v6;
	v11 =	vld [tilespmem:s8+$0x41F0]  }
0x96: {  	v14 =	vld [tilespmem:s13+$0x180];
	[tilespmem:s8+$0x4180] =	vst v13;
	v12 =	vmax.f32 v12, $0.0e+00;
	v5 =	vadd.f32 v10, v5  }
0x97: {  	v15 =	vld [tilespmem:s13+$0x190];
	[tilespmem:s8+$0x4190] =	vst v12;
	v10 =	vmax.f32 v6, $0.0e+00;
	v4 =	vadd.f32 v9, v4  }
0x98: {  	v6 =	vld [tilespmem:s13+$0x1A0];
	[tilespmem:s8+$0x41A0] =	vst v10;
	v9 =	vmax.f32 v5, $0.0e+00;
	v3 =	vadd.f32 v8, v3  }
0x99: {  	v5 =	vld [tilespmem:s13+$0x1B0];
	[tilespmem:s8+$0x41B0] =	vst v9;
	v8 =	vmax.f32 v4, $0.0e+00;
	v2 =	vadd.f32 v7, v2  }
0x9a: {  	v4 =	vld [tilespmem:s13+$0x1C0];
	[tilespmem:s8+$0x41C0] =	vst v8;
	v7 =	vmax.f32 v3, $0.0e+00;
	v1 =	vadd.f32 v11, v1  }
0x9b: {  	v3 =	vld [tilespmem:s13+$0x1D0];
	[tilespmem:s8+$0x41D0] =	vst v7;
	v7 =	vmax.f32 v2, $0.0e+00  }
0x9c: {  	v2 =	vld [tilespmem:s13+$0x1E0];
	[tilespmem:s8+$0x41E0] =	vst v7;
	v7 =	vmax.f32 v1, $0.0e+00  }
0x9d: {  	v1 =	vld [tilespmem:s13+$0x1F0];
	[tilespmem:s8+$0x41F0] =	vst v7;
	s8 =	smov.u32 s13  }
0x9e: {  	v7 =	vld [tilespmem:s8+$0x4180]  }
0x9f: {  	v12 =	vld [tilespmem:s8+$0x4190]  }
.Ltmp6:
0xa0: {  	v11 =	vld [tilespmem:s8+$0x41A0];
	(pc) =	sbr.rel @p2 .LBB2_6-.Ltmp6, $4  }
0xa1: {  	v10 =	vld [tilespmem:s8+$0x41B0]  }
0xa2: {  	v9 =	vld [tilespmem:s8+$0x41C0]  }
0xa3: {  	v13 =	vadd.f32 v7, v14;
	v8 =	vld [tilespmem:s8+$0x41D0]  }
0xa4: {  	s12 =	sadd.s32 $0x200, s12;
	v12 =	vadd.f32 v12, v15;
	v7 =	vld [tilespmem:s8+$0x41E0]  }
0xa5: {  	v13 =	vmax.f32 v13, $0.0e+00;
	v6 =	vadd.f32 v11, v6;
	v63 =	vld [tilespmem:s8+$0x41F0]  }
0xa6: {  	[tilespmem:s8+$0x4180] =	vst v13;
	v12 =	vmax.f32 v12, $0.0e+00;
	v5 =	vadd.f32 v10, v5  }
0xa7: {  	[tilespmem:s8+$0x4190] =	vst v12;
	v6 =	vmax.f32 v6, $0.0e+00;
	v4 =	vadd.f32 v9, v4  }
0xa8: {  	[tilespmem:s8+$0x41A0] =	vst v6;
	v5 =	vmax.f32 v5, $0.0e+00;
	v3 =	vadd.f32 v8, v3  }
0xa9: {  	[tilespmem:s8+$0x41B0] =	vst v5;
	v4 =	vmax.f32 v4, $0.0e+00;
	v2 =	vadd.f32 v7, v2  }
0xaa: {  	[tilespmem:s8+$0x41C0] =	vst v4;
	v3 =	vmax.f32 v3, $0.0e+00;
	v1 =	vadd.f32 v63, v1  }
0xab: {  	[tilespmem:s8+$0x41D0] =	vst v3;
	v2 =	vmax.f32 v2, $0.0e+00  }
0xac: {  	[tilespmem:s8+$0x41E0] =	vst v2;
	v1 =	vmax.f32 v1, $0.0e+00  }
.Ltmp7:
0xad: {  	[tilespmem:s8+$0x41F0] =	vst v1;
	(pc) =	sbr.rel .LBB2_8-.Ltmp7, $4  }
0xae: {  	[spmem:s2] =	stream.indirect.scatter.add.f32 [tilespmem:s31], [sflag:$0x1], $0x80, s28, s28, $0xb8;
	[tilespmem:$0x1FA00] =	vst v63  }
0xaf: {  	_ =	swait.ge [sflag:s25], $0x4000  }
0xb0: {  	[sflag:s25] =	ssyncset.done $0x0  }
0xb1: {  	[sflag:s25] =	ssyncadd.s32 $0xFFFFC000  }
.LBB2_10:
0xb2: {  	_ =	sfence.sel $0x180000  }
0xb3: {  	[bflag:$0x0] =	sbarrier.arrive $0xFFFF  }
0xb4: {  	_ =	strace $0x9000004A  }
0xb5: {  	s0 =	stileid.u32;
	[bflag:$0x2] =	sbarrier.arrive $0xFFFF  }
0xb6: {  	p0 =	sne.s32 s0, $0x0;
	s0 =	rddreg [dreg:$0x3]  }
0xb7: {  	s0 =	sadd.s32 @!p0 $0x100000, s0  }
0xb8: {  	[sflag:s0] =	ssyncadd.tile.s32 @!p0 $0x1;
	_ =	shalt  }
.Lfunc_end2:
_tile_overlayer_lowered:
.L_overlay_start_2:
0xb9: {  	(tag) =	ssettag $0x2  }
0xba: {  	s0 =	rddreg [dreg:$0x0];
	s2 =	stileid.u32  }
0xbb: {  	s1 =	rddreg [dreg:$0x1];
	p0 =	sne.s32 s2, $0x0  }
0xbc: {  	s3 =	rddreg [dreg:$0x2];
	[bflag:$0x3] =	sbarrier.arrive $0xFFFF;
	s2 =	simm.s32 @!p0 $0x1C01  }
0xbd: {  	[timem:s3], [sflag:s2] =	dma.local @!p0 [hbm:s0], s1  }
0xbe: {  	s0 =	simm.s32 @!p0 $0x1  }
0xbf: {  	_ =	swait.ge @!p0 [sflag:s0], s1  }
0xc0: {  	s1 =	ssub.s32 @!p0 $0x0, s1;
	[sflag:s0] =	ssyncset.done @!p0 $0x0  }
0xc1: {  	[sflag:s0] =	ssyncadd.s32 @!p0 s1  }
0xc2: {  	[bflag:$0x3] =	sbarrier.arrive $0xFFFF  }
0xc3: {  	_ =	shalt  }

// kernel: kernel.30.cloned.1.call-start
scs
__scs_entry_jumppad:
0x0: {  	(pc) =	sbr.rel $0x88, $3  }
0x1: {  	(tag) =	ssettag $0x0;
	lr =	simm.s32 $0x1  }
0x2: {  	[smem:$0x3F95] =	sst lr;
	_ =	strace $0xD0000000  }
0x3: {  	_ = 	snop  }
0x4: {  	_ = 	snop  }
0x5: {  	_ = 	snop  }
0x6: {  	_ = 	snop  }
0x7: {  	_ = 	snop  }
__scs_overlays_trampoline_lowered:
0x8: {  	[smem:$0x3FA4] =	sst s0  }
0x9: {  	[smem:$0x3FA5] =	sst s1  }
0xa: {  	[smem:$0x3FA6] =	sst s2  }
0xb: {  	[smem:$0x3FA7] =	sst s3  }
0xc: {  	[smem:$0x3FA8] =	sst s4  }
0xd: {  	[smem:$0x3FA9] =	sst s5  }
0xe: {  	[smem:$0x3FAA] =	sst s6  }
0xf: {  	[smem:$0x3FAB] =	sst s7  }
0x10: {  	[smem:$0x3FAC] =	sst s8  }
0x11: {  	[smem:$0x3FAD] =	sst s9;
	s0 =	simm.s32 @!p0 $0x0  }
0x12: {  	s1 =	sld [smem:$0x3F93];
	s0 =	simm.s32 @p0 $0x1  }
0x13: {  	[smem:$0x3FAE] =	sst s0;
	s0 =	simm.s32 @!p1 $0x0  }
0x14: {  	s2 =	sld [smem:$0x3F92];
	s0 =	simm.s32 @p1 $0x1  }
0x15: {  	[smem:$0x3FAF] =	sst s0;
	s0 =	simm.s32 @!p2 $0x0  }
0x16: {  	s3 =	sld [smem:$0x3FDB];
	s0 =	simm.s32 @p2 $0x1  }
0x17: {  	s4 =	simm.s32 $0x1BF5;
	[smem:$0x3FB1] =	sst s0  }
0x18: {  	s0 =	sld [smem:$0x3F94];
	_ =	swait.ge [sflag:s4], $0x0  }
0x19: {  	s7 =	sld [smem:$0x3F95]  }
0x1a: {  	s8 =	sadd.s32 $0xFFFFE003, lr  }
0x1b: {  	s9 =	sadd.s32 $0xFFFFFEF7, lr;
	s5 =	simm.s32 $0xFFFFFFFF;
	p2 =	slt.u32 s8, $0xFFFFF086  }
0x1c: {  	p1 =	slt.u32 s9, $0xF7A;
	s5 =	simm.s32 @!p2 $0x0  }
0x1d: {  	s5 =	simm.s32 @p1 $0x1;
	p0 =	seq.s32 s7, s2  }
0x1e: {  	s7 =	smul.u32 @!p0 $0xF7A, s2;
	p2 =	seq.s32 @!p0 s5, $0x0  }
0x1f: {  	s9 =	smul.u32 $0xF7A, s1;
	s8 =	simm.s32 @!p0 $0x1BF5;
	p2 =	por !p2, p0  }
0x20: {  	[sflag:s8] =	ssyncset.s32 @!p0 $0xFFFFF086;
	s6 =	sadd.s32 @!p0 s3, s7;
	s7 =	simm.s32 @!p0 $0x108  }
0x21: {  	s3 =	sadd.s32 s3, s9;
	s6 =	sadd.s32 @!p0 $0x88, s6;
	s7 =	simm.s32 @p2 $0x1082  }
0x22: {  	[simem:s7], [sflag:s8] =	dma.local @!p0 [hbm:s6], $0xF7A  }
0x23: {  	s9 =	sor.u32 $0xD0000000, s2;
	s6 =	simm.s32 $0x108;
	_ =	swait.ge @!p0 [sflag:s8], $0x0  }
0x24: {  	s3 =	sadd.s32 $0x88, s3;
	s6 =	simm.s32 @!p1 $0x1082;
	[sflag:s4] =	ssyncset.s32 $0xFFFFF086  }
0x25: {  	[simem:s6], [sflag:s4] =	dma.local [hbm:s3], $0xF7A  }
0x26: {  	[smem:$0x3F95] =	sst s1;
	(tag) =	ssettag s2;
	_ =	strace s9  }
0x27: {  	s1 =	sld [smem:$0x3FA5]  }
0x28: {  	s2 =	sld [smem:$0x3FA6]  }
0x29: {  	s4 =	sld [smem:$0x3FA8]  }
0x2a: {  	p0 =	seq.s32 s5, $0x0;
	s5 =	sld [smem:$0x3FA9]  }
0x2b: {  	s6 =	sld [smem:$0x3FAA]  }
0x2c: {  	s7 =	sld [smem:$0x3FAB]  }
0x2d: {  	s3 =	simm.s32 $0x108;
	s8 =	sld [smem:$0x3FAC]  }
0x2e: {  	s3 =	simm.s32 @!p0 $0x1082;
	s9 =	sld [smem:$0x3FAD]  }
0x2f: {  	lr =	sadd.s32 s0, s3;
	s0 =	sld [smem:$0x3FA4]  }
0x30: {  	s3 =	sld [smem:$0x3FA7]  }
0x31: {  	[smem:$0x3FB0] =	sst s10  }
0x32: {  	s10 =	sld [smem:$0x3FAE];
	_ =	sdelay $0x3  }
0x33: {  	p0 =	seq.s32 s10, $0x1;
	s10 =	sld [smem:$0x3FB0];
	_ =	sdelay $0x3  }
0x34: {  	[smem:$0x3FB0] =	sst s10  }
0x35: {  	s10 =	sld [smem:$0x3FAF];
	_ =	sdelay $0x3  }
0x36: {  	p1 =	seq.s32 s10, $0x1;
	s10 =	sld [smem:$0x3FB0];
	_ =	sdelay $0x3  }
0x37: {  	[smem:$0x3FB0] =	sst s10  }
0x38: {  	s10 =	sld [smem:$0x3FB1]  }
0x39: {  	_ = 	snop;
	(pc) =	sbr.ind lr, $3  }
0x3a: {  	_ = 	snop  }
0x3b: {  	_ = 	snop  }
0x3c: {  	p2 =	seq.s32 s10, $0x1;
	s10 =	sld [smem:$0x3FB0]  }
0x3d: {  	_ =	shalt  }
0x3e: {  	_ =	shalt  }
0x3f: {  	_ =	shalt  }
0x40: {  	_ =	shalt  }
0x41: {  	_ =	shalt  }
0x42: {  	_ =	shalt  }
0x43: {  	_ =	shalt  }
0x44: {  	_ =	shalt  }
0x45: {  	_ =	shalt  }
0x46: {  	_ =	shalt  }
0x47: {  	_ =	shalt  }
0x48: {  	_ =	shalt  }
0x49: {  	_ =	shalt  }
0x4a: {  	_ =	shalt  }
0x4b: {  	_ =	shalt  }
0x4c: {  	_ =	shalt  }
0x4d: {  	_ =	shalt  }
0x4e: {  	_ =	shalt  }
0x4f: {  	_ =	shalt  }
0x50: {  	_ =	shalt  }
0x51: {  	_ =	shalt  }
0x52: {  	_ =	shalt  }
0x53: {  	_ =	shalt  }
0x54: {  	_ =	shalt  }
0x55: {  	_ =	shalt  }
0x56: {  	_ =	shalt  }
0x57: {  	_ =	shalt  }
0x58: {  	_ =	shalt  }
0x59: {  	_ =	shalt  }
0x5a: {  	_ =	shalt  }
0x5b: {  	_ =	shalt  }
0x5c: {  	_ =	shalt  }
0x5d: {  	_ =	shalt  }
0x5e: {  	_ =	shalt  }
0x5f: {  	_ =	shalt  }
0x60: {  	_ =	shalt  }
0x61: {  	_ =	shalt  }
0x62: {  	_ =	shalt  }
0x63: {  	_ =	shalt  }
0x64: {  	_ =	shalt  }
0x65: {  	_ =	shalt  }
0x66: {  	_ =	shalt  }
0x67: {  	_ =	shalt  }
0x68: {  	_ =	shalt  }
0x69: {  	_ =	shalt  }
0x6a: {  	_ =	shalt  }
0x6b: {  	_ =	shalt  }
0x6c: {  	_ =	shalt  }
0x6d: {  	_ =	shalt  }
0x6e: {  	_ =	shalt  }
0x6f: {  	_ =	shalt  }
0x70: {  	_ =	shalt  }
0x71: {  	_ =	shalt  }
0x72: {  	_ =	shalt  }
0x73: {  	_ =	shalt  }
0x74: {  	_ =	shalt  }
0x75: {  	_ =	shalt  }
0x76: {  	_ =	shalt  }
0x77: {  	_ =	shalt  }
0x78: {  	_ =	shalt  }
0x79: {  	_ =	shalt  }
0x7a: {  	_ =	shalt  }
0x7b: {  	_ =	shalt  }
0x7c: {  	_ =	shalt  }
0x7d: {  	_ =	shalt  }
0x7e: {  	_ =	shalt  }
0x7f: {  	_ =	shalt  }
0x80: {  	_ =	shalt  }
0x81: {  	_ =	shalt  }
0x82: {  	_ =	shalt  }
0x83: {  	_ =	shalt  }
0x84: {  	_ =	shalt  }
0x85: {  	_ =	shalt  }
0x86: {  	_ =	shalt  }
0x87: {  	_ =	shalt  }
.Lfunc_end0:
.L_simem_size_0:
called_computation.2_lowered:
.L_overlay_start_0:
0x88: {  	s2 =	sld [smem:$0x3FD9]  }
0x89: {  	s3 =	sld [smem:$0x3FFE];
	_ =	sdelay $0x1  }
0x8a: {  	s1 =	srdreg.scid  }
0x8b: {  	s0 =	sand.u32 $0x1, s1  }
0x8c: {  	s17 =	sshll.u32 s0, $0xA;
	s2 =	sadd.s32 s3, s2  }
0x8d: {  	s2 =	sadd.s32 s2, s17  }
0x8e: {  	[smem:$0x3FBC] =	sst s2  }
0x8f: {  	_ = 	snop  }
0x90: {  	s2 =	sld [smem:$0x3FD0];
	(tm) =	ssettm $0x1  }
0x91: {  	s18 =	sld [smem:$0x3FFB];
	_ =	sdelay $0x3  }
0x92: {  	_ =	strace s18  }
0x93: {  	s3 =	sld [smem:$0x3FFC];
	_ =	sdelay $0x3  }
0x94: {  	_ =	strace s3  }
0x95: {  	s3 =	sld [smem:$0x3FFD];
	_ =	sdelay $0x3  }
0x96: {  	_ =	strace s3  }
0x97: {  	_ =	strace $0x8FFFFFFF  }
0x98: {  	s19 =	sld [smem:$0x3FDB];
	_ =	sdelay $0x1  }
0x99: {  	s4 =	simm.s32 $_scs_section_size  }
0x9a: {  	s5 =	simm.s32 $_size__tile_overlayer_lowered;
	s6 =	simm.s32 $_tile_overlayer_lowered  }
0x9b: {  	s22 =	simm.s32 $0x1BFF;
	s21 =	sshll.u32 s6, $0x1;
	s3 =	sadd.s32 s4, s19  }
0x9c: {  	s7 =	simm.s32 $0x0;
	s20 =	sshll.u32 s5, $0x1;
	s5 =	sadd.s32 s21, s3  }
0x9d: {  	[timem:s7], [sflag:s22] =	dma.local [hbm:s5], s20  }
0x9e: {  	_ =	swait.ge [sflag:s22], s20  }
0x9f: {  	s4 =	ssub.s32 $0x0, s20;
	[sflag:s22] =	ssyncset.done $0x0  }
0xa0: {  	[sflag:s22] =	ssyncadd.s32 s4;
	_ =	sdelay $0x1  }
0xa1: {  	s23 =	simm.s32 $0x1B8B  }
0xa2: {  	_ =	swait.ge [sflag:s23], $0x1  }
0xa3: {  	[sflag:s23] =	ssyncset.done $0x0  }
0xa4: {  	s25 =	simm.s32 $0x1B8E;
	s24 =	sld [smem:$0x3FFE];
	[sflag:s23] =	ssyncadd.s32 $0xFFFFFFFF  }
0xa5: {  	s26 =	simm.s32 $execute0_lowered;
	[smem:$0x3FD2] =	sst s25  }
0xa6: {  	s5 =	sshll.u32 s26, $0x1;
	_ =	strace $0x8000004C;
	[dreg:$0x1] =	wrdreg $0xFFFFFFFF  }
0xa7: {  	s28 =	simm.s32 $_size_execute0_lowered;
	s3 =	sadd.s32 s3, s5;
	[dreg:$0x0] =	wrdreg $0x0  }
0xa8: {  	s5 =	sshll.u32 s28, $0x1;
	[dreg:$0x2] =	wrdreg s3  }
0xa9: {  	[dreg:$0x3] =	wrdreg s5  }
0xaa: {  	[dreg:$0x4] =	wrdreg $0xC0  }
0xab: {  	_ =	task [dreg:s7], $0x5FFFF  }
0xac: {  	[dreg:$0x1] =	wrdreg $0xFFFFFFFF  }
0xad: {  	[dreg:$0x0] =	wrdreg $0x60  }
0xae: {  	[dreg:$0x2] =	wrdreg s2  }
0xaf: {  	[dreg:$0x3] =	wrdreg s24  }
0xb0: {  	[dreg:$0x4] =	wrdreg $0xC1800  }
0xb1: {  	[dreg:$0x5] =	wrdreg $0x9  }
0xb2: {  	_ =	task.clear_ibuf [dreg:s7], $0x6FFFF;
	_ =	strace $0x9000004C  }
0xb3: {  	s29 =	simm.s32 $0x9;
	_ =	strace $0x8000004E  }
0xb4: {  	_ =	swait.ge [sflag:s29], $0x1  }
0xb5: {  	[sflag:s29] =	ssyncadd.s32 $0xFFFFFFFF  }
0xb6: {  	_ =	strace $0x9000004E  }
0xb7: {  	_ =	sfence  }
0xb8: {  	s30 =	sld [smem:$0x0];
	_ =	sdelay $0x2  }
0xb9: {  	s31 =	sshll.u32 s1, $0xD;
	s1 =	sshrl.u32 s1, $0x2  }
0xba: {  	s3 =	sand.u32 $0x4000, s31;
	s1 =	sadd.s32 s1, s30  }
0xbb: {  	s0 =	sor.u32 s3, s0;
	s1 =	sshll.u32 s1, $0x11  }
0xbc: {  	s0 =	sor.u32 s1, s0  }
0xbd: {  	s0 =	sadd.s32 $0x8F2B, s0  }
0xbe: {  	[sflag:s0] =	ssyncadd.remote.s32 $0x1  }
0xbf: {  	_ =	sfence.sel $0xFFFF  }
0xc0: {  	[dreg:$0x0] =	wrdreg $0xFFFFFFFF;
	(pc) =	sbr.abs _section_cstart, $3  }
0xc1: {  	[dreg:$0x1] =	wrdreg $0xFFFFFFFF  }
0xc2: {  	_ =	task.clear_ibuf [dreg:s7], $0x2FFFF;
	_ =	strace $0x9FFFFFFF  }
0xc3: {  	(tm) =	ssettm $0x7FFFFFFF  }
tec
execute0_lowered:
.L_overlay_start_1:
0x0: {  	(tag) =	ssettag $0x1  }
0x1: {  	s1 =	rddreg [dreg:$0x0]  }
0x2: {  	s0 =	rddreg [dreg:$0x1]  }
0x3: {  	s2 =	rddreg [dreg:$0x2]  }
0x4: {  	s3 =	simm.s32 $0x0;
	s6 =	srdreg.scid;
	s26 =	stileid.u32  }
0x5: {  	s28 =	simm.s32 $0x80;
	s29 =	simm.s32 $0x100;
	s30 =	simm.s32 $0x180  }
0x6: {  	s31 =	simm.s32 $0x4180;
	[smem:$0x7FF] =	sst s3;
	s4 =	sadd.s32 $0x34DE00, s0  }
0x7: {  	s5 =	sadd.s32 $0x2BA200, s0;
	s6 =	sand.u32 $0x1, s6;
	s7 =	sadd.s32 $0x2B0400, s0  }
0x8: {  	s9 =	sadd.s32 $0x2C4000, s0;
	s0 =	sadd.s32 $0x5E00, s0;
	s25 =	sshll.u32 s26, $0xE  }
0x9: {  	s24 =	sor.u32 $0x40, s26;
	_ =	strace $0x8000004D;
	s8 =	smul.u32 $0x138800, s6  }
0xa: {  	s10 =	ssub.s32 $0x2, s6;
	s14 =	sadd.s32 s25, s2;
	s18 =	sor.u32 $0x40000, s25  }
0xb: {  	s19 =	sor.u32 $0x80000, s25;
	s20 =	sor.u32 $0xC0000, s25;
	s21 =	sshll.u32 s24, $0xE  }
0xc: {  	p0 =	sgt.u32 s24, $0x4D;
	s24 =	simm.s32 $0x8180;
	s11 =	sshrl.u32 s10, $0x1  }
0xd: {  	s15 =	sadd.s32 s18, s2;
	s16 =	sadd.s32 s19, s2;
	s17 =	sadd.s32 s20, s2  }
0xe: {  	p1 =	sne.s32 @!p0 s26, $0x0;
	s12 =	sshrl.u32 s8, $0x3;
	s13 =	ssub.s32 s10, s11  }
0xf: {  	s10 =	sshll.u32 s26, $0x1;
	s11 =	sadd.s32 $0x138000, s2;
	s22 =	sadd.s32 s8, s18  }
0x10: {  	s23 =	sadd.s32 s8, s19;
	s18 =	sadd.s32 s21, s2;
	p1 =	por p1, p0  }
0x11: {  	s26 =	simm.s32 $0x2;
	s12 =	sadd.s32 s0, s12;
	s13 =	smax.u32 s13, $0x1  }
0x12: {  	s22 =	sshrl.u32 s22, $0x3;
	s12 =	sadd.s32 $0x27000, s12;
	[dreg:$0x5] =	wrdreg s13  }
.Ltmp0:
0x13: {  	s23 =	sshrl.u32 s23, $0x3;
	[dreg:$0x4] =	wrdreg s12;
	(pc) =	sbr.rel .LBB2_1-.Ltmp0, $4  }
0x14: {  	s12 =	sadd.s32 s8, s25;
	s25 =	sadd.s32 s8, s20;
	s8 =	sadd.s32 s8, s21  }
0x15: {  	s20 =	sadd.s32 s0, s22;
	s21 =	sadd.s32 s0, s23;
	s12 =	sshrl.u32 s12, $0x3  }
0x16: {  	s25 =	sshrl.u32 s25, $0x3;
	s8 =	sshrl.u32 s8, $0x3;
	s19 =	sadd.s32 s0, s12  }
0x17: {  	v0 =	vimm.f32 $0.0e+00;
	s22 =	sadd.s32 s0, s25;
	s23 =	sadd.s32 s0, s8;
	s25 =	simm.s32 $0x1  }
.LBB2_9:
0x18: {  	s0 =	stileid.u32  }
0x19: {  	s0 =	sshll.u32 s0, $0x6  }
0x1a: {  	[bflag:$0x0] =	sbarrier.arrive $0xFFFF;
	s8 =	sshrl.u32 s14, $0x3;
	s0 =	sor.u32 $0x1C01, s0  }
0x1b: {  	[hbm:s19], [sflag:s0] =	dma.local [spmem:s8], $0x800  }
0x1c: {  	_ =	swait.ge [sflag:s25], $0x800  }
0x1d: {  	[sflag:s25] =	ssyncset.done $0x0  }
0x1e: {  	s12 =	sshrl.u32 s15, $0x3;
	[sflag:s25] =	ssyncadd.s32 $0xFFFFF800  }
0x1f: {  	[hbm:s20], [sflag:s0] =	dma.local [spmem:s12], $0x800  }
0x20: {  	_ =	swait.ge [sflag:s25], $0x800  }
0x21: {  	[sflag:s25] =	ssyncset.done $0x0  }
0x22: {  	s13 =	sshrl.u32 s16, $0x3;
	[sflag:s25] =	ssyncadd.s32 $0xFFFFF800  }
0x23: {  	[hbm:s21], [sflag:s0] =	dma.local [spmem:s13], $0x800  }
0x24: {  	_ =	swait.ge [sflag:s25], $0x800  }
0x25: {  	[sflag:s25] =	ssyncset.done $0x0  }
0x26: {  	s12 =	sshrl.u32 s17, $0x3;
	[sflag:s25] =	ssyncadd.s32 $0xFFFFF800  }
0x27: {  	[hbm:s22], [sflag:s0] =	dma.local [spmem:s12], $0x800  }
0x28: {  	_ =	swait.ge [sflag:s25], $0x800  }
0x29: {  	[sflag:s25] =	ssyncset.done $0x0  }
0x2a: {  	s8 =	sshrl.u32 @!p0 s18, $0x3;
	[sflag:s25] =	ssyncadd.s32 $0xFFFFF800  }
0x2b: {  	[hbm:s23], [sflag:s0] =	dma.local @!p0 [spmem:s8], $0x800  }
0x2c: {  	s0 =	simm.s32 @!p0 $0x1  }
0x2d: {  	_ =	swait.ge @!p0 [sflag:s0], $0x800  }
0x2e: {  	s8 =	simm.s32 @!p1 $0x1C01;
	[sflag:s0] =	ssyncset.done @!p0 $0x0  }
0x2f: {  	s12 =	rddreg [dreg:$0x4];
	[sflag:s0] =	ssyncadd.s32 @!p0 $0xFFFFF800;
	s0 =	sshrl.u32 @!p1 s11, $0x3  }
0x30: {  	[hbm:s12], [sflag:s8] =	dma.local @!p1 [spmem:s0], $0x100  }
0x31: {  	s0 =	simm.s32 @!p1 $0x1  }
0x32: {  	_ =	swait.ge @!p1 [sflag:s0], $0x100  }
0x33: {  	s3 =	sadd.s32 $0x1, s3;
	s13 =	rddreg [dreg:$0x5]  }
0x34: {  	p2 =	sne.s32 s3, s13  }
.Ltmp1:
0x35: {  	_ = 	snop;
	(pc) =	sbr.rel @!p2 .LBB2_10-.Ltmp1, $3  }
0x36: {  	_ =	sdelay $0x1  }
0x37: {  	[sflag:s0] =	ssyncset.done @!p1 $0x0  }
0x38: {  	[sflag:s0] =	ssyncadd.s32 @!p1 $0xFFFFFF00  }
.LBB2_1:
0x39: {  	s0 =	simm.s32 $0x0;
	s8 =	simm.s32 $0x200  }
.LBB2_2:
0x3a: {  	p2 =	sne.s32 s8, $0xFE00;
	[tilespmem:s0+$0x81F0] =	vst v0  }
0x3b: {  	[tilespmem:s0+$0x8180] =	vst v0  }
0x3c: {  	[tilespmem:s0+$0x8190] =	vst v0  }
.Ltmp2:
0x3d: {  	[tilespmem:s0+$0x81A0] =	vst v0;
	(pc) =	sbr.rel @p2 .LBB2_2-.Ltmp2, $4  }
0x3e: {  	[tilespmem:s0+$0x81B0] =	vst v0  }
0x3f: {  	[tilespmem:s0+$0x81C0] =	vst v0  }
0x40: {  	[tilespmem:s0+$0x81D0] =	vst v0  }
0x41: {  	[tilespmem:s0+$0x81E0] =	vst v0;
	s0 =	sshra.s32 s8, $0x2;
	s8 =	sadd.s32 $0x200, s8  }
0x42: {  	[tilespmem:s0+$0x81F0] =	vst v0  }
0x43: {  	[tilespmem:s0+$0x8180] =	vst v0  }
0x44: {  	[tilespmem:s0+$0x8190] =	vst v0  }
0x45: {  	[tilespmem:s0+$0x81A0] =	vst v0  }
0x46: {  	[tilespmem:s0+$0x81B0] =	vst v0  }
0x47: {  	[tilespmem:s0+$0x81C0] =	vst v0  }
0x48: {  	[tilespmem:s0+$0x81D0] =	vst v0  }
0x49: {  	[tilespmem:s0+$0x81E0] =	vst v0  }
0x4a: {  	[spmem:s14] =	stream.linear.scatter [tilespmem:s24], [sflag:$0x1], $0x4000, $0x38;
	[tilespmem:$0x1FA00] =	vst v63  }
0x4b: {  	_ =	swait.ge [sflag:s25], $0x4000  }
0x4c: {  	[sflag:s25] =	ssyncset.done $0x0  }
0x4d: {  	[sflag:s25] =	ssyncadd.s32 $0xFFFFC000  }
0x4e: {  	[spmem:s15] =	stream.linear.scatter [tilespmem:s24], [sflag:$0x1], $0x4000, $0x38;
	[tilespmem:$0x1FA00] =	vst v63  }
0x4f: {  	_ =	swait.ge [sflag:s25], $0x4000  }
0x50: {  	[sflag:s25] =	ssyncset.done $0x0  }
0x51: {  	[sflag:s25] =	ssyncadd.s32 $0xFFFFC000  }
0x52: {  	[spmem:s16] =	stream.linear.scatter [tilespmem:s24], [sflag:$0x1], $0x4000, $0x38;
	[tilespmem:$0x1FA00] =	vst v63  }
0x53: {  	_ =	swait.ge [sflag:s25], $0x4000  }
0x54: {  	[sflag:s25] =	ssyncset.done $0x0  }
0x55: {  	[sflag:s25] =	ssyncadd.s32 $0xFFFFC000  }
0x56: {  	[spmem:s17] =	stream.linear.scatter [tilespmem:s24], [sflag:$0x1], $0x4000, $0x38;
	[tilespmem:$0x1FA00] =	vst v63  }
0x57: {  	_ =	swait.ge [sflag:s25], $0x4000  }
0x58: {  	[sflag:s25] =	ssyncset.done $0x0  }
0x59: {  	s0 =	simm.s32 @!p0 $0x8180;
	[sflag:s25] =	ssyncadd.s32 $0xFFFFC000  }
0x5a: {  	[spmem:s18] =	stream.linear.scatter @!p0 [tilespmem:s0], [sflag:$0x1], $0x4000, $0x38;
	[tilespmem:$0x1FA00] =	vst v63  }
0x5b: {  	s0 =	simm.s32 @!p0 $0x1  }
0x5c: {  	_ =	swait.ge @!p0 [sflag:s0], $0x4000  }
0x5d: {  	[sflag:s0] =	ssyncset.done @!p0 $0x0  }
0x5e: {  	[sflag:s0] =	ssyncadd.s32 @!p0 $0xFFFFC000;
	s0 =	simm.s32 @!p1 $0x8180  }
0x5f: {  	[spmem:s11] =	stream.linear.scatter @!p1 [tilespmem:s0], [sflag:$0x1], $0x800, $0x38;
	[tilespmem:$0x1FA00] =	vst v63  }
0x60: {  	s0 =	simm.s32 @!p1 $0x1  }
.Ltmp3:
0x61: {  	_ =	swait.ge @!p1 [sflag:s0], $0x800;
	(pc) =	sbr.rel .LBB2_4-.Ltmp3, $4  }
0x62: {  	[sflag:s0] =	ssyncset.done @!p1 $0x0  }
0x63: {  	[sflag:s0] =	ssyncadd.s32 @!p1 $0xFFFFF800  }
0x64: {  	[bflag:$0x0] =	sbarrier.arrive $0xFFFF  }
0x65: {  	s0 =	simm.s32 $0x0  }
.LBB2_8:
0x66: {  	s0 =	sadd.s32 $0x1, s0  }
0x67: {  	p2 =	sne.s32 s0, $0x4F  }
.Ltmp4:
0x68: {  	_ = 	snop;
	(pc) =	sbr.rel @!p2 .LBB2_9-.Ltmp4, $1  }
0x69: {  	_ =	sdelay $0x3  }
.LBB2_4:
0x6a: {  	s8 =	sshll.u32 s0, $0x5  }
0x6b: {  	s8 =	sor.u32 s10, s8  }
0x6c: {  	p2 =	sgt.u32 s8, $0x9C3  }
.Ltmp5:
0x6d: {  	_ = 	snop;
	(pc) =	sbr.rel @p2 .LBB2_8-.Ltmp5, $1  }
0x6e: {  	_ =	sdelay $0x3  }
0x6f: {  	s8 =	sor.u32 s6, s8  }
0x70: {  	s8 =	sshll.u32 s8, $0x4  }
0x71: {  	s13 =	simm.s32 $0x0;
	s12 =	sadd.s32 s5, s8  }
0x72: {  	[tilespmem:s13], [sflag:$0x2] =	stream.linear.gather [hbm4b:s12+s13], $0x80, $0x38;
	[tilespmem:$0x1FA00] =	vst v63  }
0x73: {  	_ =	swait.ge [sflag:s26], $0x80  }
0x74: {  	[sflag:s26] =	ssyncset.done $0x0  }
0x75: {  	s12 =	sadd.s32 s7, s8;
	[sflag:s26] =	ssyncadd.s32 $0xFFFFFF80  }
0x76: {  	[tilespmem:s28], [sflag:$0x2] =	stream.linear.gather [hbm4b:s12+s13], $0x80, $0x38;
	[tilespmem:$0x1FA00] =	vst v63  }
0x77: {  	_ =	swait.ge [sflag:s26], $0x80  }
0x78: {  	[sflag:s26] =	ssyncset.done $0x0  }
0x79: {  	s8 =	sadd.s32 s9, s8;
	[sflag:s26] =	ssyncadd.s32 $0xFFFFFF80  }
0x7a: {  	[tilespmem:s29], [sflag:$0x2] =	stream.linear.gather [hbm4b:s8+s13], $0x80, $0x38;
	[tilespmem:$0x1FA00] =	vst v63  }
0x7b: {  	_ =	swait.ge [sflag:s26], $0x80  }
0x7c: {  	[sflag:s26] =	ssyncset.done $0x0  }
0x7d: {  	[sflag:s26] =	ssyncadd.s32 $0xFFFFFF80  }
0x7e: {  	[tilespmem:s30], [sflag:$0x2] =	stream.indirect.gather [hbm4b:s1+s28], $0x80, s13, s28, $0xb8;
	[tilespmem:$0x1FA00] =	vst v63  }
0x7f: {  	_ =	swait.ge [sflag:s26], $0x4000  }
0x80: {  	[sflag:s26] =	ssyncset.done $0x0  }
0x81: {  	[sflag:s26] =	ssyncadd.s32 $0xFFFFC000  }
0x82: {  	[tilespmem:s31], [sflag:$0x2] =	stream.indirect.gather [hbm4b:s4+s28], $0x80, s29, s28, $0xb8;
	[tilespmem:$0x1FA00] =	vst v63  }
0x83: {  	_ =	swait.ge [sflag:s26], $0x4000  }
0x84: {  	[sflag:s26] =	ssyncset.done $0x0  }
0x85: {  	s8 =	simm.s32 $0x0;
	[sflag:s26] =	ssyncadd.s32 $0xFFFFC000  }
0x86: {  	v7 =	vld [tilespmem:s8+$0x180]  }
0x87: {  	v12 =	vld [tilespmem:s8+$0x190]  }
0x88: {  	v6 =	vld [tilespmem:s8+$0x1A0]  }
0x89: {  	v5 =	vld [tilespmem:s8+$0x1B0]  }
0x8a: {  	v4 =	vld [tilespmem:s8+$0x1C0]  }
0x8b: {  	v3 =	vld [tilespmem:s8+$0x1D0]  }
0x8c: {  	v2 =	vld [tilespmem:s8+$0x1E0]  }
0x8d: {  	v1 =	vld [tilespmem:s8+$0x1F0]  }
0x8e: {  	v13 =	vld [tilespmem:s8+$0x4180]  }
0x8f: {  	v14 =	vld [tilespmem:s8+$0x4190]  }
0x90: {  	v11 =	vld [tilespmem:s8+$0x41A0]  }
0x91: {  	v10 =	vld [tilespmem:s8+$0x41B0]  }
0x92: {  	v9 =	vld [tilespmem:s8+$0x41C0]  }
0x93: {  	v8 =	vld [tilespmem:s8+$0x41D0];
	v13 =	vadd.f32 v13, v7  }
0x94: {  	s12 =	simm.s32 $0x200;
	v12 =	vadd.f32 v14, v12;
	v7 =	vld [tilespmem:s8+$0x41E0]  }
.LBB2_6:
0x95: {  	s13 =	sshra.s32 s12, $0x2;
	p2 =	sne.s32 s12, $0xFE00;
	v13 =	vmax.f32 v13, $0.0e+00;
	v6 =	vadd.f32 v11, v6;
	v11 =	vld [tilespmem:s8+$0x41F0]  }
0x96: {  	v14 =	vld [tilespmem:s13+$0x180];
	[tilespmem:s8+$0x4180] =	vst v13;
	v12 =	vmax.f32 v12, $0.0e+00;
	v5 =	vadd.f32 v10, v5  }
0x97: {  	v15 =	vld [tilespmem:s13+$0x190];
	[tilespmem:s8+$0x4190] =	vst v12;
	v10 =	vmax.f32 v6, $0.0e+00;
	v4 =	vadd.f32 v9, v4  }
0x98: {  	v6 =	vld [tilespmem:s13+$0x1A0];
	[tilespmem:s8+$0x41A0] =	vst v10;
	v9 =	vmax.f32 v5, $0.0e+00;
	v3 =	vadd.f32 v8, v3  }
0x99: {  	v5 =	vld [tilespmem:s13+$0x1B0];
	[tilespmem:s8+$0x41B0] =	vst v9;
	v8 =	vmax.f32 v4, $0.0e+00;
	v2 =	vadd.f32 v7, v2  }
0x9a: {  	v4 =	vld [tilespmem:s13+$0x1C0];
	[tilespmem:s8+$0x41C0] =	vst v8;
	v7 =	vmax.f32 v3, $0.0e+00;
	v1 =	vadd.f32 v11, v1  }
0x9b: {  	v3 =	vld [tilespmem:s13+$0x1D0];
	[tilespmem:s8+$0x41D0] =	vst v7;
	v7 =	vmax.f32 v2, $0.0e+00  }
0x9c: {  	v2 =	vld [tilespmem:s13+$0x1E0];
	[tilespmem:s8+$0x41E0] =	vst v7;
	v7 =	vmax.f32 v1, $0.0e+00  }
0x9d: {  	v1 =	vld [tilespmem:s13+$0x1F0];
	[tilespmem:s8+$0x41F0] =	vst v7;
	s8 =	smov.u32 s13  }
0x9e: {  	v7 =	vld [tilespmem:s8+$0x4180]  }
0x9f: {  	v12 =	vld [tilespmem:s8+$0x4190]  }
.Ltmp6:
0xa0: {  	v11 =	vld [tilespmem:s8+$0x41A0];
	(pc) =	sbr.rel @p2 .LBB2_6-.Ltmp6, $4  }
0xa1: {  	v10 =	vld [tilespmem:s8+$0x41B0]  }
0xa2: {  	v9 =	vld [tilespmem:s8+$0x41C0]  }
0xa3: {  	v13 =	vadd.f32 v7, v14;
	v8 =	vld [tilespmem:s8+$0x41D0]  }
0xa4: {  	s12 =	sadd.s32 $0x200, s12;
	v12 =	vadd.f32 v12, v15;
	v7 =	vld [tilespmem:s8+$0x41E0]  }
0xa5: {  	v13 =	vmax.f32 v13, $0.0e+00;
	v6 =	vadd.f32 v11, v6;
	v63 =	vld [tilespmem:s8+$0x41F0]  }
0xa6: {  	[tilespmem:s8+$0x4180] =	vst v13;
	v12 =	vmax.f32 v12, $0.0e+00;
	v5 =	vadd.f32 v10, v5  }
0xa7: {  	[tilespmem:s8+$0x4190] =	vst v12;
	v6 =	vmax.f32 v6, $0.0e+00;
	v4 =	vadd.f32 v9, v4  }
0xa8: {  	[tilespmem:s8+$0x41A0] =	vst v6;
	v5 =	vmax.f32 v5, $0.0e+00;
	v3 =	vadd.f32 v8, v3  }
0xa9: {  	[tilespmem:s8+$0x41B0] =	vst v5;
	v4 =	vmax.f32 v4, $0.0e+00;
	v2 =	vadd.f32 v7, v2  }
0xaa: {  	[tilespmem:s8+$0x41C0] =	vst v4;
	v3 =	vmax.f32 v3, $0.0e+00;
	v1 =	vadd.f32 v63, v1  }
0xab: {  	[tilespmem:s8+$0x41D0] =	vst v3;
	v2 =	vmax.f32 v2, $0.0e+00  }
0xac: {  	[tilespmem:s8+$0x41E0] =	vst v2;
	v1 =	vmax.f32 v1, $0.0e+00  }
.Ltmp7:
0xad: {  	[tilespmem:s8+$0x41F0] =	vst v1;
	(pc) =	sbr.rel .LBB2_8-.Ltmp7, $4  }
0xae: {  	[spmem:s2] =	stream.indirect.scatter.add.f32 [tilespmem:s31], [sflag:$0x1], $0x80, s28, s28, $0xb8;
	[tilespmem:$0x1FA00] =	vst v63  }
0xaf: {  	_ =	swait.ge [sflag:s25], $0x4000  }
0xb0: {  	[sflag:s25] =	ssyncset.done $0x0  }
0xb1: {  	[sflag:s25] =	ssyncadd.s32 $0xFFFFC000  }
.LBB2_10:
0xb2: {  	_ =	sfence.sel $0x180000  }
0xb3: {  	[bflag:$0x0] =	sbarrier.arrive $0xFFFF  }
0xb4: {  	_ =	strace $0x9000004D  }
0xb5: {  	s0 =	stileid.u32;
	[bflag:$0x2] =	sbarrier.arrive $0xFFFF  }
0xb6: {  	p0 =	sne.s32 s0, $0x0;
	s0 =	rddreg [dreg:$0x3]  }
0xb7: {  	s0 =	sadd.s32 @!p0 $0x100000, s0  }
0xb8: {  	[sflag:s0] =	ssyncadd.tile.s32 @!p0 $0x1;
	_ =	shalt  }
.Lfunc_end2:
_tile_overlayer_lowered:
.L_overlay_start_2:
0xb9: {  	(tag) =	ssettag $0x2  }
0xba: {  	s0 =	rddreg [dreg:$0x0];
	s2 =	stileid.u32  }
0xbb: {  	s1 =	rddreg [dreg:$0x1];
	p0 =	sne.s32 s2, $0x0  }
0xbc: {  	s3 =	rddreg [dreg:$0x2];
	[bflag:$0x3] =	sbarrier.arrive $0xFFFF;
	s2 =	simm.s32 @!p0 $0x1C01  }
0xbd: {  	[timem:s3], [sflag:s2] =	dma.local @!p0 [hbm:s0], s1  }
0xbe: {  	s0 =	simm.s32 @!p0 $0x1  }
0xbf: {  	_ =	swait.ge @!p0 [sflag:s0], s1  }
0xc0: {  	s1 =	ssub.s32 @!p0 $0x0, s1;
	[sflag:s0] =	ssyncset.done @!p0 $0x0  }
0xc1: {  	[sflag:s0] =	ssyncadd.s32 @!p0 s1  }
0xc2: {  	[bflag:$0x3] =	sbarrier.arrive $0xFFFF  }
0xc3: {  	_ =	shalt  }

// kernel: kernel.33.cloned.1.call-start
scs
__scs_entry_jumppad:
0x0: {  	(pc) =	sbr.rel $0x88, $3  }
0x1: {  	(tag) =	ssettag $0x0;
	lr =	simm.s32 $0x1  }
0x2: {  	[smem:$0x3F95] =	sst lr;
	_ =	strace $0xD0000000  }
0x3: {  	_ = 	snop  }
0x4: {  	_ = 	snop  }
0x5: {  	_ = 	snop  }
0x6: {  	_ = 	snop  }
0x7: {  	_ = 	snop  }
__scs_overlays_trampoline_lowered:
0x8: {  	[smem:$0x3FA4] =	sst s0  }
0x9: {  	[smem:$0x3FA5] =	sst s1  }
0xa: {  	[smem:$0x3FA6] =	sst s2  }
0xb: {  	[smem:$0x3FA7] =	sst s3  }
0xc: {  	[smem:$0x3FA8] =	sst s4  }
0xd: {  	[smem:$0x3FA9] =	sst s5  }
0xe: {  	[smem:$0x3FAA] =	sst s6  }
0xf: {  	[smem:$0x3FAB] =	sst s7  }
0x10: {  	[smem:$0x3FAC] =	sst s8  }
0x11: {  	[smem:$0x3FAD] =	sst s9;
	s0 =	simm.s32 @!p0 $0x0  }
0x12: {  	s1 =	sld [smem:$0x3F93];
	s0 =	simm.s32 @p0 $0x1  }
0x13: {  	[smem:$0x3FAE] =	sst s0;
	s0 =	simm.s32 @!p1 $0x0  }
0x14: {  	s2 =	sld [smem:$0x3F92];
	s0 =	simm.s32 @p1 $0x1  }
0x15: {  	[smem:$0x3FAF] =	sst s0;
	s0 =	simm.s32 @!p2 $0x0  }
0x16: {  	s3 =	sld [smem:$0x3FDB];
	s0 =	simm.s32 @p2 $0x1  }
0x17: {  	s4 =	simm.s32 $0x1BF5;
	[smem:$0x3FB1] =	sst s0  }
0x18: {  	s0 =	sld [smem:$0x3F94];
	_ =	swait.ge [sflag:s4], $0x0  }
0x19: {  	s7 =	sld [smem:$0x3F95]  }
0x1a: {  	s8 =	sadd.s32 $0xFFFFE003, lr  }
0x1b: {  	s9 =	sadd.s32 $0xFFFFFEF7, lr;
	s5 =	simm.s32 $0xFFFFFFFF;
	p2 =	slt.u32 s8, $0xFFFFF086  }
0x1c: {  	p1 =	slt.u32 s9, $0xF7A;
	s5 =	simm.s32 @!p2 $0x0  }
0x1d: {  	s5 =	simm.s32 @p1 $0x1;
	p0 =	seq.s32 s7, s2  }
0x1e: {  	s7 =	smul.u32 @!p0 $0xF7A, s2;
	p2 =	seq.s32 @!p0 s5, $0x0  }
0x1f: {  	s9 =	smul.u32 $0xF7A, s1;
	s8 =	simm.s32 @!p0 $0x1BF5;
	p2 =	por !p2, p0  }
0x20: {  	[sflag:s8] =	ssyncset.s32 @!p0 $0xFFFFF086;
	s6 =	sadd.s32 @!p0 s3, s7;
	s7 =	simm.s32 @!p0 $0x108  }
0x21: {  	s3 =	sadd.s32 s3, s9;
	s6 =	sadd.s32 @!p0 $0x88, s6;
	s7 =	simm.s32 @p2 $0x1082  }
0x22: {  	[simem:s7], [sflag:s8] =	dma.local @!p0 [hbm:s6], $0xF7A  }
0x23: {  	s9 =	sor.u32 $0xD0000000, s2;
	s6 =	simm.s32 $0x108;
	_ =	swait.ge @!p0 [sflag:s8], $0x0  }
0x24: {  	s3 =	sadd.s32 $0x88, s3;
	s6 =	simm.s32 @!p1 $0x1082;
	[sflag:s4] =	ssyncset.s32 $0xFFFFF086  }
0x25: {  	[simem:s6], [sflag:s4] =	dma.local [hbm:s3], $0xF7A  }
0x26: {  	[smem:$0x3F95] =	sst s1;
	(tag) =	ssettag s2;
	_ =	strace s9  }
0x27: {  	s1 =	sld [smem:$0x3FA5]  }
0x28: {  	s2 =	sld [smem:$0x3FA6]  }
0x29: {  	s4 =	sld [smem:$0x3FA8]  }
0x2a: {  	p0 =	seq.s32 s5, $0x0;
	s5 =	sld [smem:$0x3FA9]  }
0x2b: {  	s6 =	sld [smem:$0x3FAA]  }
0x2c: {  	s7 =	sld [smem:$0x3FAB]  }
0x2d: {  	s3 =	simm.s32 $0x108;
	s8 =	sld [smem:$0x3FAC]  }
0x2e: {  	s3 =	simm.s32 @!p0 $0x1082;
	s9 =	sld [smem:$0x3FAD]  }
0x2f: {  	lr =	sadd.s32 s0, s3;
	s0 =	sld [smem:$0x3FA4]  }
0x30: {  	s3 =	sld [smem:$0x3FA7]  }
0x31: {  	[smem:$0x3FB0] =	sst s10  }
0x32: {  	s10 =	sld [smem:$0x3FAE];
	_ =	sdelay $0x3  }
0x33: {  	p0 =	seq.s32 s10, $0x1;
	s10 =	sld [smem:$0x3FB0];
	_ =	sdelay $0x3  }
0x34: {  	[smem:$0x3FB0] =	sst s10  }
0x35: {  	s10 =	sld [smem:$0x3FAF];
	_ =	sdelay $0x3  }
0x36: {  	p1 =	seq.s32 s10, $0x1;
	s10 =	sld [smem:$0x3FB0];
	_ =	sdelay $0x3  }
0x37: {  	[smem:$0x3FB0] =	sst s10  }
0x38: {  	s10 =	sld [smem:$0x3FB1]  }
0x39: {  	_ = 	snop;
	(pc) =	sbr.ind lr, $3  }
0x3a: {  	_ = 	snop  }
0x3b: {  	_ = 	snop  }
0x3c: {  	p2 =	seq.s32 s10, $0x1;
	s10 =	sld [smem:$0x3FB0]  }
0x3d: {  	_ =	shalt  }
0x3e: {  	_ =	shalt  }
0x3f: {  	_ =	shalt  }
0x40: {  	_ =	shalt  }
0x41: {  	_ =	shalt  }
0x42: {  	_ =	shalt  }
0x43: {  	_ =	shalt  }
0x44: {  	_ =	shalt  }
0x45: {  	_ =	shalt  }
0x46: {  	_ =	shalt  }
0x47: {  	_ =	shalt  }
0x48: {  	_ =	shalt  }
0x49: {  	_ =	shalt  }
0x4a: {  	_ =	shalt  }
0x4b: {  	_ =	shalt  }
0x4c: {  	_ =	shalt  }
0x4d: {  	_ =	shalt  }
0x4e: {  	_ =	shalt  }
0x4f: {  	_ =	shalt  }
0x50: {  	_ =	shalt  }
0x51: {  	_ =	shalt  }
0x52: {  	_ =	shalt  }
0x53: {  	_ =	shalt  }
0x54: {  	_ =	shalt  }
0x55: {  	_ =	shalt  }
0x56: {  	_ =	shalt  }
0x57: {  	_ =	shalt  }
0x58: {  	_ =	shalt  }
0x59: {  	_ =	shalt  }
0x5a: {  	_ =	shalt  }
0x5b: {  	_ =	shalt  }
0x5c: {  	_ =	shalt  }
0x5d: {  	_ =	shalt  }
0x5e: {  	_ =	shalt  }
0x5f: {  	_ =	shalt  }
0x60: {  	_ =	shalt  }
0x61: {  	_ =	shalt  }
0x62: {  	_ =	shalt  }
0x63: {  	_ =	shalt  }
0x64: {  	_ =	shalt  }
0x65: {  	_ =	shalt  }
0x66: {  	_ =	shalt  }
0x67: {  	_ =	shalt  }
0x68: {  	_ =	shalt  }
0x69: {  	_ =	shalt  }
0x6a: {  	_ =	shalt  }
0x6b: {  	_ =	shalt  }
0x6c: {  	_ =	shalt  }
0x6d: {  	_ =	shalt  }
0x6e: {  	_ =	shalt  }
0x6f: {  	_ =	shalt  }
0x70: {  	_ =	shalt  }
0x71: {  	_ =	shalt  }
0x72: {  	_ =	shalt  }
0x73: {  	_ =	shalt  }
0x74: {  	_ =	shalt  }
0x75: {  	_ =	shalt  }
0x76: {  	_ =	shalt  }
0x77: {  	_ =	shalt  }
0x78: {  	_ =	shalt  }
0x79: {  	_ =	shalt  }
0x7a: {  	_ =	shalt  }
0x7b: {  	_ =	shalt  }
0x7c: {  	_ =	shalt  }
0x7d: {  	_ =	shalt  }
0x7e: {  	_ =	shalt  }
0x7f: {  	_ =	shalt  }
0x80: {  	_ =	shalt  }
0x81: {  	_ =	shalt  }
0x82: {  	_ =	shalt  }
0x83: {  	_ =	shalt  }
0x84: {  	_ =	shalt  }
0x85: {  	_ =	shalt  }
0x86: {  	_ =	shalt  }
0x87: {  	_ =	shalt  }
.Lfunc_end0:
.L_simem_size_0:
called_computation.3_lowered:
.L_overlay_start_0:
0x88: {  	s2 =	sld [smem:$0x3FD9]  }
0x89: {  	s3 =	sld [smem:$0x3FFE];
	_ =	sdelay $0x1  }
0x8a: {  	s1 =	srdreg.scid  }
0x8b: {  	s0 =	sand.u32 $0x1, s1  }
0x8c: {  	s17 =	sshll.u32 s0, $0xA;
	s2 =	sadd.s32 s3, s2  }
0x8d: {  	s2 =	sadd.s32 s2, s17  }
0x8e: {  	[smem:$0x3FBC] =	sst s2  }
0x8f: {  	_ = 	snop  }
0x90: {  	s2 =	sld [smem:$0x3FD0];
	(tm) =	ssettm $0x1  }
0x91: {  	s18 =	sld [smem:$0x3FFB];
	_ =	sdelay $0x3  }
0x92: {  	_ =	strace s18  }
0x93: {  	s3 =	sld [smem:$0x3FFC];
	_ =	sdelay $0x3  }
0x94: {  	_ =	strace s3  }
0x95: {  	s3 =	sld [smem:$0x3FFD];
	_ =	sdelay $0x3  }
0x96: {  	_ =	strace s3  }
0x97: {  	_ =	strace $0x8FFFFFFF  }
0x98: {  	s19 =	sld [smem:$0x3FDB];
	_ =	sdelay $0x1  }
0x99: {  	s4 =	simm.s32 $_scs_section_size  }
0x9a: {  	s5 =	simm.s32 $_size__tile_overlayer_lowered;
	s6 =	simm.s32 $_tile_overlayer_lowered  }
0x9b: {  	s22 =	simm.s32 $0x1BFF;
	s21 =	sshll.u32 s6, $0x1;
	s3 =	sadd.s32 s4, s19  }
0x9c: {  	s7 =	simm.s32 $0x0;
	s20 =	sshll.u32 s5, $0x1;
	s5 =	sadd.s32 s21, s3  }
0x9d: {  	[timem:s7], [sflag:s22] =	dma.local [hbm:s5], s20  }
0x9e: {  	_ =	swait.ge [sflag:s22], s20  }
0x9f: {  	s4 =	ssub.s32 $0x0, s20;
	[sflag:s22] =	ssyncset.done $0x0  }
0xa0: {  	[sflag:s22] =	ssyncadd.s32 s4;
	_ =	sdelay $0x1  }
0xa1: {  	s23 =	simm.s32 $0x1B8B  }
0xa2: {  	_ =	swait.ge [sflag:s23], $0x1  }
0xa3: {  	[sflag:s23] =	ssyncset.done $0x0  }
0xa4: {  	s25 =	simm.s32 $0x1B8E;
	s24 =	sld [smem:$0x3FFE];
	[sflag:s23] =	ssyncadd.s32 $0xFFFFFFFF  }
0xa5: {  	s26 =	simm.s32 $execute0_lowered;
	[smem:$0x3FD2] =	sst s25  }
0xa6: {  	s5 =	sshll.u32 s26, $0x1;
	_ =	strace $0x8000004F;
	[dreg:$0x1] =	wrdreg $0xFFFFFFFF  }
0xa7: {  	s28 =	simm.s32 $_size_execute0_lowered;
	s3 =	sadd.s32 s3, s5;
	[dreg:$0x0] =	wrdreg $0x0  }
0xa8: {  	s5 =	sshll.u32 s28, $0x1;
	[dreg:$0x2] =	wrdreg s3  }
0xa9: {  	[dreg:$0x3] =	wrdreg s5  }
0xaa: {  	[dreg:$0x4] =	wrdreg $0xC0  }
0xab: {  	_ =	task [dreg:s7], $0x5FFFF  }
0xac: {  	[dreg:$0x1] =	wrdreg $0xFFFFFFFF  }
0xad: {  	[dreg:$0x0] =	wrdreg $0x60  }
0xae: {  	[dreg:$0x2] =	wrdreg s2  }
0xaf: {  	[dreg:$0x3] =	wrdreg s24  }
0xb0: {  	[dreg:$0x4] =	wrdreg $0xC1800  }
0xb1: {  	[dreg:$0x5] =	wrdreg $0x9  }
0xb2: {  	_ =	task.clear_ibuf [dreg:s7], $0x6FFFF;
	_ =	strace $0x9000004F  }
0xb3: {  	s29 =	simm.s32 $0x9;
	_ =	strace $0x80000051  }
0xb4: {  	_ =	swait.ge [sflag:s29], $0x1  }
0xb5: {  	[sflag:s29] =	ssyncadd.s32 $0xFFFFFFFF  }
0xb6: {  	_ =	strace $0x90000051  }
0xb7: {  	_ =	sfence  }
0xb8: {  	s30 =	sld [smem:$0x0];
	_ =	sdelay $0x2  }
0xb9: {  	s31 =	sshll.u32 s1, $0xD;
	s1 =	sshrl.u32 s1, $0x2  }
0xba: {  	s3 =	sand.u32 $0x4000, s31;
	s1 =	sadd.s32 s1, s30  }
0xbb: {  	s0 =	sor.u32 s3, s0;
	s1 =	sshll.u32 s1, $0x11  }
0xbc: {  	s0 =	sor.u32 s1, s0  }
0xbd: {  	s0 =	sadd.s32 $0x8F2B, s0  }
0xbe: {  	[sflag:s0] =	ssyncadd.remote.s32 $0x1  }
0xbf: {  	_ =	sfence.sel $0xFFFF  }
0xc0: {  	[dreg:$0x0] =	wrdreg $0xFFFFFFFF;
	(pc) =	sbr.abs _section_cstart, $3  }
0xc1: {  	[dreg:$0x1] =	wrdreg $0xFFFFFFFF  }
0xc2: {  	_ =	task.clear_ibuf [dreg:s7], $0x2FFFF;
	_ =	strace $0x9FFFFFFF  }
0xc3: {  	(tm) =	ssettm $0x7FFFFFFF  }
tec
execute0_lowered:
.L_overlay_start_1:
0x0: {  	(tag) =	ssettag $0x1  }
0x1: {  	s1 =	rddreg [dreg:$0x0]  }
0x2: {  	s0 =	rddreg [dreg:$0x1]  }
0x3: {  	s2 =	rddreg [dreg:$0x2]  }
0x4: {  	s3 =	simm.s32 $0x0;
	s6 =	srdreg.scid;
	s26 =	stileid.u32  }
0x5: {  	s28 =	simm.s32 $0x80;
	s29 =	simm.s32 $0x100;
	s30 =	simm.s32 $0x180  }
0x6: {  	s31 =	simm.s32 $0x4180;
	[smem:$0x7FF] =	sst s3;
	s4 =	sadd.s32 $0x3CDE00, s0  }
0x7: {  	s5 =	sadd.s32 $0x2BA200, s0;
	s6 =	sand.u32 $0x1, s6;
	s7 =	sadd.s32 $0x2B0400, s0  }
0x8: {  	s9 =	sadd.s32 $0x2C4000, s0;
	s0 =	sadd.s32 $0x5E00, s0;
	s25 =	sshll.u32 s26, $0xE  }
0x9: {  	s24 =	sor.u32 $0x40, s26;
	_ =	strace $0x80000050;
	s8 =	smul.u32 $0x138800, s6  }
0xa: {  	s10 =	ssub.s32 $0x2, s6;
	s14 =	sadd.s32 s25, s2;
	s18 =	sor.u32 $0x40000, s25  }
0xb: {  	s19 =	sor.u32 $0x80000, s25;
	s20 =	sor.u32 $0xC0000, s25;
	s21 =	sshll.u32 s24, $0xE  }
0xc: {  	p0 =	sgt.u32 s24, $0x4D;
	s24 =	simm.s32 $0x8180;
	s11 =	sshrl.u32 s10, $0x1  }
0xd: {  	s15 =	sadd.s32 s18, s2;
	s16 =	sadd.s32 s19, s2;
	s17 =	sadd.s32 s20, s2  }
0xe: {  	p1 =	sne.s32 @!p0 s26, $0x0;
	s12 =	sshrl.u32 s8, $0x3;
	s13 =	ssub.s32 s10, s11  }
0xf: {  	s10 =	sshll.u32 s26, $0x1;
	s11 =	sadd.s32 $0x138000, s2;
	s22 =	sadd.s32 s8, s18  }
0x10: {  	s23 =	sadd.s32 s8, s19;
	s18 =	sadd.s32 s21, s2;
	p1 =	por p1, p0  }
0x11: {  	s26 =	simm.s32 $0x2;
	s12 =	sadd.s32 s0, s12;
	s13 =	smax.u32 s13, $0x1  }
0x12: {  	s22 =	sshrl.u32 s22, $0x3;
	s12 =	sadd.s32 $0x27000, s12;
	[dreg:$0x5] =	wrdreg s13  }
.Ltmp0:
0x13: {  	s23 =	sshrl.u32 s23, $0x3;
	[dreg:$0x4] =	wrdreg s12;
	(pc) =	sbr.rel .LBB2_1-.Ltmp0, $4  }
0x14: {  	s12 =	sadd.s32 s8, s25;
	s25 =	sadd.s32 s8, s20;
	s8 =	sadd.s32 s8, s21  }
0x15: {  	s20 =	sadd.s32 s0, s22;
	s21 =	sadd.s32 s0, s23;
	s12 =	sshrl.u32 s12, $0x3  }
0x16: {  	s25 =	sshrl.u32 s25, $0x3;
	s8 =	sshrl.u32 s8, $0x3;
	s19 =	sadd.s32 s0, s12  }
0x17: {  	v0 =	vimm.f32 $0.0e+00;
	s22 =	sadd.s32 s0, s25;
	s23 =	sadd.s32 s0, s8;
	s25 =	simm.s32 $0x1  }
.LBB2_9:
0x18: {  	s0 =	stileid.u32  }
0x19: {  	s0 =	sshll.u32 s0, $0x6  }
0x1a: {  	[bflag:$0x0] =	sbarrier.arrive $0xFFFF;
	s8 =	sshrl.u32 s14, $0x3;
	s0 =	sor.u32 $0x1C01, s0  }
0x1b: {  	[hbm:s19], [sflag:s0] =	dma.local [spmem:s8], $0x800  }
0x1c: {  	_ =	swait.ge [sflag:s25], $0x800  }
0x1d: {  	[sflag:s25] =	ssyncset.done $0x0  }
0x1e: {  	s12 =	sshrl.u32 s15, $0x3;
	[sflag:s25] =	ssyncadd.s32 $0xFFFFF800  }
0x1f: {  	[hbm:s20], [sflag:s0] =	dma.local [spmem:s12], $0x800  }
0x20: {  	_ =	swait.ge [sflag:s25], $0x800  }
0x21: {  	[sflag:s25] =	ssyncset.done $0x0  }
0x22: {  	s13 =	sshrl.u32 s16, $0x3;
	[sflag:s25] =	ssyncadd.s32 $0xFFFFF800  }
0x23: {  	[hbm:s21], [sflag:s0] =	dma.local [spmem:s13], $0x800  }
0x24: {  	_ =	swait.ge [sflag:s25], $0x800  }
0x25: {  	[sflag:s25] =	ssyncset.done $0x0  }
0x26: {  	s12 =	sshrl.u32 s17, $0x3;
	[sflag:s25] =	ssyncadd.s32 $0xFFFFF800  }
0x27: {  	[hbm:s22], [sflag:s0] =	dma.local [spmem:s12], $0x800  }
0x28: {  	_ =	swait.ge [sflag:s25], $0x800  }
0x29: {  	[sflag:s25] =	ssyncset.done $0x0  }
0x2a: {  	s8 =	sshrl.u32 @!p0 s18, $0x3;
	[sflag:s25] =	ssyncadd.s32 $0xFFFFF800  }
0x2b: {  	[hbm:s23], [sflag:s0] =	dma.local @!p0 [spmem:s8], $0x800  }
0x2c: {  	s0 =	simm.s32 @!p0 $0x1  }
0x2d: {  	_ =	swait.ge @!p0 [sflag:s0], $0x800  }
0x2e: {  	s8 =	simm.s32 @!p1 $0x1C01;
	[sflag:s0] =	ssyncset.done @!p0 $0x0  }
0x2f: {  	s12 =	rddreg [dreg:$0x4];
	[sflag:s0] =	ssyncadd.s32 @!p0 $0xFFFFF800;
	s0 =	sshrl.u32 @!p1 s11, $0x3  }
0x30: {  	[hbm:s12], [sflag:s8] =	dma.local @!p1 [spmem:s0], $0x100  }
0x31: {  	s0 =	simm.s32 @!p1 $0x1  }
0x32: {  	_ =	swait.ge @!p1 [sflag:s0], $0x100  }
0x33: {  	s3 =	sadd.s32 $0x1, s3;
	s13 =	rddreg [dreg:$0x5]  }
0x34: {  	p2 =	sne.s32 s3, s13  }
.Ltmp1:
0x35: {  	_ = 	snop;
	(pc) =	sbr.rel @!p2 .LBB2_10-.Ltmp1, $3  }
0x36: {  	_ =	sdelay $0x1  }
0x37: {  	[sflag:s0] =	ssyncset.done @!p1 $0x0  }
0x38: {  	[sflag:s0] =	ssyncadd.s32 @!p1 $0xFFFFFF00  }
.LBB2_1:
0x39: {  	s0 =	simm.s32 $0x0;
	s8 =	simm.s32 $0x200  }
.LBB2_2:
0x3a: {  	p2 =	sne.s32 s8, $0xFE00;
	[tilespmem:s0+$0x81F0] =	vst v0  }
0x3b: {  	[tilespmem:s0+$0x8180] =	vst v0  }
0x3c: {  	[tilespmem:s0+$0x8190] =	vst v0  }
.Ltmp2:
0x3d: {  	[tilespmem:s0+$0x81A0] =	vst v0;
	(pc) =	sbr.rel @p2 .LBB2_2-.Ltmp2, $4  }
0x3e: {  	[tilespmem:s0+$0x81B0] =	vst v0  }
0x3f: {  	[tilespmem:s0+$0x81C0] =	vst v0  }
0x40: {  	[tilespmem:s0+$0x81D0] =	vst v0  }
0x41: {  	[tilespmem:s0+$0x81E0] =	vst v0;
	s0 =	sshra.s32 s8, $0x2;
	s8 =	sadd.s32 $0x200, s8  }
0x42: {  	[tilespmem:s0+$0x81F0] =	vst v0  }
0x43: {  	[tilespmem:s0+$0x8180] =	vst v0  }
0x44: {  	[tilespmem:s0+$0x8190] =	vst v0  }
0x45: {  	[tilespmem:s0+$0x81A0] =	vst v0  }
0x46: {  	[tilespmem:s0+$0x81B0] =	vst v0  }
0x47: {  	[tilespmem:s0+$0x81C0] =	vst v0  }
0x48: {  	[tilespmem:s0+$0x81D0] =	vst v0  }
0x49: {  	[tilespmem:s0+$0x81E0] =	vst v0  }
0x4a: {  	[spmem:s14] =	stream.linear.scatter [tilespmem:s24], [sflag:$0x1], $0x4000, $0x38;
	[tilespmem:$0x1FA00] =	vst v63  }
0x4b: {  	_ =	swait.ge [sflag:s25], $0x4000  }
0x4c: {  	[sflag:s25] =	ssyncset.done $0x0  }
0x4d: {  	[sflag:s25] =	ssyncadd.s32 $0xFFFFC000  }
0x4e: {  	[spmem:s15] =	stream.linear.scatter [tilespmem:s24], [sflag:$0x1], $0x4000, $0x38;
	[tilespmem:$0x1FA00] =	vst v63  }
0x4f: {  	_ =	swait.ge [sflag:s25], $0x4000  }
0x50: {  	[sflag:s25] =	ssyncset.done $0x0  }
0x51: {  	[sflag:s25] =	ssyncadd.s32 $0xFFFFC000  }
0x52: {  	[spmem:s16] =	stream.linear.scatter [tilespmem:s24], [sflag:$0x1], $0x4000, $0x38;
	[tilespmem:$0x1FA00] =	vst v63  }
0x53: {  	_ =	swait.ge [sflag:s25], $0x4000  }
0x54: {  	[sflag:s25] =	ssyncset.done $0x0  }
0x55: {  	[sflag:s25] =	ssyncadd.s32 $0xFFFFC000  }
0x56: {  	[spmem:s17] =	stream.linear.scatter [tilespmem:s24], [sflag:$0x1], $0x4000, $0x38;
	[tilespmem:$0x1FA00] =	vst v63  }
0x57: {  	_ =	swait.ge [sflag:s25], $0x4000  }
0x58: {  	[sflag:s25] =	ssyncset.done $0x0  }
0x59: {  	s0 =	simm.s32 @!p0 $0x8180;
	[sflag:s25] =	ssyncadd.s32 $0xFFFFC000  }
0x5a: {  	[spmem:s18] =	stream.linear.scatter @!p0 [tilespmem:s0], [sflag:$0x1], $0x4000, $0x38;
	[tilespmem:$0x1FA00] =	vst v63  }
0x5b: {  	s0 =	simm.s32 @!p0 $0x1  }
0x5c: {  	_ =	swait.ge @!p0 [sflag:s0], $0x4000  }
0x5d: {  	[sflag:s0] =	ssyncset.done @!p0 $0x0  }
0x5e: {  	[sflag:s0] =	ssyncadd.s32 @!p0 $0xFFFFC000;
	s0 =	simm.s32 @!p1 $0x8180  }
0x5f: {  	[spmem:s11] =	stream.linear.scatter @!p1 [tilespmem:s0], [sflag:$0x1], $0x800, $0x38;
	[tilespmem:$0x1FA00] =	vst v63  }
0x60: {  	s0 =	simm.s32 @!p1 $0x1  }
.Ltmp3:
0x61: {  	_ =	swait.ge @!p1 [sflag:s0], $0x800;
	(pc) =	sbr.rel .LBB2_4-.Ltmp3, $4  }
0x62: {  	[sflag:s0] =	ssyncset.done @!p1 $0x0  }
0x63: {  	[sflag:s0] =	ssyncadd.s32 @!p1 $0xFFFFF800  }
0x64: {  	[bflag:$0x0] =	sbarrier.arrive $0xFFFF  }
0x65: {  	s0 =	simm.s32 $0x0  }
.LBB2_8:
0x66: {  	s0 =	sadd.s32 $0x1, s0  }
0x67: {  	p2 =	sne.s32 s0, $0x4F  }
.Ltmp4:
0x68: {  	_ = 	snop;
	(pc) =	sbr.rel @!p2 .LBB2_9-.Ltmp4, $1  }
0x69: {  	_ =	sdelay $0x3  }
.LBB2_4:
0x6a: {  	s8 =	sshll.u32 s0, $0x5  }
0x6b: {  	s8 =	sor.u32 s10, s8  }
0x6c: {  	p2 =	sgt.u32 s8, $0x9C3  }
.Ltmp5:
0x6d: {  	_ = 	snop;
	(pc) =	sbr.rel @p2 .LBB2_8-.Ltmp5, $1  }
0x6e: {  	_ =	sdelay $0x3  }
0x6f: {  	s8 =	sor.u32 s6, s8  }
0x70: {  	s8 =	sshll.u32 s8, $0x4  }
0x71: {  	s13 =	simm.s32 $0x0;
	s12 =	sadd.s32 s5, s8  }
0x72: {  	[tilespmem:s13], [sflag:$0x2] =	stream.linear.gather [hbm4b:s12+s13], $0x80, $0x38;
	[tilespmem:$0x1FA00] =	vst v63  }
0x73: {  	_ =	swait.ge [sflag:s26], $0x80  }
0x74: {  	[sflag:s26] =	ssyncset.done $0x0  }
0x75: {  	s12 =	sadd.s32 s7, s8;
	[sflag:s26] =	ssyncadd.s32 $0xFFFFFF80  }
0x76: {  	[tilespmem:s28], [sflag:$0x2] =	stream.linear.gather [hbm4b:s12+s13], $0x80, $0x38;
	[tilespmem:$0x1FA00] =	vst v63  }
0x77: {  	_ =	swait.ge [sflag:s26], $0x80  }
0x78: {  	[sflag:s26] =	ssyncset.done $0x0  }
0x79: {  	s8 =	sadd.s32 s9, s8;
	[sflag:s26] =	ssyncadd.s32 $0xFFFFFF80  }
0x7a: {  	[tilespmem:s29], [sflag:$0x2] =	stream.linear.gather [hbm4b:s8+s13], $0x80, $0x38;
	[tilespmem:$0x1FA00] =	vst v63  }
0x7b: {  	_ =	swait.ge [sflag:s26], $0x80  }
0x7c: {  	[sflag:s26] =	ssyncset.done $0x0  }
0x7d: {  	[sflag:s26] =	ssyncadd.s32 $0xFFFFFF80  }
0x7e: {  	[tilespmem:s30], [sflag:$0x2] =	stream.indirect.gather [hbm4b:s1+s28], $0x80, s13, s28, $0xb8;
	[tilespmem:$0x1FA00] =	vst v63  }
0x7f: {  	_ =	swait.ge [sflag:s26], $0x4000  }
0x80: {  	[sflag:s26] =	ssyncset.done $0x0  }
0x81: {  	[sflag:s26] =	ssyncadd.s32 $0xFFFFC000  }
0x82: {  	[tilespmem:s31], [sflag:$0x2] =	stream.indirect.gather [hbm4b:s4+s28], $0x80, s29, s28, $0xb8;
	[tilespmem:$0x1FA00] =	vst v63  }
0x83: {  	_ =	swait.ge [sflag:s26], $0x4000  }
0x84: {  	[sflag:s26] =	ssyncset.done $0x0  }
0x85: {  	s8 =	simm.s32 $0x0;
	[sflag:s26] =	ssyncadd.s32 $0xFFFFC000  }
0x86: {  	v7 =	vld [tilespmem:s8+$0x180]  }
0x87: {  	v12 =	vld [tilespmem:s8+$0x190]  }
0x88: {  	v6 =	vld [tilespmem:s8+$0x1A0]  }
0x89: {  	v5 =	vld [tilespmem:s8+$0x1B0]  }
0x8a: {  	v4 =	vld [tilespmem:s8+$0x1C0]  }
0x8b: {  	v3 =	vld [tilespmem:s8+$0x1D0]  }
0x8c: {  	v2 =	vld [tilespmem:s8+$0x1E0]  }
0x8d: {  	v1 =	vld [tilespmem:s8+$0x1F0]  }
0x8e: {  	v13 =	vld [tilespmem:s8+$0x4180]  }
0x8f: {  	v14 =	vld [tilespmem:s8+$0x4190]  }
0x90: {  	v11 =	vld [tilespmem:s8+$0x41A0]  }
0x91: {  	v10 =	vld [tilespmem:s8+$0x41B0]  }
0x92: {  	v9 =	vld [tilespmem:s8+$0x41C0]  }
0x93: {  	v8 =	vld [tilespmem:s8+$0x41D0];
	v13 =	vadd.f32 v13, v7  }
0x94: {  	s12 =	simm.s32 $0x200;
	v12 =	vadd.f32 v14, v12;
	v7 =	vld [tilespmem:s8+$0x41E0]  }
.LBB2_6:
0x95: {  	s13 =	sshra.s32 s12, $0x2;
	p2 =	sne.s32 s12, $0xFE00;
	v13 =	vmax.f32 v13, $0.0e+00;
	v6 =	vadd.f32 v11, v6;
	v11 =	vld [tilespmem:s8+$0x41F0]  }
0x96: {  	v14 =	vld [tilespmem:s13+$0x180];
	[tilespmem:s8+$0x4180] =	vst v13;
	v12 =	vmax.f32 v12, $0.0e+00;
	v5 =	vadd.f32 v10, v5  }
0x97: {  	v15 =	vld [tilespmem:s13+$0x190];
	[tilespmem:s8+$0x4190] =	vst v12;
	v10 =	vmax.f32 v6, $0.0e+00;
	v4 =	vadd.f32 v9, v4  }
0x98: {  	v6 =	vld [tilespmem:s13+$0x1A0];
	[tilespmem:s8+$0x41A0] =	vst v10;
	v9 =	vmax.f32 v5, $0.0e+00;
	v3 =	vadd.f32 v8, v3  }
0x99: {  	v5 =	vld [tilespmem:s13+$0x1B0];
	[tilespmem:s8+$0x41B0] =	vst v9;
	v8 =	vmax.f32 v4, $0.0e+00;
	v2 =	vadd.f32 v7, v2  }
0x9a: {  	v4 =	vld [tilespmem:s13+$0x1C0];
	[tilespmem:s8+$0x41C0] =	vst v8;
	v7 =	vmax.f32 v3, $0.0e+00;
	v1 =	vadd.f32 v11, v1  }
0x9b: {  	v3 =	vld [tilespmem:s13+$0x1D0];
	[tilespmem:s8+$0x41D0] =	vst v7;
	v7 =	vmax.f32 v2, $0.0e+00  }
0x9c: {  	v2 =	vld [tilespmem:s13+$0x1E0];
	[tilespmem:s8+$0x41E0] =	vst v7;
	v7 =	vmax.f32 v1, $0.0e+00  }
0x9d: {  	v1 =	vld [tilespmem:s13+$0x1F0];
	[tilespmem:s8+$0x41F0] =	vst v7;
	s8 =	smov.u32 s13  }
0x9e: {  	v7 =	vld [tilespmem:s8+$0x4180]  }
0x9f: {  	v12 =	vld [tilespmem:s8+$0x4190]  }
.Ltmp6:
0xa0: {  	v11 =	vld [tilespmem:s8+$0x41A0];
	(pc) =	sbr.rel @p2 .LBB2_6-.Ltmp6, $4  }
0xa1: {  	v10 =	vld [tilespmem:s8+$0x41B0]  }
0xa2: {  	v9 =	vld [tilespmem:s8+$0x41C0]  }
0xa3: {  	v13 =	vadd.f32 v7, v14;
	v8 =	vld [tilespmem:s8+$0x41D0]  }
0xa4: {  	s12 =	sadd.s32 $0x200, s12;
	v12 =	vadd.f32 v12, v15;
	v7 =	vld [tilespmem:s8+$0x41E0]  }
0xa5: {  	v13 =	vmax.f32 v13, $0.0e+00;
	v6 =	vadd.f32 v11, v6;
	v63 =	vld [tilespmem:s8+$0x41F0]  }
0xa6: {  	[tilespmem:s8+$0x4180] =	vst v13;
	v12 =	vmax.f32 v12, $0.0e+00;
	v5 =	vadd.f32 v10, v5  }
0xa7: {  	[tilespmem:s8+$0x4190] =	vst v12;
	v6 =	vmax.f32 v6, $0.0e+00;
	v4 =	vadd.f32 v9, v4  }
0xa8: {  	[tilespmem:s8+$0x41A0] =	vst v6;
	v5 =	vmax.f32 v5, $0.0e+00;
	v3 =	vadd.f32 v8, v3  }
0xa9: {  	[tilespmem:s8+$0x41B0] =	vst v5;
	v4 =	vmax.f32 v4, $0.0e+00;
	v2 =	vadd.f32 v7, v2  }
0xaa: {  	[tilespmem:s8+$0x41C0] =	vst v4;
	v3 =	vmax.f32 v3, $0.0e+00;
	v1 =	vadd.f32 v63, v1  }
0xab: {  	[tilespmem:s8+$0x41D0] =	vst v3;
	v2 =	vmax.f32 v2, $0.0e+00  }
0xac: {  	[tilespmem:s8+$0x41E0] =	vst v2;
	v1 =	vmax.f32 v1, $0.0e+00  }
.Ltmp7:
0xad: {  	[tilespmem:s8+$0x41F0] =	vst v1;
	(pc) =	sbr.rel .LBB2_8-.Ltmp7, $4  }
0xae: {  	[spmem:s2] =	stream.indirect.scatter.add.f32 [tilespmem:s31], [sflag:$0x1], $0x80, s28, s28, $0xb8;
	[tilespmem:$0x1FA00] =	vst v63  }
0xaf: {  	_ =	swait.ge [sflag:s25], $0x4000  }
0xb0: {  	[sflag:s25] =	ssyncset.done $0x0  }
0xb1: {  	[sflag:s25] =	ssyncadd.s32 $0xFFFFC000  }
.LBB2_10:
0xb2: {  	_ =	sfence.sel $0x180000  }
0xb3: {  	[bflag:$0x0] =	sbarrier.arrive $0xFFFF  }
0xb4: {  	_ =	strace $0x90000050  }
0xb5: {  	s0 =	stileid.u32;
	[bflag:$0x2] =	sbarrier.arrive $0xFFFF  }
0xb6: {  	p0 =	sne.s32 s0, $0x0;
	s0 =	rddreg [dreg:$0x3]  }
0xb7: {  	s0 =	sadd.s32 @!p0 $0x100000, s0  }
0xb8: {  	[sflag:s0] =	ssyncadd.tile.s32 @!p0 $0x1;
	_ =	shalt  }
.Lfunc_end2:
_tile_overlayer_lowered:
.L_overlay_start_2:
0xb9: {  	(tag) =	ssettag $0x2  }
0xba: {  	s0 =	rddreg [dreg:$0x0];
	s2 =	stileid.u32  }
0xbb: {  	s1 =	rddreg [dreg:$0x1];
	p0 =	sne.s32 s2, $0x0  }
0xbc: {  	s3 =	rddreg [dreg:$0x2];
	[bflag:$0x3] =	sbarrier.arrive $0xFFFF;
	s2 =	simm.s32 @!p0 $0x1C01  }
0xbd: {  	[timem:s3], [sflag:s2] =	dma.local @!p0 [hbm:s0], s1  }
0xbe: {  	s0 =	simm.s32 @!p0 $0x1  }
0xbf: {  	_ =	swait.ge @!p0 [sflag:s0], s1  }
0xc0: {  	s1 =	ssub.s32 @!p0 $0x0, s1;
	[sflag:s0] =	ssyncset.done @!p0 $0x0  }
0xc1: {  	[sflag:s0] =	ssyncadd.s32 @!p0 s1  }
0xc2: {  	[bflag:$0x3] =	sbarrier.arrive $0xFFFF  }
0xc3: {  	_ =	shalt  }

// kernel: kernel.36.cloned.1.call-start
scs
__scs_entry_jumppad:
0x0: {  	(pc) =	sbr.rel $0x88, $3  }
0x1: {  	(tag) =	ssettag $0x0;
	lr =	simm.s32 $0x1  }
0x2: {  	[smem:$0x3F95] =	sst lr;
	_ =	strace $0xD0000000  }
0x3: {  	_ = 	snop  }
0x4: {  	_ = 	snop  }
0x5: {  	_ = 	snop  }
0x6: {  	_ = 	snop  }
0x7: {  	_ = 	snop  }
__scs_overlays_trampoline_lowered:
0x8: {  	[smem:$0x3FA4] =	sst s0  }
0x9: {  	[smem:$0x3FA5] =	sst s1  }
0xa: {  	[smem:$0x3FA6] =	sst s2  }
0xb: {  	[smem:$0x3FA7] =	sst s3  }
0xc: {  	[smem:$0x3FA8] =	sst s4  }
0xd: {  	[smem:$0x3FA9] =	sst s5  }
0xe: {  	[smem:$0x3FAA] =	sst s6  }
0xf: {  	[smem:$0x3FAB] =	sst s7  }
0x10: {  	[smem:$0x3FAC] =	sst s8  }
0x11: {  	[smem:$0x3FAD] =	sst s9;
	s0 =	simm.s32 @!p0 $0x0  }
0x12: {  	s1 =	sld [smem:$0x3F93];
	s0 =	simm.s32 @p0 $0x1  }
0x13: {  	[smem:$0x3FAE] =	sst s0;
	s0 =	simm.s32 @!p1 $0x0  }
0x14: {  	s2 =	sld [smem:$0x3F92];
	s0 =	simm.s32 @p1 $0x1  }
0x15: {  	[smem:$0x3FAF] =	sst s0;
	s0 =	simm.s32 @!p2 $0x0  }
0x16: {  	s3 =	sld [smem:$0x3FDB];
	s0 =	simm.s32 @p2 $0x1  }
0x17: {  	s4 =	simm.s32 $0x1BF5;
	[smem:$0x3FB1] =	sst s0  }
0x18: {  	s0 =	sld [smem:$0x3F94];
	_ =	swait.ge [sflag:s4], $0x0  }
0x19: {  	s7 =	sld [smem:$0x3F95]  }
0x1a: {  	s8 =	sadd.s32 $0xFFFFE003, lr  }
0x1b: {  	s9 =	sadd.s32 $0xFFFFFEF7, lr;
	s5 =	simm.s32 $0xFFFFFFFF;
	p2 =	slt.u32 s8, $0xFFFFF086  }
0x1c: {  	p1 =	slt.u32 s9, $0xF7A;
	s5 =	simm.s32 @!p2 $0x0  }
0x1d: {  	s5 =	simm.s32 @p1 $0x1;
	p0 =	seq.s32 s7, s2  }
0x1e: {  	s7 =	smul.u32 @!p0 $0xF7A, s2;
	p2 =	seq.s32 @!p0 s5, $0x0  }
0x1f: {  	s9 =	smul.u32 $0xF7A, s1;
	s8 =	simm.s32 @!p0 $0x1BF5;
	p2 =	por !p2, p0  }
0x20: {  	[sflag:s8] =	ssyncset.s32 @!p0 $0xFFFFF086;
	s6 =	sadd.s32 @!p0 s3, s7;
	s7 =	simm.s32 @!p0 $0x108  }
0x21: {  	s3 =	sadd.s32 s3, s9;
	s6 =	sadd.s32 @!p0 $0x88, s6;
	s7 =	simm.s32 @p2 $0x1082  }
0x22: {  	[simem:s7], [sflag:s8] =	dma.local @!p0 [hbm:s6], $0xF7A  }
0x23: {  	s9 =	sor.u32 $0xD0000000, s2;
	s6 =	simm.s32 $0x108;
	_ =	swait.ge @!p0 [sflag:s8], $0x0  }
0x24: {  	s3 =	sadd.s32 $0x88, s3;
	s6 =	simm.s32 @!p1 $0x1082;
	[sflag:s4] =	ssyncset.s32 $0xFFFFF086  }
0x25: {  	[simem:s6], [sflag:s4] =	dma.local [hbm:s3], $0xF7A  }
0x26: {  	[smem:$0x3F95] =	sst s1;
	(tag) =	ssettag s2;
	_ =	strace s9  }
0x27: {  	s1 =	sld [smem:$0x3FA5]  }
0x28: {  	s2 =	sld [smem:$0x3FA6]  }
0x29: {  	s4 =	sld [smem:$0x3FA8]  }
0x2a: {  	p0 =	seq.s32 s5, $0x0;
	s5 =	sld [smem:$0x3FA9]  }
0x2b: {  	s6 =	sld [smem:$0x3FAA]  }
0x2c: {  	s7 =	sld [smem:$0x3FAB]  }
0x2d: {  	s3 =	simm.s32 $0x108;
	s8 =	sld [smem:$0x3FAC]  }
0x2e: {  	s3 =	simm.s32 @!p0 $0x1082;
	s9 =	sld [smem:$0x3FAD]  }
0x2f: {  	lr =	sadd.s32 s0, s3;
	s0 =	sld [smem:$0x3FA4]  }
0x30: {  	s3 =	sld [smem:$0x3FA7]  }
0x31: {  	[smem:$0x3FB0] =	sst s10  }
0x32: {  	s10 =	sld [smem:$0x3FAE];
	_ =	sdelay $0x3  }
0x33: {  	p0 =	seq.s32 s10, $0x1;
	s10 =	sld [smem:$0x3FB0];
	_ =	sdelay $0x3  }
0x34: {  	[smem:$0x3FB0] =	sst s10  }
0x35: {  	s10 =	sld [smem:$0x3FAF];
	_ =	sdelay $0x3  }
0x36: {  	p1 =	seq.s32 s10, $0x1;
	s10 =	sld [smem:$0x3FB0];
	_ =	sdelay $0x3  }
0x37: {  	[smem:$0x3FB0] =	sst s10  }
0x38: {  	s10 =	sld [smem:$0x3FB1]  }
0x39: {  	_ = 	snop;
	(pc) =	sbr.ind lr, $3  }
0x3a: {  	_ = 	snop  }
0x3b: {  	_ = 	snop  }
0x3c: {  	p2 =	seq.s32 s10, $0x1;
	s10 =	sld [smem:$0x3FB0]  }
0x3d: {  	_ =	shalt  }
0x3e: {  	_ =	shalt  }
0x3f: {  	_ =	shalt  }
0x40: {  	_ =	shalt  }
0x41: {  	_ =	shalt  }
0x42: {  	_ =	shalt  }
0x43: {  	_ =	shalt  }
0x44: {  	_ =	shalt  }
0x45: {  	_ =	shalt  }
0x46: {  	_ =	shalt  }
0x47: {  	_ =	shalt  }
0x48: {  	_ =	shalt  }
0x49: {  	_ =	shalt  }
0x4a: {  	_ =	shalt  }
0x4b: {  	_ =	shalt  }
0x4c: {  	_ =	shalt  }
0x4d: {  	_ =	shalt  }
0x4e: {  	_ =	shalt  }
0x4f: {  	_ =	shalt  }
0x50: {  	_ =	shalt  }
0x51: {  	_ =	shalt  }
0x52: {  	_ =	shalt  }
0x53: {  	_ =	shalt  }
0x54: {  	_ =	shalt  }
0x55: {  	_ =	shalt  }
0x56: {  	_ =	shalt  }
0x57: {  	_ =	shalt  }
0x58: {  	_ =	shalt  }
0x59: {  	_ =	shalt  }
0x5a: {  	_ =	shalt  }
0x5b: {  	_ =	shalt  }
0x5c: {  	_ =	shalt  }
0x5d: {  	_ =	shalt  }
0x5e: {  	_ =	shalt  }
0x5f: {  	_ =	shalt  }
0x60: {  	_ =	shalt  }
0x61: {  	_ =	shalt  }
0x62: {  	_ =	shalt  }
0x63: {  	_ =	shalt  }
0x64: {  	_ =	shalt  }
0x65: {  	_ =	shalt  }
0x66: {  	_ =	shalt  }
0x67: {  	_ =	shalt  }
0x68: {  	_ =	shalt  }
0x69: {  	_ =	shalt  }
0x6a: {  	_ =	shalt  }
0x6b: {  	_ =	shalt  }
0x6c: {  	_ =	shalt  }
0x6d: {  	_ =	shalt  }
0x6e: {  	_ =	shalt  }
0x6f: {  	_ =	shalt  }
0x70: {  	_ =	shalt  }
0x71: {  	_ =	shalt  }
0x72: {  	_ =	shalt  }
0x73: {  	_ =	shalt  }
0x74: {  	_ =	shalt  }
0x75: {  	_ =	shalt  }
0x76: {  	_ =	shalt  }
0x77: {  	_ =	shalt  }
0x78: {  	_ =	shalt  }
0x79: {  	_ =	shalt  }
0x7a: {  	_ =	shalt  }
0x7b: {  	_ =	shalt  }
0x7c: {  	_ =	shalt  }
0x7d: {  	_ =	shalt  }
0x7e: {  	_ =	shalt  }
0x7f: {  	_ =	shalt  }
0x80: {  	_ =	shalt  }
0x81: {  	_ =	shalt  }
0x82: {  	_ =	shalt  }
0x83: {  	_ =	shalt  }
0x84: {  	_ =	shalt  }
0x85: {  	_ =	shalt  }
0x86: {  	_ =	shalt  }
0x87: {  	_ =	shalt  }
.Lfunc_end0:
.L_simem_size_0:
called_computation.4_lowered:
.L_overlay_start_0:
0x88: {  	s2 =	sld [smem:$0x3FD9]  }
0x89: {  	s3 =	sld [smem:$0x3FFE];
	_ =	sdelay $0x1  }
0x8a: {  	s1 =	srdreg.scid  }
0x8b: {  	s0 =	sand.u32 $0x1, s1  }
0x8c: {  	s17 =	sshll.u32 s0, $0xA;
	s2 =	sadd.s32 s3, s2  }
0x8d: {  	s2 =	sadd.s32 s2, s17  }
0x8e: {  	[smem:$0x3FBC] =	sst s2  }
0x8f: {  	_ = 	snop  }
0x90: {  	s2 =	sld [smem:$0x3FD0];
	(tm) =	ssettm $0x1  }
0x91: {  	s18 =	sld [smem:$0x3FFB];
	_ =	sdelay $0x3  }
0x92: {  	_ =	strace s18  }
0x93: {  	s3 =	sld [smem:$0x3FFC];
	_ =	sdelay $0x3  }
0x94: {  	_ =	strace s3  }
0x95: {  	s3 =	sld [smem:$0x3FFD];
	_ =	sdelay $0x3  }
0x96: {  	_ =	strace s3  }
0x97: {  	_ =	strace $0x8FFFFFFF  }
0x98: {  	s19 =	sld [smem:$0x3FDB];
	_ =	sdelay $0x1  }
0x99: {  	s4 =	simm.s32 $_scs_section_size  }
0x9a: {  	s5 =	simm.s32 $_size__tile_overlayer_lowered;
	s6 =	simm.s32 $_tile_overlayer_lowered  }
0x9b: {  	s22 =	simm.s32 $0x1BFF;
	s21 =	sshll.u32 s6, $0x1;
	s3 =	sadd.s32 s4, s19  }
0x9c: {  	s7 =	simm.s32 $0x0;
	s20 =	sshll.u32 s5, $0x1;
	s5 =	sadd.s32 s21, s3  }
0x9d: {  	[timem:s7], [sflag:s22] =	dma.local [hbm:s5], s20  }
0x9e: {  	_ =	swait.ge [sflag:s22], s20  }
0x9f: {  	s4 =	ssub.s32 $0x0, s20;
	[sflag:s22] =	ssyncset.done $0x0  }
0xa0: {  	[sflag:s22] =	ssyncadd.s32 s4;
	_ =	sdelay $0x1  }
0xa1: {  	s23 =	simm.s32 $0x1B8B  }
0xa2: {  	_ =	swait.ge [sflag:s23], $0x1  }
0xa3: {  	[sflag:s23] =	ssyncset.done $0x0  }
0xa4: {  	s25 =	simm.s32 $0x1B8E;
	s24 =	sld [smem:$0x3FFE];
	[sflag:s23] =	ssyncadd.s32 $0xFFFFFFFF  }
0xa5: {  	s26 =	simm.s32 $execute0_lowered;
	[smem:$0x3FD2] =	sst s25  }
0xa6: {  	s5 =	sshll.u32 s26, $0x1;
	_ =	strace $0x80000052;
	[dreg:$0x1] =	wrdreg $0xFFFFFFFF  }
0xa7: {  	s28 =	simm.s32 $_size_execute0_lowered;
	s3 =	sadd.s32 s3, s5;
	[dreg:$0x0] =	wrdreg $0x0  }
0xa8: {  	s5 =	sshll.u32 s28, $0x1;
	[dreg:$0x2] =	wrdreg s3  }
0xa9: {  	[dreg:$0x3] =	wrdreg s5  }
0xaa: {  	[dreg:$0x4] =	wrdreg $0xC0  }
0xab: {  	_ =	task [dreg:s7], $0x5FFFF  }
0xac: {  	[dreg:$0x1] =	wrdreg $0xFFFFFFFF  }
0xad: {  	[dreg:$0x0] =	wrdreg $0x60  }
0xae: {  	[dreg:$0x2] =	wrdreg s2  }
0xaf: {  	[dreg:$0x3] =	wrdreg s24  }
0xb0: {  	[dreg:$0x4] =	wrdreg $0xC1800  }
0xb1: {  	[dreg:$0x5] =	wrdreg $0x9  }
0xb2: {  	_ =	task.clear_ibuf [dreg:s7], $0x6FFFF;
	_ =	strace $0x90000052  }
0xb3: {  	s29 =	simm.s32 $0x9;
	_ =	strace $0x80000054  }
0xb4: {  	_ =	swait.ge [sflag:s29], $0x1  }
0xb5: {  	[sflag:s29] =	ssyncadd.s32 $0xFFFFFFFF  }
0xb6: {  	_ =	strace $0x90000054  }
0xb7: {  	_ =	sfence  }
0xb8: {  	s30 =	sld [smem:$0x0];
	_ =	sdelay $0x2  }
0xb9: {  	s31 =	sshll.u32 s1, $0xD;
	s1 =	sshrl.u32 s1, $0x2  }
0xba: {  	s3 =	sand.u32 $0x4000, s31;
	s1 =	sadd.s32 s1, s30  }
0xbb: {  	s0 =	sor.u32 s3, s0;
	s1 =	sshll.u32 s1, $0x11  }
0xbc: {  	s0 =	sor.u32 s1, s0  }
0xbd: {  	s0 =	sadd.s32 $0x8F2B, s0  }
0xbe: {  	[sflag:s0] =	ssyncadd.remote.s32 $0x1  }
0xbf: {  	_ =	sfence.sel $0xFFFF  }
0xc0: {  	[dreg:$0x0] =	wrdreg $0xFFFFFFFF;
	(pc) =	sbr.abs _section_cstart, $3  }
0xc1: {  	[dreg:$0x1] =	wrdreg $0xFFFFFFFF  }
0xc2: {  	_ =	task.clear_ibuf [dreg:s7], $0x2FFFF;
	_ =	strace $0x9FFFFFFF  }
0xc3: {  	(tm) =	ssettm $0x7FFFFFFF  }
tec
execute0_lowered:
.L_overlay_start_1:
0x0: {  	(tag) =	ssettag $0x1  }
0x1: {  	s1 =	rddreg [dreg:$0x0]  }
0x2: {  	s0 =	rddreg [dreg:$0x1]  }
0x3: {  	s2 =	rddreg [dreg:$0x2]  }
0x4: {  	s3 =	simm.s32 $0x0;
	s6 =	srdreg.scid;
	s26 =	stileid.u32  }
0x5: {  	s28 =	simm.s32 $0x80;
	s29 =	simm.s32 $0x100;
	s30 =	simm.s32 $0x180  }
0x6: {  	s31 =	simm.s32 $0x4180;
	[smem:$0x7FF] =	sst s3;
	s4 =	sadd.s32 $0x44DE00, s0  }
0x7: {  	s5 =	sadd.s32 $0x2BA200, s0;
	s6 =	sand.u32 $0x1, s6;
	s7 =	sadd.s32 $0x2B0400, s0  }
0x8: {  	s9 =	sadd.s32 $0x2C4000, s0;
	s0 =	sadd.s32 $0x5E00, s0;
	s25 =	sshll.u32 s26, $0xE  }
0x9: {  	s24 =	sor.u32 $0x40, s26;
	_ =	strace $0x80000053;
	s8 =	smul.u32 $0x138800, s6  }
0xa: {  	s10 =	ssub.s32 $0x2, s6;
	s14 =	sadd.s32 s25, s2;
	s18 =	sor.u32 $0x40000, s25  }
0xb: {  	s19 =	sor.u32 $0x80000, s25;
	s20 =	sor.u32 $0xC0000, s25;
	s21 =	sshll.u32 s24, $0xE  }
0xc: {  	p0 =	sgt.u32 s24, $0x4D;
	s24 =	simm.s32 $0x8180;
	s11 =	sshrl.u32 s10, $0x1  }
0xd: {  	s15 =	sadd.s32 s18, s2;
	s16 =	sadd.s32 s19, s2;
	s17 =	sadd.s32 s20, s2  }
0xe: {  	p1 =	sne.s32 @!p0 s26, $0x0;
	s12 =	sshrl.u32 s8, $0x3;
	s13 =	ssub.s32 s10, s11  }
0xf: {  	s10 =	sshll.u32 s26, $0x1;
	s11 =	sadd.s32 $0x138000, s2;
	s22 =	sadd.s32 s8, s18  }
0x10: {  	s23 =	sadd.s32 s8, s19;
	s18 =	sadd.s32 s21, s2;
	p1 =	por p1, p0  }
0x11: {  	s26 =	simm.s32 $0x2;
	s12 =	sadd.s32 s0, s12;
	s13 =	smax.u32 s13, $0x1  }
0x12: {  	s22 =	sshrl.u32 s22, $0x3;
	s12 =	sadd.s32 $0x27000, s12;
	[dreg:$0x5] =	wrdreg s13  }
.Ltmp0:
0x13: {  	s23 =	sshrl.u32 s23, $0x3;
	[dreg:$0x4] =	wrdreg s12;
	(pc) =	sbr.rel .LBB2_1-.Ltmp0, $4  }
0x14: {  	s12 =	sadd.s32 s8, s25;
	s25 =	sadd.s32 s8, s20;
	s8 =	sadd.s32 s8, s21  }
0x15: {  	s20 =	sadd.s32 s0, s22;
	s21 =	sadd.s32 s0, s23;
	s12 =	sshrl.u32 s12, $0x3  }
0x16: {  	s25 =	sshrl.u32 s25, $0x3;
	s8 =	sshrl.u32 s8, $0x3;
	s19 =	sadd.s32 s0, s12  }
0x17: {  	v0 =	vimm.f32 $0.0e+00;
	s22 =	sadd.s32 s0, s25;
	s23 =	sadd.s32 s0, s8;
	s25 =	simm.s32 $0x1  }
.LBB2_9:
0x18: {  	s0 =	stileid.u32  }
0x19: {  	s0 =	sshll.u32 s0, $0x6  }
0x1a: {  	[bflag:$0x0] =	sbarrier.arrive $0xFFFF;
	s8 =	sshrl.u32 s14, $0x3;
	s0 =	sor.u32 $0x1C01, s0  }
0x1b: {  	[hbm:s19], [sflag:s0] =	dma.local [spmem:s8], $0x800  }
0x1c: {  	_ =	swait.ge [sflag:s25], $0x800  }
0x1d: {  	[sflag:s25] =	ssyncset.done $0x0  }
0x1e: {  	s12 =	sshrl.u32 s15, $0x3;
	[sflag:s25] =	ssyncadd.s32 $0xFFFFF800  }
0x1f: {  	[hbm:s20], [sflag:s0] =	dma.local [spmem:s12], $0x800  }
0x20: {  	_ =	swait.ge [sflag:s25], $0x800  }
0x21: {  	[sflag:s25] =	ssyncset.done $0x0  }
0x22: {  	s13 =	sshrl.u32 s16, $0x3;
	[sflag:s25] =	ssyncadd.s32 $0xFFFFF800  }
0x23: {  	[hbm:s21], [sflag:s0] =	dma.local [spmem:s13], $0x800  }
0x24: {  	_ =	swait.ge [sflag:s25], $0x800  }
0x25: {  	[sflag:s25] =	ssyncset.done $0x0  }
0x26: {  	s12 =	sshrl.u32 s17, $0x3;
	[sflag:s25] =	ssyncadd.s32 $0xFFFFF800  }
0x27: {  	[hbm:s22], [sflag:s0] =	dma.local [spmem:s12], $0x800  }
0x28: {  	_ =	swait.ge [sflag:s25], $0x800  }
0x29: {  	[sflag:s25] =	ssyncset.done $0x0  }
0x2a: {  	s8 =	sshrl.u32 @!p0 s18, $0x3;
	[sflag:s25] =	ssyncadd.s32 $0xFFFFF800  }
0x2b: {  	[hbm:s23], [sflag:s0] =	dma.local @!p0 [spmem:s8], $0x800  }
0x2c: {  	s0 =	simm.s32 @!p0 $0x1  }
0x2d: {  	_ =	swait.ge @!p0 [sflag:s0], $0x800  }
0x2e: {  	s8 =	simm.s32 @!p1 $0x1C01;
	[sflag:s0] =	ssyncset.done @!p0 $0x0  }
0x2f: {  	s12 =	rddreg [dreg:$0x4];
	[sflag:s0] =	ssyncadd.s32 @!p0 $0xFFFFF800;
	s0 =	sshrl.u32 @!p1 s11, $0x3  }
0x30: {  	[hbm:s12], [sflag:s8] =	dma.local @!p1 [spmem:s0], $0x100  }
0x31: {  	s0 =	simm.s32 @!p1 $0x1  }
0x32: {  	_ =	swait.ge @!p1 [sflag:s0], $0x100  }
0x33: {  	s3 =	sadd.s32 $0x1, s3;
	s13 =	rddreg [dreg:$0x5]  }
0x34: {  	p2 =	sne.s32 s3, s13  }
.Ltmp1:
0x35: {  	_ = 	snop;
	(pc) =	sbr.rel @!p2 .LBB2_10-.Ltmp1, $3  }
0x36: {  	_ =	sdelay $0x1  }
0x37: {  	[sflag:s0] =	ssyncset.done @!p1 $0x0  }
0x38: {  	[sflag:s0] =	ssyncadd.s32 @!p1 $0xFFFFFF00  }
.LBB2_1:
0x39: {  	s0 =	simm.s32 $0x0;
	s8 =	simm.s32 $0x200  }
.LBB2_2:
0x3a: {  	p2 =	sne.s32 s8, $0xFE00;
	[tilespmem:s0+$0x81F0] =	vst v0  }
0x3b: {  	[tilespmem:s0+$0x8180] =	vst v0  }
0x3c: {  	[tilespmem:s0+$0x8190] =	vst v0  }
.Ltmp2:
0x3d: {  	[tilespmem:s0+$0x81A0] =	vst v0;
	(pc) =	sbr.rel @p2 .LBB2_2-.Ltmp2, $4  }
0x3e: {  	[tilespmem:s0+$0x81B0] =	vst v0  }
0x3f: {  	[tilespmem:s0+$0x81C0] =	vst v0  }
0x40: {  	[tilespmem:s0+$0x81D0] =	vst v0  }
0x41: {  	[tilespmem:s0+$0x81E0] =	vst v0;
	s0 =	sshra.s32 s8, $0x2;
	s8 =	sadd.s32 $0x200, s8  }
0x42: {  	[tilespmem:s0+$0x81F0] =	vst v0  }
0x43: {  	[tilespmem:s0+$0x8180] =	vst v0  }
0x44: {  	[tilespmem:s0+$0x8190] =	vst v0  }
0x45: {  	[tilespmem:s0+$0x81A0] =	vst v0  }
0x46: {  	[tilespmem:s0+$0x81B0] =	vst v0  }
0x47: {  	[tilespmem:s0+$0x81C0] =	vst v0  }
0x48: {  	[tilespmem:s0+$0x81D0] =	vst v0  }
0x49: {  	[tilespmem:s0+$0x81E0] =	vst v0  }
0x4a: {  	[spmem:s14] =	stream.linear.scatter [tilespmem:s24], [sflag:$0x1], $0x4000, $0x38;
	[tilespmem:$0x1FA00] =	vst v63  }
0x4b: {  	_ =	swait.ge [sflag:s25], $0x4000  }
0x4c: {  	[sflag:s25] =	ssyncset.done $0x0  }
0x4d: {  	[sflag:s25] =	ssyncadd.s32 $0xFFFFC000  }
0x4e: {  	[spmem:s15] =	stream.linear.scatter [tilespmem:s24], [sflag:$0x1], $0x4000, $0x38;
	[tilespmem:$0x1FA00] =	vst v63  }
0x4f: {  	_ =	swait.ge [sflag:s25], $0x4000  }
0x50: {  	[sflag:s25] =	ssyncset.done $0x0  }
0x51: {  	[sflag:s25] =	ssyncadd.s32 $0xFFFFC000  }
0x52: {  	[spmem:s16] =	stream.linear.scatter [tilespmem:s24], [sflag:$0x1], $0x4000, $0x38;
	[tilespmem:$0x1FA00] =	vst v63  }
0x53: {  	_ =	swait.ge [sflag:s25], $0x4000  }
0x54: {  	[sflag:s25] =	ssyncset.done $0x0  }
0x55: {  	[sflag:s25] =	ssyncadd.s32 $0xFFFFC000  }
0x56: {  	[spmem:s17] =	stream.linear.scatter [tilespmem:s24], [sflag:$0x1], $0x4000, $0x38;
	[tilespmem:$0x1FA00] =	vst v63  }
0x57: {  	_ =	swait.ge [sflag:s25], $0x4000  }
0x58: {  	[sflag:s25] =	ssyncset.done $0x0  }
0x59: {  	s0 =	simm.s32 @!p0 $0x8180;
	[sflag:s25] =	ssyncadd.s32 $0xFFFFC000  }
0x5a: {  	[spmem:s18] =	stream.linear.scatter @!p0 [tilespmem:s0], [sflag:$0x1], $0x4000, $0x38;
	[tilespmem:$0x1FA00] =	vst v63  }
0x5b: {  	s0 =	simm.s32 @!p0 $0x1  }
0x5c: {  	_ =	swait.ge @!p0 [sflag:s0], $0x4000  }
0x5d: {  	[sflag:s0] =	ssyncset.done @!p0 $0x0  }
0x5e: {  	[sflag:s0] =	ssyncadd.s32 @!p0 $0xFFFFC000;
	s0 =	simm.s32 @!p1 $0x8180  }
0x5f: {  	[spmem:s11] =	stream.linear.scatter @!p1 [tilespmem:s0], [sflag:$0x1], $0x800, $0x38;
	[tilespmem:$0x1FA00] =	vst v63  }
0x60: {  	s0 =	simm.s32 @!p1 $0x1  }
.Ltmp3:
0x61: {  	_ =	swait.ge @!p1 [sflag:s0], $0x800;
	(pc) =	sbr.rel .LBB2_4-.Ltmp3, $4  }
0x62: {  	[sflag:s0] =	ssyncset.done @!p1 $0x0  }
0x63: {  	[sflag:s0] =	ssyncadd.s32 @!p1 $0xFFFFF800  }
0x64: {  	[bflag:$0x0] =	sbarrier.arrive $0xFFFF  }
0x65: {  	s0 =	simm.s32 $0x0  }
.LBB2_8:
0x66: {  	s0 =	sadd.s32 $0x1, s0  }
0x67: {  	p2 =	sne.s32 s0, $0x4F  }
.Ltmp4:
0x68: {  	_ = 	snop;
	(pc) =	sbr.rel @!p2 .LBB2_9-.Ltmp4, $1  }
0x69: {  	_ =	sdelay $0x3  }
.LBB2_4:
0x6a: {  	s8 =	sshll.u32 s0, $0x5  }
0x6b: {  	s8 =	sor.u32 s10, s8  }
0x6c: {  	p2 =	sgt.u32 s8, $0x9C3  }
.Ltmp5:
0x6d: {  	_ = 	snop;
	(pc) =	sbr.rel @p2 .LBB2_8-.Ltmp5, $1  }
0x6e: {  	_ =	sdelay $0x3  }
0x6f: {  	s8 =	sor.u32 s6, s8  }
0x70: {  	s8 =	sshll.u32 s8, $0x4  }
0x71: {  	s13 =	simm.s32 $0x0;
	s12 =	sadd.s32 s5, s8  }
0x72: {  	[tilespmem:s13], [sflag:$0x2] =	stream.linear.gather [hbm4b:s12+s13], $0x80, $0x38;
	[tilespmem:$0x1FA00] =	vst v63  }
0x73: {  	_ =	swait.ge [sflag:s26], $0x80  }
0x74: {  	[sflag:s26] =	ssyncset.done $0x0  }
0x75: {  	s12 =	sadd.s32 s7, s8;
	[sflag:s26] =	ssyncadd.s32 $0xFFFFFF80  }
0x76: {  	[tilespmem:s28], [sflag:$0x2] =	stream.linear.gather [hbm4b:s12+s13], $0x80, $0x38;
	[tilespmem:$0x1FA00] =	vst v63  }
0x77: {  	_ =	swait.ge [sflag:s26], $0x80  }
0x78: {  	[sflag:s26] =	ssyncset.done $0x0  }
0x79: {  	s8 =	sadd.s32 s9, s8;
	[sflag:s26] =	ssyncadd.s32 $0xFFFFFF80  }
0x7a: {  	[tilespmem:s29], [sflag:$0x2] =	stream.linear.gather [hbm4b:s8+s13], $0x80, $0x38;
	[tilespmem:$0x1FA00] =	vst v63  }
0x7b: {  	_ =	swait.ge [sflag:s26], $0x80  }
0x7c: {  	[sflag:s26] =	ssyncset.done $0x0  }
0x7d: {  	[sflag:s26] =	ssyncadd.s32 $0xFFFFFF80  }
0x7e: {  	[tilespmem:s30], [sflag:$0x2] =	stream.indirect.gather [hbm4b:s1+s28], $0x80, s13, s28, $0xb8;
	[tilespmem:$0x1FA00] =	vst v63  }
0x7f: {  	_ =	swait.ge [sflag:s26], $0x4000  }
0x80: {  	[sflag:s26] =	ssyncset.done $0x0  }
0x81: {  	[sflag:s26] =	ssyncadd.s32 $0xFFFFC000  }
0x82: {  	[tilespmem:s31], [sflag:$0x2] =	stream.indirect.gather [hbm4b:s4+s28], $0x80, s29, s28, $0xb8;
	[tilespmem:$0x1FA00] =	vst v63  }
0x83: {  	_ =	swait.ge [sflag:s26], $0x4000  }
0x84: {  	[sflag:s26] =	ssyncset.done $0x0  }
0x85: {  	s8 =	simm.s32 $0x0;
	[sflag:s26] =	ssyncadd.s32 $0xFFFFC000  }
0x86: {  	v7 =	vld [tilespmem:s8+$0x180]  }
0x87: {  	v12 =	vld [tilespmem:s8+$0x190]  }
0x88: {  	v6 =	vld [tilespmem:s8+$0x1A0]  }
0x89: {  	v5 =	vld [tilespmem:s8+$0x1B0]  }
0x8a: {  	v4 =	vld [tilespmem:s8+$0x1C0]  }
0x8b: {  	v3 =	vld [tilespmem:s8+$0x1D0]  }
0x8c: {  	v2 =	vld [tilespmem:s8+$0x1E0]  }
0x8d: {  	v1 =	vld [tilespmem:s8+$0x1F0]  }
0x8e: {  	v13 =	vld [tilespmem:s8+$0x4180]  }
0x8f: {  	v14 =	vld [tilespmem:s8+$0x4190]  }
0x90: {  	v11 =	vld [tilespmem:s8+$0x41A0]  }
0x91: {  	v10 =	vld [tilespmem:s8+$0x41B0]  }
0x92: {  	v9 =	vld [tilespmem:s8+$0x41C0]  }
0x93: {  	v8 =	vld [tilespmem:s8+$0x41D0];
	v13 =	vadd.f32 v13, v7  }
0x94: {  	s12 =	simm.s32 $0x200;
	v12 =	vadd.f32 v14, v12;
	v7 =	vld [tilespmem:s8+$0x41E0]  }
.LBB2_6:
0x95: {  	s13 =	sshra.s32 s12, $0x2;
	p2 =	sne.s32 s12, $0xFE00;
	v13 =	vmax.f32 v13, $0.0e+00;
	v6 =	vadd.f32 v11, v6;
	v11 =	vld [tilespmem:s8+$0x41F0]  }
0x96: {  	v14 =	vld [tilespmem:s13+$0x180];
	[tilespmem:s8+$0x4180] =	vst v13;
	v12 =	vmax.f32 v12, $0.0e+00;
	v5 =	vadd.f32 v10, v5  }
0x97: {  	v15 =	vld [tilespmem:s13+$0x190];
	[tilespmem:s8+$0x4190] =	vst v12;
	v10 =	vmax.f32 v6, $0.0e+00;
	v4 =	vadd.f32 v9, v4  }
0x98: {  	v6 =	vld [tilespmem:s13+$0x1A0];
	[tilespmem:s8+$0x41A0] =	vst v10;
	v9 =	vmax.f32 v5, $0.0e+00;
	v3 =	vadd.f32 v8, v3  }
0x99: {  	v5 =	vld [tilespmem:s13+$0x1B0];
	[tilespmem:s8+$0x41B0] =	vst v9;
	v8 =	vmax.f32 v4, $0.0e+00;
	v2 =	vadd.f32 v7, v2  }
0x9a: {  	v4 =	vld [tilespmem:s13+$0x1C0];
	[tilespmem:s8+$0x41C0] =	vst v8;
	v7 =	vmax.f32 v3, $0.0e+00;
	v1 =	vadd.f32 v11, v1  }
0x9b: {  	v3 =	vld [tilespmem:s13+$0x1D0];
	[tilespmem:s8+$0x41D0] =	vst v7;
	v7 =	vmax.f32 v2, $0.0e+00  }
0x9c: {  	v2 =	vld [tilespmem:s13+$0x1E0];
	[tilespmem:s8+$0x41E0] =	vst v7;
	v7 =	vmax.f32 v1, $0.0e+00  }
0x9d: {  	v1 =	vld [tilespmem:s13+$0x1F0];
	[tilespmem:s8+$0x41F0] =	vst v7;
	s8 =	smov.u32 s13  }
0x9e: {  	v7 =	vld [tilespmem:s8+$0x4180]  }
0x9f: {  	v12 =	vld [tilespmem:s8+$0x4190]  }
.Ltmp6:
0xa0: {  	v11 =	vld [tilespmem:s8+$0x41A0];
	(pc) =	sbr.rel @p2 .LBB2_6-.Ltmp6, $4  }
0xa1: {  	v10 =	vld [tilespmem:s8+$0x41B0]  }
0xa2: {  	v9 =	vld [tilespmem:s8+$0x41C0]  }
0xa3: {  	v13 =	vadd.f32 v7, v14;
	v8 =	vld [tilespmem:s8+$0x41D0]  }
0xa4: {  	s12 =	sadd.s32 $0x200, s12;
	v12 =	vadd.f32 v12, v15;
	v7 =	vld [tilespmem:s8+$0x41E0]  }
0xa5: {  	v13 =	vmax.f32 v13, $0.0e+00;
	v6 =	vadd.f32 v11, v6;
	v63 =	vld [tilespmem:s8+$0x41F0]  }
0xa6: {  	[tilespmem:s8+$0x4180] =	vst v13;
	v12 =	vmax.f32 v12, $0.0e+00;
	v5 =	vadd.f32 v10, v5  }
0xa7: {  	[tilespmem:s8+$0x4190] =	vst v12;
	v6 =	vmax.f32 v6, $0.0e+00;
	v4 =	vadd.f32 v9, v4  }
0xa8: {  	[tilespmem:s8+$0x41A0] =	vst v6;
	v5 =	vmax.f32 v5, $0.0e+00;
	v3 =	vadd.f32 v8, v3  }
0xa9: {  	[tilespmem:s8+$0x41B0] =	vst v5;
	v4 =	vmax.f32 v4, $0.0e+00;
	v2 =	vadd.f32 v7, v2  }
0xaa: {  	[tilespmem:s8+$0x41C0] =	vst v4;
	v3 =	vmax.f32 v3, $0.0e+00;
	v1 =	vadd.f32 v63, v1  }
0xab: {  	[tilespmem:s8+$0x41D0] =	vst v3;
	v2 =	vmax.f32 v2, $0.0e+00  }
0xac: {  	[tilespmem:s8+$0x41E0] =	vst v2;
	v1 =	vmax.f32 v1, $0.0e+00  }
.Ltmp7:
0xad: {  	[tilespmem:s8+$0x41F0] =	vst v1;
	(pc) =	sbr.rel .LBB2_8-.Ltmp7, $4  }
0xae: {  	[spmem:s2] =	stream.indirect.scatter.add.f32 [tilespmem:s31], [sflag:$0x1], $0x80, s28, s28, $0xb8;
	[tilespmem:$0x1FA00] =	vst v63  }
0xaf: {  	_ =	swait.ge [sflag:s25], $0x4000  }
0xb0: {  	[sflag:s25] =	ssyncset.done $0x0  }
0xb1: {  	[sflag:s25] =	ssyncadd.s32 $0xFFFFC000  }
.LBB2_10:
0xb2: {  	_ =	sfence.sel $0x180000  }
0xb3: {  	[bflag:$0x0] =	sbarrier.arrive $0xFFFF  }
0xb4: {  	_ =	strace $0x90000053  }
0xb5: {  	s0 =	stileid.u32;
	[bflag:$0x2] =	sbarrier.arrive $0xFFFF  }
0xb6: {  	p0 =	sne.s32 s0, $0x0;
	s0 =	rddreg [dreg:$0x3]  }
0xb7: {  	s0 =	sadd.s32 @!p0 $0x100000, s0  }
0xb8: {  	[sflag:s0] =	ssyncadd.tile.s32 @!p0 $0x1;
	_ =	shalt  }
.Lfunc_end2:
_tile_overlayer_lowered:
.L_overlay_start_2:
0xb9: {  	(tag) =	ssettag $0x2  }
0xba: {  	s0 =	rddreg [dreg:$0x0];
	s2 =	stileid.u32  }
0xbb: {  	s1 =	rddreg [dreg:$0x1];
	p0 =	sne.s32 s2, $0x0  }
0xbc: {  	s3 =	rddreg [dreg:$0x2];
	[bflag:$0x3] =	sbarrier.arrive $0xFFFF;
	s2 =	simm.s32 @!p0 $0x1C01  }
0xbd: {  	[timem:s3], [sflag:s2] =	dma.local @!p0 [hbm:s0], s1  }
0xbe: {  	s0 =	simm.s32 @!p0 $0x1  }
0xbf: {  	_ =	swait.ge @!p0 [sflag:s0], s1  }
0xc0: {  	s1 =	ssub.s32 @!p0 $0x0, s1;
	[sflag:s0] =	ssyncset.done @!p0 $0x0  }
0xc1: {  	[sflag:s0] =	ssyncadd.s32 @!p0 s1  }
0xc2: {  	[bflag:$0x3] =	sbarrier.arrive $0xFFFF  }
0xc3: {  	_ =	shalt  }

// kernel: kernel.39.cloned.1.call-start
scs
__scs_entry_jumppad:
0x0: {  	(pc) =	sbr.rel $0x88, $3  }
0x1: {  	(tag) =	ssettag $0x0;
	lr =	simm.s32 $0x1  }
0x2: {  	[smem:$0x3F95] =	sst lr;
	_ =	strace $0xD0000000  }
0x3: {  	_ = 	snop  }
0x4: {  	_ = 	snop  }
0x5: {  	_ = 	snop  }
0x6: {  	_ = 	snop  }
0x7: {  	_ = 	snop  }
__scs_overlays_trampoline_lowered:
0x8: {  	[smem:$0x3FA4] =	sst s0  }
0x9: {  	[smem:$0x3FA5] =	sst s1  }
0xa: {  	[smem:$0x3FA6] =	sst s2  }
0xb: {  	[smem:$0x3FA7] =	sst s3  }
0xc: {  	[smem:$0x3FA8] =	sst s4  }
0xd: {  	[smem:$0x3FA9] =	sst s5  }
0xe: {  	[smem:$0x3FAA] =	sst s6  }
0xf: {  	[smem:$0x3FAB] =	sst s7  }
0x10: {  	[smem:$0x3FAC] =	sst s8  }
0x11: {  	[smem:$0x3FAD] =	sst s9;
	s0 =	simm.s32 @!p0 $0x0  }
0x12: {  	s1 =	sld [smem:$0x3F93];
	s0 =	simm.s32 @p0 $0x1  }
0x13: {  	[smem:$0x3FAE] =	sst s0;
	s0 =	simm.s32 @!p1 $0x0  }
0x14: {  	s2 =	sld [smem:$0x3F92];
	s0 =	simm.s32 @p1 $0x1  }
0x15: {  	[smem:$0x3FAF] =	sst s0;
	s0 =	simm.s32 @!p2 $0x0  }
0x16: {  	s3 =	sld [smem:$0x3FDB];
	s0 =	simm.s32 @p2 $0x1  }
0x17: {  	s4 =	simm.s32 $0x1BF5;
	[smem:$0x3FB1] =	sst s0  }
0x18: {  	s0 =	sld [smem:$0x3F94];
	_ =	swait.ge [sflag:s4], $0x0  }
0x19: {  	s7 =	sld [smem:$0x3F95]  }
0x1a: {  	s8 =	sadd.s32 $0xFFFFE003, lr  }
0x1b: {  	s9 =	sadd.s32 $0xFFFFFEF7, lr;
	s5 =	simm.s32 $0xFFFFFFFF;
	p2 =	slt.u32 s8, $0xFFFFF086  }
0x1c: {  	p1 =	slt.u32 s9, $0xF7A;
	s5 =	simm.s32 @!p2 $0x0  }
0x1d: {  	s5 =	simm.s32 @p1 $0x1;
	p0 =	seq.s32 s7, s2  }
0x1e: {  	s7 =	smul.u32 @!p0 $0xF7A, s2;
	p2 =	seq.s32 @!p0 s5, $0x0  }
0x1f: {  	s9 =	smul.u32 $0xF7A, s1;
	s8 =	simm.s32 @!p0 $0x1BF5;
	p2 =	por !p2, p0  }
0x20: {  	[sflag:s8] =	ssyncset.s32 @!p0 $0xFFFFF086;
	s6 =	sadd.s32 @!p0 s3, s7;
	s7 =	simm.s32 @!p0 $0x108  }
0x21: {  	s3 =	sadd.s32 s3, s9;
	s6 =	sadd.s32 @!p0 $0x88, s6;
	s7 =	simm.s32 @p2 $0x1082  }
0x22: {  	[simem:s7], [sflag:s8] =	dma.local @!p0 [hbm:s6], $0xF7A  }
0x23: {  	s9 =	sor.u32 $0xD0000000, s2;
	s6 =	simm.s32 $0x108;
	_ =	swait.ge @!p0 [sflag:s8], $0x0  }
0x24: {  	s3 =	sadd.s32 $0x88, s3;
	s6 =	simm.s32 @!p1 $0x1082;
	[sflag:s4] =	ssyncset.s32 $0xFFFFF086  }
0x25: {  	[simem:s6], [sflag:s4] =	dma.local [hbm:s3], $0xF7A  }
0x26: {  	[smem:$0x3F95] =	sst s1;
	(tag) =	ssettag s2;
	_ =	strace s9  }
0x27: {  	s1 =	sld [smem:$0x3FA5]  }
0x28: {  	s2 =	sld [smem:$0x3FA6]  }
0x29: {  	s4 =	sld [smem:$0x3FA8]  }
0x2a: {  	p0 =	seq.s32 s5, $0x0;
	s5 =	sld [smem:$0x3FA9]  }
0x2b: {  	s6 =	sld [smem:$0x3FAA]  }
0x2c: {  	s7 =	sld [smem:$0x3FAB]  }
0x2d: {  	s3 =	simm.s32 $0x108;
	s8 =	sld [smem:$0x3FAC]  }
0x2e: {  	s3 =	simm.s32 @!p0 $0x1082;
	s9 =	sld [smem:$0x3FAD]  }
0x2f: {  	lr =	sadd.s32 s0, s3;
	s0 =	sld [smem:$0x3FA4]  }
0x30: {  	s3 =	sld [smem:$0x3FA7]  }
0x31: {  	[smem:$0x3FB0] =	sst s10  }
0x32: {  	s10 =	sld [smem:$0x3FAE];
	_ =	sdelay $0x3  }
0x33: {  	p0 =	seq.s32 s10, $0x1;
	s10 =	sld [smem:$0x3FB0];
	_ =	sdelay $0x3  }
0x34: {  	[smem:$0x3FB0] =	sst s10  }
0x35: {  	s10 =	sld [smem:$0x3FAF];
	_ =	sdelay $0x3  }
0x36: {  	p1 =	seq.s32 s10, $0x1;
	s10 =	sld [smem:$0x3FB0];
	_ =	sdelay $0x3  }
0x37: {  	[smem:$0x3FB0] =	sst s10  }
0x38: {  	s10 =	sld [smem:$0x3FB1]  }
0x39: {  	_ = 	snop;
	(pc) =	sbr.ind lr, $3  }
0x3a: {  	_ = 	snop  }
0x3b: {  	_ = 	snop  }
0x3c: {  	p2 =	seq.s32 s10, $0x1;
	s10 =	sld [smem:$0x3FB0]  }
0x3d: {  	_ =	shalt  }
0x3e: {  	_ =	shalt  }
0x3f: {  	_ =	shalt  }
0x40: {  	_ =	shalt  }
0x41: {  	_ =	shalt  }
0x42: {  	_ =	shalt  }
0x43: {  	_ =	shalt  }
0x44: {  	_ =	shalt  }
0x45: {  	_ =	shalt  }
0x46: {  	_ =	shalt  }
0x47: {  	_ =	shalt  }
0x48: {  	_ =	shalt  }
0x49: {  	_ =	shalt  }
0x4a: {  	_ =	shalt  }
0x4b: {  	_ =	shalt  }
0x4c: {  	_ =	shalt  }
0x4d: {  	_ =	shalt  }
0x4e: {  	_ =	shalt  }
0x4f: {  	_ =	shalt  }
0x50: {  	_ =	shalt  }
0x51: {  	_ =	shalt  }
0x52: {  	_ =	shalt  }
0x53: {  	_ =	shalt  }
0x54: {  	_ =	shalt  }
0x55: {  	_ =	shalt  }
0x56: {  	_ =	shalt  }
0x57: {  	_ =	shalt  }
0x58: {  	_ =	shalt  }
0x59: {  	_ =	shalt  }
0x5a: {  	_ =	shalt  }
0x5b: {  	_ =	shalt  }
0x5c: {  	_ =	shalt  }
0x5d: {  	_ =	shalt  }
0x5e: {  	_ =	shalt  }
0x5f: {  	_ =	shalt  }
0x60: {  	_ =	shalt  }
0x61: {  	_ =	shalt  }
0x62: {  	_ =	shalt  }
0x63: {  	_ =	shalt  }
0x64: {  	_ =	shalt  }
0x65: {  	_ =	shalt  }
0x66: {  	_ =	shalt  }
0x67: {  	_ =	shalt  }
0x68: {  	_ =	shalt  }
0x69: {  	_ =	shalt  }
0x6a: {  	_ =	shalt  }
0x6b: {  	_ =	shalt  }
0x6c: {  	_ =	shalt  }
0x6d: {  	_ =	shalt  }
0x6e: {  	_ =	shalt  }
0x6f: {  	_ =	shalt  }
0x70: {  	_ =	shalt  }
0x71: {  	_ =	shalt  }
0x72: {  	_ =	shalt  }
0x73: {  	_ =	shalt  }
0x74: {  	_ =	shalt  }
0x75: {  	_ =	shalt  }
0x76: {  	_ =	shalt  }
0x77: {  	_ =	shalt  }
0x78: {  	_ =	shalt  }
0x79: {  	_ =	shalt  }
0x7a: {  	_ =	shalt  }
0x7b: {  	_ =	shalt  }
0x7c: {  	_ =	shalt  }
0x7d: {  	_ =	shalt  }
0x7e: {  	_ =	shalt  }
0x7f: {  	_ =	shalt  }
0x80: {  	_ =	shalt  }
0x81: {  	_ =	shalt  }
0x82: {  	_ =	shalt  }
0x83: {  	_ =	shalt  }
0x84: {  	_ =	shalt  }
0x85: {  	_ =	shalt  }
0x86: {  	_ =	shalt  }
0x87: {  	_ =	shalt  }
.Lfunc_end0:
.L_simem_size_0:
called_computation.5_lowered:
.L_overlay_start_0:
0x88: {  	s2 =	sld [smem:$0x3FD9]  }
0x89: {  	s3 =	sld [smem:$0x3FFE];
	_ =	sdelay $0x1  }
0x8a: {  	s1 =	srdreg.scid  }
0x8b: {  	s0 =	sand.u32 $0x1, s1  }
0x8c: {  	s17 =	sshll.u32 s0, $0xA;
	s2 =	sadd.s32 s3, s2  }
0x8d: {  	s2 =	sadd.s32 s2, s17  }
0x8e: {  	[smem:$0x3FBC] =	sst s2  }
0x8f: {  	_ = 	snop  }
0x90: {  	s2 =	sld [smem:$0x3FD0];
	(tm) =	ssettm $0x1  }
0x91: {  	s18 =	sld [smem:$0x3FFB];
	_ =	sdelay $0x3  }
0x92: {  	_ =	strace s18  }
0x93: {  	s3 =	sld [smem:$0x3FFC];
	_ =	sdelay $0x3  }
0x94: {  	_ =	strace s3  }
0x95: {  	s3 =	sld [smem:$0x3FFD];
	_ =	sdelay $0x3  }
0x96: {  	_ =	strace s3  }
0x97: {  	_ =	strace $0x8FFFFFFF  }
0x98: {  	s19 =	sld [smem:$0x3FDB];
	_ =	sdelay $0x1  }
0x99: {  	s4 =	simm.s32 $_scs_section_size  }
0x9a: {  	s5 =	simm.s32 $_size__tile_overlayer_lowered;
	s6 =	simm.s32 $_tile_overlayer_lowered  }
0x9b: {  	s22 =	simm.s32 $0x1BFF;
	s21 =	sshll.u32 s6, $0x1;
	s3 =	sadd.s32 s4, s19  }
0x9c: {  	s7 =	simm.s32 $0x0;
	s20 =	sshll.u32 s5, $0x1;
	s5 =	sadd.s32 s21, s3  }
0x9d: {  	[timem:s7], [sflag:s22] =	dma.local [hbm:s5], s20  }
0x9e: {  	_ =	swait.ge [sflag:s22], s20  }
0x9f: {  	s4 =	ssub.s32 $0x0, s20;
	[sflag:s22] =	ssyncset.done $0x0  }
0xa0: {  	[sflag:s22] =	ssyncadd.s32 s4;
	_ =	sdelay $0x1  }
0xa1: {  	s23 =	simm.s32 $0x1B8B  }
0xa2: {  	_ =	swait.ge [sflag:s23], $0x1  }
0xa3: {  	[sflag:s23] =	ssyncset.done $0x0  }
0xa4: {  	s25 =	simm.s32 $0x1B8E;
	s24 =	sld [smem:$0x3FFE];
	[sflag:s23] =	ssyncadd.s32 $0xFFFFFFFF  }
0xa5: {  	s26 =	simm.s32 $execute0_lowered;
	[smem:$0x3FD2] =	sst s25  }
0xa6: {  	s5 =	sshll.u32 s26, $0x1;
	_ =	strace $0x80000055;
	[dreg:$0x1] =	wrdreg $0xFFFFFFFF  }
0xa7: {  	s28 =	simm.s32 $_size_execute0_lowered;
	s3 =	sadd.s32 s3, s5;
	[dreg:$0x0] =	wrdreg $0x0  }
0xa8: {  	s5 =	sshll.u32 s28, $0x1;
	[dreg:$0x2] =	wrdreg s3  }
0xa9: {  	[dreg:$0x3] =	wrdreg s5  }
0xaa: {  	[dreg:$0x4] =	wrdreg $0xC0  }
0xab: {  	_ =	task [dreg:s7], $0x5FFFF  }
0xac: {  	[dreg:$0x1] =	wrdreg $0xFFFFFFFF  }
0xad: {  	[dreg:$0x0] =	wrdreg $0x60  }
0xae: {  	[dreg:$0x2] =	wrdreg s2  }
0xaf: {  	[dreg:$0x3] =	wrdreg s24  }
0xb0: {  	[dreg:$0x4] =	wrdreg $0xC1800  }
0xb1: {  	[dreg:$0x5] =	wrdreg $0x9  }
0xb2: {  	_ =	task.clear_ibuf [dreg:s7], $0x6FFFF;
	_ =	strace $0x90000055  }
0xb3: {  	s29 =	simm.s32 $0x9;
	_ =	strace $0x80000057  }
0xb4: {  	_ =	swait.ge [sflag:s29], $0x1  }
0xb5: {  	[sflag:s29] =	ssyncadd.s32 $0xFFFFFFFF  }
0xb6: {  	_ =	strace $0x90000057  }
0xb7: {  	_ =	sfence  }
0xb8: {  	s30 =	sld [smem:$0x0];
	_ =	sdelay $0x2  }
0xb9: {  	s31 =	sshll.u32 s1, $0xD;
	s1 =	sshrl.u32 s1, $0x2  }
0xba: {  	s3 =	sand.u32 $0x4000, s31;
	s1 =	sadd.s32 s1, s30  }
0xbb: {  	s0 =	sor.u32 s3, s0;
	s1 =	sshll.u32 s1, $0x11  }
0xbc: {  	s0 =	sor.u32 s1, s0  }
0xbd: {  	s0 =	sadd.s32 $0x8F2B, s0  }
0xbe: {  	[sflag:s0] =	ssyncadd.remote.s32 $0x1  }
0xbf: {  	_ =	sfence.sel $0xFFFF  }
0xc0: {  	[dreg:$0x0] =	wrdreg $0xFFFFFFFF;
	(pc) =	sbr.abs _section_cstart, $3  }
0xc1: {  	[dreg:$0x1] =	wrdreg $0xFFFFFFFF  }
0xc2: {  	_ =	task.clear_ibuf [dreg:s7], $0x2FFFF;
	_ =	strace $0x9FFFFFFF  }
0xc3: {  	(tm) =	ssettm $0x7FFFFFFF  }
tec
execute0_lowered:
.L_overlay_start_1:
0x0: {  	(tag) =	ssettag $0x1  }
0x1: {  	s1 =	rddreg [dreg:$0x0]  }
0x2: {  	s0 =	rddreg [dreg:$0x1]  }
0x3: {  	s2 =	rddreg [dreg:$0x2]  }
0x4: {  	s3 =	simm.s32 $0x0;
	s6 =	srdreg.scid;
	s26 =	stileid.u32  }
0x5: {  	s28 =	simm.s32 $0x80;
	s29 =	simm.s32 $0x100;
	s30 =	simm.s32 $0x180  }
0x6: {  	s31 =	simm.s32 $0x4180;
	[smem:$0x7FF] =	sst s3;
	s4 =	sadd.s32 $0x4CDE00, s0  }
0x7: {  	s5 =	sadd.s32 $0x2BA200, s0;
	s6 =	sand.u32 $0x1, s6;
	s7 =	sadd.s32 $0x2B0400, s0  }
0x8: {  	s9 =	sadd.s32 $0x2C4000, s0;
	s0 =	sadd.s32 $0x5E00, s0;
	s25 =	sshll.u32 s26, $0xE  }
0x9: {  	s24 =	sor.u32 $0x40, s26;
	_ =	strace $0x80000056;
	s8 =	smul.u32 $0x138800, s6  }
0xa: {  	s10 =	ssub.s32 $0x2, s6;
	s14 =	sadd.s32 s25, s2;
	s18 =	sor.u32 $0x40000, s25  }
0xb: {  	s19 =	sor.u32 $0x80000, s25;
	s20 =	sor.u32 $0xC0000, s25;
	s21 =	sshll.u32 s24, $0xE  }
0xc: {  	p0 =	sgt.u32 s24, $0x4D;
	s24 =	simm.s32 $0x8180;
	s11 =	sshrl.u32 s10, $0x1  }
0xd: {  	s15 =	sadd.s32 s18, s2;
	s16 =	sadd.s32 s19, s2;
	s17 =	sadd.s32 s20, s2  }
0xe: {  	p1 =	sne.s32 @!p0 s26, $0x0;
	s12 =	sshrl.u32 s8, $0x3;
	s13 =	ssub.s32 s10, s11  }
0xf: {  	s10 =	sshll.u32 s26, $0x1;
	s11 =	sadd.s32 $0x138000, s2;
	s22 =	sadd.s32 s8, s18  }
0x10: {  	s23 =	sadd.s32 s8, s19;
	s18 =	sadd.s32 s21, s2;
	p1 =	por p1, p0  }
0x11: {  	s26 =	simm.s32 $0x2;
	s12 =	sadd.s32 s0, s12;
	s13 =	smax.u32 s13, $0x1  }
0x12: {  	s22 =	sshrl.u32 s22, $0x3;
	s12 =	sadd.s32 $0x27000, s12;
	[dreg:$0x5] =	wrdreg s13  }
.Ltmp0:
0x13: {  	s23 =	sshrl.u32 s23, $0x3;
	[dreg:$0x4] =	wrdreg s12;
	(pc) =	sbr.rel .LBB2_1-.Ltmp0, $4  }
0x14: {  	s12 =	sadd.s32 s8, s25;
	s25 =	sadd.s32 s8, s20;
	s8 =	sadd.s32 s8, s21  }
0x15: {  	s20 =	sadd.s32 s0, s22;
	s21 =	sadd.s32 s0, s23;
	s12 =	sshrl.u32 s12, $0x3  }
0x16: {  	s25 =	sshrl.u32 s25, $0x3;
	s8 =	sshrl.u32 s8, $0x3;
	s19 =	sadd.s32 s0, s12  }
0x17: {  	v0 =	vimm.f32 $0.0e+00;
	s22 =	sadd.s32 s0, s25;
	s23 =	sadd.s32 s0, s8;
	s25 =	simm.s32 $0x1  }
.LBB2_9:
0x18: {  	s0 =	stileid.u32  }
0x19: {  	s0 =	sshll.u32 s0, $0x6  }
0x1a: {  	[bflag:$0x0] =	sbarrier.arrive $0xFFFF;
	s8 =	sshrl.u32 s14, $0x3;
	s0 =	sor.u32 $0x1C01, s0  }
0x1b: {  	[hbm:s19], [sflag:s0] =	dma.local [spmem:s8], $0x800  }
0x1c: {  	_ =	swait.ge [sflag:s25], $0x800  }
0x1d: {  	[sflag:s25] =	ssyncset.done $0x0  }
0x1e: {  	s12 =	sshrl.u32 s15, $0x3;
	[sflag:s25] =	ssyncadd.s32 $0xFFFFF800  }
0x1f: {  	[hbm:s20], [sflag:s0] =	dma.local [spmem:s12], $0x800  }
0x20: {  	_ =	swait.ge [sflag:s25], $0x800  }
0x21: {  	[sflag:s25] =	ssyncset.done $0x0  }
0x22: {  	s13 =	sshrl.u32 s16, $0x3;
	[sflag:s25] =	ssyncadd.s32 $0xFFFFF800  }
0x23: {  	[hbm:s21], [sflag:s0] =	dma.local [spmem:s13], $0x800  }
0x24: {  	_ =	swait.ge [sflag:s25], $0x800  }
0x25: {  	[sflag:s25] =	ssyncset.done $0x0  }
0x26: {  	s12 =	sshrl.u32 s17, $0x3;
	[sflag:s25] =	ssyncadd.s32 $0xFFFFF800  }
0x27: {  	[hbm:s22], [sflag:s0] =	dma.local [spmem:s12], $0x800  }
0x28: {  	_ =	swait.ge [sflag:s25], $0x800  }
0x29: {  	[sflag:s25] =	ssyncset.done $0x0  }
0x2a: {  	s8 =	sshrl.u32 @!p0 s18, $0x3;
	[sflag:s25] =	ssyncadd.s32 $0xFFFFF800  }
0x2b: {  	[hbm:s23], [sflag:s0] =	dma.local @!p0 [spmem:s8], $0x800  }
0x2c: {  	s0 =	simm.s32 @!p0 $0x1  }
0x2d: {  	_ =	swait.ge @!p0 [sflag:s0], $0x800  }
0x2e: {  	s8 =	simm.s32 @!p1 $0x1C01;
	[sflag:s0] =	ssyncset.done @!p0 $0x0  }
0x2f: {  	s12 =	rddreg [dreg:$0x4];
	[sflag:s0] =	ssyncadd.s32 @!p0 $0xFFFFF800;
	s0 =	sshrl.u32 @!p1 s11, $0x3  }
0x30: {  	[hbm:s12], [sflag:s8] =	dma.local @!p1 [spmem:s0], $0x100  }
0x31: {  	s0 =	simm.s32 @!p1 $0x1  }
0x32: {  	_ =	swait.ge @!p1 [sflag:s0], $0x100  }
0x33: {  	s3 =	sadd.s32 $0x1, s3;
	s13 =	rddreg [dreg:$0x5]  }
0x34: {  	p2 =	sne.s32 s3, s13  }
.Ltmp1:
0x35: {  	_ = 	snop;
	(pc) =	sbr.rel @!p2 .LBB2_10-.Ltmp1, $3  }
0x36: {  	_ =	sdelay $0x1  }
0x37: {  	[sflag:s0] =	ssyncset.done @!p1 $0x0  }
0x38: {  	[sflag:s0] =	ssyncadd.s32 @!p1 $0xFFFFFF00  }
.LBB2_1:
0x39: {  	s0 =	simm.s32 $0x0;
	s8 =	simm.s32 $0x200  }
.LBB2_2:
0x3a: {  	p2 =	sne.s32 s8, $0xFE00;
	[tilespmem:s0+$0x81F0] =	vst v0  }
0x3b: {  	[tilespmem:s0+$0x8180] =	vst v0  }
0x3c: {  	[tilespmem:s0+$0x8190] =	vst v0  }
.Ltmp2:
0x3d: {  	[tilespmem:s0+$0x81A0] =	vst v0;
	(pc) =	sbr.rel @p2 .LBB2_2-.Ltmp2, $4  }
0x3e: {  	[tilespmem:s0+$0x81B0] =	vst v0  }
0x3f: {  	[tilespmem:s0+$0x81C0] =	vst v0  }
0x40: {  	[tilespmem:s0+$0x81D0] =	vst v0  }
0x41: {  	[tilespmem:s0+$0x81E0] =	vst v0;
	s0 =	sshra.s32 s8, $0x2;
	s8 =	sadd.s32 $0x200, s8  }
0x42: {  	[tilespmem:s0+$0x81F0] =	vst v0  }
0x43: {  	[tilespmem:s0+$0x8180] =	vst v0  }
0x44: {  	[tilespmem:s0+$0x8190] =	vst v0  }
0x45: {  	[tilespmem:s0+$0x81A0] =	vst v0  }
0x46: {  	[tilespmem:s0+$0x81B0] =	vst v0  }
0x47: {  	[tilespmem:s0+$0x81C0] =	vst v0  }
0x48: {  	[tilespmem:s0+$0x81D0] =	vst v0  }
0x49: {  	[tilespmem:s0+$0x81E0] =	vst v0  }
0x4a: {  	[spmem:s14] =	stream.linear.scatter [tilespmem:s24], [sflag:$0x1], $0x4000, $0x38;
	[tilespmem:$0x1FA00] =	vst v63  }
0x4b: {  	_ =	swait.ge [sflag:s25], $0x4000  }
0x4c: {  	[sflag:s25] =	ssyncset.done $0x0  }
0x4d: {  	[sflag:s25] =	ssyncadd.s32 $0xFFFFC000  }
0x4e: {  	[spmem:s15] =	stream.linear.scatter [tilespmem:s24], [sflag:$0x1], $0x4000, $0x38;
	[tilespmem:$0x1FA00] =	vst v63  }
0x4f: {  	_ =	swait.ge [sflag:s25], $0x4000  }
0x50: {  	[sflag:s25] =	ssyncset.done $0x0  }
0x51: {  	[sflag:s25] =	ssyncadd.s32 $0xFFFFC000  }
0x52: {  	[spmem:s16] =	stream.linear.scatter [tilespmem:s24], [sflag:$0x1], $0x4000, $0x38;
	[tilespmem:$0x1FA00] =	vst v63  }
0x53: {  	_ =	swait.ge [sflag:s25], $0x4000  }
0x54: {  	[sflag:s25] =	ssyncset.done $0x0  }
0x55: {  	[sflag:s25] =	ssyncadd.s32 $0xFFFFC000  }
0x56: {  	[spmem:s17] =	stream.linear.scatter [tilespmem:s24], [sflag:$0x1], $0x4000, $0x38;
	[tilespmem:$0x1FA00] =	vst v63  }
0x57: {  	_ =	swait.ge [sflag:s25], $0x4000  }
0x58: {  	[sflag:s25] =	ssyncset.done $0x0  }
0x59: {  	s0 =	simm.s32 @!p0 $0x8180;
	[sflag:s25] =	ssyncadd.s32 $0xFFFFC000  }
0x5a: {  	[spmem:s18] =	stream.linear.scatter @!p0 [tilespmem:s0], [sflag:$0x1], $0x4000, $0x38;
	[tilespmem:$0x1FA00] =	vst v63  }
0x5b: {  	s0 =	simm.s32 @!p0 $0x1  }
0x5c: {  	_ =	swait.ge @!p0 [sflag:s0], $0x4000  }
0x5d: {  	[sflag:s0] =	ssyncset.done @!p0 $0x0  }
0x5e: {  	[sflag:s0] =	ssyncadd.s32 @!p0 $0xFFFFC000;
	s0 =	simm.s32 @!p1 $0x8180  }
0x5f: {  	[spmem:s11] =	stream.linear.scatter @!p1 [tilespmem:s0], [sflag:$0x1], $0x800, $0x38;
	[tilespmem:$0x1FA00] =	vst v63  }
0x60: {  	s0 =	simm.s32 @!p1 $0x1  }
.Ltmp3:
0x61: {  	_ =	swait.ge @!p1 [sflag:s0], $0x800;
	(pc) =	sbr.rel .LBB2_4-.Ltmp3, $4  }
0x62: {  	[sflag:s0] =	ssyncset.done @!p1 $0x0  }
0x63: {  	[sflag:s0] =	ssyncadd.s32 @!p1 $0xFFFFF800  }
0x64: {  	[bflag:$0x0] =	sbarrier.arrive $0xFFFF  }
0x65: {  	s0 =	simm.s32 $0x0  }
.LBB2_8:
0x66: {  	s0 =	sadd.s32 $0x1, s0  }
0x67: {  	p2 =	sne.s32 s0, $0x4F  }
.Ltmp4:
0x68: {  	_ = 	snop;
	(pc) =	sbr.rel @!p2 .LBB2_9-.Ltmp4, $1  }
0x69: {  	_ =	sdelay $0x3  }
.LBB2_4:
0x6a: {  	s8 =	sshll.u32 s0, $0x5  }
0x6b: {  	s8 =	sor.u32 s10, s8  }
0x6c: {  	p2 =	sgt.u32 s8, $0x9C3  }
.Ltmp5:
0x6d: {  	_ = 	snop;
	(pc) =	sbr.rel @p2 .LBB2_8-.Ltmp5, $1  }
0x6e: {  	_ =	sdelay $0x3  }
0x6f: {  	s8 =	sor.u32 s6, s8  }
0x70: {  	s8 =	sshll.u32 s8, $0x4  }
0x71: {  	s13 =	simm.s32 $0x0;
	s12 =	sadd.s32 s5, s8  }
0x72: {  	[tilespmem:s13], [sflag:$0x2] =	stream.linear.gather [hbm4b:s12+s13], $0x80, $0x38;
	[tilespmem:$0x1FA00] =	vst v63  }
0x73: {  	_ =	swait.ge [sflag:s26], $0x80  }
0x74: {  	[sflag:s26] =	ssyncset.done $0x0  }
0x75: {  	s12 =	sadd.s32 s7, s8;
	[sflag:s26] =	ssyncadd.s32 $0xFFFFFF80  }
0x76: {  	[tilespmem:s28], [sflag:$0x2] =	stream.linear.gather [hbm4b:s12+s13], $0x80, $0x38;
	[tilespmem:$0x1FA00] =	vst v63  }
0x77: {  	_ =	swait.ge [sflag:s26], $0x80  }
0x78: {  	[sflag:s26] =	ssyncset.done $0x0  }
0x79: {  	s8 =	sadd.s32 s9, s8;
	[sflag:s26] =	ssyncadd.s32 $0xFFFFFF80  }
0x7a: {  	[tilespmem:s29], [sflag:$0x2] =	stream.linear.gather [hbm4b:s8+s13], $0x80, $0x38;
	[tilespmem:$0x1FA00] =	vst v63  }
0x7b: {  	_ =	swait.ge [sflag:s26], $0x80  }
0x7c: {  	[sflag:s26] =	ssyncset.done $0x0  }
0x7d: {  	[sflag:s26] =	ssyncadd.s32 $0xFFFFFF80  }
0x7e: {  	[tilespmem:s30], [sflag:$0x2] =	stream.indirect.gather [hbm4b:s1+s28], $0x80, s13, s28, $0xb8;
	[tilespmem:$0x1FA00] =	vst v63  }
0x7f: {  	_ =	swait.ge [sflag:s26], $0x4000  }
0x80: {  	[sflag:s26] =	ssyncset.done $0x0  }
0x81: {  	[sflag:s26] =	ssyncadd.s32 $0xFFFFC000  }
0x82: {  	[tilespmem:s31], [sflag:$0x2] =	stream.indirect.gather [hbm4b:s4+s28], $0x80, s29, s28, $0xb8;
	[tilespmem:$0x1FA00] =	vst v63  }
0x83: {  	_ =	swait.ge [sflag:s26], $0x4000  }
0x84: {  	[sflag:s26] =	ssyncset.done $0x0  }
0x85: {  	s8 =	simm.s32 $0x0;
	[sflag:s26] =	ssyncadd.s32 $0xFFFFC000  }
0x86: {  	v7 =	vld [tilespmem:s8+$0x180]  }
0x87: {  	v12 =	vld [tilespmem:s8+$0x190]  }
0x88: {  	v6 =	vld [tilespmem:s8+$0x1A0]  }
0x89: {  	v5 =	vld [tilespmem:s8+$0x1B0]  }
0x8a: {  	v4 =	vld [tilespmem:s8+$0x1C0]  }
0x8b: {  	v3 =	vld [tilespmem:s8+$0x1D0]  }
0x8c: {  	v2 =	vld [tilespmem:s8+$0x1E0]  }
0x8d: {  	v1 =	vld [tilespmem:s8+$0x1F0]  }
0x8e: {  	v13 =	vld [tilespmem:s8+$0x4180]  }
0x8f: {  	v14 =	vld [tilespmem:s8+$0x4190]  }
0x90: {  	v11 =	vld [tilespmem:s8+$0x41A0]  }
0x91: {  	v10 =	vld [tilespmem:s8+$0x41B0]  }
0x92: {  	v9 =	vld [tilespmem:s8+$0x41C0]  }
0x93: {  	v8 =	vld [tilespmem:s8+$0x41D0];
	v13 =	vadd.f32 v13, v7  }
0x94: {  	s12 =	simm.s32 $0x200;
	v12 =	vadd.f32 v14, v12;
	v7 =	vld [tilespmem:s8+$0x41E0]  }
.LBB2_6:
0x95: {  	s13 =	sshra.s32 s12, $0x2;
	p2 =	sne.s32 s12, $0xFE00;
	v13 =	vmax.f32 v13, $0.0e+00;
	v6 =	vadd.f32 v11, v6;
	v11 =	vld [tilespmem:s8+$0x41F0]  }
0x96: {  	v14 =	vld [tilespmem:s13+$0x180];
	[tilespmem:s8+$0x4180] =	vst v13;
	v12 =	vmax.f32 v12, $0.0e+00;
	v5 =	vadd.f32 v10, v5  }
0x97: {  	v15 =	vld [tilespmem:s13+$0x190];
	[tilespmem:s8+$0x4190] =	vst v12;
	v10 =	vmax.f32 v6, $0.0e+00;
	v4 =	vadd.f32 v9, v4  }
0x98: {  	v6 =	vld [tilespmem:s13+$0x1A0];
	[tilespmem:s8+$0x41A0] =	vst v10;
	v9 =	vmax.f32 v5, $0.0e+00;
	v3 =	vadd.f32 v8, v3  }
0x99: {  	v5 =	vld [tilespmem:s13+$0x1B0];
	[tilespmem:s8+$0x41B0] =	vst v9;
	v8 =	vmax.f32 v4, $0.0e+00;
	v2 =	vadd.f32 v7, v2  }
0x9a: {  	v4 =	vld [tilespmem:s13+$0x1C0];
	[tilespmem:s8+$0x41C0] =	vst v8;
	v7 =	vmax.f32 v3, $0.0e+00;
	v1 =	vadd.f32 v11, v1  }
0x9b: {  	v3 =	vld [tilespmem:s13+$0x1D0];
	[tilespmem:s8+$0x41D0] =	vst v7;
	v7 =	vmax.f32 v2, $0.0e+00  }
0x9c: {  	v2 =	vld [tilespmem:s13+$0x1E0];
	[tilespmem:s8+$0x41E0] =	vst v7;
	v7 =	vmax.f32 v1, $0.0e+00  }
0x9d: {  	v1 =	vld [tilespmem:s13+$0x1F0];
	[tilespmem:s8+$0x41F0] =	vst v7;
	s8 =	smov.u32 s13  }
0x9e: {  	v7 =	vld [tilespmem:s8+$0x4180]  }
0x9f: {  	v12 =	vld [tilespmem:s8+$0x4190]  }
.Ltmp6:
0xa0: {  	v11 =	vld [tilespmem:s8+$0x41A0];
	(pc) =	sbr.rel @p2 .LBB2_6-.Ltmp6, $4  }
0xa1: {  	v10 =	vld [tilespmem:s8+$0x41B0]  }
0xa2: {  	v9 =	vld [tilespmem:s8+$0x41C0]  }
0xa3: {  	v13 =	vadd.f32 v7, v14;
	v8 =	vld [tilespmem:s8+$0x41D0]  }
0xa4: {  	s12 =	sadd.s32 $0x200, s12;
	v12 =	vadd.f32 v12, v15;
	v7 =	vld [tilespmem:s8+$0x41E0]  }
0xa5: {  	v13 =	vmax.f32 v13, $0.0e+00;
	v6 =	vadd.f32 v11, v6;
	v63 =	vld [tilespmem:s8+$0x41F0]  }
0xa6: {  	[tilespmem:s8+$0x4180] =	vst v13;
	v12 =	vmax.f32 v12, $0.0e+00;
	v5 =	vadd.f32 v10, v5  }
0xa7: {  	[tilespmem:s8+$0x4190] =	vst v12;
	v6 =	vmax.f32 v6, $0.0e+00;
	v4 =	vadd.f32 v9, v4  }
0xa8: {  	[tilespmem:s8+$0x41A0] =	vst v6;
	v5 =	vmax.f32 v5, $0.0e+00;
	v3 =	vadd.f32 v8, v3  }
0xa9: {  	[tilespmem:s8+$0x41B0] =	vst v5;
	v4 =	vmax.f32 v4, $0.0e+00;
	v2 =	vadd.f32 v7, v2  }
0xaa: {  	[tilespmem:s8+$0x41C0] =	vst v4;
	v3 =	vmax.f32 v3, $0.0e+00;
	v1 =	vadd.f32 v63, v1  }
0xab: {  	[tilespmem:s8+$0x41D0] =	vst v3;
	v2 =	vmax.f32 v2, $0.0e+00  }
0xac: {  	[tilespmem:s8+$0x41E0] =	vst v2;
	v1 =	vmax.f32 v1, $0.0e+00  }
.Ltmp7:
0xad: {  	[tilespmem:s8+$0x41F0] =	vst v1;
	(pc) =	sbr.rel .LBB2_8-.Ltmp7, $4  }
0xae: {  	[spmem:s2] =	stream.indirect.scatter.add.f32 [tilespmem:s31], [sflag:$0x1], $0x80, s28, s28, $0xb8;
	[tilespmem:$0x1FA00] =	vst v63  }
0xaf: {  	_ =	swait.ge [sflag:s25], $0x4000  }
0xb0: {  	[sflag:s25] =	ssyncset.done $0x0  }
0xb1: {  	[sflag:s25] =	ssyncadd.s32 $0xFFFFC000  }
.LBB2_10:
0xb2: {  	_ =	sfence.sel $0x180000  }
0xb3: {  	[bflag:$0x0] =	sbarrier.arrive $0xFFFF  }
0xb4: {  	_ =	strace $0x90000056  }
0xb5: {  	s0 =	stileid.u32;
	[bflag:$0x2] =	sbarrier.arrive $0xFFFF  }
0xb6: {  	p0 =	sne.s32 s0, $0x0;
	s0 =	rddreg [dreg:$0x3]  }
0xb7: {  	s0 =	sadd.s32 @!p0 $0x100000, s0  }
0xb8: {  	[sflag:s0] =	ssyncadd.tile.s32 @!p0 $0x1;
	_ =	shalt  }
.Lfunc_end2:
_tile_overlayer_lowered:
.L_overlay_start_2:
0xb9: {  	(tag) =	ssettag $0x2  }
0xba: {  	s0 =	rddreg [dreg:$0x0];
	s2 =	stileid.u32  }
0xbb: {  	s1 =	rddreg [dreg:$0x1];
	p0 =	sne.s32 s2, $0x0  }
0xbc: {  	s3 =	rddreg [dreg:$0x2];
	[bflag:$0x3] =	sbarrier.arrive $0xFFFF;
	s2 =	simm.s32 @!p0 $0x1C01  }
0xbd: {  	[timem:s3], [sflag:s2] =	dma.local @!p0 [hbm:s0], s1  }
0xbe: {  	s0 =	simm.s32 @!p0 $0x1  }
0xbf: {  	_ =	swait.ge @!p0 [sflag:s0], s1  }
0xc0: {  	s1 =	ssub.s32 @!p0 $0x0, s1;
	[sflag:s0] =	ssyncset.done @!p0 $0x0  }
0xc1: {  	[sflag:s0] =	ssyncadd.s32 @!p0 s1  }
0xc2: {  	[bflag:$0x3] =	sbarrier.arrive $0xFFFF  }
0xc3: {  	_ =	shalt  }

</sc_bundles>
